<compile_context>
chip_gen: v7x
topology: tpu7x:2x2x1
jax: 0.10.2.dev20260603
libtpu: 0.0.44.dev20260713+nightly
codegen_flags: <defaults>
</compile_context>

<pallas_src>
import functools
import math

import jax
import jax.numpy as jnp
from jax import lax
from jax.experimental import pallas as pl
from jax.experimental.pallas import tpu as pltpu
from jax.experimental.pallas import tpu_sc as plsc

N = 10000
D = 128
E = 320000
BB = 100
MM = 100
NH = 16
DH = 8
DFF = 512

TRB = 2
NC = 2
NS = 16
NW = NC * NS
CH = 128
NCHUNKS = E // CH
ITERS = -(-NCHUNKS // NW)
RCH = 16
NRCH = N // RCH
RITERS = -(-NRCH // NS)

@functools.lru_cache(maxsize=None)
def _sc_mesh():
    return plsc.VectorSubcoreMesh(
        core_axis_name="c", subcore_axis_name="s", num_cores=NC, num_subcores=NS
    )


def _sc_deg_body(ei_hbm, out_hbm, idxv, deg_local):
    c = lax.axis_index("c")
    s = lax.axis_index("s")
    wid = s * NC + c
    z16 = jnp.zeros((16,), jnp.float32)
    ones16 = jnp.ones((16,), jnp.float32)

    def zero_body(i, _):
        deg_local[pl.ds(i * 16, 16)] = z16
        return 0

    lax.fori_loop(0, N // 16, zero_body, 0)

    def chunk_body(j, _):
        cid = j * NW + wid

        @pl.when(cid < NCHUNKS)
        def _():
            pltpu.sync_copy(ei_hbm.at[1, pl.ds(cid * CH, CH)], idxv)
            for k in range(CH // 16):
                idx = idxv[pl.ds(k * 16, 16)]
                plsc.addupdate_scatter(deg_local, [idx], ones16)

        return 0

    lax.fori_loop(0, ITERS, chunk_body, 0)
    pltpu.sync_copy(deg_local, out_hbm.at[wid])


@functools.lru_cache(maxsize=None)
def _sc_deg_kernel():
    return pl.kernel(
        _sc_deg_body,
        out_type=jax.ShapeDtypeStruct((NW, N), jnp.float32),
        mesh=_sc_mesh(),
        scratch_types=[
            pltpu.VMEM((CH,), jnp.int32),
            pltpu.VMEM((N,), jnp.float32),
        ],
        compiler_params=pltpu.CompilerParams(needs_layout_passes=False),
    )


def _sc_deg(ei):
    return _sc_deg_kernel()(ei)


ITERS2 = 2 * (-(-NCHUNKS // (2 * NW)))
PITERS = ITERS2 // 2


def _sc_agg_body(g_hbm, ei_hbm, out_hbm, sidx, didx, rows, aggsh,
                 gsem0, gsem1, ssem0, ssem1, dsem0, dsem1):
    c = lax.axis_index("c")
    s = lax.axis_index("s")
    wid = s * NC + c
    z16 = jnp.zeros((16,), jnp.float32)
    junk16 = jnp.full((16,), N, jnp.int32)
    gsems = (gsem0, gsem1)
    ssems = (ssem0, ssem1)
    dsems = (dsem0, dsem1)

    def zero_body(i, _):
        for jj in range(D // 16):
            rows[0, i, pl.ds(jj * 16, 16)] = z16
        return 0

    lax.fori_loop(0, RCH, zero_body, 0)

    def zero_chunk(t, _):
        cid = t * NS + s

        @pl.when(cid < NRCH)
        def _():
            pltpu.sync_copy(
                rows.at[0, pl.ds(0, RCH)], aggsh.at[pl.ds(cid * RCH, RCH)]
            )

        return 0

    lax.fori_loop(0, RITERS, zero_chunk, 0)
    plsc.subcore_barrier()

    def idx_issue(b, t):
        cid = t * NW + wid

        @pl.when(cid < NCHUNKS)
        def _():
            pltpu.async_copy(ei_hbm.at[0, pl.ds(cid * CH, CH)], sidx.at[b],
                             ssems[b])
            pltpu.async_copy(ei_hbm.at[1, pl.ds(cid * CH, CH)], didx.at[b],
                             dsems[b])

        @pl.when(cid >= NCHUNKS)
        def _():
            for k in range(CH // 16):
                didx[b, pl.ds(k * 16, 16)] = junk16

    def idx_wait(b, t):
        cid = t * NW + wid

        @pl.when(cid < NCHUNKS)
        def _():
            pltpu.make_async_copy(ei_hbm.at[0, pl.ds(cid * CH, CH)],
                                  sidx.at[b], ssems[b]).wait()
            pltpu.make_async_copy(ei_hbm.at[1, pl.ds(cid * CH, CH)],
                                  didx.at[b], dsems[b]).wait()

    def gather_launch(b):
        pltpu.async_copy(g_hbm.at[sidx.at[b]], rows.at[b], gsems[b])

    def drain_scatter(b):
        pltpu.make_async_copy(g_hbm.at[sidx.at[b]], rows.at[b],
                              gsems[b]).wait()
        pltpu.sync_copy(rows.at[b], aggsh.at[didx.at[b]], add=True)

    idx_issue(0, 0)
    idx_issue(1, 1)
    idx_wait(0, 0)
    gather_launch(0)

    def pair_body(g, _):
        t0 = 2 * g
        idx_wait(1, t0 + 1)
        gather_launch(1)
        drain_scatter(0)

        @pl.when(g + 1 < PITERS)
        def _():
            idx_issue(0, t0 + 2)

        drain_scatter(1)

        @pl.when(g + 1 < PITERS)
        def _():
            idx_wait(0, t0 + 2)
            gather_launch(0)
            idx_issue(1, t0 + 3)

        return 0

    lax.fori_loop(0, PITERS, pair_body, 0)
    plsc.subcore_barrier()

    def wb_chunk(t, _):
        cid = t * NS + s

        @pl.when(cid < NRCH)
        def _():
            base = cid * RCH
            pltpu.sync_copy(aggsh.at[pl.ds(base, RCH)], rows.at[0, pl.ds(0, RCH)])
            pltpu.sync_copy(
                rows.at[0, pl.ds(0, RCH)], out_hbm.at[c, pl.ds(base, RCH)]
            )

        return 0

    lax.fori_loop(0, RITERS, wb_chunk, 0)


@functools.lru_cache(maxsize=None)
def _sc_agg_kernel():
    return pl.kernel(
        _sc_agg_body,
        out_type=jax.ShapeDtypeStruct((NC, N, D), jnp.float32),
        mesh=_sc_mesh(),
        scratch_types=[
            pltpu.VMEM((2, CH), jnp.int32),
            pltpu.VMEM((2, CH), jnp.int32),
            pltpu.VMEM((2, CH, D), jnp.float32),
            pltpu.VMEM_SHARED((N + 16, D), jnp.float32),
            pltpu.SemaphoreType.DMA,
            pltpu.SemaphoreType.DMA,
            pltpu.SemaphoreType.DMA,
            pltpu.SemaphoreType.DMA,
            pltpu.SemaphoreType.DMA,
            pltpu.SemaphoreType.DMA,
        ],
        compiler_params=pltpu.CompilerParams(needs_layout_passes=False),
    )


def _sc_agg(g, ei):
    return _sc_agg_kernel()(g, ei)


def _tc_g1_body(x_ref, w_ref, deg_ref, g_ref, dinv_ref):
    degsum = jnp.sum(deg_ref[...], axis=0)
    dinv = lax.rsqrt(1.0 + degsum)[:, None]
    h = jnp.dot(x_ref[...], w_ref[...], preferred_element_type=jnp.float32)
    g_ref[...] = h * dinv
    dinv_ref[...] = jnp.broadcast_to(dinv, dinv_ref.shape)


def _tc_g1(x_raw, W1, deg_p):
    blk = 1024
    grid = -(-N // blk)
    return pl.pallas_call(
        _tc_g1_body,
        grid=(grid,),
        in_specs=[
            pl.BlockSpec((blk, D), lambda i: (i, 0)),
            pl.BlockSpec((D, D), lambda i: (0, 0)),
            pl.BlockSpec((NW, blk), lambda i: (0, i)),
        ],
        out_specs=[
            pl.BlockSpec((blk, D), lambda i: (i, 0)),
            pl.BlockSpec((blk, D), lambda i: (i, 0)),
        ],
        out_shape=[
            jax.ShapeDtypeStruct((N, D), jnp.float32),
            jax.ShapeDtypeStruct((N, D), jnp.float32),
        ],
    )(x_raw, W1, deg_p)


def _tc_mid_body(p_ref, g_ref, dinv_ref, b_ref, w_ref, out_ref):
    dinv = dinv_ref[...]
    x1 = dinv * (p_ref[0] + p_ref[1] + g_ref[...]) + b_ref[...][None, :]
    x1 = jnp.maximum(x1, 0.0)
    out_ref[...] = dinv * jnp.dot(
        x1, w_ref[...], preferred_element_type=jnp.float32
    )


def _tc_mid(p1, g1, dinvb, b1, W2):
    blk = 1000
    grid = N // blk
    return pl.pallas_call(
        _tc_mid_body,
        grid=(grid,),
        in_specs=[
            pl.BlockSpec((NC, blk, D), lambda i: (0, i, 0)),
            pl.BlockSpec((blk, D), lambda i: (i, 0)),
            pl.BlockSpec((blk, D), lambda i: (i, 0)),
            pl.BlockSpec((D,), lambda i: (0,)),
            pl.BlockSpec((D, D), lambda i: (0, 0)),
        ],
        out_specs=pl.BlockSpec((blk, D), lambda i: (i, 0)),
        out_shape=jax.ShapeDtypeStruct((N, D), jnp.float32),
    )(p1, g1, dinvb, b1, W2)


def _ln_rows(x, g, b):
    m = jnp.mean(x, axis=1, keepdims=True)
    xc = x - m
    v = jnp.mean(xc * xc, axis=1, keepdims=True)
    return xc * lax.rsqrt(v + 1e-5) * g[None, :] + b[None, :]


def _tc_tr_body(
    p_ref, g_ref, dinv_ref, b2_ref, enc_ref, hmask_ref,
    wq_ref, bq_ref, wk_ref, bk_ref, wv_ref, bv_ref, wo_ref, bo_ref,
    wff1_ref, bff1_ref, wff2_ref, bff2_ref,
    ln1g_ref, ln1b_ref, ln2g_ref, ln2b_ref,
    y_ref,
):
    scale = 1.0 / math.sqrt(DH)

    for bb in range(TRB):
        _tc_tr_one(
            p_ref, g_ref, dinv_ref, b2_ref, enc_ref, hmask_ref,
            wq_ref, bq_ref, wk_ref, bk_ref, wv_ref, bv_ref, wo_ref, bo_ref,
            wff1_ref, bff1_ref, wff2_ref, bff2_ref,
            ln1g_ref, ln1b_ref, ln2g_ref, ln2b_ref,
            y_ref, bb, scale,
        )


def _tc_tr_one(
    p_ref, g_ref, dinv_ref, b2_ref, enc_ref, hmask_ref,
    wq_ref, bq_ref, wk_ref, bk_ref, wv_ref, bv_ref, wo_ref, bo_ref,
    wff1_ref, bff1_ref, wff2_ref, bff2_ref,
    ln1g_ref, ln1b_ref, ln2g_ref, ln2b_ref,
    y_ref, bb, scale,
):
    dinv = dinv_ref[bb]
    x = dinv * (p_ref[0, bb] + p_ref[1, bb] + g_ref[bb]) + b2_ref[...][None, :]
    x = jnp.maximum(x, 0.0)
    y = enc_ref[bb]

    for l in range(2):
        q = jnp.dot(y, wq_ref[l], preferred_element_type=jnp.float32) + bq_ref[l][None, :]
        q = q * scale
        k = jnp.dot(x, wk_ref[l], preferred_element_type=jnp.float32) + bk_ref[l][None, :]
        v = jnp.dot(x, wv_ref[l], preferred_element_type=jnp.float32) + bv_ref[l][None, :]

        o = None
        for h in range(NH):
            mask = hmask_ref[h][None, :]
            sl = lax.dot_general(
                q, k * mask,
                dimension_numbers=(((1,), (1,)), ((), ())),
                preferred_element_type=jnp.float32,
            )
            mx = jnp.max(sl, axis=1, keepdims=True)
            ex = jnp.exp(jnp.minimum(sl - mx, 0.0))
            att = ex / jnp.sum(ex, axis=1, keepdims=True)
            oh = jnp.dot(att, v * mask, preferred_element_type=jnp.float32)
            o = oh if o is None else o + oh

        o = jnp.dot(o, wo_ref[l], preferred_element_type=jnp.float32) + bo_ref[l][None, :]
        y = _ln_rows(y + o, ln1g_ref[l], ln1b_ref[l])
        f = jnp.dot(y, wff1_ref[l], preferred_element_type=jnp.float32) + bff1_ref[l][None, :]
        f = jnp.maximum(f, 0.0)
        f = jnp.dot(f, wff2_ref[l], preferred_element_type=jnp.float32) + bff2_ref[l][None, :]
        y = _ln_rows(y + f, ln2g_ref[l], ln2b_ref[l])

    y_ref[bb] = y


def _tc_transformer(p2, g2, dinvb, b2, enc, hmask, tw):
    Wq, bq, Wk, bk, Wv, bv, Wo, bo, Wff1, bff1, Wff2, bff2, ln1g, ln1b, ln2g, ln2b = tw
    p4 = p2.reshape(NC, BB, MM, D)
    g4 = g2.reshape(BB, MM, D)
    d4 = dinvb.reshape(BB, MM, D)
    full = lambda shape: pl.BlockSpec(shape, lambda i: tuple(0 for _ in shape))
    return pl.pallas_call(
        _tc_tr_body,
        grid=(BB // TRB,),
        in_specs=[
            pl.BlockSpec((NC, TRB, MM, D), lambda i: (0, i, 0, 0)),
            pl.BlockSpec((TRB, MM, D), lambda i: (i, 0, 0)),
            pl.BlockSpec((TRB, MM, D), lambda i: (i, 0, 0)),
            full((D,)),
            pl.BlockSpec((TRB, MM, D), lambda i: (i, 0, 0)),
            full((NH, D)),
            full((2, D, D)), full((2, D)),
            full((2, D, D)), full((2, D)),
            full((2, D, D)), full((2, D)),
            full((2, D, D)), full((2, D)),
            full((2, D, DFF)), full((2, DFF)),
            full((2, DFF, D)), full((2, D)),
            full((2, D)), full((2, D)),
            full((2, D)), full((2, D)),
        ],
        out_specs=pl.BlockSpec((TRB, MM, D), lambda i: (i, 0, 0)),
        out_shape=jax.ShapeDtypeStruct((BB, MM, D), jnp.float32),
    )(p4, g4, d4, b2, enc, hmask,
      Wq, bq, Wk, bk, Wv, bv, Wo, bo,
      Wff1, bff1, Wff2, bff2, ln1g, ln1b, ln2g, ln2b)


def kernel(enc_out_vari, x_enc, x_raw, edge_index, W1, b1, W2, b2,
           Wq, bq, Wk, bk, Wv, bv, Wo, bo, Wff1, bff1, Wff2, bff2,
           ln1_g, ln1_b, ln2_g, ln2_b):
    del x_enc
    ei = edge_index.astype(jnp.int32)

    deg_p = _sc_deg(ei)

    g1, dinvb = _tc_g1(x_raw, W1, deg_p)
    p1 = _sc_agg(g1, ei)
    g2 = _tc_mid(p1, g1, dinvb, b1, W2)
    p2 = _sc_agg(g2, ei)

    hd = jnp.arange(D, dtype=jnp.int32) // DH
    hmask = (hd[None, :] == jnp.arange(NH, dtype=jnp.int32)[:, None]).astype(
        jnp.float32
    )
    tw = (Wq, bq, Wk, bk, Wv, bv, Wo, bo, Wff1, bff1, Wff2, bff2,
          ln1_g, ln1_b, ln2_g, ln2_b)
    return _tc_transformer(p2, g2, dinvb, b2, enc_out_vari, hmask, tw)

# --- scband reference (transcript-rebuilt; emitter-appended) ---
"""Pipeline reference for scband-gcn-87325275062334 (READ-ONLY COPY).

The authoritative reference and input builder live on the scoring server;
editing this copy changes nothing except your own understanding.
"""

import jax, jax.numpy as jnp
import numpy as np

N_NODES = 10000
B = 100
M = 100
D = 128
H = 16
DFF = 512
L = 2
E = 320000


def setup_inputs(seed: int = 0) -> dict:
    key = jax.random.key(seed)
    ks = jax.random.split(key, 24)
    s = 0.02
    inp = {}
    inp["enc_out_vari"] = jax.random.normal(ks[0], (B, M, D), jnp.float32)
    inp["x_enc"] = jax.random.normal(ks[1], (B, M, D), jnp.float32)
    inp["x_raw"] = jax.random.normal(ks[2], (N_NODES, D), jnp.float32)
    inp["edge_index"] = jax.random.randint(ks[3], (2, E), 0, N_NODES)
    inp["W1"] = jax.random.normal(ks[4], (D, D), jnp.float32) * s
    inp["b1"] = jnp.zeros((D,), jnp.float32)
    inp["W2"] = jax.random.normal(ks[5], (D, D), jnp.float32) * s
    inp["b2"] = jnp.zeros((D,), jnp.float32)
    inp["Wq"] = jax.random.normal(ks[6], (L, D, D), jnp.float32) * s
    inp["bq"] = jnp.zeros((L, D), jnp.float32)
    inp["Wk"] = jax.random.normal(ks[7], (L, D, D), jnp.float32) * s
    inp["bk"] = jnp.zeros((L, D), jnp.float32)
    inp["Wv"] = jax.random.normal(ks[8], (L, D, D), jnp.float32) * s
    inp["bv"] = jnp.zeros((L, D), jnp.float32)
    inp["Wo"] = jax.random.normal(ks[9], (L, D, D), jnp.float32) * s
    inp["bo"] = jnp.zeros((L, D), jnp.float32)
    inp["Wff1"] = jax.random.normal(ks[10], (L, D, DFF), jnp.float32) * s
    inp["bff1"] = jnp.zeros((L, DFF), jnp.float32)
    inp["Wff2"] = jax.random.normal(ks[11], (L, DFF, D), jnp.float32) * s
    inp["bff2"] = jnp.zeros((L, D), jnp.float32)
    inp["ln1_g"] = jnp.ones((L, D), jnp.float32)
    inp["ln1_b"] = jnp.zeros((L, D), jnp.float32)
    inp["ln2_g"] = jnp.ones((L, D), jnp.float32)
    inp["ln2_b"] = jnp.zeros((L, D), jnp.float32)
    return inp


def _gcn_conv(x, src, dst, W, b):
    n = x.shape[0]
    loop = jnp.arange(n, dtype=src.dtype)
    s = jnp.concatenate([src, loop])
    d = jnp.concatenate([dst, loop])
    deg = jnp.zeros((n,), x.dtype).at[d].add(1.0)
    dinv = jnp.where(deg > 0, 1.0 / jnp.sqrt(deg), 0.0)
    norm = dinv[s] * dinv[d]
    h = x @ W
    msg = h[s] * norm[:, None]
    out = jnp.zeros((n, W.shape[1]), x.dtype).at[d].add(msg)
    return out + b


def _ln(x, g, b):
    m = x.mean(-1, keepdims=True)
    v = x.var(-1, keepdims=True)
    return (x - m) / jnp.sqrt(v + 1e-5) * g + b


def _mha(q_in, kv, Wq, bq, Wk, bk, Wv, bv, Wo, bo):
    b_, m_, d_ = q_in.shape
    n_ = kv.shape[1]
    dh = d_ // H
    q = (q_in @ Wq + bq).reshape(b_, m_, H, dh).transpose(0, 2, 1, 3)
    k = (kv @ Wk + bk).reshape(b_, n_, H, dh).transpose(0, 2, 1, 3)
    v = (kv @ Wv + bv).reshape(b_, n_, H, dh).transpose(0, 2, 1, 3)
    att = jax.nn.softmax(q @ k.transpose(0, 1, 3, 2) / jnp.sqrt(jnp.float32(dh)), axis=-1)
    o = (att @ v).transpose(0, 2, 1, 3).reshape(b_, m_, d_)
    return o @ Wo + bo


def reference(enc_out_vari, x_enc, x_raw, edge_index, W1, b1, W2, b2, Wq, bq, Wk, bk, Wv, bv, Wo, bo, Wff1, bff1, Wff2, bff2, ln1_g, ln1_b, ln2_g, ln2_b):
    src = edge_index[0]
    dst = edge_index[1]
    # GCN stack (dropout is identity at inference)
    x1 = jax.nn.relu(_gcn_conv(x_raw, src, dst, W1, b1))
    x2 = jax.nn.relu(_gcn_conv(x1, src, dst, W2, b2))
    x = x2.reshape(B, M, D)
    # Transformer encoder: cross-attention from enc_out_vari to GCN output
    y = enc_out_vari
    for l in range(L):
        a = _mha(y, x, Wq[l], bq[l], Wk[l], bk[l], Wv[l], bv[l], Wo[l], bo[l])
        y = _ln(y + a, ln1_g[l], ln1_b[l])
        f = jax.nn.relu(y @ Wff1[l] + bff1[l]) @ Wff2[l] + bff2[l]
        y = _ln(y + f, ln2_g[l], ln2_b[l])
    return y

if __name__ == "__main__":
    import jax
    _d = setup_inputs()
    print(jax.jit(kernel)(*tuple(_d.values())))

</pallas_src>

<mosaic_0001>
#map = affine_map<(d0, d1) -> (0, 0)>
module attributes {stable_mosaic.version = 14 : i64} {
  func.func @_sc_deg_body(%arg0: i32, %arg1: i32, %arg2: memref<2x320000xi32, #tpu.memory_space<hbm>>, %arg3: memref<32x10000xf32, #tpu.memory_space<hbm>>, %arg4: memref<128xi32, #tpu.memory_space<vmem>>, %arg5: memref<10000xf32, #tpu.memory_space<vmem>>) attributes {dimension_semantics = [#tpu.dimension_semantics<core_parallel>, #tpu.dimension_semantics<subcore_parallel>], iteration_bounds = array<i64: 2, 16>, scalar_prefetch = 0 : i64, scratch_operands = 2 : i64, tpu.core_type = #tpu.core_type<sc_vector_subcore>, window_params = [{transform_indices = #map}, {transform_indices = #map}]} {
    %mul3A = arith.constant 2 : i32
    %mul3A_0 = arith.muli %arg1, %mul3A : i32
    %add3A = arith.addi %mul3A_0, %arg0 : i32
    %broadcast_in_dim3A = arith.constant 0.000000e+00 : f32
    %broadcast_in_dim3A_1 = vector.broadcast %broadcast_in_dim3A : f32 to vector<16xf32>
    %broadcast_in_dim3A_2 = arith.constant 1.000000e+00 : f32
    %broadcast_in_dim3A_3 = vector.broadcast %broadcast_in_dim3A_2 : f32 to vector<16xf32>
    %scan3A = arith.constant 0 : i32
    %scan3A_4 = arith.constant 0 : i32
    %scan3A_5 = arith.constant 625 : i32
    %scan3A_6 = arith.addi %scan3A_4, %scan3A_5 : i32
    %scan3A_7 = arith.constant 1 : i32
    %scan3A_8 = scf.for %scan3A_17 = %scan3A_4 to %scan3A_6 step %scan3A_7 iter_args(%scan3A_18 = %scan3A) -> (i32)  : i32 {
      %mul3A_19 = arith.constant 16 : i32
      %mul3A_20 = arith.muli %scan3A_17, %mul3A_19 : i32
      %swap3A = arith.index_cast %mul3A_20 : i32 to index
      %swap3A_21 = tpu.vector_load %arg5[%swap3A] {strides = array<i32>} : memref<10000xf32, #tpu.memory_space<vmem>>, vector<16xf32>,
      tpu.vector_store %arg5[%swap3A], %broadcast_in_dim3A_1 {strides = array<i32>} : memref<10000xf32, #tpu.memory_space<vmem>>, vector<16xf32>,
      %scan3A_22 = arith.constant 0 : i32
      scf.yield %scan3A_22 : i32
    }
    %scan3A_9 = arith.constant 625 : i32
    %scan3A_10 = arith.constant 0 : i32
    %scan3A_11 = arith.constant 0 : i32
    %scan3A_12 = arith.constant 79 : i32
    %scan3A_13 = arith.addi %scan3A_11, %scan3A_12 : i32
    %scan3A_14 = arith.constant 1 : i32
    %scan3A_15 = scf.for %scan3A_17 = %scan3A_11 to %scan3A_13 step %scan3A_14 iter_args(%scan3A_18 = %scan3A_10) -> (i32)  : i32 {
      %mul3A_19 = arith.constant 32 : i32
      %mul3A_20 = arith.muli %scan3A_17, %mul3A_19 : i32
      %add3A_21 = arith.addi %mul3A_20, %add3A : i32
      %lt3A = arith.constant 2500 : i32
      %lt3A_22 = arith.cmpi slt, %add3A_21, %lt3A : i32
      %convert_element_type3A = arith.extui %lt3A_22 : i1 to i32
      %cond3A = arith.constant 0 : i32
      %cond3A_23 = arith.cmpi ne, %convert_element_type3A, %cond3A : i32
      scf.if %cond3A_23 {
        %mul3A_25 = arith.constant 128 : i32
        %mul3A_26 = arith.muli %add3A_21, %mul3A_25 : i32
        %run_scoped3A = arith.constant 1 : i32
        "tpu.region"() ({
          %run_scoped3A_42 = tpu.sem_alloc : memref<!tpu.dma_semaphore, #tpu.memory_space<semaphore_mem>>
          %dma_start3A = tpu.memref_slice %arg2[%run_scoped3A, %mul3A_26] : memref<2x320000xi32, #tpu.memory_space<hbm>> -> memref<1x128xi32, #tpu.memory_space<hbm>>
          %dma_start3A_43 = tpu.memref_squeeze %dma_start3A : memref<1x128xi32, #tpu.memory_space<hbm>> -> memref<128xi32, #tpu.memory_space<hbm>>
          %dma_start3A_44 = tpu.memref_slice %arg2[%run_scoped3A, %mul3A_26] : memref<2x320000xi32, #tpu.memory_space<hbm>> -> memref<1x128xi32, #tpu.memory_space<hbm>>
          %dma_start3A_45 = tpu.memref_squeeze %dma_start3A_44 : memref<1x128xi32, #tpu.memory_space<hbm>> -> memref<128xi32, #tpu.memory_space<hbm>>
          tpu.enqueue_dma source(%dma_start3A_45 : memref<128xi32, #tpu.memory_space<hbm>>) target(%arg4 : memref<128xi32, #tpu.memory_space<vmem>>) target_semaphore(%run_scoped3A_42 : memref<!tpu.dma_semaphore, #tpu.memory_space<semaphore_mem>>)
          %dma_wait3A = tpu.memref_slice %arg2[%run_scoped3A, %mul3A_26] : memref<2x320000xi32, #tpu.memory_space<hbm>> -> memref<1x128xi32, #tpu.memory_space<hbm>>
          %dma_wait3A_46 = tpu.memref_squeeze %dma_wait3A : memref<1x128xi32, #tpu.memory_space<hbm>> -> memref<128xi32, #tpu.memory_space<hbm>>
          %dma_wait3A_47 = tpu.memref_slice %arg2[%run_scoped3A, %mul3A_26] : memref<2x320000xi32, #tpu.memory_space<hbm>> -> memref<1x128xi32, #tpu.memory_space<hbm>>
          %dma_wait3A_48 = tpu.memref_squeeze %dma_wait3A_47 : memref<1x128xi32, #tpu.memory_space<hbm>> -> memref<128xi32, #tpu.memory_space<hbm>>
          tpu.wait_dma2 semaphore(%run_scoped3A_42 : memref<!tpu.dma_semaphore, #tpu.memory_space<semaphore_mem>>) src(%dma_wait3A_48 : memref<128xi32, #tpu.memory_space<hbm>>) dst(%arg4 : memref<128xi32, #tpu.memory_space<vmem>>)
          tpu.yield
        }) : () -> ()
        %get3A = arith.constant 0 : index
        %get3A_27 = tpu.vector_load %arg4[%get3A] {strides = array<i32>} : memref<128xi32, #tpu.memory_space<vmem>>, vector<16xi32>,
        tpu.vector_store_idx %arg5[%get3A_27], %broadcast_in_dim3A_3 {add = true} : memref<10000xf32, #tpu.memory_space<vmem>>[vector<16xi32>], vector<16xf32>,
        %get3A_28 = arith.constant 16 : index
        %get3A_29 = tpu.vector_load %arg4[%get3A_28] {strides = array<i32>} : memref<128xi32, #tpu.memory_space<vmem>>, vector<16xi32>,
        tpu.vector_store_idx %arg5[%get3A_29], %broadcast_in_dim3A_3 {add = true} : memref<10000xf32, #tpu.memory_space<vmem>>[vector<16xi32>], vector<16xf32>,
        %get3A_30 = arith.constant 32 : index
        %get3A_31 = tpu.vector_load %arg4[%get3A_30] {strides = array<i32>} : memref<128xi32, #tpu.memory_space<vmem>>, vector<16xi32>,
        tpu.vector_store_idx %arg5[%get3A_31], %broadcast_in_dim3A_3 {add = true} : memref<10000xf32, #tpu.memory_space<vmem>>[vector<16xi32>], vector<16xf32>,
        %get3A_32 = arith.constant 48 : index
        %get3A_33 = tpu.vector_load %arg4[%get3A_32] {strides = array<i32>} : memref<128xi32, #tpu.memory_space<vmem>>, vector<16xi32>,
        tpu.vector_store_idx %arg5[%get3A_33], %broadcast_in_dim3A_3 {add = true} : memref<10000xf32, #tpu.memory_space<vmem>>[vector<16xi32>], vector<16xf32>,
        %get3A_34 = arith.constant 64 : index
        %get3A_35 = tpu.vector_load %arg4[%get3A_34] {strides = array<i32>} : memref<128xi32, #tpu.memory_space<vmem>>, vector<16xi32>,
        tpu.vector_store_idx %arg5[%get3A_35], %broadcast_in_dim3A_3 {add = true} : memref<10000xf32, #tpu.memory_space<vmem>>[vector<16xi32>], vector<16xf32>,
        %get3A_36 = arith.constant 80 : index
        %get3A_37 = tpu.vector_load %arg4[%get3A_36] {strides = array<i32>} : memref<128xi32, #tpu.memory_space<vmem>>, vector<16xi32>,
        tpu.vector_store_idx %arg5[%get3A_37], %broadcast_in_dim3A_3 {add = true} : memref<10000xf32, #tpu.memory_space<vmem>>[vector<16xi32>], vector<16xf32>,
        %get3A_38 = arith.constant 96 : index
        %get3A_39 = tpu.vector_load %arg4[%get3A_38] {strides = array<i32>} : memref<128xi32, #tpu.memory_space<vmem>>, vector<16xi32>,
        tpu.vector_store_idx %arg5[%get3A_39], %broadcast_in_dim3A_3 {add = true} : memref<10000xf32, #tpu.memory_space<vmem>>[vector<16xi32>], vector<16xf32>,
        %get3A_40 = arith.constant 112 : index
        %get3A_41 = tpu.vector_load %arg4[%get3A_40] {strides = array<i32>} : memref<128xi32, #tpu.memory_space<vmem>>, vector<16xi32>,
        tpu.vector_store_idx %arg5[%get3A_41], %broadcast_in_dim3A_3 {add = true} : memref<10000xf32, #tpu.memory_space<vmem>>[vector<16xi32>], vector<16xf32>,
      } else {
      }
      %scan3A_24 = arith.constant 0 : i32
      scf.yield %scan3A_24 : i32
    }
    %scan3A_16 = arith.constant 79 : i32
    "tpu.region"() ({
      %run_scoped3A = tpu.sem_alloc : memref<!tpu.dma_semaphore, #tpu.memory_space<semaphore_mem>>
      %dma_start3A = arith.constant 0 : i32
      %dma_start3A_17 = tpu.memref_slice %arg3[%add3A, %dma_start3A] : memref<32x10000xf32, #tpu.memory_space<hbm>> -> memref<1x10000xf32, #tpu.memory_space<hbm>>
      %dma_start3A_18 = tpu.memref_squeeze %dma_start3A_17 : memref<1x10000xf32, #tpu.memory_space<hbm>> -> memref<10000xf32, #tpu.memory_space<hbm>>
      %dma_start3A_19 = arith.constant 0 : i32
      %dma_start3A_20 = tpu.memref_slice %arg3[%add3A, %dma_start3A_19] : memref<32x10000xf32, #tpu.memory_space<hbm>> -> memref<1x10000xf32, #tpu.memory_space<hbm>>
      %dma_start3A_21 = tpu.memref_squeeze %dma_start3A_20 : memref<1x10000xf32, #tpu.memory_space<hbm>> -> memref<10000xf32, #tpu.memory_space<hbm>>
      tpu.enqueue_dma source(%arg5 : memref<10000xf32, #tpu.memory_space<vmem>>) target(%dma_start3A_21 : memref<10000xf32, #tpu.memory_space<hbm>>) target_semaphore(%run_scoped3A : memref<!tpu.dma_semaphore, #tpu.memory_space<semaphore_mem>>)
      %dma_wait3A = arith.constant 0 : i32
      %dma_wait3A_22 = tpu.memref_slice %arg3[%add3A, %dma_wait3A] : memref<32x10000xf32, #tpu.memory_space<hbm>> -> memref<1x10000xf32, #tpu.memory_space<hbm>>
      %dma_wait3A_23 = tpu.memref_squeeze %dma_wait3A_22 : memref<1x10000xf32, #tpu.memory_space<hbm>> -> memref<10000xf32, #tpu.memory_space<hbm>>
      %dma_wait3A_24 = arith.constant 0 : i32
      %dma_wait3A_25 = tpu.memref_slice %arg3[%add3A, %dma_wait3A_24] : memref<32x10000xf32, #tpu.memory_space<hbm>> -> memref<1x10000xf32, #tpu.memory_space<hbm>>
      %dma_wait3A_26 = tpu.memref_squeeze %dma_wait3A_25 : memref<1x10000xf32, #tpu.memory_space<hbm>> -> memref<10000xf32, #tpu.memory_space<hbm>>
      tpu.wait_dma2 semaphore(%run_scoped3A : memref<!tpu.dma_semaphore, #tpu.memory_space<semaphore_mem>>) src(%arg5 : memref<10000xf32, #tpu.memory_space<vmem>>) dst(%dma_wait3A_26 : memref<10000xf32, #tpu.memory_space<hbm>>)
      tpu.yield
    }) : () -> ()
    return
  }
}

#map = affine_map<(d0, d1) -> (0, 0)>
#map1 = affine_map<(d0, d1) -> (0, 0, 0)>
module attributes {stable_mosaic.version = 14 : i64} {
  func.func @_sc_agg_body(%arg0: i32, %arg1: i32, %arg2: memref<10000x128xf32, #tpu.memory_space<hbm>>, %arg3: memref<2x320000xi32, #tpu.memory_space<hbm>>, %arg4: memref<2x10000x128xf32, #tpu.memory_space<hbm>>, %arg5: memref<2x128xi32, #tpu.memory_space<vmem>>, %arg6: memref<2x128xi32, #tpu.memory_space<vmem>>, %arg7: memref<2x128x128xf32, #tpu.memory_space<vmem>>, %arg8: memref<10016x128xf32, #tpu.memory_space<vmem_shared>>, %arg9: memref<!tpu.dma_semaphore, #tpu.memory_space<semaphore_mem>>, %arg10: memref<!tpu.dma_semaphore, #tpu.memory_space<semaphore_mem>>, %arg11: memref<!tpu.dma_semaphore, #tpu.memory_space<semaphore_mem>>, %arg12: memref<!tpu.dma_semaphore, #tpu.memory_space<semaphore_mem>>, %arg13: memref<!tpu.dma_semaphore, #tpu.memory_space<semaphore_mem>>, %arg14: memref<!tpu.dma_semaphore, #tpu.memory_space<semaphore_mem>>) attributes {dimension_semantics = [#tpu.dimension_semantics<core_parallel>, #tpu.dimension_semantics<subcore_parallel>], iteration_bounds = array<i64: 2, 16>, scalar_prefetch = 0 : i64, scratch_operands = 10 : i64, tpu.core_type = #tpu.core_type<sc_vector_subcore>, window_params = [{transform_indices = #map}, {transform_indices = #map}, {transform_indices = #map1}]} {
    %mul3A = arith.constant 2 : i32
    %mul3A_0 = arith.muli %arg1, %mul3A : i32
    %add3A = arith.addi %mul3A_0, %arg0 : i32
    %broadcast_in_dim3A = arith.constant 0.000000e+00 : f32
    %broadcast_in_dim3A_1 = vector.broadcast %broadcast_in_dim3A : f32 to vector<16xf32>
    %broadcast_in_dim3A_2 = arith.constant 10000 : i32
    %broadcast_in_dim3A_3 = vector.broadcast %broadcast_in_dim3A_2 : i32 to vector<16xi32>
    %scan3A = arith.constant 0 : i32
    %scan3A_4 = arith.constant 0 : i32
    %scan3A_5 = arith.constant 16 : i32
    %scan3A_6 = arith.addi %scan3A_4, %scan3A_5 : i32
    %scan3A_7 = arith.constant 1 : i32
    %scan3A_8 = scf.for %scan3A_70 = %scan3A_4 to %scan3A_6 step %scan3A_7 iter_args(%scan3A_71 = %scan3A) -> (i32)  : i32 {
      %swap3A = arith.constant 0 : i32
      %swap3A_72 = arith.index_cast %swap3A : i32 to index
      %swap3A_73 = arith.index_cast %scan3A_70 : i32 to index
      %swap3A_74 = arith.constant 0 : index
      %swap3A_75 = tpu.vector_load %arg7[%swap3A_72, %swap3A_73, %swap3A_74] {strides = array<i32>} : memref<2x128x128xf32, #tpu.memory_space<vmem>>, vector<16xf32>,
      tpu.vector_store %arg7[%swap3A_72, %swap3A_73, %swap3A_74], %broadcast_in_dim3A_1 {strides = array<i32>} : memref<2x128x128xf32, #tpu.memory_space<vmem>>, vector<16xf32>,
      %swap3A_76 = arith.constant 0 : i32
      %swap3A_77 = arith.index_cast %swap3A_76 : i32 to index
      %swap3A_78 = arith.index_cast %scan3A_70 : i32 to index
      %swap3A_79 = arith.constant 16 : index
      %swap3A_80 = tpu.vector_load %arg7[%swap3A_77, %swap3A_78, %swap3A_79] {strides = array<i32>} : memref<2x128x128xf32, #tpu.memory_space<vmem>>, vector<16xf32>,
      tpu.vector_store %arg7[%swap3A_77, %swap3A_78, %swap3A_79], %broadcast_in_dim3A_1 {strides = array<i32>} : memref<2x128x128xf32, #tpu.memory_space<vmem>>, vector<16xf32>,
      %swap3A_81 = arith.constant 0 : i32
      %swap3A_82 = arith.index_cast %swap3A_81 : i32 to index
      %swap3A_83 = arith.index_cast %scan3A_70 : i32 to index
      %swap3A_84 = arith.constant 32 : index
      %swap3A_85 = tpu.vector_load %arg7[%swap3A_82, %swap3A_83, %swap3A_84] {strides = array<i32>} : memref<2x128x128xf32, #tpu.memory_space<vmem>>, vector<16xf32>,
      tpu.vector_store %arg7[%swap3A_82, %swap3A_83, %swap3A_84], %broadcast_in_dim3A_1 {strides = array<i32>} : memref<2x128x128xf32, #tpu.memory_space<vmem>>, vector<16xf32>,
      %swap3A_86 = arith.constant 0 : i32
      %swap3A_87 = arith.index_cast %swap3A_86 : i32 to index
      %swap3A_88 = arith.index_cast %scan3A_70 : i32 to index
      %swap3A_89 = arith.constant 48 : index
      %swap3A_90 = tpu.vector_load %arg7[%swap3A_87, %swap3A_88, %swap3A_89] {strides = array<i32>} : memref<2x128x128xf32, #tpu.memory_space<vmem>>, vector<16xf32>,
      tpu.vector_store %arg7[%swap3A_87, %swap3A_88, %swap3A_89], %broadcast_in_dim3A_1 {strides = array<i32>} : memref<2x128x128xf32, #tpu.memory_space<vmem>>, vector<16xf32>,
      %swap3A_91 = arith.constant 0 : i32
      %swap3A_92 = arith.index_cast %swap3A_91 : i32 to index
      %swap3A_93 = arith.index_cast %scan3A_70 : i32 to index
      %swap3A_94 = arith.constant 64 : index
      %swap3A_95 = tpu.vector_load %arg7[%swap3A_92, %swap3A_93, %swap3A_94] {strides = array<i32>} : memref<2x128x128xf32, #tpu.memory_space<vmem>>, vector<16xf32>,
      tpu.vector_store %arg7[%swap3A_92, %swap3A_93, %swap3A_94], %broadcast_in_dim3A_1 {strides = array<i32>} : memref<2x128x128xf32, #tpu.memory_space<vmem>>, vector<16xf32>,
      %swap3A_96 = arith.constant 0 : i32
      %swap3A_97 = arith.index_cast %swap3A_96 : i32 to index
      %swap3A_98 = arith.index_cast %scan3A_70 : i32 to index
      %swap3A_99 = arith.constant 80 : index
      %swap3A_100 = tpu.vector_load %arg7[%swap3A_97, %swap3A_98, %swap3A_99] {strides = array<i32>} : memref<2x128x128xf32, #tpu.memory_space<vmem>>, vector<16xf32>,
      tpu.vector_store %arg7[%swap3A_97, %swap3A_98, %swap3A_99], %broadcast_in_dim3A_1 {strides = array<i32>} : memref<2x128x128xf32, #tpu.memory_space<vmem>>, vector<16xf32>,
      %swap3A_101 = arith.constant 0 : i32
      %swap3A_102 = arith.index_cast %swap3A_101 : i32 to index
      %swap3A_103 = arith.index_cast %scan3A_70 : i32 to index
      %swap3A_104 = arith.constant 96 : index
      %swap3A_105 = tpu.vector_load %arg7[%swap3A_102, %swap3A_103, %swap3A_104] {strides = array<i32>} : memref<2x128x128xf32, #tpu.memory_space<vmem>>, vector<16xf32>,
      tpu.vector_store %arg7[%swap3A_102, %swap3A_103, %swap3A_104], %broadcast_in_dim3A_1 {strides = array<i32>} : memref<2x128x128xf32, #tpu.memory_space<vmem>>, vector<16xf32>,
      %swap3A_106 = arith.constant 0 : i32
      %swap3A_107 = arith.index_cast %swap3A_106 : i32 to index
      %swap3A_108 = arith.index_cast %scan3A_70 : i32 to index
      %swap3A_109 = arith.constant 112 : index
      %swap3A_110 = tpu.vector_load %arg7[%swap3A_107, %swap3A_108, %swap3A_109] {strides = array<i32>} : memref<2x128x128xf32, #tpu.memory_space<vmem>>, vector<16xf32>,
      tpu.vector_store %arg7[%swap3A_107, %swap3A_108, %swap3A_109], %broadcast_in_dim3A_1 {strides = array<i32>} : memref<2x128x128xf32, #tpu.memory_space<vmem>>, vector<16xf32>,
      %scan3A_111 = arith.constant 0 : i32
      scf.yield %scan3A_111 : i32
    }
    %scan3A_9 = arith.constant 16 : i32
    %scan3A_10 = arith.constant 0 : i32
    %scan3A_11 = arith.constant 0 : i32
    %scan3A_12 = arith.constant 40 : i32
    %scan3A_13 = arith.addi %scan3A_11, %scan3A_12 : i32
    %scan3A_14 = arith.constant 1 : i32
    %scan3A_15 = scf.for %scan3A_70 = %scan3A_11 to %scan3A_13 step %scan3A_14 iter_args(%scan3A_71 = %scan3A_10) -> (i32)  : i32 {
      %mul3A_72 = arith.constant 16 : i32
      %mul3A_73 = arith.muli %scan3A_70, %mul3A_72 : i32
      %add3A_74 = arith.addi %mul3A_73, %arg1 : i32
      %lt3A_75 = arith.constant 625 : i32
      %lt3A_76 = arith.cmpi slt, %add3A_74, %lt3A_75 : i32
      %convert_element_type3A_77 = arith.extui %lt3A_76 : i1 to i32
      %cond3A_78 = arith.constant 0 : i32
      %cond3A_79 = arith.cmpi ne, %convert_element_type3A_77, %cond3A_78 : i32
      scf.if %cond3A_79 {
        %mul3A_81 = arith.constant 16 : i32
        %mul3A_82 = arith.muli %add3A_74, %mul3A_81 : i32
        %run_scoped3A = arith.constant 0 : i32
        "tpu.region"() ({
          %run_scoped3A_83 = tpu.sem_alloc : memref<!tpu.dma_semaphore, #tpu.memory_space<semaphore_mem>>
          %dma_start3A_84 = arith.constant 0 : i32
          %dma_start3A_85 = arith.constant 0 : i32
          %dma_start3A_86 = tpu.memref_slice %arg7[%run_scoped3A, %dma_start3A_84, %dma_start3A_85] : memref<2x128x128xf32, #tpu.memory_space<vmem>> -> memref<1x16x128xf32, #tpu.memory_space<vmem>>
          %dma_start3A_87 = tpu.memref_squeeze %dma_start3A_86 : memref<1x16x128xf32, #tpu.memory_space<vmem>> -> memref<16x128xf32, #tpu.memory_space<vmem>>
          %dma_start3A_88 = arith.constant 0 : i32
          %dma_start3A_89 = tpu.memref_slice %arg8[%mul3A_82, %dma_start3A_88] : memref<10016x128xf32, #tpu.memory_space<vmem_shared>> -> memref<16x128xf32, #tpu.memory_space<vmem_shared>>
          %dma_start3A_90 = arith.constant 0 : i32
          %dma_start3A_91 = tpu.memref_slice %arg8[%mul3A_82, %dma_start3A_90] : memref<10016x128xf32, #tpu.memory_space<vmem_shared>> -> memref<16x128xf32, #tpu.memory_space<vmem_shared>>
          %dma_start3A_92 = arith.constant 0 : i32
          %dma_start3A_93 = arith.constant 0 : i32
          %dma_start3A_94 = tpu.memref_slice %arg7[%run_scoped3A, %dma_start3A_92, %dma_start3A_93] : memref<2x128x128xf32, #tpu.memory_space<vmem>> -> memref<1x16x128xf32, #tpu.memory_space<vmem>>
          %dma_start3A_95 = tpu.memref_squeeze %dma_start3A_94 : memref<1x16x128xf32, #tpu.memory_space<vmem>> -> memref<16x128xf32, #tpu.memory_space<vmem>>
          tpu.enqueue_dma source(%dma_start3A_95 : memref<16x128xf32, #tpu.memory_space<vmem>>) target(%dma_start3A_91 : memref<16x128xf32, #tpu.memory_space<vmem_shared>>) target_semaphore(%run_scoped3A_83 : memref<!tpu.dma_semaphore, #tpu.memory_space<semaphore_mem>>)
          %dma_wait3A = arith.constant 0 : i32
          %dma_wait3A_96 = arith.constant 0 : i32
          %dma_wait3A_97 = tpu.memref_slice %arg7[%run_scoped3A, %dma_wait3A, %dma_wait3A_96] : memref<2x128x128xf32, #tpu.memory_space<vmem>> -> memref<1x16x128xf32, #tpu.memory_space<vmem>>
          %dma_wait3A_98 = tpu.memref_squeeze %dma_wait3A_97 : memref<1x16x128xf32, #tpu.memory_space<vmem>> -> memref<16x128xf32, #tpu.memory_space<vmem>>
          %dma_wait3A_99 = arith.constant 0 : i32
          %dma_wait3A_100 = tpu.memref_slice %arg8[%mul3A_82, %dma_wait3A_99] : memref<10016x128xf32, #tpu.memory_space<vmem_shared>> -> memref<16x128xf32, #tpu.memory_space<vmem_shared>>
          %dma_wait3A_101 = arith.constant 0 : i32
          %dma_wait3A_102 = tpu.memref_slice %arg8[%mul3A_82, %dma_wait3A_101] : memref<10016x128xf32, #tpu.memory_space<vmem_shared>> -> memref<16x128xf32, #tpu.memory_space<vmem_shared>>
          %dma_wait3A_103 = arith.constant 0 : i32
          %dma_wait3A_104 = arith.constant 0 : i32
          %dma_wait3A_105 = tpu.memref_slice %arg7[%run_scoped3A, %dma_wait3A_103, %dma_wait3A_104] : memref<2x128x128xf32, #tpu.memory_space<vmem>> -> memref<1x16x128xf32, #tpu.memory_space<vmem>>
          %dma_wait3A_106 = tpu.memref_squeeze %dma_wait3A_105 : memref<1x16x128xf32, #tpu.memory_space<vmem>> -> memref<16x128xf32, #tpu.memory_space<vmem>>
          tpu.wait_dma2 semaphore(%run_scoped3A_83 : memref<!tpu.dma_semaphore, #tpu.memory_space<semaphore_mem>>) src(%dma_wait3A_106 : memref<16x128xf32, #tpu.memory_space<vmem>>) dst(%dma_wait3A_102 : memref<16x128xf32, #tpu.memory_space<vmem_shared>>)
          tpu.yield
        }) : () -> ()
      } else {
      }
      %scan3A_80 = arith.constant 0 : i32
      scf.yield %scan3A_80 : i32
    }
    %scan3A_16 = arith.constant 40 : i32
    %barrier3A = arith.constant 0 : index
    tpu.barrier barrier_id(%barrier3A)
    %add3A_17 = arith.constant 0 : i32
    %add3A_18 = arith.addi %add3A_17, %add3A : i32
    %lt3A = arith.constant 2500 : i32
    %lt3A_19 = arith.cmpi slt, %add3A_18, %lt3A : i32
    %convert_element_type3A = arith.extui %lt3A_19 : i1 to i32
    %cond3A = arith.constant 0 : i32
    %cond3A_20 = arith.cmpi ne, %convert_element_type3A, %cond3A : i32
    scf.if %cond3A_20 {
      %mul3A_70 = arith.constant 128 : i32
      %mul3A_71 = arith.muli %add3A_18, %mul3A_70 : i32
      %dma_start3A_72 = arith.constant 0 : i32
      %dma_start3A_73 = arith.constant 0 : i32
      %dma_start3A_74 = arith.constant 0 : i32
      %dma_start3A_75 = tpu.memref_slice %arg5[%dma_start3A_73, %dma_start3A_74] : memref<2x128xi32, #tpu.memory_space<vmem>> -> memref<1x128xi32, #tpu.memory_space<vmem>>
      %dma_start3A_76 = tpu.memref_squeeze %dma_start3A_75 : memref<1x128xi32, #tpu.memory_space<vmem>> -> memref<128xi32, #tpu.memory_space<vmem>>
      %dma_start3A_77 = tpu.memref_slice %arg3[%dma_start3A_72, %mul3A_71] : memref<2x320000xi32, #tpu.memory_space<hbm>> -> memref<1x128xi32, #tpu.memory_space<hbm>>
      %dma_start3A_78 = tpu.memref_squeeze %dma_start3A_77 : memref<1x128xi32, #tpu.memory_space<hbm>> -> memref<128xi32, #tpu.memory_space<hbm>>
      %dma_start3A_79 = arith.constant 0 : i32
      %dma_start3A_80 = tpu.memref_slice %arg5[%dma_start3A_73, %dma_start3A_79] : memref<2x128xi32, #tpu.memory_space<vmem>> -> memref<1x128xi32, #tpu.memory_space<vmem>>
      %dma_start3A_81 = tpu.memref_squeeze %dma_start3A_80 : memref<1x128xi32, #tpu.memory_space<vmem>> -> memref<128xi32, #tpu.memory_space<vmem>>
      %dma_start3A_82 = tpu.memref_slice %arg3[%dma_start3A_72, %mul3A_71] : memref<2x320000xi32, #tpu.memory_space<hbm>> -> memref<1x128xi32, #tpu.memory_space<hbm>>
      %dma_start3A_83 = tpu.memref_squeeze %dma_start3A_82 : memref<1x128xi32, #tpu.memory_space<hbm>> -> memref<128xi32, #tpu.memory_space<hbm>>
      tpu.enqueue_dma source(%dma_start3A_83 : memref<128xi32, #tpu.memory_space<hbm>>) target(%dma_start3A_81 : memref<128xi32, #tpu.memory_space<vmem>>) target_semaphore(%arg11 : memref<!tpu.dma_semaphore, #tpu.memory_space<semaphore_mem>>)
      %mul3A_84 = arith.constant 128 : i32
      %mul3A_85 = arith.muli %add3A_18, %mul3A_84 : i32
      %dma_start3A_86 = arith.constant 1 : i32
      %dma_start3A_87 = arith.constant 0 : i32
      %dma_start3A_88 = arith.constant 0 : i32
      %dma_start3A_89 = tpu.memref_slice %arg6[%dma_start3A_87, %dma_start3A_88] : memref<2x128xi32, #tpu.memory_space<vmem>> -> memref<1x128xi32, #tpu.memory_space<vmem>>
      %dma_start3A_90 = tpu.memref_squeeze %dma_start3A_89 : memref<1x128xi32, #tpu.memory_space<vmem>> -> memref<128xi32, #tpu.memory_space<vmem>>
      %dma_start3A_91 = tpu.memref_slice %arg3[%dma_start3A_86, %mul3A_85] : memref<2x320000xi32, #tpu.memory_space<hbm>> -> memref<1x128xi32, #tpu.memory_space<hbm>>
      %dma_start3A_92 = tpu.memref_squeeze %dma_start3A_91 : memref<1x128xi32, #tpu.memory_space<hbm>> -> memref<128xi32, #tpu.memory_space<hbm>>
      %dma_start3A_93 = arith.constant 0 : i32
      %dma_start3A_94 = tpu.memref_slice %arg6[%dma_start3A_87, %dma_start3A_93] : memref<2x128xi32, #tpu.memory_space<vmem>> -> memref<1x128xi32, #tpu.memory_space<vmem>>
      %dma_start3A_95 = tpu.memref_squeeze %dma_start3A_94 : memref<1x128xi32, #tpu.memory_space<vmem>> -> memref<128xi32, #tpu.memory_space<vmem>>
      %dma_start3A_96 = tpu.memref_slice %arg3[%dma_start3A_86, %mul3A_85] : memref<2x320000xi32, #tpu.memory_space<hbm>> -> memref<1x128xi32, #tpu.memory_space<hbm>>
      %dma_start3A_97 = tpu.memref_squeeze %dma_start3A_96 : memref<1x128xi32, #tpu.memory_space<hbm>> -> memref<128xi32, #tpu.memory_space<hbm>>
      tpu.enqueue_dma source(%dma_start3A_97 : memref<128xi32, #tpu.memory_space<hbm>>) target(%dma_start3A_95 : memref<128xi32, #tpu.memory_space<vmem>>) target_semaphore(%arg13 : memref<!tpu.dma_semaphore, #tpu.memory_space<semaphore_mem>>)
    } else {
    }
    %ge3A = arith.constant 2500 : i32
    %ge3A_21 = arith.cmpi sge, %add3A_18, %ge3A : i32
    %convert_element_type3A_22 = arith.extui %ge3A_21 : i1 to i32
    %cond3A_23 = arith.constant 0 : i32
    %cond3A_24 = arith.cmpi ne, %convert_element_type3A_22, %cond3A_23 : i32
    scf.if %cond3A_24 {
      %swap3A = arith.constant 0 : i32
      %swap3A_70 = arith.index_cast %swap3A : i32 to index
      %swap3A_71 = arith.constant 0 : index
      %swap3A_72 = tpu.vector_load %arg6[%swap3A_70, %swap3A_71] {strides = array<i32>} : memref<2x128xi32, #tpu.memory_space<vmem>>, vector<16xi32>,
      tpu.vector_store %arg6[%swap3A_70, %swap3A_71], %broadcast_in_dim3A_3 {strides = array<i32>} : memref<2x128xi32, #tpu.memory_space<vmem>>, vector<16xi32>,
      %swap3A_73 = arith.constant 0 : i32
      %swap3A_74 = arith.index_cast %swap3A_73 : i32 to index
      %swap3A_75 = arith.constant 16 : index
      %swap3A_76 = tpu.vector_load %arg6[%swap3A_74, %swap3A_75] {strides = array<i32>} : memref<2x128xi32, #tpu.memory_space<vmem>>, vector<16xi32>,
      tpu.vector_store %arg6[%swap3A_74, %swap3A_75], %broadcast_in_dim3A_3 {strides = array<i32>} : memref<2x128xi32, #tpu.memory_space<vmem>>, vector<16xi32>,
      %swap3A_77 = arith.constant 0 : i32
      %swap3A_78 = arith.index_cast %swap3A_77 : i32 to index
      %swap3A_79 = arith.constant 32 : index
      %swap3A_80 = tpu.vector_load %arg6[%swap3A_78, %swap3A_79] {strides = array<i32>} : memref<2x128xi32, #tpu.memory_space<vmem>>, vector<16xi32>,
      tpu.vector_store %arg6[%swap3A_78, %swap3A_79], %broadcast_in_dim3A_3 {strides = array<i32>} : memref<2x128xi32, #tpu.memory_space<vmem>>, vector<16xi32>,
      %swap3A_81 = arith.constant 0 : i32
      %swap3A_82 = arith.index_cast %swap3A_81 : i32 to index
      %swap3A_83 = arith.constant 48 : index
      %swap3A_84 = tpu.vector_load %arg6[%swap3A_82, %swap3A_83] {strides = array<i32>} : memref<2x128xi32, #tpu.memory_space<vmem>>, vector<16xi32>,
      tpu.vector_store %arg6[%swap3A_82, %swap3A_83], %broadcast_in_dim3A_3 {strides = array<i32>} : memref<2x128xi32, #tpu.memory_space<vmem>>, vector<16xi32>,
      %swap3A_85 = arith.constant 0 : i32
      %swap3A_86 = arith.index_cast %swap3A_85 : i32 to index
      %swap3A_87 = arith.constant 64 : index
      %swap3A_88 = tpu.vector_load %arg6[%swap3A_86, %swap3A_87] {strides = array<i32>} : memref<2x128xi32, #tpu.memory_space<vmem>>, vector<16xi32>,
      tpu.vector_store %arg6[%swap3A_86, %swap3A_87], %broadcast_in_dim3A_3 {strides = array<i32>} : memref<2x128xi32, #tpu.memory_space<vmem>>, vector<16xi32>,
      %swap3A_89 = arith.constant 0 : i32
      %swap3A_90 = arith.index_cast %swap3A_89 : i32 to index
      %swap3A_91 = arith.constant 80 : index
      %swap3A_92 = tpu.vector_load %arg6[%swap3A_90, %swap3A_91] {strides = array<i32>} : memref<2x128xi32, #tpu.memory_space<vmem>>, vector<16xi32>,
      tpu.vector_store %arg6[%swap3A_90, %swap3A_91], %broadcast_in_dim3A_3 {strides = array<i32>} : memref<2x128xi32, #tpu.memory_space<vmem>>, vector<16xi32>,
      %swap3A_93 = arith.constant 0 : i32
      %swap3A_94 = arith.index_cast %swap3A_93 : i32 to index
      %swap3A_95 = arith.constant 96 : index
      %swap3A_96 = tpu.vector_load %arg6[%swap3A_94, %swap3A_95] {strides = array<i32>} : memref<2x128xi32, #tpu.memory_space<vmem>>, vector<16xi32>,
      tpu.vector_store %arg6[%swap3A_94, %swap3A_95], %broadcast_in_dim3A_3 {strides = array<i32>} : memref<2x128xi32, #tpu.memory_space<vmem>>, vector<16xi32>,
      %swap3A_97 = arith.constant 0 : i32
      %swap3A_98 = arith.index_cast %swap3A_97 : i32 to index
      %swap3A_99 = arith.constant 112 : index
      %swap3A_100 = tpu.vector_load %arg6[%swap3A_98, %swap3A_99] {strides = array<i32>} : memref<2x128xi32, #tpu.memory_space<vmem>>, vector<16xi32>,
      tpu.vector_store %arg6[%swap3A_98, %swap3A_99], %broadcast_in_dim3A_3 {strides = array<i32>} : memref<2x128xi32, #tpu.memory_space<vmem>>, vector<16xi32>,
    } else {
    }
    %add3A_25 = arith.constant 32 : i32
    %add3A_26 = arith.addi %add3A_25, %add3A : i32
    %lt3A_27 = arith.constant 2500 : i32
    %lt3A_28 = arith.cmpi slt, %add3A_26, %lt3A_27 : i32
    %convert_element_type3A_29 = arith.extui %lt3A_28 : i1 to i32
    %cond3A_30 = arith.constant 0 : i32
    %cond3A_31 = arith.cmpi ne, %convert_element_type3A_29, %cond3A_30 : i32
    scf.if %cond3A_31 {
      %mul3A_70 = arith.constant 128 : i32
      %mul3A_71 = arith.muli %add3A_26, %mul3A_70 : i32
      %dma_start3A_72 = arith.constant 0 : i32
      %dma_start3A_73 = arith.constant 1 : i32
      %dma_start3A_74 = arith.constant 0 : i32
      %dma_start3A_75 = tpu.memref_slice %arg5[%dma_start3A_73, %dma_start3A_74] : memref<2x128xi32, #tpu.memory_space<vmem>> -> memref<1x128xi32, #tpu.memory_space<vmem>>
      %dma_start3A_76 = tpu.memref_squeeze %dma_start3A_75 : memref<1x128xi32, #tpu.memory_space<vmem>> -> memref<128xi32, #tpu.memory_space<vmem>>
      %dma_start3A_77 = tpu.memref_slice %arg3[%dma_start3A_72, %mul3A_71] : memref<2x320000xi32, #tpu.memory_space<hbm>> -> memref<1x128xi32, #tpu.memory_space<hbm>>
      %dma_start3A_78 = tpu.memref_squeeze %dma_start3A_77 : memref<1x128xi32, #tpu.memory_space<hbm>> -> memref<128xi32, #tpu.memory_space<hbm>>
      %dma_start3A_79 = arith.constant 0 : i32
      %dma_start3A_80 = tpu.memref_slice %arg5[%dma_start3A_73, %dma_start3A_79] : memref<2x128xi32, #tpu.memory_space<vmem>> -> memref<1x128xi32, #tpu.memory_space<vmem>>
      %dma_start3A_81 = tpu.memref_squeeze %dma_start3A_80 : memref<1x128xi32, #tpu.memory_space<vmem>> -> memref<128xi32, #tpu.memory_space<vmem>>
      %dma_start3A_82 = tpu.memref_slice %arg3[%dma_start3A_72, %mul3A_71] : memref<2x320000xi32, #tpu.memory_space<hbm>> -> memref<1x128xi32, #tpu.memory_space<hbm>>
      %dma_start3A_83 = tpu.memref_squeeze %dma_start3A_82 : memref<1x128xi32, #tpu.memory_space<hbm>> -> memref<128xi32, #tpu.memory_space<hbm>>
      tpu.enqueue_dma source(%dma_start3A_83 : memref<128xi32, #tpu.memory_space<hbm>>) target(%dma_start3A_81 : memref<128xi32, #tpu.memory_space<vmem>>) target_semaphore(%arg12 : memref<!tpu.dma_semaphore, #tpu.memory_space<semaphore_mem>>)
      %mul3A_84 = arith.constant 128 : i32
      %mul3A_85 = arith.muli %add3A_26, %mul3A_84 : i32
      %dma_start3A_86 = arith.constant 1 : i32
      %dma_start3A_87 = arith.constant 1 : i32
      %dma_start3A_88 = arith.constant 0 : i32
      %dma_start3A_89 = tpu.memref_slice %arg6[%dma_start3A_87, %dma_start3A_88] : memref<2x128xi32, #tpu.memory_space<vmem>> -> memref<1x128xi32, #tpu.memory_space<vmem>>
      %dma_start3A_90 = tpu.memref_squeeze %dma_start3A_89 : memref<1x128xi32, #tpu.memory_space<vmem>> -> memref<128xi32, #tpu.memory_space<vmem>>
      %dma_start3A_91 = tpu.memref_slice %arg3[%dma_start3A_86, %mul3A_85] : memref<2x320000xi32, #tpu.memory_space<hbm>> -> memref<1x128xi32, #tpu.memory_space<hbm>>
      %dma_start3A_92 = tpu.memref_squeeze %dma_start3A_91 : memref<1x128xi32, #tpu.memory_space<hbm>> -> memref<128xi32, #tpu.memory_space<hbm>>
      %dma_start3A_93 = arith.constant 0 : i32
      %dma_start3A_94 = tpu.memref_slice %arg6[%dma_start3A_87, %dma_start3A_93] : memref<2x128xi32, #tpu.memory_space<vmem>> -> memref<1x128xi32, #tpu.memory_space<vmem>>
      %dma_start3A_95 = tpu.memref_squeeze %dma_start3A_94 : memref<1x128xi32, #tpu.memory_space<vmem>> -> memref<128xi32, #tpu.memory_space<vmem>>
      %dma_start3A_96 = tpu.memref_slice %arg3[%dma_start3A_86, %mul3A_85] : memref<2x320000xi32, #tpu.memory_space<hbm>> -> memref<1x128xi32, #tpu.memory_space<hbm>>
      %dma_start3A_97 = tpu.memref_squeeze %dma_start3A_96 : memref<1x128xi32, #tpu.memory_space<hbm>> -> memref<128xi32, #tpu.memory_space<hbm>>
      tpu.enqueue_dma source(%dma_start3A_97 : memref<128xi32, #tpu.memory_space<hbm>>) target(%dma_start3A_95 : memref<128xi32, #tpu.memory_space<vmem>>) target_semaphore(%arg14 : memref<!tpu.dma_semaphore, #tpu.memory_space<semaphore_mem>>)
    } else {
    }
    %ge3A_32 = arith.constant 2500 : i32
    %ge3A_33 = arith.cmpi sge, %add3A_26, %ge3A_32 : i32
    %convert_element_type3A_34 = arith.extui %ge3A_33 : i1 to i32
    %cond3A_35 = arith.constant 0 : i32
    %cond3A_36 = arith.cmpi ne, %convert_element_type3A_34, %cond3A_35 : i32
    scf.if %cond3A_36 {
      %swap3A = arith.constant 1 : i32
      %swap3A_70 = arith.index_cast %swap3A : i32 to index
      %swap3A_71 = arith.constant 0 : index
      %swap3A_72 = tpu.vector_load %arg6[%swap3A_70, %swap3A_71] {strides = array<i32>} : memref<2x128xi32, #tpu.memory_space<vmem>>, vector<16xi32>,
      tpu.vector_store %arg6[%swap3A_70, %swap3A_71], %broadcast_in_dim3A_3 {strides = array<i32>} : memref<2x128xi32, #tpu.memory_space<vmem>>, vector<16xi32>,
      %swap3A_73 = arith.constant 1 : i32
      %swap3A_74 = arith.index_cast %swap3A_73 : i32 to index
      %swap3A_75 = arith.constant 16 : index
      %swap3A_76 = tpu.vector_load %arg6[%swap3A_74, %swap3A_75] {strides = array<i32>} : memref<2x128xi32, #tpu.memory_space<vmem>>, vector<16xi32>,
      tpu.vector_store %arg6[%swap3A_74, %swap3A_75], %broadcast_in_dim3A_3 {strides = array<i32>} : memref<2x128xi32, #tpu.memory_space<vmem>>, vector<16xi32>,
      %swap3A_77 = arith.constant 1 : i32
      %swap3A_78 = arith.index_cast %swap3A_77 : i32 to index
      %swap3A_79 = arith.constant 32 : index
      %swap3A_80 = tpu.vector_load %arg6[%swap3A_78, %swap3A_79] {strides = array<i32>} : memref<2x128xi32, #tpu.memory_space<vmem>>, vector<16xi32>,
      tpu.vector_store %arg6[%swap3A_78, %swap3A_79], %broadcast_in_dim3A_3 {strides = array<i32>} : memref<2x128xi32, #tpu.memory_space<vmem>>, vector<16xi32>,
      %swap3A_81 = arith.constant 1 : i32
      %swap3A_82 = arith.index_cast %swap3A_81 : i32 to index
      %swap3A_83 = arith.constant 48 : index
      %swap3A_84 = tpu.vector_load %arg6[%swap3A_82, %swap3A_83] {strides = array<i32>} : memref<2x128xi32, #tpu.memory_space<vmem>>, vector<16xi32>,
      tpu.vector_store %arg6[%swap3A_82, %swap3A_83], %broadcast_in_dim3A_3 {strides = array<i32>} : memref<2x128xi32, #tpu.memory_space<vmem>>, vector<16xi32>,
      %swap3A_85 = arith.constant 1 : i32
      %swap3A_86 = arith.index_cast %swap3A_85 : i32 to index
      %swap3A_87 = arith.constant 64 : index
      %swap3A_88 = tpu.vector_load %arg6[%swap3A_86, %swap3A_87] {strides = array<i32>} : memref<2x128xi32, #tpu.memory_space<vmem>>, vector<16xi32>,
      tpu.vector_store %arg6[%swap3A_86, %swap3A_87], %broadcast_in_dim3A_3 {strides = array<i32>} : memref<2x128xi32, #tpu.memory_space<vmem>>, vector<16xi32>,
      %swap3A_89 = arith.constant 1 : i32
      %swap3A_90 = arith.index_cast %swap3A_89 : i32 to index
      %swap3A_91 = arith.constant 80 : index
      %swap3A_92 = tpu.vector_load %arg6[%swap3A_90, %swap3A_91] {strides = array<i32>} : memref<2x128xi32, #tpu.memory_space<vmem>>, vector<16xi32>,
      tpu.vector_store %arg6[%swap3A_90, %swap3A_91], %broadcast_in_dim3A_3 {strides = array<i32>} : memref<2x128xi32, #tpu.memory_space<vmem>>, vector<16xi32>,
      %swap3A_93 = arith.constant 1 : i32
      %swap3A_94 = arith.index_cast %swap3A_93 : i32 to index
      %swap3A_95 = arith.constant 96 : index
      %swap3A_96 = tpu.vector_load %arg6[%swap3A_94, %swap3A_95] {strides = array<i32>} : memref<2x128xi32, #tpu.memory_space<vmem>>, vector<16xi32>,
      tpu.vector_store %arg6[%swap3A_94, %swap3A_95], %broadcast_in_dim3A_3 {strides = array<i32>} : memref<2x128xi32, #tpu.memory_space<vmem>>, vector<16xi32>,
      %swap3A_97 = arith.constant 1 : i32
      %swap3A_98 = arith.index_cast %swap3A_97 : i32 to index
      %swap3A_99 = arith.constant 112 : index
      %swap3A_100 = tpu.vector_load %arg6[%swap3A_98, %swap3A_99] {strides = array<i32>} : memref<2x128xi32, #tpu.memory_space<vmem>>, vector<16xi32>,
      tpu.vector_store %arg6[%swap3A_98, %swap3A_99], %broadcast_in_dim3A_3 {strides = array<i32>} : memref<2x128xi32, #tpu.memory_space<vmem>>, vector<16xi32>,
    } else {
    }
    %add3A_37 = arith.constant 0 : i32
    %add3A_38 = arith.addi %add3A_37, %add3A : i32
    %lt3A_39 = arith.constant 2500 : i32
    %lt3A_40 = arith.cmpi slt, %add3A_38, %lt3A_39 : i32
    %convert_element_type3A_41 = arith.extui %lt3A_40 : i1 to i32
    %cond3A_42 = arith.constant 0 : i32
    %cond3A_43 = arith.cmpi ne, %convert_element_type3A_41, %cond3A_42 : i32
    scf.if %cond3A_43 {
      %mul3A_70 = arith.constant 128 : i32
      %mul3A_71 = arith.muli %add3A_38, %mul3A_70 : i32
      %dma_wait3A = arith.constant 0 : i32
      %dma_wait3A_72 = arith.constant 0 : i32
      %dma_wait3A_73 = arith.constant 0 : i32
      %dma_wait3A_74 = tpu.memref_slice %arg5[%dma_wait3A_72, %dma_wait3A_73] : memref<2x128xi32, #tpu.memory_space<vmem>> -> memref<1x128xi32, #tpu.memory_space<vmem>>
      %dma_wait3A_75 = tpu.memref_squeeze %dma_wait3A_74 : memref<1x128xi32, #tpu.memory_space<vmem>> -> memref<128xi32, #tpu.memory_space<vmem>>
      %dma_wait3A_76 = tpu.memref_slice %arg3[%dma_wait3A, %mul3A_71] : memref<2x320000xi32, #tpu.memory_space<hbm>> -> memref<1x128xi32, #tpu.memory_space<hbm>>
      %dma_wait3A_77 = tpu.memref_squeeze %dma_wait3A_76 : memref<1x128xi32, #tpu.memory_space<hbm>> -> memref<128xi32, #tpu.memory_space<hbm>>
      %dma_wait3A_78 = arith.constant 0 : i32
      %dma_wait3A_79 = tpu.memref_slice %arg5[%dma_wait3A_72, %dma_wait3A_78] : memref<2x128xi32, #tpu.memory_space<vmem>> -> memref<1x128xi32, #tpu.memory_space<vmem>>
      %dma_wait3A_80 = tpu.memref_squeeze %dma_wait3A_79 : memref<1x128xi32, #tpu.memory_space<vmem>> -> memref<128xi32, #tpu.memory_space<vmem>>
      %dma_wait3A_81 = tpu.memref_slice %arg3[%dma_wait3A, %mul3A_71] : memref<2x320000xi32, #tpu.memory_space<hbm>> -> memref<1x128xi32, #tpu.memory_space<hbm>>
      %dma_wait3A_82 = tpu.memref_squeeze %dma_wait3A_81 : memref<1x128xi32, #tpu.memory_space<hbm>> -> memref<128xi32, #tpu.memory_space<hbm>>
      tpu.wait_dma2 semaphore(%arg11 : memref<!tpu.dma_semaphore, #tpu.memory_space<semaphore_mem>>) src(%dma_wait3A_82 : memref<128xi32, #tpu.memory_space<hbm>>) dst(%dma_wait3A_80 : memref<128xi32, #tpu.memory_space<vmem>>)
      %mul3A_83 = arith.constant 128 : i32
      %mul3A_84 = arith.muli %add3A_38, %mul3A_83 : i32
      %dma_wait3A_85 = arith.constant 1 : i32
      %dma_wait3A_86 = arith.constant 0 : i32
      %dma_wait3A_87 = arith.constant 0 : i32
      %dma_wait3A_88 = tpu.memref_slice %arg6[%dma_wait3A_86, %dma_wait3A_87] : memref<2x128xi32, #tpu.memory_space<vmem>> -> memref<1x128xi32, #tpu.memory_space<vmem>>
      %dma_wait3A_89 = tpu.memref_squeeze %dma_wait3A_88 : memref<1x128xi32, #tpu.memory_space<vmem>> -> memref<128xi32, #tpu.memory_space<vmem>>
      %dma_wait3A_90 = tpu.memref_slice %arg3[%dma_wait3A_85, %mul3A_84] : memref<2x320000xi32, #tpu.memory_space<hbm>> -> memref<1x128xi32, #tpu.memory_space<hbm>>
      %dma_wait3A_91 = tpu.memref_squeeze %dma_wait3A_90 : memref<1x128xi32, #tpu.memory_space<hbm>> -> memref<128xi32, #tpu.memory_space<hbm>>
      %dma_wait3A_92 = arith.constant 0 : i32
      %dma_wait3A_93 = tpu.memref_slice %arg6[%dma_wait3A_86, %dma_wait3A_92] : memref<2x128xi32, #tpu.memory_space<vmem>> -> memref<1x128xi32, #tpu.memory_space<vmem>>
      %dma_wait3A_94 = tpu.memref_squeeze %dma_wait3A_93 : memref<1x128xi32, #tpu.memory_space<vmem>> -> memref<128xi32, #tpu.memory_space<vmem>>
      %dma_wait3A_95 = tpu.memref_slice %arg3[%dma_wait3A_85, %mul3A_84] : memref<2x320000xi32, #tpu.memory_space<hbm>> -> memref<1x128xi32, #tpu.memory_space<hbm>>
      %dma_wait3A_96 = tpu.memref_squeeze %dma_wait3A_95 : memref<1x128xi32, #tpu.memory_space<hbm>> -> memref<128xi32, #tpu.memory_space<hbm>>
      tpu.wait_dma2 semaphore(%arg13 : memref<!tpu.dma_semaphore, #tpu.memory_space<semaphore_mem>>) src(%dma_wait3A_96 : memref<128xi32, #tpu.memory_space<hbm>>) dst(%dma_wait3A_94 : memref<128xi32, #tpu.memory_space<vmem>>)
    } else {
    }
    %dma_start3A = arith.constant 0 : i32
    %dma_start3A_44 = arith.constant 0 : i32
    %dma_start3A_45 = arith.constant 0 : i32
    %dma_start3A_46 = arith.constant 0 : i32
    %dma_start3A_47 = tpu.memref_slice %arg7[%dma_start3A_44, %dma_start3A_45, %dma_start3A_46] : memref<2x128x128xf32, #tpu.memory_space<vmem>> -> memref<1x128x128xf32, #tpu.memory_space<vmem>>
    %dma_start3A_48 = tpu.memref_squeeze %dma_start3A_47 : memref<1x128x128xf32, #tpu.memory_space<vmem>> -> memref<128x128xf32, #tpu.memory_space<vmem>>
    %dma_start3A_49 = arith.constant 0 : i32
    %dma_start3A_50 = tpu.memref_slice %arg5[%dma_start3A, %dma_start3A_49] : memref<2x128xi32, #tpu.memory_space<vmem>> -> memref<1x128xi32, #tpu.memory_space<vmem>>
    %dma_start3A_51 = tpu.memref_squeeze %dma_start3A_50 : memref<1x128xi32, #tpu.memory_space<vmem>> -> memref<128xi32, #tpu.memory_space<vmem>>
    %dma_start3A_52 = arith.constant 0 : i32
    %dma_start3A_53 = arith.constant 0 : i32
    %dma_start3A_54 = tpu.memref_slice %arg2[%dma_start3A_52, %dma_start3A_53] : memref<10000x128xf32, #tpu.memory_space<hbm>> -> memref<10000x128xf32, #tpu.memory_space<hbm>>
    tpu.enqueue_indirect_dma source(%dma_start3A_54 : memref<10000x128xf32, #tpu.memory_space<hbm>>) target(%dma_start3A_48 : memref<128x128xf32, #tpu.memory_space<vmem>>) offsets(%dma_start3A_51 : memref<128xi32, #tpu.memory_space<vmem>>) semaphore(%arg9 : memref<!tpu.dma_semaphore, #tpu.memory_space<semaphore_mem>>)
    %scan3A_55 = arith.constant 0 : i32
    %scan3A_56 = arith.constant 0 : i32
    %scan3A_57 = arith.constant 40 : i32
    %scan3A_58 = arith.addi %scan3A_56, %scan3A_57 : i32
    %scan3A_59 = arith.constant 1 : i32
    %scan3A_60 = scf.for %scan3A_70 = %scan3A_56 to %scan3A_58 step %scan3A_59 iter_args(%scan3A_71 = %scan3A_55) -> (i32)  : i32 {
      %mul3A_72 = arith.constant 2 : i32
      %mul3A_73 = arith.muli %mul3A_72, %scan3A_70 : i32
      %add3A_74 = arith.constant 1 : i32
      %add3A_75 = arith.addi %mul3A_73, %add3A_74 : i32
      %mul3A_76 = arith.constant 32 : i32
      %mul3A_77 = arith.muli %add3A_75, %mul3A_76 : i32
      %add3A_78 = arith.addi %mul3A_77, %add3A : i32
      %lt3A_79 = arith.constant 2500 : i32
      %lt3A_80 = arith.cmpi slt, %add3A_78, %lt3A_79 : i32
      %convert_element_type3A_81 = arith.extui %lt3A_80 : i1 to i32
      %cond3A_82 = arith.constant 0 : i32
      %cond3A_83 = arith.cmpi ne, %convert_element_type3A_81, %cond3A_82 : i32
      scf.if %cond3A_83 {
        %mul3A_137 = arith.constant 128 : i32
        %mul3A_138 = arith.muli %add3A_78, %mul3A_137 : i32
        %dma_wait3A_139 = arith.constant 0 : i32
        %dma_wait3A_140 = arith.constant 1 : i32
        %dma_wait3A_141 = arith.constant 0 : i32
        %dma_wait3A_142 = tpu.memref_slice %arg5[%dma_wait3A_140, %dma_wait3A_141] : memref<2x128xi32, #tpu.memory_space<vmem>> -> memref<1x128xi32, #tpu.memory_space<vmem>>
        %dma_wait3A_143 = tpu.memref_squeeze %dma_wait3A_142 : memref<1x128xi32, #tpu.memory_space<vmem>> -> memref<128xi32, #tpu.memory_space<vmem>>
        %dma_wait3A_144 = tpu.memref_slice %arg3[%dma_wait3A_139, %mul3A_138] : memref<2x320000xi32, #tpu.memory_space<hbm>> -> memref<1x128xi32, #tpu.memory_space<hbm>>
        %dma_wait3A_145 = tpu.memref_squeeze %dma_wait3A_144 : memref<1x128xi32, #tpu.memory_space<hbm>> -> memref<128xi32, #tpu.memory_space<hbm>>
        %dma_wait3A_146 = arith.constant 0 : i32
        %dma_wait3A_147 = tpu.memref_slice %arg5[%dma_wait3A_140, %dma_wait3A_146] : memref<2x128xi32, #tpu.memory_space<vmem>> -> memref<1x128xi32, #tpu.memory_space<vmem>>
        %dma_wait3A_148 = tpu.memref_squeeze %dma_wait3A_147 : memref<1x128xi32, #tpu.memory_space<vmem>> -> memref<128xi32, #tpu.memory_space<vmem>>
        %dma_wait3A_149 = tpu.memref_slice %arg3[%dma_wait3A_139, %mul3A_138] : memref<2x320000xi32, #tpu.memory_space<hbm>> -> memref<1x128xi32, #tpu.memory_space<hbm>>
        %dma_wait3A_150 = tpu.memref_squeeze %dma_wait3A_149 : memref<1x128xi32, #tpu.memory_space<hbm>> -> memref<128xi32, #tpu.memory_space<hbm>>
        tpu.wait_dma2 semaphore(%arg12 : memref<!tpu.dma_semaphore, #tpu.memory_space<semaphore_mem>>) src(%dma_wait3A_150 : memref<128xi32, #tpu.memory_space<hbm>>) dst(%dma_wait3A_148 : memref<128xi32, #tpu.memory_space<vmem>>)
        %mul3A_151 = arith.constant 128 : i32
        %mul3A_152 = arith.muli %add3A_78, %mul3A_151 : i32
        %dma_wait3A_153 = arith.constant 1 : i32
        %dma_wait3A_154 = arith.constant 1 : i32
        %dma_wait3A_155 = arith.constant 0 : i32
        %dma_wait3A_156 = tpu.memref_slice %arg6[%dma_wait3A_154, %dma_wait3A_155] : memref<2x128xi32, #tpu.memory_space<vmem>> -> memref<1x128xi32, #tpu.memory_space<vmem>>
        %dma_wait3A_157 = tpu.memref_squeeze %dma_wait3A_156 : memref<1x128xi32, #tpu.memory_space<vmem>> -> memref<128xi32, #tpu.memory_space<vmem>>
        %dma_wait3A_158 = tpu.memref_slice %arg3[%dma_wait3A_153, %mul3A_152] : memref<2x320000xi32, #tpu.memory_space<hbm>> -> memref<1x128xi32, #tpu.memory_space<hbm>>
        %dma_wait3A_159 = tpu.memref_squeeze %dma_wait3A_158 : memref<1x128xi32, #tpu.memory_space<hbm>> -> memref<128xi32, #tpu.memory_space<hbm>>
        %dma_wait3A_160 = arith.constant 0 : i32
        %dma_wait3A_161 = tpu.memref_slice %arg6[%dma_wait3A_154, %dma_wait3A_160] : memref<2x128xi32, #tpu.memory_space<vmem>> -> memref<1x128xi32, #tpu.memory_space<vmem>>
        %dma_wait3A_162 = tpu.memref_squeeze %dma_wait3A_161 : memref<1x128xi32, #tpu.memory_space<vmem>> -> memref<128xi32, #tpu.memory_space<vmem>>
        %dma_wait3A_163 = tpu.memref_slice %arg3[%dma_wait3A_153, %mul3A_152] : memref<2x320000xi32, #tpu.memory_space<hbm>> -> memref<1x128xi32, #tpu.memory_space<hbm>>
        %dma_wait3A_164 = tpu.memref_squeeze %dma_wait3A_163 : memref<1x128xi32, #tpu.memory_space<hbm>> -> memref<128xi32, #tpu.memory_space<hbm>>
        tpu.wait_dma2 semaphore(%arg14 : memref<!tpu.dma_semaphore, #tpu.memory_space<semaphore_mem>>) src(%dma_wait3A_164 : memref<128xi32, #tpu.memory_space<hbm>>) dst(%dma_wait3A_162 : memref<128xi32, #tpu.memory_space<vmem>>)
      } else {
      }
      %dma_start3A_84 = arith.constant 1 : i32
      %dma_start3A_85 = arith.constant 1 : i32
      %dma_start3A_86 = arith.constant 0 : i32
      %dma_start3A_87 = arith.constant 0 : i32
      %dma_start3A_88 = tpu.memref_slice %arg7[%dma_start3A_85, %dma_start3A_86, %dma_start3A_87] : memref<2x128x128xf32, #tpu.memory_space<vmem>> -> memref<1x128x128xf32, #tpu.memory_space<vmem>>
      %dma_start3A_89 = tpu.memref_squeeze %dma_start3A_88 : memref<1x128x128xf32, #tpu.memory_space<vmem>> -> memref<128x128xf32, #tpu.memory_space<vmem>>
      %dma_start3A_90 = arith.constant 0 : i32
      %dma_start3A_91 = tpu.memref_slice %arg5[%dma_start3A_84, %dma_start3A_90] : memref<2x128xi32, #tpu.memory_space<vmem>> -> memref<1x128xi32, #tpu.memory_space<vmem>>
      %dma_start3A_92 = tpu.memref_squeeze %dma_start3A_91 : memref<1x128xi32, #tpu.memory_space<vmem>> -> memref<128xi32, #tpu.memory_space<vmem>>
      %dma_start3A_93 = arith.constant 0 : i32
      %dma_start3A_94 = arith.constant 0 : i32
      %dma_start3A_95 = tpu.memref_slice %arg2[%dma_start3A_93, %dma_start3A_94] : memref<10000x128xf32, #tpu.memory_space<hbm>> -> memref<10000x128xf32, #tpu.memory_space<hbm>>
      tpu.enqueue_indirect_dma source(%dma_start3A_95 : memref<10000x128xf32, #tpu.memory_space<hbm>>) target(%dma_start3A_89 : memref<128x128xf32, #tpu.memory_space<vmem>>) offsets(%dma_start3A_92 : memref<128xi32, #tpu.memory_space<vmem>>) semaphore(%arg10 : memref<!tpu.dma_semaphore, #tpu.memory_space<semaphore_mem>>)
      %dma_wait3A = arith.constant 0 : i32
      %dma_wait3A_96 = arith.constant 0 : i32
      %dma_wait3A_97 = arith.constant 0 : i32
      %dma_wait3A_98 = arith.constant 0 : i32
      %dma_wait3A_99 = tpu.memref_slice %arg7[%dma_wait3A_96, %dma_wait3A_97, %dma_wait3A_98] : memref<2x128x128xf32, #tpu.memory_space<vmem>> -> memref<1x128x128xf32, #tpu.memory_space<vmem>>
      %dma_wait3A_100 = tpu.memref_squeeze %dma_wait3A_99 : memref<1x128x128xf32, #tpu.memory_space<vmem>> -> memref<128x128xf32, #tpu.memory_space<vmem>>
      %dma_wait3A_101 = arith.constant 0 : i32
      %dma_wait3A_102 = tpu.memref_slice %arg5[%dma_wait3A, %dma_wait3A_101] : memref<2x128xi32, #tpu.memory_space<vmem>> -> memref<1x128xi32, #tpu.memory_space<vmem>>
      %dma_wait3A_103 = tpu.memref_squeeze %dma_wait3A_102 : memref<1x128xi32, #tpu.memory_space<vmem>> -> memref<128xi32, #tpu.memory_space<vmem>>
      %dma_wait3A_104 = arith.constant 0 : i32
      %dma_wait3A_105 = arith.constant 0 : i32
      %dma_wait3A_106 = tpu.memref_slice %arg2[%dma_wait3A_104, %dma_wait3A_105] : memref<10000x128xf32, #tpu.memory_space<hbm>> -> memref<10000x128xf32, #tpu.memory_space<hbm>>
      tpu.wait_indirect_dma semaphore(%arg9 : memref<!tpu.dma_semaphore, #tpu.memory_space<semaphore_mem>>) src(%dma_wait3A_106 : memref<10000x128xf32, #tpu.memory_space<hbm>>) dst(%dma_wait3A_100 : memref<128x128xf32, #tpu.memory_space<vmem>>)
      %run_scoped3A = arith.constant 0 : i32
      %run_scoped3A_107 = arith.constant 0 : i32
      "tpu.region"() ({
        %run_scoped3A_137 = tpu.sem_alloc : memref<!tpu.dma_semaphore, #tpu.memory_space<semaphore_mem>>
        %dma_start3A_138 = arith.constant 0 : i32
        %dma_start3A_139 = arith.constant 0 : i32
        %dma_start3A_140 = tpu.memref_slice %arg7[%run_scoped3A, %dma_start3A_138, %dma_start3A_139] : memref<2x128x128xf32, #tpu.memory_space<vmem>> -> memref<1x128x128xf32, #tpu.memory_space<vmem>>
        %dma_start3A_141 = tpu.memref_squeeze %dma_start3A_140 : memref<1x128x128xf32, #tpu.memory_space<vmem>> -> memref<128x128xf32, #tpu.memory_space<vmem>>
        %dma_start3A_142 = arith.constant 0 : i32
        %dma_start3A_143 = tpu.memref_slice %arg6[%run_scoped3A_107, %dma_start3A_142] : memref<2x128xi32, #tpu.memory_space<vmem>> -> memref<1x128xi32, #tpu.memory_space<vmem>>
        %dma_start3A_144 = tpu.memref_squeeze %dma_start3A_143 : memref<1x128xi32, #tpu.memory_space<vmem>> -> memref<128xi32, #tpu.memory_space<vmem>>
        %dma_start3A_145 = arith.constant 0 : i32
        %dma_start3A_146 = arith.constant 0 : i32
        %dma_start3A_147 = tpu.memref_slice %arg8[%dma_start3A_145, %dma_start3A_146] : memref<10016x128xf32, #tpu.memory_space<vmem_shared>> -> memref<10016x128xf32, #tpu.memory_space<vmem_shared>>
        tpu.enqueue_indirect_dma source(%dma_start3A_141 : memref<128x128xf32, #tpu.memory_space<vmem>>) target(%dma_start3A_147 : memref<10016x128xf32, #tpu.memory_space<vmem_shared>>) offsets(%dma_start3A_144 : memref<128xi32, #tpu.memory_space<vmem>>) semaphore(%run_scoped3A_137 : memref<!tpu.dma_semaphore, #tpu.memory_space<semaphore_mem>>) {add = true}
        %dma_wait3A_148 = arith.constant 0 : i32
        %dma_wait3A_149 = arith.constant 0 : i32
        %dma_wait3A_150 = tpu.memref_slice %arg7[%run_scoped3A, %dma_wait3A_148, %dma_wait3A_149] : memref<2x128x128xf32, #tpu.memory_space<vmem>> -> memref<1x128x128xf32, #tpu.memory_space<vmem>>
        %dma_wait3A_151 = tpu.memref_squeeze %dma_wait3A_150 : memref<1x128x128xf32, #tpu.memory_space<vmem>> -> memref<128x128xf32, #tpu.memory_space<vmem>>
        %dma_wait3A_152 = arith.constant 0 : i32
        %dma_wait3A_153 = tpu.memref_slice %arg6[%run_scoped3A_107, %dma_wait3A_152] : memref<2x128xi32, #tpu.memory_space<vmem>> -> memref<1x128xi32, #tpu.memory_space<vmem>>
        %dma_wait3A_154 = tpu.memref_squeeze %dma_wait3A_153 : memref<1x128xi32, #tpu.memory_space<vmem>> -> memref<128xi32, #tpu.memory_space<vmem>>
        %dma_wait3A_155 = arith.constant 0 : i32
        %dma_wait3A_156 = arith.constant 0 : i32
        %dma_wait3A_157 = tpu.memref_slice %arg8[%dma_wait3A_155, %dma_wait3A_156] : memref<10016x128xf32, #tpu.memory_space<vmem_shared>> -> memref<10016x128xf32, #tpu.memory_space<vmem_shared>>
        tpu.wait_indirect_dma semaphore(%run_scoped3A_137 : memref<!tpu.dma_semaphore, #tpu.memory_space<semaphore_mem>>) src(%dma_wait3A_151 : memref<128x128xf32, #tpu.memory_space<vmem>>) dst(%dma_wait3A_157 : memref<10016x128xf32, #tpu.memory_space<vmem_shared>>)
        tpu.yield
      }) : () -> ()
      %add3A_108 = arith.constant 1 : i32
      %add3A_109 = arith.addi %scan3A_70, %add3A_108 : i32
      %lt3A_110 = arith.constant 40 : i32
      %lt3A_111 = arith.cmpi slt, %add3A_109, %lt3A_110 : i32
      %convert_element_type3A_112 = arith.extui %lt3A_111 : i1 to i32
      %cond3A_113 = arith.constant 0 : i32
      %cond3A_114 = arith.cmpi ne, %convert_element_type3A_112, %cond3A_113 : i32
      scf.if %cond3A_114 {
        %add3A_137 = arith.constant 2 : i32
        %add3A_138 = arith.addi %mul3A_73, %add3A_137 : i32
        %mul3A_139 = arith.constant 32 : i32
        %mul3A_140 = arith.muli %add3A_138, %mul3A_139 : i32
        %add3A_141 = arith.addi %mul3A_140, %add3A : i32
        %lt3A_142 = arith.constant 2500 : i32
        %lt3A_143 = arith.cmpi slt, %add3A_141, %lt3A_142 : i32
        %convert_element_type3A_144 = arith.extui %lt3A_143 : i1 to i32
        %cond3A_145 = arith.constant 0 : i32
        %cond3A_146 = arith.cmpi ne, %convert_element_type3A_144, %cond3A_145 : i32
        scf.if %cond3A_146 {
          %mul3A_152 = arith.constant 128 : i32
          %mul3A_153 = arith.muli %add3A_141, %mul3A_152 : i32
          %dma_start3A_154 = arith.constant 0 : i32
          %dma_start3A_155 = arith.constant 0 : i32
          %dma_start3A_156 = arith.constant 0 : i32
          %dma_start3A_157 = tpu.memref_slice %arg5[%dma_start3A_155, %dma_start3A_156] : memref<2x128xi32, #tpu.memory_space<vmem>> -> memref<1x128xi32, #tpu.memory_space<vmem>>
          %dma_start3A_158 = tpu.memref_squeeze %dma_start3A_157 : memref<1x128xi32, #tpu.memory_space<vmem>> -> memref<128xi32, #tpu.memory_space<vmem>>
          %dma_start3A_159 = tpu.memref_slice %arg3[%dma_start3A_154, %mul3A_153] : memref<2x320000xi32, #tpu.memory_space<hbm>> -> memref<1x128xi32, #tpu.memory_space<hbm>>
          %dma_start3A_160 = tpu.memref_squeeze %dma_start3A_159 : memref<1x128xi32, #tpu.memory_space<hbm>> -> memref<128xi32, #tpu.memory_space<hbm>>
          %dma_start3A_161 = arith.constant 0 : i32
          %dma_start3A_162 = tpu.memref_slice %arg5[%dma_start3A_155, %dma_start3A_161] : memref<2x128xi32, #tpu.memory_space<vmem>> -> memref<1x128xi32, #tpu.memory_space<vmem>>
          %dma_start3A_163 = tpu.memref_squeeze %dma_start3A_162 : memref<1x128xi32, #tpu.memory_space<vmem>> -> memref<128xi32, #tpu.memory_space<vmem>>
          %dma_start3A_164 = tpu.memref_slice %arg3[%dma_start3A_154, %mul3A_153] : memref<2x320000xi32, #tpu.memory_space<hbm>> -> memref<1x128xi32, #tpu.memory_space<hbm>>
          %dma_start3A_165 = tpu.memref_squeeze %dma_start3A_164 : memref<1x128xi32, #tpu.memory_space<hbm>> -> memref<128xi32, #tpu.memory_space<hbm>>
          tpu.enqueue_dma source(%dma_start3A_165 : memref<128xi32, #tpu.memory_space<hbm>>) target(%dma_start3A_163 : memref<128xi32, #tpu.memory_space<vmem>>) target_semaphore(%arg11 : memref<!tpu.dma_semaphore, #tpu.memory_space<semaphore_mem>>)
          %mul3A_166 = arith.constant 128 : i32
          %mul3A_167 = arith.muli %add3A_141, %mul3A_166 : i32
          %dma_start3A_168 = arith.constant 1 : i32
          %dma_start3A_169 = arith.constant 0 : i32
          %dma_start3A_170 = arith.constant 0 : i32
          %dma_start3A_171 = tpu.memref_slice %arg6[%dma_start3A_169, %dma_start3A_170] : memref<2x128xi32, #tpu.memory_space<vmem>> -> memref<1x128xi32, #tpu.memory_space<vmem>>
          %dma_start3A_172 = tpu.memref_squeeze %dma_start3A_171 : memref<1x128xi32, #tpu.memory_space<vmem>> -> memref<128xi32, #tpu.memory_space<vmem>>
          %dma_start3A_173 = tpu.memref_slice %arg3[%dma_start3A_168, %mul3A_167] : memref<2x320000xi32, #tpu.memory_space<hbm>> -> memref<1x128xi32, #tpu.memory_space<hbm>>
          %dma_start3A_174 = tpu.memref_squeeze %dma_start3A_173 : memref<1x128xi32, #tpu.memory_space<hbm>> -> memref<128xi32, #tpu.memory_space<hbm>>
          %dma_start3A_175 = arith.constant 0 : i32
          %dma_start3A_176 = tpu.memref_slice %arg6[%dma_start3A_169, %dma_start3A_175] : memref<2x128xi32, #tpu.memory_space<vmem>> -> memref<1x128xi32, #tpu.memory_space<vmem>>
          %dma_start3A_177 = tpu.memref_squeeze %dma_start3A_176 : memref<1x128xi32, #tpu.memory_space<vmem>> -> memref<128xi32, #tpu.memory_space<vmem>>
          %dma_start3A_178 = tpu.memref_slice %arg3[%dma_start3A_168, %mul3A_167] : memref<2x320000xi32, #tpu.memory_space<hbm>> -> memref<1x128xi32, #tpu.memory_space<hbm>>
          %dma_start3A_179 = tpu.memref_squeeze %dma_start3A_178 : memref<1x128xi32, #tpu.memory_space<hbm>> -> memref<128xi32, #tpu.memory_space<hbm>>
          tpu.enqueue_dma source(%dma_start3A_179 : memref<128xi32, #tpu.memory_space<hbm>>) target(%dma_start3A_177 : memref<128xi32, #tpu.memory_space<vmem>>) target_semaphore(%arg13 : memref<!tpu.dma_semaphore, #tpu.memory_space<semaphore_mem>>)
        } else {
        }
        %ge3A_147 = arith.constant 2500 : i32
        %ge3A_148 = arith.cmpi sge, %add3A_141, %ge3A_147 : i32
        %convert_element_type3A_149 = arith.extui %ge3A_148 : i1 to i32
        %cond3A_150 = arith.constant 0 : i32
        %cond3A_151 = arith.cmpi ne, %convert_element_type3A_149, %cond3A_150 : i32
        scf.if %cond3A_151 {
          %swap3A = arith.constant 0 : i32
          %swap3A_152 = arith.index_cast %swap3A : i32 to index
          %swap3A_153 = arith.constant 0 : index
          %swap3A_154 = tpu.vector_load %arg6[%swap3A_152, %swap3A_153] {strides = array<i32>} : memref<2x128xi32, #tpu.memory_space<vmem>>, vector<16xi32>,
          tpu.vector_store %arg6[%swap3A_152, %swap3A_153], %broadcast_in_dim3A_3 {strides = array<i32>} : memref<2x128xi32, #tpu.memory_space<vmem>>, vector<16xi32>,
          %swap3A_155 = arith.constant 0 : i32
          %swap3A_156 = arith.index_cast %swap3A_155 : i32 to index
          %swap3A_157 = arith.constant 16 : index
          %swap3A_158 = tpu.vector_load %arg6[%swap3A_156, %swap3A_157] {strides = array<i32>} : memref<2x128xi32, #tpu.memory_space<vmem>>, vector<16xi32>,
          tpu.vector_store %arg6[%swap3A_156, %swap3A_157], %broadcast_in_dim3A_3 {strides = array<i32>} : memref<2x128xi32, #tpu.memory_space<vmem>>, vector<16xi32>,
          %swap3A_159 = arith.constant 0 : i32
          %swap3A_160 = arith.index_cast %swap3A_159 : i32 to index
          %swap3A_161 = arith.constant 32 : index
          %swap3A_162 = tpu.vector_load %arg6[%swap3A_160, %swap3A_161] {strides = array<i32>} : memref<2x128xi32, #tpu.memory_space<vmem>>, vector<16xi32>,
          tpu.vector_store %arg6[%swap3A_160, %swap3A_161], %broadcast_in_dim3A_3 {strides = array<i32>} : memref<2x128xi32, #tpu.memory_space<vmem>>, vector<16xi32>,
          %swap3A_163 = arith.constant 0 : i32
          %swap3A_164 = arith.index_cast %swap3A_163 : i32 to index
          %swap3A_165 = arith.constant 48 : index
          %swap3A_166 = tpu.vector_load %arg6[%swap3A_164, %swap3A_165] {strides = array<i32>} : memref<2x128xi32, #tpu.memory_space<vmem>>, vector<16xi32>,
          tpu.vector_store %arg6[%swap3A_164, %swap3A_165], %broadcast_in_dim3A_3 {strides = array<i32>} : memref<2x128xi32, #tpu.memory_space<vmem>>, vector<16xi32>,
          %swap3A_167 = arith.constant 0 : i32
          %swap3A_168 = arith.index_cast %swap3A_167 : i32 to index
          %swap3A_169 = arith.constant 64 : index
          %swap3A_170 = tpu.vector_load %arg6[%swap3A_168, %swap3A_169] {strides = array<i32>} : memref<2x128xi32, #tpu.memory_space<vmem>>, vector<16xi32>,
          tpu.vector_store %arg6[%swap3A_168, %swap3A_169], %broadcast_in_dim3A_3 {strides = array<i32>} : memref<2x128xi32, #tpu.memory_space<vmem>>, vector<16xi32>,
          %swap3A_171 = arith.constant 0 : i32
          %swap3A_172 = arith.index_cast %swap3A_171 : i32 to index
          %swap3A_173 = arith.constant 80 : index
          %swap3A_174 = tpu.vector_load %arg6[%swap3A_172, %swap3A_173] {strides = array<i32>} : memref<2x128xi32, #tpu.memory_space<vmem>>, vector<16xi32>,
          tpu.vector_store %arg6[%swap3A_172, %swap3A_173], %broadcast_in_dim3A_3 {strides = array<i32>} : memref<2x128xi32, #tpu.memory_space<vmem>>, vector<16xi32>,
          %swap3A_175 = arith.constant 0 : i32
          %swap3A_176 = arith.index_cast %swap3A_175 : i32 to index
          %swap3A_177 = arith.constant 96 : index
          %swap3A_178 = tpu.vector_load %arg6[%swap3A_176, %swap3A_177] {strides = array<i32>} : memref<2x128xi32, #tpu.memory_space<vmem>>, vector<16xi32>,
          tpu.vector_store %arg6[%swap3A_176, %swap3A_177], %broadcast_in_dim3A_3 {strides = array<i32>} : memref<2x128xi32, #tpu.memory_space<vmem>>, vector<16xi32>,
          %swap3A_179 = arith.constant 0 : i32
          %swap3A_180 = arith.index_cast %swap3A_179 : i32 to index
          %swap3A_181 = arith.constant 112 : index
          %swap3A_182 = tpu.vector_load %arg6[%swap3A_180, %swap3A_181] {strides = array<i32>} : memref<2x128xi32, #tpu.memory_space<vmem>>, vector<16xi32>,
          tpu.vector_store %arg6[%swap3A_180, %swap3A_181], %broadcast_in_dim3A_3 {strides = array<i32>} : memref<2x128xi32, #tpu.memory_space<vmem>>, vector<16xi32>,
        } else {
        }
      } else {
      }
      %dma_wait3A_115 = arith.constant 1 : i32
      %dma_wait3A_116 = arith.constant 1 : i32
      %dma_wait3A_117 = arith.constant 0 : i32
      %dma_wait3A_118 = arith.constant 0 : i32
      %dma_wait3A_119 = tpu.memref_slice %arg7[%dma_wait3A_116, %dma_wait3A_117, %dma_wait3A_118] : memref<2x128x128xf32, #tpu.memory_space<vmem>> -> memref<1x128x128xf32, #tpu.memory_space<vmem>>
      %dma_wait3A_120 = tpu.memref_squeeze %dma_wait3A_119 : memref<1x128x128xf32, #tpu.memory_space<vmem>> -> memref<128x128xf32, #tpu.memory_space<vmem>>
      %dma_wait3A_121 = arith.constant 0 : i32
      %dma_wait3A_122 = tpu.memref_slice %arg5[%dma_wait3A_115, %dma_wait3A_121] : memref<2x128xi32, #tpu.memory_space<vmem>> -> memref<1x128xi32, #tpu.memory_space<vmem>>
      %dma_wait3A_123 = tpu.memref_squeeze %dma_wait3A_122 : memref<1x128xi32, #tpu.memory_space<vmem>> -> memref<128xi32, #tpu.memory_space<vmem>>
      %dma_wait3A_124 = arith.constant 0 : i32
      %dma_wait3A_125 = arith.constant 0 : i32
      %dma_wait3A_126 = tpu.memref_slice %arg2[%dma_wait3A_124, %dma_wait3A_125] : memref<10000x128xf32, #tpu.memory_space<hbm>> -> memref<10000x128xf32, #tpu.memory_space<hbm>>
      tpu.wait_indirect_dma semaphore(%arg10 : memref<!tpu.dma_semaphore, #tpu.memory_space<semaphore_mem>>) src(%dma_wait3A_126 : memref<10000x128xf32, #tpu.memory_space<hbm>>) dst(%dma_wait3A_120 : memref<128x128xf32, #tpu.memory_space<vmem>>)
      %run_scoped3A_127 = arith.constant 1 : i32
      %run_scoped3A_128 = arith.constant 1 : i32
      "tpu.region"() ({
        %run_scoped3A_137 = tpu.sem_alloc : memref<!tpu.dma_semaphore, #tpu.memory_space<semaphore_mem>>
        %dma_start3A_138 = arith.constant 0 : i32
        %dma_start3A_139 = arith.constant 0 : i32
        %dma_start3A_140 = tpu.memref_slice %arg7[%run_scoped3A_127, %dma_start3A_138, %dma_start3A_139] : memref<2x128x128xf32, #tpu.memory_space<vmem>> -> memref<1x128x128xf32, #tpu.memory_space<vmem>>
        %dma_start3A_141 = tpu.memref_squeeze %dma_start3A_140 : memref<1x128x128xf32, #tpu.memory_space<vmem>> -> memref<128x128xf32, #tpu.memory_space<vmem>>
        %dma_start3A_142 = arith.constant 0 : i32
        %dma_start3A_143 = tpu.memref_slice %arg6[%run_scoped3A_128, %dma_start3A_142] : memref<2x128xi32, #tpu.memory_space<vmem>> -> memref<1x128xi32, #tpu.memory_space<vmem>>
        %dma_start3A_144 = tpu.memref_squeeze %dma_start3A_143 : memref<1x128xi32, #tpu.memory_space<vmem>> -> memref<128xi32, #tpu.memory_space<vmem>>
        %dma_start3A_145 = arith.constant 0 : i32
        %dma_start3A_146 = arith.constant 0 : i32
        %dma_start3A_147 = tpu.memref_slice %arg8[%dma_start3A_145, %dma_start3A_146] : memref<10016x128xf32, #tpu.memory_space<vmem_shared>> -> memref<10016x128xf32, #tpu.memory_space<vmem_shared>>
        tpu.enqueue_indirect_dma source(%dma_start3A_141 : memref<128x128xf32, #tpu.memory_space<vmem>>) target(%dma_start3A_147 : memref<10016x128xf32, #tpu.memory_space<vmem_shared>>) offsets(%dma_start3A_144 : memref<128xi32, #tpu.memory_space<vmem>>) semaphore(%run_scoped3A_137 : memref<!tpu.dma_semaphore, #tpu.memory_space<semaphore_mem>>) {add = true}
        %dma_wait3A_148 = arith.constant 0 : i32
        %dma_wait3A_149 = arith.constant 0 : i32
        %dma_wait3A_150 = tpu.memref_slice %arg7[%run_scoped3A_127, %dma_wait3A_148, %dma_wait3A_149] : memref<2x128x128xf32, #tpu.memory_space<vmem>> -> memref<1x128x128xf32, #tpu.memory_space<vmem>>
        %dma_wait3A_151 = tpu.memref_squeeze %dma_wait3A_150 : memref<1x128x128xf32, #tpu.memory_space<vmem>> -> memref<128x128xf32, #tpu.memory_space<vmem>>
        %dma_wait3A_152 = arith.constant 0 : i32
        %dma_wait3A_153 = tpu.memref_slice %arg6[%run_scoped3A_128, %dma_wait3A_152] : memref<2x128xi32, #tpu.memory_space<vmem>> -> memref<1x128xi32, #tpu.memory_space<vmem>>
        %dma_wait3A_154 = tpu.memref_squeeze %dma_wait3A_153 : memref<1x128xi32, #tpu.memory_space<vmem>> -> memref<128xi32, #tpu.memory_space<vmem>>
        %dma_wait3A_155 = arith.constant 0 : i32
        %dma_wait3A_156 = arith.constant 0 : i32
        %dma_wait3A_157 = tpu.memref_slice %arg8[%dma_wait3A_155, %dma_wait3A_156] : memref<10016x128xf32, #tpu.memory_space<vmem_shared>> -> memref<10016x128xf32, #tpu.memory_space<vmem_shared>>
        tpu.wait_indirect_dma semaphore(%run_scoped3A_137 : memref<!tpu.dma_semaphore, #tpu.memory_space<semaphore_mem>>) src(%dma_wait3A_151 : memref<128x128xf32, #tpu.memory_space<vmem>>) dst(%dma_wait3A_157 : memref<10016x128xf32, #tpu.memory_space<vmem_shared>>)
        tpu.yield
      }) : () -> ()
      %add3A_129 = arith.constant 1 : i32
      %add3A_130 = arith.addi %scan3A_70, %add3A_129 : i32
      %lt3A_131 = arith.constant 40 : i32
      %lt3A_132 = arith.cmpi slt, %add3A_130, %lt3A_131 : i32
      %convert_element_type3A_133 = arith.extui %lt3A_132 : i1 to i32
      %cond3A_134 = arith.constant 0 : i32
      %cond3A_135 = arith.cmpi ne, %convert_element_type3A_133, %cond3A_134 : i32
      scf.if %cond3A_135 {
        %add3A_137 = arith.constant 2 : i32
        %add3A_138 = arith.addi %mul3A_73, %add3A_137 : i32
        %mul3A_139 = arith.constant 32 : i32
        %mul3A_140 = arith.muli %add3A_138, %mul3A_139 : i32
        %add3A_141 = arith.addi %mul3A_140, %add3A : i32
        %lt3A_142 = arith.constant 2500 : i32
        %lt3A_143 = arith.cmpi slt, %add3A_141, %lt3A_142 : i32
        %convert_element_type3A_144 = arith.extui %lt3A_143 : i1 to i32
        %cond3A_145 = arith.constant 0 : i32
        %cond3A_146 = arith.cmpi ne, %convert_element_type3A_144, %cond3A_145 : i32
        scf.if %cond3A_146 {
          %mul3A_174 = arith.constant 128 : i32
          %mul3A_175 = arith.muli %add3A_141, %mul3A_174 : i32
          %dma_wait3A_176 = arith.constant 0 : i32
          %dma_wait3A_177 = arith.constant 0 : i32
          %dma_wait3A_178 = arith.constant 0 : i32
          %dma_wait3A_179 = tpu.memref_slice %arg5[%dma_wait3A_177, %dma_wait3A_178] : memref<2x128xi32, #tpu.memory_space<vmem>> -> memref<1x128xi32, #tpu.memory_space<vmem>>
          %dma_wait3A_180 = tpu.memref_squeeze %dma_wait3A_179 : memref<1x128xi32, #tpu.memory_space<vmem>> -> memref<128xi32, #tpu.memory_space<vmem>>
          %dma_wait3A_181 = tpu.memref_slice %arg3[%dma_wait3A_176, %mul3A_175] : memref<2x320000xi32, #tpu.memory_space<hbm>> -> memref<1x128xi32, #tpu.memory_space<hbm>>
          %dma_wait3A_182 = tpu.memref_squeeze %dma_wait3A_181 : memref<1x128xi32, #tpu.memory_space<hbm>> -> memref<128xi32, #tpu.memory_space<hbm>>
          %dma_wait3A_183 = arith.constant 0 : i32
          %dma_wait3A_184 = tpu.memref_slice %arg5[%dma_wait3A_177, %dma_wait3A_183] : memref<2x128xi32, #tpu.memory_space<vmem>> -> memref<1x128xi32, #tpu.memory_space<vmem>>
          %dma_wait3A_185 = tpu.memref_squeeze %dma_wait3A_184 : memref<1x128xi32, #tpu.memory_space<vmem>> -> memref<128xi32, #tpu.memory_space<vmem>>
          %dma_wait3A_186 = tpu.memref_slice %arg3[%dma_wait3A_176, %mul3A_175] : memref<2x320000xi32, #tpu.memory_space<hbm>> -> memref<1x128xi32, #tpu.memory_space<hbm>>
          %dma_wait3A_187 = tpu.memref_squeeze %dma_wait3A_186 : memref<1x128xi32, #tpu.memory_space<hbm>> -> memref<128xi32, #tpu.memory_space<hbm>>
          tpu.wait_dma2 semaphore(%arg11 : memref<!tpu.dma_semaphore, #tpu.memory_space<semaphore_mem>>) src(%dma_wait3A_187 : memref<128xi32, #tpu.memory_space<hbm>>) dst(%dma_wait3A_185 : memref<128xi32, #tpu.memory_space<vmem>>)
          %mul3A_188 = arith.constant 128 : i32
          %mul3A_189 = arith.muli %add3A_141, %mul3A_188 : i32
          %dma_wait3A_190 = arith.constant 1 : i32
          %dma_wait3A_191 = arith.constant 0 : i32
          %dma_wait3A_192 = arith.constant 0 : i32
          %dma_wait3A_193 = tpu.memref_slice %arg6[%dma_wait3A_191, %dma_wait3A_192] : memref<2x128xi32, #tpu.memory_space<vmem>> -> memref<1x128xi32, #tpu.memory_space<vmem>>
          %dma_wait3A_194 = tpu.memref_squeeze %dma_wait3A_193 : memref<1x128xi32, #tpu.memory_space<vmem>> -> memref<128xi32, #tpu.memory_space<vmem>>
          %dma_wait3A_195 = tpu.memref_slice %arg3[%dma_wait3A_190, %mul3A_189] : memref<2x320000xi32, #tpu.memory_space<hbm>> -> memref<1x128xi32, #tpu.memory_space<hbm>>
          %dma_wait3A_196 = tpu.memref_squeeze %dma_wait3A_195 : memref<1x128xi32, #tpu.memory_space<hbm>> -> memref<128xi32, #tpu.memory_space<hbm>>
          %dma_wait3A_197 = arith.constant 0 : i32
          %dma_wait3A_198 = tpu.memref_slice %arg6[%dma_wait3A_191, %dma_wait3A_197] : memref<2x128xi32, #tpu.memory_space<vmem>> -> memref<1x128xi32, #tpu.memory_space<vmem>>
          %dma_wait3A_199 = tpu.memref_squeeze %dma_wait3A_198 : memref<1x128xi32, #tpu.memory_space<vmem>> -> memref<128xi32, #tpu.memory_space<vmem>>
          %dma_wait3A_200 = tpu.memref_slice %arg3[%dma_wait3A_190, %mul3A_189] : memref<2x320000xi32, #tpu.memory_space<hbm>> -> memref<1x128xi32, #tpu.memory_space<hbm>>
          %dma_wait3A_201 = tpu.memref_squeeze %dma_wait3A_200 : memref<1x128xi32, #tpu.memory_space<hbm>> -> memref<128xi32, #tpu.memory_space<hbm>>
          tpu.wait_dma2 semaphore(%arg13 : memref<!tpu.dma_semaphore, #tpu.memory_space<semaphore_mem>>) src(%dma_wait3A_201 : memref<128xi32, #tpu.memory_space<hbm>>) dst(%dma_wait3A_199 : memref<128xi32, #tpu.memory_space<vmem>>)
        } else {
        }
        %dma_start3A_147 = arith.constant 0 : i32
        %dma_start3A_148 = arith.constant 0 : i32
        %dma_start3A_149 = arith.constant 0 : i32
        %dma_start3A_150 = arith.constant 0 : i32
        %dma_start3A_151 = tpu.memref_slice %arg7[%dma_start3A_148, %dma_start3A_149, %dma_start3A_150] : memref<2x128x128xf32, #tpu.memory_space<vmem>> -> memref<1x128x128xf32, #tpu.memory_space<vmem>>
        %dma_start3A_152 = tpu.memref_squeeze %dma_start3A_151 : memref<1x128x128xf32, #tpu.memory_space<vmem>> -> memref<128x128xf32, #tpu.memory_space<vmem>>
        %dma_start3A_153 = arith.constant 0 : i32
        %dma_start3A_154 = tpu.memref_slice %arg5[%dma_start3A_147, %dma_start3A_153] : memref<2x128xi32, #tpu.memory_space<vmem>> -> memref<1x128xi32, #tpu.memory_space<vmem>>
        %dma_start3A_155 = tpu.memref_squeeze %dma_start3A_154 : memref<1x128xi32, #tpu.memory_space<vmem>> -> memref<128xi32, #tpu.memory_space<vmem>>
        %dma_start3A_156 = arith.constant 0 : i32
        %dma_start3A_157 = arith.constant 0 : i32
        %dma_start3A_158 = tpu.memref_slice %arg2[%dma_start3A_156, %dma_start3A_157] : memref<10000x128xf32, #tpu.memory_space<hbm>> -> memref<10000x128xf32, #tpu.memory_space<hbm>>
        tpu.enqueue_indirect_dma source(%dma_start3A_158 : memref<10000x128xf32, #tpu.memory_space<hbm>>) target(%dma_start3A_152 : memref<128x128xf32, #tpu.memory_space<vmem>>) offsets(%dma_start3A_155 : memref<128xi32, #tpu.memory_space<vmem>>) semaphore(%arg9 : memref<!tpu.dma_semaphore, #tpu.memory_space<semaphore_mem>>)
        %add3A_159 = arith.constant 3 : i32
        %add3A_160 = arith.addi %mul3A_73, %add3A_159 : i32
        %mul3A_161 = arith.constant 32 : i32
        %mul3A_162 = arith.muli %add3A_160, %mul3A_161 : i32
        %add3A_163 = arith.addi %mul3A_162, %add3A : i32
        %lt3A_164 = arith.constant 2500 : i32
        %lt3A_165 = arith.cmpi slt, %add3A_163, %lt3A_164 : i32
        %convert_element_type3A_166 = arith.extui %lt3A_165 : i1 to i32
        %cond3A_167 = arith.constant 0 : i32
        %cond3A_168 = arith.cmpi ne, %convert_element_type3A_166, %cond3A_167 : i32
        scf.if %cond3A_168 {
          %mul3A_174 = arith.constant 128 : i32
          %mul3A_175 = arith.muli %add3A_163, %mul3A_174 : i32
          %dma_start3A_176 = arith.constant 0 : i32
          %dma_start3A_177 = arith.constant 1 : i32
          %dma_start3A_178 = arith.constant 0 : i32
          %dma_start3A_179 = tpu.memref_slice %arg5[%dma_start3A_177, %dma_start3A_178] : memref<2x128xi32, #tpu.memory_space<vmem>> -> memref<1x128xi32, #tpu.memory_space<vmem>>
          %dma_start3A_180 = tpu.memref_squeeze %dma_start3A_179 : memref<1x128xi32, #tpu.memory_space<vmem>> -> memref<128xi32, #tpu.memory_space<vmem>>
          %dma_start3A_181 = tpu.memref_slice %arg3[%dma_start3A_176, %mul3A_175] : memref<2x320000xi32, #tpu.memory_space<hbm>> -> memref<1x128xi32, #tpu.memory_space<hbm>>
          %dma_start3A_182 = tpu.memref_squeeze %dma_start3A_181 : memref<1x128xi32, #tpu.memory_space<hbm>> -> memref<128xi32, #tpu.memory_space<hbm>>
          %dma_start3A_183 = arith.constant 0 : i32
          %dma_start3A_184 = tpu.memref_slice %arg5[%dma_start3A_177, %dma_start3A_183] : memref<2x128xi32, #tpu.memory_space<vmem>> -> memref<1x128xi32, #tpu.memory_space<vmem>>
          %dma_start3A_185 = tpu.memref_squeeze %dma_start3A_184 : memref<1x128xi32, #tpu.memory_space<vmem>> -> memref<128xi32, #tpu.memory_space<vmem>>
          %dma_start3A_186 = tpu.memref_slice %arg3[%dma_start3A_176, %mul3A_175] : memref<2x320000xi32, #tpu.memory_space<hbm>> -> memref<1x128xi32, #tpu.memory_space<hbm>>
          %dma_start3A_187 = tpu.memref_squeeze %dma_start3A_186 : memref<1x128xi32, #tpu.memory_space<hbm>> -> memref<128xi32, #tpu.memory_space<hbm>>
          tpu.enqueue_dma source(%dma_start3A_187 : memref<128xi32, #tpu.memory_space<hbm>>) target(%dma_start3A_185 : memref<128xi32, #tpu.memory_space<vmem>>) target_semaphore(%arg12 : memref<!tpu.dma_semaphore, #tpu.memory_space<semaphore_mem>>)
          %mul3A_188 = arith.constant 128 : i32
          %mul3A_189 = arith.muli %add3A_163, %mul3A_188 : i32
          %dma_start3A_190 = arith.constant 1 : i32
          %dma_start3A_191 = arith.constant 1 : i32
          %dma_start3A_192 = arith.constant 0 : i32
          %dma_start3A_193 = tpu.memref_slice %arg6[%dma_start3A_191, %dma_start3A_192] : memref<2x128xi32, #tpu.memory_space<vmem>> -> memref<1x128xi32, #tpu.memory_space<vmem>>
          %dma_start3A_194 = tpu.memref_squeeze %dma_start3A_193 : memref<1x128xi32, #tpu.memory_space<vmem>> -> memref<128xi32, #tpu.memory_space<vmem>>
          %dma_start3A_195 = tpu.memref_slice %arg3[%dma_start3A_190, %mul3A_189] : memref<2x320000xi32, #tpu.memory_space<hbm>> -> memref<1x128xi32, #tpu.memory_space<hbm>>
          %dma_start3A_196 = tpu.memref_squeeze %dma_start3A_195 : memref<1x128xi32, #tpu.memory_space<hbm>> -> memref<128xi32, #tpu.memory_space<hbm>>
          %dma_start3A_197 = arith.constant 0 : i32
          %dma_start3A_198 = tpu.memref_slice %arg6[%dma_start3A_191, %dma_start3A_197] : memref<2x128xi32, #tpu.memory_space<vmem>> -> memref<1x128xi32, #tpu.memory_space<vmem>>
          %dma_start3A_199 = tpu.memref_squeeze %dma_start3A_198 : memref<1x128xi32, #tpu.memory_space<vmem>> -> memref<128xi32, #tpu.memory_space<vmem>>
          %dma_start3A_200 = tpu.memref_slice %arg3[%dma_start3A_190, %mul3A_189] : memref<2x320000xi32, #tpu.memory_space<hbm>> -> memref<1x128xi32, #tpu.memory_space<hbm>>
          %dma_start3A_201 = tpu.memref_squeeze %dma_start3A_200 : memref<1x128xi32, #tpu.memory_space<hbm>> -> memref<128xi32, #tpu.memory_space<hbm>>
          tpu.enqueue_dma source(%dma_start3A_201 : memref<128xi32, #tpu.memory_space<hbm>>) target(%dma_start3A_199 : memref<128xi32, #tpu.memory_space<vmem>>) target_semaphore(%arg14 : memref<!tpu.dma_semaphore, #tpu.memory_space<semaphore_mem>>)
        } else {
        }
        %ge3A_169 = arith.constant 2500 : i32
        %ge3A_170 = arith.cmpi sge, %add3A_163, %ge3A_169 : i32
        %convert_element_type3A_171 = arith.extui %ge3A_170 : i1 to i32
        %cond3A_172 = arith.constant 0 : i32
        %cond3A_173 = arith.cmpi ne, %convert_element_type3A_171, %cond3A_172 : i32
        scf.if %cond3A_173 {
          %swap3A = arith.constant 1 : i32
          %swap3A_174 = arith.index_cast %swap3A : i32 to index
          %swap3A_175 = arith.constant 0 : index
          %swap3A_176 = tpu.vector_load %arg6[%swap3A_174, %swap3A_175] {strides = array<i32>} : memref<2x128xi32, #tpu.memory_space<vmem>>, vector<16xi32>,
          tpu.vector_store %arg6[%swap3A_174, %swap3A_175], %broadcast_in_dim3A_3 {strides = array<i32>} : memref<2x128xi32, #tpu.memory_space<vmem>>, vector<16xi32>,
          %swap3A_177 = arith.constant 1 : i32
          %swap3A_178 = arith.index_cast %swap3A_177 : i32 to index
          %swap3A_179 = arith.constant 16 : index
          %swap3A_180 = tpu.vector_load %arg6[%swap3A_178, %swap3A_179] {strides = array<i32>} : memref<2x128xi32, #tpu.memory_space<vmem>>, vector<16xi32>,
          tpu.vector_store %arg6[%swap3A_178, %swap3A_179], %broadcast_in_dim3A_3 {strides = array<i32>} : memref<2x128xi32, #tpu.memory_space<vmem>>, vector<16xi32>,
          %swap3A_181 = arith.constant 1 : i32
          %swap3A_182 = arith.index_cast %swap3A_181 : i32 to index
          %swap3A_183 = arith.constant 32 : index
          %swap3A_184 = tpu.vector_load %arg6[%swap3A_182, %swap3A_183] {strides = array<i32>} : memref<2x128xi32, #tpu.memory_space<vmem>>, vector<16xi32>,
          tpu.vector_store %arg6[%swap3A_182, %swap3A_183], %broadcast_in_dim3A_3 {strides = array<i32>} : memref<2x128xi32, #tpu.memory_space<vmem>>, vector<16xi32>,
          %swap3A_185 = arith.constant 1 : i32
          %swap3A_186 = arith.index_cast %swap3A_185 : i32 to index
          %swap3A_187 = arith.constant 48 : index
          %swap3A_188 = tpu.vector_load %arg6[%swap3A_186, %swap3A_187] {strides = array<i32>} : memref<2x128xi32, #tpu.memory_space<vmem>>, vector<16xi32>,
          tpu.vector_store %arg6[%swap3A_186, %swap3A_187], %broadcast_in_dim3A_3 {strides = array<i32>} : memref<2x128xi32, #tpu.memory_space<vmem>>, vector<16xi32>,
          %swap3A_189 = arith.constant 1 : i32
          %swap3A_190 = arith.index_cast %swap3A_189 : i32 to index
          %swap3A_191 = arith.constant 64 : index
          %swap3A_192 = tpu.vector_load %arg6[%swap3A_190, %swap3A_191] {strides = array<i32>} : memref<2x128xi32, #tpu.memory_space<vmem>>, vector<16xi32>,
          tpu.vector_store %arg6[%swap3A_190, %swap3A_191], %broadcast_in_dim3A_3 {strides = array<i32>} : memref<2x128xi32, #tpu.memory_space<vmem>>, vector<16xi32>,
          %swap3A_193 = arith.constant 1 : i32
          %swap3A_194 = arith.index_cast %swap3A_193 : i32 to index
          %swap3A_195 = arith.constant 80 : index
          %swap3A_196 = tpu.vector_load %arg6[%swap3A_194, %swap3A_195] {strides = array<i32>} : memref<2x128xi32, #tpu.memory_space<vmem>>, vector<16xi32>,
          tpu.vector_store %arg6[%swap3A_194, %swap3A_195], %broadcast_in_dim3A_3 {strides = array<i32>} : memref<2x128xi32, #tpu.memory_space<vmem>>, vector<16xi32>,
          %swap3A_197 = arith.constant 1 : i32
          %swap3A_198 = arith.index_cast %swap3A_197 : i32 to index
          %swap3A_199 = arith.constant 96 : index
          %swap3A_200 = tpu.vector_load %arg6[%swap3A_198, %swap3A_199] {strides = array<i32>} : memref<2x128xi32, #tpu.memory_space<vmem>>, vector<16xi32>,
          tpu.vector_store %arg6[%swap3A_198, %swap3A_199], %broadcast_in_dim3A_3 {strides = array<i32>} : memref<2x128xi32, #tpu.memory_space<vmem>>, vector<16xi32>,
          %swap3A_201 = arith.constant 1 : i32
          %swap3A_202 = arith.index_cast %swap3A_201 : i32 to index
          %swap3A_203 = arith.constant 112 : index
          %swap3A_204 = tpu.vector_load %arg6[%swap3A_202, %swap3A_203] {strides = array<i32>} : memref<2x128xi32, #tpu.memory_space<vmem>>, vector<16xi32>,
          tpu.vector_store %arg6[%swap3A_202, %swap3A_203], %broadcast_in_dim3A_3 {strides = array<i32>} : memref<2x128xi32, #tpu.memory_space<vmem>>, vector<16xi32>,
        } else {
        }
      } else {
      }
      %scan3A_136 = arith.constant 0 : i32
      scf.yield %scan3A_136 : i32
    }
    %scan3A_61 = arith.constant 40 : i32
    %barrier3A_62 = arith.constant 0 : index
    tpu.barrier barrier_id(%barrier3A_62)
    %scan3A_63 = arith.constant 0 : i32
    %scan3A_64 = arith.constant 0 : i32
    %scan3A_65 = arith.constant 40 : i32
    %scan3A_66 = arith.addi %scan3A_64, %scan3A_65 : i32
    %scan3A_67 = arith.constant 1 : i32
    %scan3A_68 = scf.for %scan3A_70 = %scan3A_64 to %scan3A_66 step %scan3A_67 iter_args(%scan3A_71 = %scan3A_63) -> (i32)  : i32 {
      %mul3A_72 = arith.constant 16 : i32
      %mul3A_73 = arith.muli %scan3A_70, %mul3A_72 : i32
      %add3A_74 = arith.addi %mul3A_73, %arg1 : i32
      %lt3A_75 = arith.constant 625 : i32
      %lt3A_76 = arith.cmpi slt, %add3A_74, %lt3A_75 : i32
      %convert_element_type3A_77 = arith.extui %lt3A_76 : i1 to i32
      %cond3A_78 = arith.constant 0 : i32
      %cond3A_79 = arith.cmpi ne, %convert_element_type3A_77, %cond3A_78 : i32
      scf.if %cond3A_79 {
        %mul3A_81 = arith.constant 16 : i32
        %mul3A_82 = arith.muli %add3A_74, %mul3A_81 : i32
        %run_scoped3A = arith.constant 0 : i32
        "tpu.region"() ({
          %run_scoped3A_84 = tpu.sem_alloc : memref<!tpu.dma_semaphore, #tpu.memory_space<semaphore_mem>>
          %dma_start3A_85 = arith.constant 0 : i32
          %dma_start3A_86 = arith.constant 0 : i32
          %dma_start3A_87 = tpu.memref_slice %arg7[%run_scoped3A, %dma_start3A_85, %dma_start3A_86] : memref<2x128x128xf32, #tpu.memory_space<vmem>> -> memref<1x16x128xf32, #tpu.memory_space<vmem>>
          %dma_start3A_88 = tpu.memref_squeeze %dma_start3A_87 : memref<1x16x128xf32, #tpu.memory_space<vmem>> -> memref<16x128xf32, #tpu.memory_space<vmem>>
          %dma_start3A_89 = arith.constant 0 : i32
          %dma_start3A_90 = tpu.memref_slice %arg8[%mul3A_82, %dma_start3A_89] : memref<10016x128xf32, #tpu.memory_space<vmem_shared>> -> memref<16x128xf32, #tpu.memory_space<vmem_shared>>
          %dma_start3A_91 = arith.constant 0 : i32
          %dma_start3A_92 = arith.constant 0 : i32
          %dma_start3A_93 = tpu.memref_slice %arg7[%run_scoped3A, %dma_start3A_91, %dma_start3A_92] : memref<2x128x128xf32, #tpu.memory_space<vmem>> -> memref<1x16x128xf32, #tpu.memory_space<vmem>>
          %dma_start3A_94 = tpu.memref_squeeze %dma_start3A_93 : memref<1x16x128xf32, #tpu.memory_space<vmem>> -> memref<16x128xf32, #tpu.memory_space<vmem>>
          %dma_start3A_95 = arith.constant 0 : i32
          %dma_start3A_96 = tpu.memref_slice %arg8[%mul3A_82, %dma_start3A_95] : memref<10016x128xf32, #tpu.memory_space<vmem_shared>> -> memref<16x128xf32, #tpu.memory_space<vmem_shared>>
          tpu.enqueue_dma source(%dma_start3A_96 : memref<16x128xf32, #tpu.memory_space<vmem_shared>>) target(%dma_start3A_94 : memref<16x128xf32, #tpu.memory_space<vmem>>) target_semaphore(%run_scoped3A_84 : memref<!tpu.dma_semaphore, #tpu.memory_space<semaphore_mem>>)
          %dma_wait3A = arith.constant 0 : i32
          %dma_wait3A_97 = arith.constant 0 : i32
          %dma_wait3A_98 = tpu.memref_slice %arg7[%run_scoped3A, %dma_wait3A, %dma_wait3A_97] : memref<2x128x128xf32, #tpu.memory_space<vmem>> -> memref<1x16x128xf32, #tpu.memory_space<vmem>>
          %dma_wait3A_99 = tpu.memref_squeeze %dma_wait3A_98 : memref<1x16x128xf32, #tpu.memory_space<vmem>> -> memref<16x128xf32, #tpu.memory_space<vmem>>
          %dma_wait3A_100 = arith.constant 0 : i32
          %dma_wait3A_101 = tpu.memref_slice %arg8[%mul3A_82, %dma_wait3A_100] : memref<10016x128xf32, #tpu.memory_space<vmem_shared>> -> memref<16x128xf32, #tpu.memory_space<vmem_shared>>
          %dma_wait3A_102 = arith.constant 0 : i32
          %dma_wait3A_103 = arith.constant 0 : i32
          %dma_wait3A_104 = tpu.memref_slice %arg7[%run_scoped3A, %dma_wait3A_102, %dma_wait3A_103] : memref<2x128x128xf32, #tpu.memory_space<vmem>> -> memref<1x16x128xf32, #tpu.memory_space<vmem>>
          %dma_wait3A_105 = tpu.memref_squeeze %dma_wait3A_104 : memref<1x16x128xf32, #tpu.memory_space<vmem>> -> memref<16x128xf32, #tpu.memory_space<vmem>>
          %dma_wait3A_106 = arith.constant 0 : i32
          %dma_wait3A_107 = tpu.memref_slice %arg8[%mul3A_82, %dma_wait3A_106] : memref<10016x128xf32, #tpu.memory_space<vmem_shared>> -> memref<16x128xf32, #tpu.memory_space<vmem_shared>>
          tpu.wait_dma2 semaphore(%run_scoped3A_84 : memref<!tpu.dma_semaphore, #tpu.memory_space<semaphore_mem>>) src(%dma_wait3A_107 : memref<16x128xf32, #tpu.memory_space<vmem_shared>>) dst(%dma_wait3A_105 : memref<16x128xf32, #tpu.memory_space<vmem>>)
          tpu.yield
        }) : () -> ()
        %run_scoped3A_83 = arith.constant 0 : i32
        "tpu.region"() ({
          %run_scoped3A_84 = tpu.sem_alloc : memref<!tpu.dma_semaphore, #tpu.memory_space<semaphore_mem>>
          %dma_start3A_85 = arith.constant 0 : i32
          %dma_start3A_86 = arith.constant 0 : i32
          %dma_start3A_87 = tpu.memref_slice %arg7[%run_scoped3A_83, %dma_start3A_85, %dma_start3A_86] : memref<2x128x128xf32, #tpu.memory_space<vmem>> -> memref<1x16x128xf32, #tpu.memory_space<vmem>>
          %dma_start3A_88 = tpu.memref_squeeze %dma_start3A_87 : memref<1x16x128xf32, #tpu.memory_space<vmem>> -> memref<16x128xf32, #tpu.memory_space<vmem>>
          %dma_start3A_89 = arith.constant 0 : i32
          %dma_start3A_90 = tpu.memref_slice %arg4[%arg0, %mul3A_82, %dma_start3A_89] : memref<2x10000x128xf32, #tpu.memory_space<hbm>> -> memref<1x16x128xf32, #tpu.memory_space<hbm>>
          %dma_start3A_91 = tpu.memref_squeeze %dma_start3A_90 : memref<1x16x128xf32, #tpu.memory_space<hbm>> -> memref<16x128xf32, #tpu.memory_space<hbm>>
          %dma_start3A_92 = arith.constant 0 : i32
          %dma_start3A_93 = tpu.memref_slice %arg4[%arg0, %mul3A_82, %dma_start3A_92] : memref<2x10000x128xf32, #tpu.memory_space<hbm>> -> memref<1x16x128xf32, #tpu.memory_space<hbm>>
          %dma_start3A_94 = tpu.memref_squeeze %dma_start3A_93 : memref<1x16x128xf32, #tpu.memory_space<hbm>> -> memref<16x128xf32, #tpu.memory_space<hbm>>
          %dma_start3A_95 = arith.constant 0 : i32
          %dma_start3A_96 = arith.constant 0 : i32
          %dma_start3A_97 = tpu.memref_slice %arg7[%run_scoped3A_83, %dma_start3A_95, %dma_start3A_96] : memref<2x128x128xf32, #tpu.memory_space<vmem>> -> memref<1x16x128xf32, #tpu.memory_space<vmem>>
          %dma_start3A_98 = tpu.memref_squeeze %dma_start3A_97 : memref<1x16x128xf32, #tpu.memory_space<vmem>> -> memref<16x128xf32, #tpu.memory_space<vmem>>
          tpu.enqueue_dma source(%dma_start3A_98 : memref<16x128xf32, #tpu.memory_space<vmem>>) target(%dma_start3A_94 : memref<16x128xf32, #tpu.memory_space<hbm>>) target_semaphore(%run_scoped3A_84 : memref<!tpu.dma_semaphore, #tpu.memory_space<semaphore_mem>>)
          %dma_wait3A = arith.constant 0 : i32
          %dma_wait3A_99 = arith.constant 0 : i32
          %dma_wait3A_100 = tpu.memref_slice %arg7[%run_scoped3A_83, %dma_wait3A, %dma_wait3A_99] : memref<2x128x128xf32, #tpu.memory_space<vmem>> -> memref<1x16x128xf32, #tpu.memory_space<vmem>>
          %dma_wait3A_101 = tpu.memref_squeeze %dma_wait3A_100 : memref<1x16x128xf32, #tpu.memory_space<vmem>> -> memref<16x128xf32, #tpu.memory_space<vmem>>
          %dma_wait3A_102 = arith.constant 0 : i32
          %dma_wait3A_103 = tpu.memref_slice %arg4[%arg0, %mul3A_82, %dma_wait3A_102] : memref<2x10000x128xf32, #tpu.memory_space<hbm>> -> memref<1x16x128xf32, #tpu.memory_space<hbm>>
          %dma_wait3A_104 = tpu.memref_squeeze %dma_wait3A_103 : memref<1x16x128xf32, #tpu.memory_space<hbm>> -> memref<16x128xf32, #tpu.memory_space<hbm>>
          %dma_wait3A_105 = arith.constant 0 : i32
          %dma_wait3A_106 = tpu.memref_slice %arg4[%arg0, %mul3A_82, %dma_wait3A_105] : memref<2x10000x128xf32, #tpu.memory_space<hbm>> -> memref<1x16x128xf32, #tpu.memory_space<hbm>>
          %dma_wait3A_107 = tpu.memref_squeeze %dma_wait3A_106 : memref<1x16x128xf32, #tpu.memory_space<hbm>> -> memref<16x128xf32, #tpu.memory_space<hbm>>
          %dma_wait3A_108 = arith.constant 0 : i32
          %dma_wait3A_109 = arith.constant 0 : i32
          %dma_wait3A_110 = tpu.memref_slice %arg7[%run_scoped3A_83, %dma_wait3A_108, %dma_wait3A_109] : memref<2x128x128xf32, #tpu.memory_space<vmem>> -> memref<1x16x128xf32, #tpu.memory_space<vmem>>
          %dma_wait3A_111 = tpu.memref_squeeze %dma_wait3A_110 : memref<1x16x128xf32, #tpu.memory_space<vmem>> -> memref<16x128xf32, #tpu.memory_space<vmem>>
          tpu.wait_dma2 semaphore(%run_scoped3A_84 : memref<!tpu.dma_semaphore, #tpu.memory_space<semaphore_mem>>) src(%dma_wait3A_111 : memref<16x128xf32, #tpu.memory_space<vmem>>) dst(%dma_wait3A_107 : memref<16x128xf32, #tpu.memory_space<hbm>>)
          tpu.yield
        }) : () -> ()
      } else {
      }
      %scan3A_80 = arith.constant 0 : i32
      scf.yield %scan3A_80 : i32
    }
    %scan3A_69 = arith.constant 40 : i32
    return
  }
}

#map = affine_map<(d0, d1) -> (0, 0)>
#map1 = affine_map<(d0, d1) -> (0, 0, 0)>
module attributes {stable_mosaic.version = 14 : i64} {
  func.func @_sc_agg_body(%arg0: i32, %arg1: i32, %arg2: memref<10000x128xf32, #tpu.memory_space<hbm>>, %arg3: memref<2x320000xi32, #tpu.memory_space<hbm>>, %arg4: memref<2x10000x128xf32, #tpu.memory_space<hbm>>, %arg5: memref<2x128xi32, #tpu.memory_space<vmem>>, %arg6: memref<2x128xi32, #tpu.memory_space<vmem>>, %arg7: memref<2x128x128xf32, #tpu.memory_space<vmem>>, %arg8: memref<10016x128xf32, #tpu.memory_space<vmem_shared>>, %arg9: memref<!tpu.dma_semaphore, #tpu.memory_space<semaphore_mem>>, %arg10: memref<!tpu.dma_semaphore, #tpu.memory_space<semaphore_mem>>, %arg11: memref<!tpu.dma_semaphore, #tpu.memory_space<semaphore_mem>>, %arg12: memref<!tpu.dma_semaphore, #tpu.memory_space<semaphore_mem>>, %arg13: memref<!tpu.dma_semaphore, #tpu.memory_space<semaphore_mem>>, %arg14: memref<!tpu.dma_semaphore, #tpu.memory_space<semaphore_mem>>) attributes {dimension_semantics = [#tpu.dimension_semantics<core_parallel>, #tpu.dimension_semantics<subcore_parallel>], iteration_bounds = array<i64: 2, 16>, scalar_prefetch = 0 : i64, scratch_operands = 10 : i64, tpu.core_type = #tpu.core_type<sc_vector_subcore>, window_params = [{transform_indices = #map}, {transform_indices = #map}, {transform_indices = #map1}]} {
    %mul3A = arith.constant 2 : i32
    %mul3A_0 = arith.muli %arg1, %mul3A : i32
    %add3A = arith.addi %mul3A_0, %arg0 : i32
    %broadcast_in_dim3A = arith.constant 0.000000e+00 : f32
    %broadcast_in_dim3A_1 = vector.broadcast %broadcast_in_dim3A : f32 to vector<16xf32>
    %broadcast_in_dim3A_2 = arith.constant 10000 : i32
    %broadcast_in_dim3A_3 = vector.broadcast %broadcast_in_dim3A_2 : i32 to vector<16xi32>
    %scan3A = arith.constant 0 : i32
    %scan3A_4 = arith.constant 0 : i32
    %scan3A_5 = arith.constant 16 : i32
    %scan3A_6 = arith.addi %scan3A_4, %scan3A_5 : i32
    %scan3A_7 = arith.constant 1 : i32
    %scan3A_8 = scf.for %scan3A_70 = %scan3A_4 to %scan3A_6 step %scan3A_7 iter_args(%scan3A_71 = %scan3A) -> (i32)  : i32 {
      %swap3A = arith.constant 0 : i32
      %swap3A_72 = arith.index_cast %swap3A : i32 to index
      %swap3A_73 = arith.index_cast %scan3A_70 : i32 to index
      %swap3A_74 = arith.constant 0 : index
      %swap3A_75 = tpu.vector_load %arg7[%swap3A_72, %swap3A_73, %swap3A_74] {strides = array<i32>} : memref<2x128x128xf32, #tpu.memory_space<vmem>>, vector<16xf32>,
      tpu.vector_store %arg7[%swap3A_72, %swap3A_73, %swap3A_74], %broadcast_in_dim3A_1 {strides = array<i32>} : memref<2x128x128xf32, #tpu.memory_space<vmem>>, vector<16xf32>,
      %swap3A_76 = arith.constant 0 : i32
      %swap3A_77 = arith.index_cast %swap3A_76 : i32 to index
      %swap3A_78 = arith.index_cast %scan3A_70 : i32 to index
      %swap3A_79 = arith.constant 16 : index
      %swap3A_80 = tpu.vector_load %arg7[%swap3A_77, %swap3A_78, %swap3A_79] {strides = array<i32>} : memref<2x128x128xf32, #tpu.memory_space<vmem>>, vector<16xf32>,
      tpu.vector_store %arg7[%swap3A_77, %swap3A_78, %swap3A_79], %broadcast_in_dim3A_1 {strides = array<i32>} : memref<2x128x128xf32, #tpu.memory_space<vmem>>, vector<16xf32>,
      %swap3A_81 = arith.constant 0 : i32
      %swap3A_82 = arith.index_cast %swap3A_81 : i32 to index
      %swap3A_83 = arith.index_cast %scan3A_70 : i32 to index
      %swap3A_84 = arith.constant 32 : index
      %swap3A_85 = tpu.vector_load %arg7[%swap3A_82, %swap3A_83, %swap3A_84] {strides = array<i32>} : memref<2x128x128xf32, #tpu.memory_space<vmem>>, vector<16xf32>,
      tpu.vector_store %arg7[%swap3A_82, %swap3A_83, %swap3A_84], %broadcast_in_dim3A_1 {strides = array<i32>} : memref<2x128x128xf32, #tpu.memory_space<vmem>>, vector<16xf32>,
      %swap3A_86 = arith.constant 0 : i32
      %swap3A_87 = arith.index_cast %swap3A_86 : i32 to index
      %swap3A_88 = arith.index_cast %scan3A_70 : i32 to index
      %swap3A_89 = arith.constant 48 : index
      %swap3A_90 = tpu.vector_load %arg7[%swap3A_87, %swap3A_88, %swap3A_89] {strides = array<i32>} : memref<2x128x128xf32, #tpu.memory_space<vmem>>, vector<16xf32>,
      tpu.vector_store %arg7[%swap3A_87, %swap3A_88, %swap3A_89], %broadcast_in_dim3A_1 {strides = array<i32>} : memref<2x128x128xf32, #tpu.memory_space<vmem>>, vector<16xf32>,
      %swap3A_91 = arith.constant 0 : i32
      %swap3A_92 = arith.index_cast %swap3A_91 : i32 to index
      %swap3A_93 = arith.index_cast %scan3A_70 : i32 to index
      %swap3A_94 = arith.constant 64 : index
      %swap3A_95 = tpu.vector_load %arg7[%swap3A_92, %swap3A_93, %swap3A_94] {strides = array<i32>} : memref<2x128x128xf32, #tpu.memory_space<vmem>>, vector<16xf32>,
      tpu.vector_store %arg7[%swap3A_92, %swap3A_93, %swap3A_94], %broadcast_in_dim3A_1 {strides = array<i32>} : memref<2x128x128xf32, #tpu.memory_space<vmem>>, vector<16xf32>,
      %swap3A_96 = arith.constant 0 : i32
      %swap3A_97 = arith.index_cast %swap3A_96 : i32 to index
      %swap3A_98 = arith.index_cast %scan3A_70 : i32 to index
      %swap3A_99 = arith.constant 80 : index
      %swap3A_100 = tpu.vector_load %arg7[%swap3A_97, %swap3A_98, %swap3A_99] {strides = array<i32>} : memref<2x128x128xf32, #tpu.memory_space<vmem>>, vector<16xf32>,
      tpu.vector_store %arg7[%swap3A_97, %swap3A_98, %swap3A_99], %broadcast_in_dim3A_1 {strides = array<i32>} : memref<2x128x128xf32, #tpu.memory_space<vmem>>, vector<16xf32>,
      %swap3A_101 = arith.constant 0 : i32
      %swap3A_102 = arith.index_cast %swap3A_101 : i32 to index
      %swap3A_103 = arith.index_cast %scan3A_70 : i32 to index
      %swap3A_104 = arith.constant 96 : index
      %swap3A_105 = tpu.vector_load %arg7[%swap3A_102, %swap3A_103, %swap3A_104] {strides = array<i32>} : memref<2x128x128xf32, #tpu.memory_space<vmem>>, vector<16xf32>,
      tpu.vector_store %arg7[%swap3A_102, %swap3A_103, %swap3A_104], %broadcast_in_dim3A_1 {strides = array<i32>} : memref<2x128x128xf32, #tpu.memory_space<vmem>>, vector<16xf32>,
      %swap3A_106 = arith.constant 0 : i32
      %swap3A_107 = arith.index_cast %swap3A_106 : i32 to index
      %swap3A_108 = arith.index_cast %scan3A_70 : i32 to index
      %swap3A_109 = arith.constant 112 : index
      %swap3A_110 = tpu.vector_load %arg7[%swap3A_107, %swap3A_108, %swap3A_109] {strides = array<i32>} : memref<2x128x128xf32, #tpu.memory_space<vmem>>, vector<16xf32>,
      tpu.vector_store %arg7[%swap3A_107, %swap3A_108, %swap3A_109], %broadcast_in_dim3A_1 {strides = array<i32>} : memref<2x128x128xf32, #tpu.memory_space<vmem>>, vector<16xf32>,
      %scan3A_111 = arith.constant 0 : i32
      scf.yield %scan3A_111 : i32
    }
    %scan3A_9 = arith.constant 16 : i32
    %scan3A_10 = arith.constant 0 : i32
    %scan3A_11 = arith.constant 0 : i32
    %scan3A_12 = arith.constant 40 : i32
    %scan3A_13 = arith.addi %scan3A_11, %scan3A_12 : i32
    %scan3A_14 = arith.constant 1 : i32
    %scan3A_15 = scf.for %scan3A_70 = %scan3A_11 to %scan3A_13 step %scan3A_14 iter_args(%scan3A_71 = %scan3A_10) -> (i32)  : i32 {
      %mul3A_72 = arith.constant 16 : i32
      %mul3A_73 = arith.muli %scan3A_70, %mul3A_72 : i32
      %add3A_74 = arith.addi %mul3A_73, %arg1 : i32
      %lt3A_75 = arith.constant 625 : i32
      %lt3A_76 = arith.cmpi slt, %add3A_74, %lt3A_75 : i32
      %convert_element_type3A_77 = arith.extui %lt3A_76 : i1 to i32
      %cond3A_78 = arith.constant 0 : i32
      %cond3A_79 = arith.cmpi ne, %convert_element_type3A_77, %cond3A_78 : i32
      scf.if %cond3A_79 {
        %mul3A_81 = arith.constant 16 : i32
        %mul3A_82 = arith.muli %add3A_74, %mul3A_81 : i32
        %run_scoped3A = arith.constant 0 : i32
        "tpu.region"() ({
          %run_scoped3A_83 = tpu.sem_alloc : memref<!tpu.dma_semaphore, #tpu.memory_space<semaphore_mem>>
          %dma_start3A_84 = arith.constant 0 : i32
          %dma_start3A_85 = arith.constant 0 : i32
          %dma_start3A_86 = tpu.memref_slice %arg7[%run_scoped3A, %dma_start3A_84, %dma_start3A_85] : memref<2x128x128xf32, #tpu.memory_space<vmem>> -> memref<1x16x128xf32, #tpu.memory_space<vmem>>
          %dma_start3A_87 = tpu.memref_squeeze %dma_start3A_86 : memref<1x16x128xf32, #tpu.memory_space<vmem>> -> memref<16x128xf32, #tpu.memory_space<vmem>>
          %dma_start3A_88 = arith.constant 0 : i32
          %dma_start3A_89 = tpu.memref_slice %arg8[%mul3A_82, %dma_start3A_88] : memref<10016x128xf32, #tpu.memory_space<vmem_shared>> -> memref<16x128xf32, #tpu.memory_space<vmem_shared>>
          %dma_start3A_90 = arith.constant 0 : i32
          %dma_start3A_91 = tpu.memref_slice %arg8[%mul3A_82, %dma_start3A_90] : memref<10016x128xf32, #tpu.memory_space<vmem_shared>> -> memref<16x128xf32, #tpu.memory_space<vmem_shared>>
          %dma_start3A_92 = arith.constant 0 : i32
          %dma_start3A_93 = arith.constant 0 : i32
          %dma_start3A_94 = tpu.memref_slice %arg7[%run_scoped3A, %dma_start3A_92, %dma_start3A_93] : memref<2x128x128xf32, #tpu.memory_space<vmem>> -> memref<1x16x128xf32, #tpu.memory_space<vmem>>
          %dma_start3A_95 = tpu.memref_squeeze %dma_start3A_94 : memref<1x16x128xf32, #tpu.memory_space<vmem>> -> memref<16x128xf32, #tpu.memory_space<vmem>>
          tpu.enqueue_dma source(%dma_start3A_95 : memref<16x128xf32, #tpu.memory_space<vmem>>) target(%dma_start3A_91 : memref<16x128xf32, #tpu.memory_space<vmem_shared>>) target_semaphore(%run_scoped3A_83 : memref<!tpu.dma_semaphore, #tpu.memory_space<semaphore_mem>>)
          %dma_wait3A = arith.constant 0 : i32
          %dma_wait3A_96 = arith.constant 0 : i32
          %dma_wait3A_97 = tpu.memref_slice %arg7[%run_scoped3A, %dma_wait3A, %dma_wait3A_96] : memref<2x128x128xf32, #tpu.memory_space<vmem>> -> memref<1x16x128xf32, #tpu.memory_space<vmem>>
          %dma_wait3A_98 = tpu.memref_squeeze %dma_wait3A_97 : memref<1x16x128xf32, #tpu.memory_space<vmem>> -> memref<16x128xf32, #tpu.memory_space<vmem>>
          %dma_wait3A_99 = arith.constant 0 : i32
          %dma_wait3A_100 = tpu.memref_slice %arg8[%mul3A_82, %dma_wait3A_99] : memref<10016x128xf32, #tpu.memory_space<vmem_shared>> -> memref<16x128xf32, #tpu.memory_space<vmem_shared>>
          %dma_wait3A_101 = arith.constant 0 : i32
          %dma_wait3A_102 = tpu.memref_slice %arg8[%mul3A_82, %dma_wait3A_101] : memref<10016x128xf32, #tpu.memory_space<vmem_shared>> -> memref<16x128xf32, #tpu.memory_space<vmem_shared>>
          %dma_wait3A_103 = arith.constant 0 : i32
          %dma_wait3A_104 = arith.constant 0 : i32
          %dma_wait3A_105 = tpu.memref_slice %arg7[%run_scoped3A, %dma_wait3A_103, %dma_wait3A_104] : memref<2x128x128xf32, #tpu.memory_space<vmem>> -> memref<1x16x128xf32, #tpu.memory_space<vmem>>
          %dma_wait3A_106 = tpu.memref_squeeze %dma_wait3A_105 : memref<1x16x128xf32, #tpu.memory_space<vmem>> -> memref<16x128xf32, #tpu.memory_space<vmem>>
          tpu.wait_dma2 semaphore(%run_scoped3A_83 : memref<!tpu.dma_semaphore, #tpu.memory_space<semaphore_mem>>) src(%dma_wait3A_106 : memref<16x128xf32, #tpu.memory_space<vmem>>) dst(%dma_wait3A_102 : memref<16x128xf32, #tpu.memory_space<vmem_shared>>)
          tpu.yield
        }) : () -> ()
      } else {
      }
      %scan3A_80 = arith.constant 0 : i32
      scf.yield %scan3A_80 : i32
    }
    %scan3A_16 = arith.constant 40 : i32
    %barrier3A = arith.constant 0 : index
    tpu.barrier barrier_id(%barrier3A)
    %add3A_17 = arith.constant 0 : i32
    %add3A_18 = arith.addi %add3A_17, %add3A : i32
    %lt3A = arith.constant 2500 : i32
    %lt3A_19 = arith.cmpi slt, %add3A_18, %lt3A : i32
    %convert_element_type3A = arith.extui %lt3A_19 : i1 to i32
    %cond3A = arith.constant 0 : i32
    %cond3A_20 = arith.cmpi ne, %convert_element_type3A, %cond3A : i32
    scf.if %cond3A_20 {
      %mul3A_70 = arith.constant 128 : i32
      %mul3A_71 = arith.muli %add3A_18, %mul3A_70 : i32
      %dma_start3A_72 = arith.constant 0 : i32
      %dma_start3A_73 = arith.constant 0 : i32
      %dma_start3A_74 = arith.constant 0 : i32
      %dma_start3A_75 = tpu.memref_slice %arg5[%dma_start3A_73, %dma_start3A_74] : memref<2x128xi32, #tpu.memory_space<vmem>> -> memref<1x128xi32, #tpu.memory_space<vmem>>
      %dma_start3A_76 = tpu.memref_squeeze %dma_start3A_75 : memref<1x128xi32, #tpu.memory_space<vmem>> -> memref<128xi32, #tpu.memory_space<vmem>>
      %dma_start3A_77 = tpu.memref_slice %arg3[%dma_start3A_72, %mul3A_71] : memref<2x320000xi32, #tpu.memory_space<hbm>> -> memref<1x128xi32, #tpu.memory_space<hbm>>
      %dma_start3A_78 = tpu.memref_squeeze %dma_start3A_77 : memref<1x128xi32, #tpu.memory_space<hbm>> -> memref<128xi32, #tpu.memory_space<hbm>>
      %dma_start3A_79 = arith.constant 0 : i32
      %dma_start3A_80 = tpu.memref_slice %arg5[%dma_start3A_73, %dma_start3A_79] : memref<2x128xi32, #tpu.memory_space<vmem>> -> memref<1x128xi32, #tpu.memory_space<vmem>>
      %dma_start3A_81 = tpu.memref_squeeze %dma_start3A_80 : memref<1x128xi32, #tpu.memory_space<vmem>> -> memref<128xi32, #tpu.memory_space<vmem>>
      %dma_start3A_82 = tpu.memref_slice %arg3[%dma_start3A_72, %mul3A_71] : memref<2x320000xi32, #tpu.memory_space<hbm>> -> memref<1x128xi32, #tpu.memory_space<hbm>>
      %dma_start3A_83 = tpu.memref_squeeze %dma_start3A_82 : memref<1x128xi32, #tpu.memory_space<hbm>> -> memref<128xi32, #tpu.memory_space<hbm>>
      tpu.enqueue_dma source(%dma_start3A_83 : memref<128xi32, #tpu.memory_space<hbm>>) target(%dma_start3A_81 : memref<128xi32, #tpu.memory_space<vmem>>) target_semaphore(%arg11 : memref<!tpu.dma_semaphore, #tpu.memory_space<semaphore_mem>>)
      %mul3A_84 = arith.constant 128 : i32
      %mul3A_85 = arith.muli %add3A_18, %mul3A_84 : i32
      %dma_start3A_86 = arith.constant 1 : i32
      %dma_start3A_87 = arith.constant 0 : i32
      %dma_start3A_88 = arith.constant 0 : i32
      %dma_start3A_89 = tpu.memref_slice %arg6[%dma_start3A_87, %dma_start3A_88] : memref<2x128xi32, #tpu.memory_space<vmem>> -> memref<1x128xi32, #tpu.memory_space<vmem>>
      %dma_start3A_90 = tpu.memref_squeeze %dma_start3A_89 : memref<1x128xi32, #tpu.memory_space<vmem>> -> memref<128xi32, #tpu.memory_space<vmem>>
      %dma_start3A_91 = tpu.memref_slice %arg3[%dma_start3A_86, %mul3A_85] : memref<2x320000xi32, #tpu.memory_space<hbm>> -> memref<1x128xi32, #tpu.memory_space<hbm>>
      %dma_start3A_92 = tpu.memref_squeeze %dma_start3A_91 : memref<1x128xi32, #tpu.memory_space<hbm>> -> memref<128xi32, #tpu.memory_space<hbm>>
      %dma_start3A_93 = arith.constant 0 : i32
      %dma_start3A_94 = tpu.memref_slice %arg6[%dma_start3A_87, %dma_start3A_93] : memref<2x128xi32, #tpu.memory_space<vmem>> -> memref<1x128xi32, #tpu.memory_space<vmem>>
      %dma_start3A_95 = tpu.memref_squeeze %dma_start3A_94 : memref<1x128xi32, #tpu.memory_space<vmem>> -> memref<128xi32, #tpu.memory_space<vmem>>
      %dma_start3A_96 = tpu.memref_slice %arg3[%dma_start3A_86, %mul3A_85] : memref<2x320000xi32, #tpu.memory_space<hbm>> -> memref<1x128xi32, #tpu.memory_space<hbm>>
      %dma_start3A_97 = tpu.memref_squeeze %dma_start3A_96 : memref<1x128xi32, #tpu.memory_space<hbm>> -> memref<128xi32, #tpu.memory_space<hbm>>
      tpu.enqueue_dma source(%dma_start3A_97 : memref<128xi32, #tpu.memory_space<hbm>>) target(%dma_start3A_95 : memref<128xi32, #tpu.memory_space<vmem>>) target_semaphore(%arg13 : memref<!tpu.dma_semaphore, #tpu.memory_space<semaphore_mem>>)
    } else {
    }
    %ge3A = arith.constant 2500 : i32
    %ge3A_21 = arith.cmpi sge, %add3A_18, %ge3A : i32
    %convert_element_type3A_22 = arith.extui %ge3A_21 : i1 to i32
    %cond3A_23 = arith.constant 0 : i32
    %cond3A_24 = arith.cmpi ne, %convert_element_type3A_22, %cond3A_23 : i32
    scf.if %cond3A_24 {
      %swap3A = arith.constant 0 : i32
      %swap3A_70 = arith.index_cast %swap3A : i32 to index
      %swap3A_71 = arith.constant 0 : index
      %swap3A_72 = tpu.vector_load %arg6[%swap3A_70, %swap3A_71] {strides = array<i32>} : memref<2x128xi32, #tpu.memory_space<vmem>>, vector<16xi32>,
      tpu.vector_store %arg6[%swap3A_70, %swap3A_71], %broadcast_in_dim3A_3 {strides = array<i32>} : memref<2x128xi32, #tpu.memory_space<vmem>>, vector<16xi32>,
      %swap3A_73 = arith.constant 0 : i32
      %swap3A_74 = arith.index_cast %swap3A_73 : i32 to index
      %swap3A_75 = arith.constant 16 : index
      %swap3A_76 = tpu.vector_load %arg6[%swap3A_74, %swap3A_75] {strides = array<i32>} : memref<2x128xi32, #tpu.memory_space<vmem>>, vector<16xi32>,
      tpu.vector_store %arg6[%swap3A_74, %swap3A_75], %broadcast_in_dim3A_3 {strides = array<i32>} : memref<2x128xi32, #tpu.memory_space<vmem>>, vector<16xi32>,
      %swap3A_77 = arith.constant 0 : i32
      %swap3A_78 = arith.index_cast %swap3A_77 : i32 to index
      %swap3A_79 = arith.constant 32 : index
      %swap3A_80 = tpu.vector_load %arg6[%swap3A_78, %swap3A_79] {strides = array<i32>} : memref<2x128xi32, #tpu.memory_space<vmem>>, vector<16xi32>,
      tpu.vector_store %arg6[%swap3A_78, %swap3A_79], %broadcast_in_dim3A_3 {strides = array<i32>} : memref<2x128xi32, #tpu.memory_space<vmem>>, vector<16xi32>,
      %swap3A_81 = arith.constant 0 : i32
      %swap3A_82 = arith.index_cast %swap3A_81 : i32 to index
      %swap3A_83 = arith.constant 48 : index
      %swap3A_84 = tpu.vector_load %arg6[%swap3A_82, %swap3A_83] {strides = array<i32>} : memref<2x128xi32, #tpu.memory_space<vmem>>, vector<16xi32>,
      tpu.vector_store %arg6[%swap3A_82, %swap3A_83], %broadcast_in_dim3A_3 {strides = array<i32>} : memref<2x128xi32, #tpu.memory_space<vmem>>, vector<16xi32>,
      %swap3A_85 = arith.constant 0 : i32
      %swap3A_86 = arith.index_cast %swap3A_85 : i32 to index
      %swap3A_87 = arith.constant 64 : index
      %swap3A_88 = tpu.vector_load %arg6[%swap3A_86, %swap3A_87] {strides = array<i32>} : memref<2x128xi32, #tpu.memory_space<vmem>>, vector<16xi32>,
      tpu.vector_store %arg6[%swap3A_86, %swap3A_87], %broadcast_in_dim3A_3 {strides = array<i32>} : memref<2x128xi32, #tpu.memory_space<vmem>>, vector<16xi32>,
      %swap3A_89 = arith.constant 0 : i32
      %swap3A_90 = arith.index_cast %swap3A_89 : i32 to index
      %swap3A_91 = arith.constant 80 : index
      %swap3A_92 = tpu.vector_load %arg6[%swap3A_90, %swap3A_91] {strides = array<i32>} : memref<2x128xi32, #tpu.memory_space<vmem>>, vector<16xi32>,
      tpu.vector_store %arg6[%swap3A_90, %swap3A_91], %broadcast_in_dim3A_3 {strides = array<i32>} : memref<2x128xi32, #tpu.memory_space<vmem>>, vector<16xi32>,
      %swap3A_93 = arith.constant 0 : i32
      %swap3A_94 = arith.index_cast %swap3A_93 : i32 to index
      %swap3A_95 = arith.constant 96 : index
      %swap3A_96 = tpu.vector_load %arg6[%swap3A_94, %swap3A_95] {strides = array<i32>} : memref<2x128xi32, #tpu.memory_space<vmem>>, vector<16xi32>,
      tpu.vector_store %arg6[%swap3A_94, %swap3A_95], %broadcast_in_dim3A_3 {strides = array<i32>} : memref<2x128xi32, #tpu.memory_space<vmem>>, vector<16xi32>,
      %swap3A_97 = arith.constant 0 : i32
      %swap3A_98 = arith.index_cast %swap3A_97 : i32 to index
      %swap3A_99 = arith.constant 112 : index
      %swap3A_100 = tpu.vector_load %arg6[%swap3A_98, %swap3A_99] {strides = array<i32>} : memref<2x128xi32, #tpu.memory_space<vmem>>, vector<16xi32>,
      tpu.vector_store %arg6[%swap3A_98, %swap3A_99], %broadcast_in_dim3A_3 {strides = array<i32>} : memref<2x128xi32, #tpu.memory_space<vmem>>, vector<16xi32>,
    } else {
    }
    %add3A_25 = arith.constant 32 : i32
    %add3A_26 = arith.addi %add3A_25, %add3A : i32
    %lt3A_27 = arith.constant 2500 : i32
    %lt3A_28 = arith.cmpi slt, %add3A_26, %lt3A_27 : i32
    %convert_element_type3A_29 = arith.extui %lt3A_28 : i1 to i32
    %cond3A_30 = arith.constant 0 : i32
    %cond3A_31 = arith.cmpi ne, %convert_element_type3A_29, %cond3A_30 : i32
    scf.if %cond3A_31 {
      %mul3A_70 = arith.constant 128 : i32
      %mul3A_71 = arith.muli %add3A_26, %mul3A_70 : i32
      %dma_start3A_72 = arith.constant 0 : i32
      %dma_start3A_73 = arith.constant 1 : i32
      %dma_start3A_74 = arith.constant 0 : i32
      %dma_start3A_75 = tpu.memref_slice %arg5[%dma_start3A_73, %dma_start3A_74] : memref<2x128xi32, #tpu.memory_space<vmem>> -> memref<1x128xi32, #tpu.memory_space<vmem>>
      %dma_start3A_76 = tpu.memref_squeeze %dma_start3A_75 : memref<1x128xi32, #tpu.memory_space<vmem>> -> memref<128xi32, #tpu.memory_space<vmem>>
      %dma_start3A_77 = tpu.memref_slice %arg3[%dma_start3A_72, %mul3A_71] : memref<2x320000xi32, #tpu.memory_space<hbm>> -> memref<1x128xi32, #tpu.memory_space<hbm>>
      %dma_start3A_78 = tpu.memref_squeeze %dma_start3A_77 : memref<1x128xi32, #tpu.memory_space<hbm>> -> memref<128xi32, #tpu.memory_space<hbm>>
      %dma_start3A_79 = arith.constant 0 : i32
      %dma_start3A_80 = tpu.memref_slice %arg5[%dma_start3A_73, %dma_start3A_79] : memref<2x128xi32, #tpu.memory_space<vmem>> -> memref<1x128xi32, #tpu.memory_space<vmem>>
      %dma_start3A_81 = tpu.memref_squeeze %dma_start3A_80 : memref<1x128xi32, #tpu.memory_space<vmem>> -> memref<128xi32, #tpu.memory_space<vmem>>
      %dma_start3A_82 = tpu.memref_slice %arg3[%dma_start3A_72, %mul3A_71] : memref<2x320000xi32, #tpu.memory_space<hbm>> -> memref<1x128xi32, #tpu.memory_space<hbm>>
      %dma_start3A_83 = tpu.memref_squeeze %dma_start3A_82 : memref<1x128xi32, #tpu.memory_space<hbm>> -> memref<128xi32, #tpu.memory_space<hbm>>
      tpu.enqueue_dma source(%dma_start3A_83 : memref<128xi32, #tpu.memory_space<hbm>>) target(%dma_start3A_81 : memref<128xi32, #tpu.memory_space<vmem>>) target_semaphore(%arg12 : memref<!tpu.dma_semaphore, #tpu.memory_space<semaphore_mem>>)
      %mul3A_84 = arith.constant 128 : i32
      %mul3A_85 = arith.muli %add3A_26, %mul3A_84 : i32
      %dma_start3A_86 = arith.constant 1 : i32
      %dma_start3A_87 = arith.constant 1 : i32
      %dma_start3A_88 = arith.constant 0 : i32
      %dma_start3A_89 = tpu.memref_slice %arg6[%dma_start3A_87, %dma_start3A_88] : memref<2x128xi32, #tpu.memory_space<vmem>> -> memref<1x128xi32, #tpu.memory_space<vmem>>
      %dma_start3A_90 = tpu.memref_squeeze %dma_start3A_89 : memref<1x128xi32, #tpu.memory_space<vmem>> -> memref<128xi32, #tpu.memory_space<vmem>>
      %dma_start3A_91 = tpu.memref_slice %arg3[%dma_start3A_86, %mul3A_85] : memref<2x320000xi32, #tpu.memory_space<hbm>> -> memref<1x128xi32, #tpu.memory_space<hbm>>
      %dma_start3A_92 = tpu.memref_squeeze %dma_start3A_91 : memref<1x128xi32, #tpu.memory_space<hbm>> -> memref<128xi32, #tpu.memory_space<hbm>>
      %dma_start3A_93 = arith.constant 0 : i32
      %dma_start3A_94 = tpu.memref_slice %arg6[%dma_start3A_87, %dma_start3A_93] : memref<2x128xi32, #tpu.memory_space<vmem>> -> memref<1x128xi32, #tpu.memory_space<vmem>>
      %dma_start3A_95 = tpu.memref_squeeze %dma_start3A_94 : memref<1x128xi32, #tpu.memory_space<vmem>> -> memref<128xi32, #tpu.memory_space<vmem>>
      %dma_start3A_96 = tpu.memref_slice %arg3[%dma_start3A_86, %mul3A_85] : memref<2x320000xi32, #tpu.memory_space<hbm>> -> memref<1x128xi32, #tpu.memory_space<hbm>>
      %dma_start3A_97 = tpu.memref_squeeze %dma_start3A_96 : memref<1x128xi32, #tpu.memory_space<hbm>> -> memref<128xi32, #tpu.memory_space<hbm>>
      tpu.enqueue_dma source(%dma_start3A_97 : memref<128xi32, #tpu.memory_space<hbm>>) target(%dma_start3A_95 : memref<128xi32, #tpu.memory_space<vmem>>) target_semaphore(%arg14 : memref<!tpu.dma_semaphore, #tpu.memory_space<semaphore_mem>>)
    } else {
    }
    %ge3A_32 = arith.constant 2500 : i32
    %ge3A_33 = arith.cmpi sge, %add3A_26, %ge3A_32 : i32
    %convert_element_type3A_34 = arith.extui %ge3A_33 : i1 to i32
    %cond3A_35 = arith.constant 0 : i32
    %cond3A_36 = arith.cmpi ne, %convert_element_type3A_34, %cond3A_35 : i32
    scf.if %cond3A_36 {
      %swap3A = arith.constant 1 : i32
      %swap3A_70 = arith.index_cast %swap3A : i32 to index
      %swap3A_71 = arith.constant 0 : index
      %swap3A_72 = tpu.vector_load %arg6[%swap3A_70, %swap3A_71] {strides = array<i32>} : memref<2x128xi32, #tpu.memory_space<vmem>>, vector<16xi32>,
      tpu.vector_store %arg6[%swap3A_70, %swap3A_71], %broadcast_in_dim3A_3 {strides = array<i32>} : memref<2x128xi32, #tpu.memory_space<vmem>>, vector<16xi32>,
      %swap3A_73 = arith.constant 1 : i32
      %swap3A_74 = arith.index_cast %swap3A_73 : i32 to index
      %swap3A_75 = arith.constant 16 : index
      %swap3A_76 = tpu.vector_load %arg6[%swap3A_74, %swap3A_75] {strides = array<i32>} : memref<2x128xi32, #tpu.memory_space<vmem>>, vector<16xi32>,
      tpu.vector_store %arg6[%swap3A_74, %swap3A_75], %broadcast_in_dim3A_3 {strides = array<i32>} : memref<2x128xi32, #tpu.memory_space<vmem>>, vector<16xi32>,
      %swap3A_77 = arith.constant 1 : i32
      %swap3A_78 = arith.index_cast %swap3A_77 : i32 to index
      %swap3A_79 = arith.constant 32 : index
      %swap3A_80 = tpu.vector_load %arg6[%swap3A_78, %swap3A_79] {strides = array<i32>} : memref<2x128xi32, #tpu.memory_space<vmem>>, vector<16xi32>,
      tpu.vector_store %arg6[%swap3A_78, %swap3A_79], %broadcast_in_dim3A_3 {strides = array<i32>} : memref<2x128xi32, #tpu.memory_space<vmem>>, vector<16xi32>,
      %swap3A_81 = arith.constant 1 : i32
      %swap3A_82 = arith.index_cast %swap3A_81 : i32 to index
      %swap3A_83 = arith.constant 48 : index
      %swap3A_84 = tpu.vector_load %arg6[%swap3A_82, %swap3A_83] {strides = array<i32>} : memref<2x128xi32, #tpu.memory_space<vmem>>, vector<16xi32>,
      tpu.vector_store %arg6[%swap3A_82, %swap3A_83], %broadcast_in_dim3A_3 {strides = array<i32>} : memref<2x128xi32, #tpu.memory_space<vmem>>, vector<16xi32>,
      %swap3A_85 = arith.constant 1 : i32
      %swap3A_86 = arith.index_cast %swap3A_85 : i32 to index
      %swap3A_87 = arith.constant 64 : index
      %swap3A_88 = tpu.vector_load %arg6[%swap3A_86, %swap3A_87] {strides = array<i32>} : memref<2x128xi32, #tpu.memory_space<vmem>>, vector<16xi32>,
      tpu.vector_store %arg6[%swap3A_86, %swap3A_87], %broadcast_in_dim3A_3 {strides = array<i32>} : memref<2x128xi32, #tpu.memory_space<vmem>>, vector<16xi32>,
      %swap3A_89 = arith.constant 1 : i32
      %swap3A_90 = arith.index_cast %swap3A_89 : i32 to index
      %swap3A_91 = arith.constant 80 : index
      %swap3A_92 = tpu.vector_load %arg6[%swap3A_90, %swap3A_91] {strides = array<i32>} : memref<2x128xi32, #tpu.memory_space<vmem>>, vector<16xi32>,
      tpu.vector_store %arg6[%swap3A_90, %swap3A_91], %broadcast_in_dim3A_3 {strides = array<i32>} : memref<2x128xi32, #tpu.memory_space<vmem>>, vector<16xi32>,
      %swap3A_93 = arith.constant 1 : i32
      %swap3A_94 = arith.index_cast %swap3A_93 : i32 to index
      %swap3A_95 = arith.constant 96 : index
      %swap3A_96 = tpu.vector_load %arg6[%swap3A_94, %swap3A_95] {strides = array<i32>} : memref<2x128xi32, #tpu.memory_space<vmem>>, vector<16xi32>,
      tpu.vector_store %arg6[%swap3A_94, %swap3A_95], %broadcast_in_dim3A_3 {strides = array<i32>} : memref<2x128xi32, #tpu.memory_space<vmem>>, vector<16xi32>,
      %swap3A_97 = arith.constant 1 : i32
      %swap3A_98 = arith.index_cast %swap3A_97 : i32 to index
      %swap3A_99 = arith.constant 112 : index
      %swap3A_100 = tpu.vector_load %arg6[%swap3A_98, %swap3A_99] {strides = array<i32>} : memref<2x128xi32, #tpu.memory_space<vmem>>, vector<16xi32>,
      tpu.vector_store %arg6[%swap3A_98, %swap3A_99], %broadcast_in_dim3A_3 {strides = array<i32>} : memref<2x128xi32, #tpu.memory_space<vmem>>, vector<16xi32>,
    } else {
    }
    %add3A_37 = arith.constant 0 : i32
    %add3A_38 = arith.addi %add3A_37, %add3A : i32
    %lt3A_39 = arith.constant 2500 : i32
    %lt3A_40 = arith.cmpi slt, %add3A_38, %lt3A_39 : i32
    %convert_element_type3A_41 = arith.extui %lt3A_40 : i1 to i32
    %cond3A_42 = arith.constant 0 : i32
    %cond3A_43 = arith.cmpi ne, %convert_element_type3A_41, %cond3A_42 : i32
    scf.if %cond3A_43 {
      %mul3A_70 = arith.constant 128 : i32
      %mul3A_71 = arith.muli %add3A_38, %mul3A_70 : i32
      %dma_wait3A = arith.constant 0 : i32
      %dma_wait3A_72 = arith.constant 0 : i32
      %dma_wait3A_73 = arith.constant 0 : i32
      %dma_wait3A_74 = tpu.memref_slice %arg5[%dma_wait3A_72, %dma_wait3A_73] : memref<2x128xi32, #tpu.memory_space<vmem>> -> memref<1x128xi32, #tpu.memory_space<vmem>>
      %dma_wait3A_75 = tpu.memref_squeeze %dma_wait3A_74 : memref<1x128xi32, #tpu.memory_space<vmem>> -> memref<128xi32, #tpu.memory_space<vmem>>
      %dma_wait3A_76 = tpu.memref_slice %arg3[%dma_wait3A, %mul3A_71] : memref<2x320000xi32, #tpu.memory_space<hbm>> -> memref<1x128xi32, #tpu.memory_space<hbm>>
      %dma_wait3A_77 = tpu.memref_squeeze %dma_wait3A_76 : memref<1x128xi32, #tpu.memory_space<hbm>> -> memref<128xi32, #tpu.memory_space<hbm>>
      %dma_wait3A_78 = arith.constant 0 : i32
      %dma_wait3A_79 = tpu.memref_slice %arg5[%dma_wait3A_72, %dma_wait3A_78] : memref<2x128xi32, #tpu.memory_space<vmem>> -> memref<1x128xi32, #tpu.memory_space<vmem>>
      %dma_wait3A_80 = tpu.memref_squeeze %dma_wait3A_79 : memref<1x128xi32, #tpu.memory_space<vmem>> -> memref<128xi32, #tpu.memory_space<vmem>>
      %dma_wait3A_81 = tpu.memref_slice %arg3[%dma_wait3A, %mul3A_71] : memref<2x320000xi32, #tpu.memory_space<hbm>> -> memref<1x128xi32, #tpu.memory_space<hbm>>
      %dma_wait3A_82 = tpu.memref_squeeze %dma_wait3A_81 : memref<1x128xi32, #tpu.memory_space<hbm>> -> memref<128xi32, #tpu.memory_space<hbm>>
      tpu.wait_dma2 semaphore(%arg11 : memref<!tpu.dma_semaphore, #tpu.memory_space<semaphore_mem>>) src(%dma_wait3A_82 : memref<128xi32, #tpu.memory_space<hbm>>) dst(%dma_wait3A_80 : memref<128xi32, #tpu.memory_space<vmem>>)
      %mul3A_83 = arith.constant 128 : i32
      %mul3A_84 = arith.muli %add3A_38, %mul3A_83 : i32
      %dma_wait3A_85 = arith.constant 1 : i32
      %dma_wait3A_86 = arith.constant 0 : i32
      %dma_wait3A_87 = arith.constant 0 : i32
      %dma_wait3A_88 = tpu.memref_slice %arg6[%dma_wait3A_86, %dma_wait3A_87] : memref<2x128xi32, #tpu.memory_space<vmem>> -> memref<1x128xi32, #tpu.memory_space<vmem>>
      %dma_wait3A_89 = tpu.memref_squeeze %dma_wait3A_88 : memref<1x128xi32, #tpu.memory_space<vmem>> -> memref<128xi32, #tpu.memory_space<vmem>>
      %dma_wait3A_90 = tpu.memref_slice %arg3[%dma_wait3A_85, %mul3A_84] : memref<2x320000xi32, #tpu.memory_space<hbm>> -> memref<1x128xi32, #tpu.memory_space<hbm>>
      %dma_wait3A_91 = tpu.memref_squeeze %dma_wait3A_90 : memref<1x128xi32, #tpu.memory_space<hbm>> -> memref<128xi32, #tpu.memory_space<hbm>>
      %dma_wait3A_92 = arith.constant 0 : i32
      %dma_wait3A_93 = tpu.memref_slice %arg6[%dma_wait3A_86, %dma_wait3A_92] : memref<2x128xi32, #tpu.memory_space<vmem>> -> memref<1x128xi32, #tpu.memory_space<vmem>>
      %dma_wait3A_94 = tpu.memref_squeeze %dma_wait3A_93 : memref<1x128xi32, #tpu.memory_space<vmem>> -> memref<128xi32, #tpu.memory_space<vmem>>
      %dma_wait3A_95 = tpu.memref_slice %arg3[%dma_wait3A_85, %mul3A_84] : memref<2x320000xi32, #tpu.memory_space<hbm>> -> memref<1x128xi32, #tpu.memory_space<hbm>>
      %dma_wait3A_96 = tpu.memref_squeeze %dma_wait3A_95 : memref<1x128xi32, #tpu.memory_space<hbm>> -> memref<128xi32, #tpu.memory_space<hbm>>
      tpu.wait_dma2 semaphore(%arg13 : memref<!tpu.dma_semaphore, #tpu.memory_space<semaphore_mem>>) src(%dma_wait3A_96 : memref<128xi32, #tpu.memory_space<hbm>>) dst(%dma_wait3A_94 : memref<128xi32, #tpu.memory_space<vmem>>)
    } else {
    }
    %dma_start3A = arith.constant 0 : i32
    %dma_start3A_44 = arith.constant 0 : i32
    %dma_start3A_45 = arith.constant 0 : i32
    %dma_start3A_46 = arith.constant 0 : i32
    %dma_start3A_47 = tpu.memref_slice %arg7[%dma_start3A_44, %dma_start3A_45, %dma_start3A_46] : memref<2x128x128xf32, #tpu.memory_space<vmem>> -> memref<1x128x128xf32, #tpu.memory_space<vmem>>
    %dma_start3A_48 = tpu.memref_squeeze %dma_start3A_47 : memref<1x128x128xf32, #tpu.memory_space<vmem>> -> memref<128x128xf32, #tpu.memory_space<vmem>>
    %dma_start3A_49 = arith.constant 0 : i32
    %dma_start3A_50 = tpu.memref_slice %arg5[%dma_start3A, %dma_start3A_49] : memref<2x128xi32, #tpu.memory_space<vmem>> -> memref<1x128xi32, #tpu.memory_space<vmem>>
    %dma_start3A_51 = tpu.memref_squeeze %dma_start3A_50 : memref<1x128xi32, #tpu.memory_space<vmem>> -> memref<128xi32, #tpu.memory_space<vmem>>
    %dma_start3A_52 = arith.constant 0 : i32
    %dma_start3A_53 = arith.constant 0 : i32
    %dma_start3A_54 = tpu.memref_slice %arg2[%dma_start3A_52, %dma_start3A_53] : memref<10000x128xf32, #tpu.memory_space<hbm>> -> memref<10000x128xf32, #tpu.memory_space<hbm>>
    tpu.enqueue_indirect_dma source(%dma_start3A_54 : memref<10000x128xf32, #tpu.memory_space<hbm>>) target(%dma_start3A_48 : memref<128x128xf32, #tpu.memory_space<vmem>>) offsets(%dma_start3A_51 : memref<128xi32, #tpu.memory_space<vmem>>) semaphore(%arg9 : memref<!tpu.dma_semaphore, #tpu.memory_space<semaphore_mem>>)
    %scan3A_55 = arith.constant 0 : i32
    %scan3A_56 = arith.constant 0 : i32
    %scan3A_57 = arith.constant 40 : i32
    %scan3A_58 = arith.addi %scan3A_56, %scan3A_57 : i32
    %scan3A_59 = arith.constant 1 : i32
    %scan3A_60 = scf.for %scan3A_70 = %scan3A_56 to %scan3A_58 step %scan3A_59 iter_args(%scan3A_71 = %scan3A_55) -> (i32)  : i32 {
      %mul3A_72 = arith.constant 2 : i32
      %mul3A_73 = arith.muli %mul3A_72, %scan3A_70 : i32
      %add3A_74 = arith.constant 1 : i32
      %add3A_75 = arith.addi %mul3A_73, %add3A_74 : i32
      %mul3A_76 = arith.constant 32 : i32
      %mul3A_77 = arith.muli %add3A_75, %mul3A_76 : i32
      %add3A_78 = arith.addi %mul3A_77, %add3A : i32
      %lt3A_79 = arith.constant 2500 : i32
      %lt3A_80 = arith.cmpi slt, %add3A_78, %lt3A_79 : i32
      %convert_element_type3A_81 = arith.extui %lt3A_80 : i1 to i32
      %cond3A_82 = arith.constant 0 : i32
      %cond3A_83 = arith.cmpi ne, %convert_element_type3A_81, %cond3A_82 : i32
      scf.if %cond3A_83 {
        %mul3A_137 = arith.constant 128 : i32
        %mul3A_138 = arith.muli %add3A_78, %mul3A_137 : i32
        %dma_wait3A_139 = arith.constant 0 : i32
        %dma_wait3A_140 = arith.constant 1 : i32
        %dma_wait3A_141 = arith.constant 0 : i32
        %dma_wait3A_142 = tpu.memref_slice %arg5[%dma_wait3A_140, %dma_wait3A_141] : memref<2x128xi32, #tpu.memory_space<vmem>> -> memref<1x128xi32, #tpu.memory_space<vmem>>
        %dma_wait3A_143 = tpu.memref_squeeze %dma_wait3A_142 : memref<1x128xi32, #tpu.memory_space<vmem>> -> memref<128xi32, #tpu.memory_space<vmem>>
        %dma_wait3A_144 = tpu.memref_slice %arg3[%dma_wait3A_139, %mul3A_138] : memref<2x320000xi32, #tpu.memory_space<hbm>> -> memref<1x128xi32, #tpu.memory_space<hbm>>
        %dma_wait3A_145 = tpu.memref_squeeze %dma_wait3A_144 : memref<1x128xi32, #tpu.memory_space<hbm>> -> memref<128xi32, #tpu.memory_space<hbm>>
        %dma_wait3A_146 = arith.constant 0 : i32
        %dma_wait3A_147 = tpu.memref_slice %arg5[%dma_wait3A_140, %dma_wait3A_146] : memref<2x128xi32, #tpu.memory_space<vmem>> -> memref<1x128xi32, #tpu.memory_space<vmem>>
        %dma_wait3A_148 = tpu.memref_squeeze %dma_wait3A_147 : memref<1x128xi32, #tpu.memory_space<vmem>> -> memref<128xi32, #tpu.memory_space<vmem>>
        %dma_wait3A_149 = tpu.memref_slice %arg3[%dma_wait3A_139, %mul3A_138] : memref<2x320000xi32, #tpu.memory_space<hbm>> -> memref<1x128xi32, #tpu.memory_space<hbm>>
        %dma_wait3A_150 = tpu.memref_squeeze %dma_wait3A_149 : memref<1x128xi32, #tpu.memory_space<hbm>> -> memref<128xi32, #tpu.memory_space<hbm>>
        tpu.wait_dma2 semaphore(%arg12 : memref<!tpu.dma_semaphore, #tpu.memory_space<semaphore_mem>>) src(%dma_wait3A_150 : memref<128xi32, #tpu.memory_space<hbm>>) dst(%dma_wait3A_148 : memref<128xi32, #tpu.memory_space<vmem>>)
        %mul3A_151 = arith.constant 128 : i32
        %mul3A_152 = arith.muli %add3A_78, %mul3A_151 : i32
        %dma_wait3A_153 = arith.constant 1 : i32
        %dma_wait3A_154 = arith.constant 1 : i32
        %dma_wait3A_155 = arith.constant 0 : i32
        %dma_wait3A_156 = tpu.memref_slice %arg6[%dma_wait3A_154, %dma_wait3A_155] : memref<2x128xi32, #tpu.memory_space<vmem>> -> memref<1x128xi32, #tpu.memory_space<vmem>>
        %dma_wait3A_157 = tpu.memref_squeeze %dma_wait3A_156 : memref<1x128xi32, #tpu.memory_space<vmem>> -> memref<128xi32, #tpu.memory_space<vmem>>
        %dma_wait3A_158 = tpu.memref_slice %arg3[%dma_wait3A_153, %mul3A_152] : memref<2x320000xi32, #tpu.memory_space<hbm>> -> memref<1x128xi32, #tpu.memory_space<hbm>>
        %dma_wait3A_159 = tpu.memref_squeeze %dma_wait3A_158 : memref<1x128xi32, #tpu.memory_space<hbm>> -> memref<128xi32, #tpu.memory_space<hbm>>
        %dma_wait3A_160 = arith.constant 0 : i32
        %dma_wait3A_161 = tpu.memref_slice %arg6[%dma_wait3A_154, %dma_wait3A_160] : memref<2x128xi32, #tpu.memory_space<vmem>> -> memref<1x128xi32, #tpu.memory_space<vmem>>
        %dma_wait3A_162 = tpu.memref_squeeze %dma_wait3A_161 : memref<1x128xi32, #tpu.memory_space<vmem>> -> memref<128xi32, #tpu.memory_space<vmem>>
        %dma_wait3A_163 = tpu.memref_slice %arg3[%dma_wait3A_153, %mul3A_152] : memref<2x320000xi32, #tpu.memory_space<hbm>> -> memref<1x128xi32, #tpu.memory_space<hbm>>
        %dma_wait3A_164 = tpu.memref_squeeze %dma_wait3A_163 : memref<1x128xi32, #tpu.memory_space<hbm>> -> memref<128xi32, #tpu.memory_space<hbm>>
        tpu.wait_dma2 semaphore(%arg14 : memref<!tpu.dma_semaphore, #tpu.memory_space<semaphore_mem>>) src(%dma_wait3A_164 : memref<128xi32, #tpu.memory_space<hbm>>) dst(%dma_wait3A_162 : memref<128xi32, #tpu.memory_space<vmem>>)
      } else {
      }
      %dma_start3A_84 = arith.constant 1 : i32
      %dma_start3A_85 = arith.constant 1 : i32
      %dma_start3A_86 = arith.constant 0 : i32
      %dma_start3A_87 = arith.constant 0 : i32
      %dma_start3A_88 = tpu.memref_slice %arg7[%dma_start3A_85, %dma_start3A_86, %dma_start3A_87] : memref<2x128x128xf32, #tpu.memory_space<vmem>> -> memref<1x128x128xf32, #tpu.memory_space<vmem>>
      %dma_start3A_89 = tpu.memref_squeeze %dma_start3A_88 : memref<1x128x128xf32, #tpu.memory_space<vmem>> -> memref<128x128xf32, #tpu.memory_space<vmem>>
      %dma_start3A_90 = arith.constant 0 : i32
      %dma_start3A_91 = tpu.memref_slice %arg5[%dma_start3A_84, %dma_start3A_90] : memref<2x128xi32, #tpu.memory_space<vmem>> -> memref<1x128xi32, #tpu.memory_space<vmem>>
      %dma_start3A_92 = tpu.memref_squeeze %dma_start3A_91 : memref<1x128xi32, #tpu.memory_space<vmem>> -> memref<128xi32, #tpu.memory_space<vmem>>
      %dma_start3A_93 = arith.constant 0 : i32
      %dma_start3A_94 = arith.constant 0 : i32
      %dma_start3A_95 = tpu.memref_slice %arg2[%dma_start3A_93, %dma_start3A_94] : memref<10000x128xf32, #tpu.memory_space<hbm>> -> memref<10000x128xf32, #tpu.memory_space<hbm>>
      tpu.enqueue_indirect_dma source(%dma_start3A_95 : memref<10000x128xf32, #tpu.memory_space<hbm>>) target(%dma_start3A_89 : memref<128x128xf32, #tpu.memory_space<vmem>>) offsets(%dma_start3A_92 : memref<128xi32, #tpu.memory_space<vmem>>) semaphore(%arg10 : memref<!tpu.dma_semaphore, #tpu.memory_space<semaphore_mem>>)
      %dma_wait3A = arith.constant 0 : i32
      %dma_wait3A_96 = arith.constant 0 : i32
      %dma_wait3A_97 = arith.constant 0 : i32
      %dma_wait3A_98 = arith.constant 0 : i32
      %dma_wait3A_99 = tpu.memref_slice %arg7[%dma_wait3A_96, %dma_wait3A_97, %dma_wait3A_98] : memref<2x128x128xf32, #tpu.memory_space<vmem>> -> memref<1x128x128xf32, #tpu.memory_space<vmem>>
      %dma_wait3A_100 = tpu.memref_squeeze %dma_wait3A_99 : memref<1x128x128xf32, #tpu.memory_space<vmem>> -> memref<128x128xf32, #tpu.memory_space<vmem>>
      %dma_wait3A_101 = arith.constant 0 : i32
      %dma_wait3A_102 = tpu.memref_slice %arg5[%dma_wait3A, %dma_wait3A_101] : memref<2x128xi32, #tpu.memory_space<vmem>> -> memref<1x128xi32, #tpu.memory_space<vmem>>
      %dma_wait3A_103 = tpu.memref_squeeze %dma_wait3A_102 : memref<1x128xi32, #tpu.memory_space<vmem>> -> memref<128xi32, #tpu.memory_space<vmem>>
      %dma_wait3A_104 = arith.constant 0 : i32
      %dma_wait3A_105 = arith.constant 0 : i32
      %dma_wait3A_106 = tpu.memref_slice %arg2[%dma_wait3A_104, %dma_wait3A_105] : memref<10000x128xf32, #tpu.memory_space<hbm>> -> memref<10000x128xf32, #tpu.memory_space<hbm>>
      tpu.wait_indirect_dma semaphore(%arg9 : memref<!tpu.dma_semaphore, #tpu.memory_space<semaphore_mem>>) src(%dma_wait3A_106 : memref<10000x128xf32, #tpu.memory_space<hbm>>) dst(%dma_wait3A_100 : memref<128x128xf32, #tpu.memory_space<vmem>>)
      %run_scoped3A = arith.constant 0 : i32
      %run_scoped3A_107 = arith.constant 0 : i32
      "tpu.region"() ({
        %run_scoped3A_137 = tpu.sem_alloc : memref<!tpu.dma_semaphore, #tpu.memory_space<semaphore_mem>>
        %dma_start3A_138 = arith.constant 0 : i32
        %dma_start3A_139 = arith.constant 0 : i32
        %dma_start3A_140 = tpu.memref_slice %arg7[%run_scoped3A, %dma_start3A_138, %dma_start3A_139] : memref<2x128x128xf32, #tpu.memory_space<vmem>> -> memref<1x128x128xf32, #tpu.memory_space<vmem>>
        %dma_start3A_141 = tpu.memref_squeeze %dma_start3A_140 : memref<1x128x128xf32, #tpu.memory_space<vmem>> -> memref<128x128xf32, #tpu.memory_space<vmem>>
        %dma_start3A_142 = arith.constant 0 : i32
        %dma_start3A_143 = tpu.memref_slice %arg6[%run_scoped3A_107, %dma_start3A_142] : memref<2x128xi32, #tpu.memory_space<vmem>> -> memref<1x128xi32, #tpu.memory_space<vmem>>
        %dma_start3A_144 = tpu.memref_squeeze %dma_start3A_143 : memref<1x128xi32, #tpu.memory_space<vmem>> -> memref<128xi32, #tpu.memory_space<vmem>>
        %dma_start3A_145 = arith.constant 0 : i32
        %dma_start3A_146 = arith.constant 0 : i32
        %dma_start3A_147 = tpu.memref_slice %arg8[%dma_start3A_145, %dma_start3A_146] : memref<10016x128xf32, #tpu.memory_space<vmem_shared>> -> memref<10016x128xf32, #tpu.memory_space<vmem_shared>>
        tpu.enqueue_indirect_dma source(%dma_start3A_141 : memref<128x128xf32, #tpu.memory_space<vmem>>) target(%dma_start3A_147 : memref<10016x128xf32, #tpu.memory_space<vmem_shared>>) offsets(%dma_start3A_144 : memref<128xi32, #tpu.memory_space<vmem>>) semaphore(%run_scoped3A_137 : memref<!tpu.dma_semaphore, #tpu.memory_space<semaphore_mem>>) {add = true}
        %dma_wait3A_148 = arith.constant 0 : i32
        %dma_wait3A_149 = arith.constant 0 : i32
        %dma_wait3A_150 = tpu.memref_slice %arg7[%run_scoped3A, %dma_wait3A_148, %dma_wait3A_149] : memref<2x128x128xf32, #tpu.memory_space<vmem>> -> memref<1x128x128xf32, #tpu.memory_space<vmem>>
        %dma_wait3A_151 = tpu.memref_squeeze %dma_wait3A_150 : memref<1x128x128xf32, #tpu.memory_space<vmem>> -> memref<128x128xf32, #tpu.memory_space<vmem>>
        %dma_wait3A_152 = arith.constant 0 : i32
        %dma_wait3A_153 = tpu.memref_slice %arg6[%run_scoped3A_107, %dma_wait3A_152] : memref<2x128xi32, #tpu.memory_space<vmem>> -> memref<1x128xi32, #tpu.memory_space<vmem>>
        %dma_wait3A_154 = tpu.memref_squeeze %dma_wait3A_153 : memref<1x128xi32, #tpu.memory_space<vmem>> -> memref<128xi32, #tpu.memory_space<vmem>>
        %dma_wait3A_155 = arith.constant 0 : i32
        %dma_wait3A_156 = arith.constant 0 : i32
        %dma_wait3A_157 = tpu.memref_slice %arg8[%dma_wait3A_155, %dma_wait3A_156] : memref<10016x128xf32, #tpu.memory_space<vmem_shared>> -> memref<10016x128xf32, #tpu.memory_space<vmem_shared>>
        tpu.wait_indirect_dma semaphore(%run_scoped3A_137 : memref<!tpu.dma_semaphore, #tpu.memory_space<semaphore_mem>>) src(%dma_wait3A_151 : memref<128x128xf32, #tpu.memory_space<vmem>>) dst(%dma_wait3A_157 : memref<10016x128xf32, #tpu.memory_space<vmem_shared>>)
        tpu.yield
      }) : () -> ()
      %add3A_108 = arith.constant 1 : i32
      %add3A_109 = arith.addi %scan3A_70, %add3A_108 : i32
      %lt3A_110 = arith.constant 40 : i32
      %lt3A_111 = arith.cmpi slt, %add3A_109, %lt3A_110 : i32
      %convert_element_type3A_112 = arith.extui %lt3A_111 : i1 to i32
      %cond3A_113 = arith.constant 0 : i32
      %cond3A_114 = arith.cmpi ne, %convert_element_type3A_112, %cond3A_113 : i32
      scf.if %cond3A_114 {
        %add3A_137 = arith.constant 2 : i32
        %add3A_138 = arith.addi %mul3A_73, %add3A_137 : i32
        %mul3A_139 = arith.constant 32 : i32
        %mul3A_140 = arith.muli %add3A_138, %mul3A_139 : i32
        %add3A_141 = arith.addi %mul3A_140, %add3A : i32
        %lt3A_142 = arith.constant 2500 : i32
        %lt3A_143 = arith.cmpi slt, %add3A_141, %lt3A_142 : i32
        %convert_element_type3A_144 = arith.extui %lt3A_143 : i1 to i32
        %cond3A_145 = arith.constant 0 : i32
        %cond3A_146 = arith.cmpi ne, %convert_element_type3A_144, %cond3A_145 : i32
        scf.if %cond3A_146 {
          %mul3A_152 = arith.constant 128 : i32
          %mul3A_153 = arith.muli %add3A_141, %mul3A_152 : i32
          %dma_start3A_154 = arith.constant 0 : i32
          %dma_start3A_155 = arith.constant 0 : i32
          %dma_start3A_156 = arith.constant 0 : i32
          %dma_start3A_157 = tpu.memref_slice %arg5[%dma_start3A_155, %dma_start3A_156] : memref<2x128xi32, #tpu.memory_space<vmem>> -> memref<1x128xi32, #tpu.memory_space<vmem>>
          %dma_start3A_158 = tpu.memref_squeeze %dma_start3A_157 : memref<1x128xi32, #tpu.memory_space<vmem>> -> memref<128xi32, #tpu.memory_space<vmem>>
          %dma_start3A_159 = tpu.memref_slice %arg3[%dma_start3A_154, %mul3A_153] : memref<2x320000xi32, #tpu.memory_space<hbm>> -> memref<1x128xi32, #tpu.memory_space<hbm>>
          %dma_start3A_160 = tpu.memref_squeeze %dma_start3A_159 : memref<1x128xi32, #tpu.memory_space<hbm>> -> memref<128xi32, #tpu.memory_space<hbm>>
          %dma_start3A_161 = arith.constant 0 : i32
          %dma_start3A_162 = tpu.memref_slice %arg5[%dma_start3A_155, %dma_start3A_161] : memref<2x128xi32, #tpu.memory_space<vmem>> -> memref<1x128xi32, #tpu.memory_space<vmem>>
          %dma_start3A_163 = tpu.memref_squeeze %dma_start3A_162 : memref<1x128xi32, #tpu.memory_space<vmem>> -> memref<128xi32, #tpu.memory_space<vmem>>
          %dma_start3A_164 = tpu.memref_slice %arg3[%dma_start3A_154, %mul3A_153] : memref<2x320000xi32, #tpu.memory_space<hbm>> -> memref<1x128xi32, #tpu.memory_space<hbm>>
          %dma_start3A_165 = tpu.memref_squeeze %dma_start3A_164 : memref<1x128xi32, #tpu.memory_space<hbm>> -> memref<128xi32, #tpu.memory_space<hbm>>
          tpu.enqueue_dma source(%dma_start3A_165 : memref<128xi32, #tpu.memory_space<hbm>>) target(%dma_start3A_163 : memref<128xi32, #tpu.memory_space<vmem>>) target_semaphore(%arg11 : memref<!tpu.dma_semaphore, #tpu.memory_space<semaphore_mem>>)
          %mul3A_166 = arith.constant 128 : i32
          %mul3A_167 = arith.muli %add3A_141, %mul3A_166 : i32
          %dma_start3A_168 = arith.constant 1 : i32
          %dma_start3A_169 = arith.constant 0 : i32
          %dma_start3A_170 = arith.constant 0 : i32
          %dma_start3A_171 = tpu.memref_slice %arg6[%dma_start3A_169, %dma_start3A_170] : memref<2x128xi32, #tpu.memory_space<vmem>> -> memref<1x128xi32, #tpu.memory_space<vmem>>
          %dma_start3A_172 = tpu.memref_squeeze %dma_start3A_171 : memref<1x128xi32, #tpu.memory_space<vmem>> -> memref<128xi32, #tpu.memory_space<vmem>>
          %dma_start3A_173 = tpu.memref_slice %arg3[%dma_start3A_168, %mul3A_167] : memref<2x320000xi32, #tpu.memory_space<hbm>> -> memref<1x128xi32, #tpu.memory_space<hbm>>
          %dma_start3A_174 = tpu.memref_squeeze %dma_start3A_173 : memref<1x128xi32, #tpu.memory_space<hbm>> -> memref<128xi32, #tpu.memory_space<hbm>>
          %dma_start3A_175 = arith.constant 0 : i32
          %dma_start3A_176 = tpu.memref_slice %arg6[%dma_start3A_169, %dma_start3A_175] : memref<2x128xi32, #tpu.memory_space<vmem>> -> memref<1x128xi32, #tpu.memory_space<vmem>>
          %dma_start3A_177 = tpu.memref_squeeze %dma_start3A_176 : memref<1x128xi32, #tpu.memory_space<vmem>> -> memref<128xi32, #tpu.memory_space<vmem>>
          %dma_start3A_178 = tpu.memref_slice %arg3[%dma_start3A_168, %mul3A_167] : memref<2x320000xi32, #tpu.memory_space<hbm>> -> memref<1x128xi32, #tpu.memory_space<hbm>>
          %dma_start3A_179 = tpu.memref_squeeze %dma_start3A_178 : memref<1x128xi32, #tpu.memory_space<hbm>> -> memref<128xi32, #tpu.memory_space<hbm>>
          tpu.enqueue_dma source(%dma_start3A_179 : memref<128xi32, #tpu.memory_space<hbm>>) target(%dma_start3A_177 : memref<128xi32, #tpu.memory_space<vmem>>) target_semaphore(%arg13 : memref<!tpu.dma_semaphore, #tpu.memory_space<semaphore_mem>>)
        } else {
        }
        %ge3A_147 = arith.constant 2500 : i32
        %ge3A_148 = arith.cmpi sge, %add3A_141, %ge3A_147 : i32
        %convert_element_type3A_149 = arith.extui %ge3A_148 : i1 to i32
        %cond3A_150 = arith.constant 0 : i32
        %cond3A_151 = arith.cmpi ne, %convert_element_type3A_149, %cond3A_150 : i32
        scf.if %cond3A_151 {
          %swap3A = arith.constant 0 : i32
          %swap3A_152 = arith.index_cast %swap3A : i32 to index
          %swap3A_153 = arith.constant 0 : index
          %swap3A_154 = tpu.vector_load %arg6[%swap3A_152, %swap3A_153] {strides = array<i32>} : memref<2x128xi32, #tpu.memory_space<vmem>>, vector<16xi32>,
          tpu.vector_store %arg6[%swap3A_152, %swap3A_153], %broadcast_in_dim3A_3 {strides = array<i32>} : memref<2x128xi32, #tpu.memory_space<vmem>>, vector<16xi32>,
          %swap3A_155 = arith.constant 0 : i32
          %swap3A_156 = arith.index_cast %swap3A_155 : i32 to index
          %swap3A_157 = arith.constant 16 : index
          %swap3A_158 = tpu.vector_load %arg6[%swap3A_156, %swap3A_157] {strides = array<i32>} : memref<2x128xi32, #tpu.memory_space<vmem>>, vector<16xi32>,
          tpu.vector_store %arg6[%swap3A_156, %swap3A_157], %broadcast_in_dim3A_3 {strides = array<i32>} : memref<2x128xi32, #tpu.memory_space<vmem>>, vector<16xi32>,
          %swap3A_159 = arith.constant 0 : i32
          %swap3A_160 = arith.index_cast %swap3A_159 : i32 to index
          %swap3A_161 = arith.constant 32 : index
          %swap3A_162 = tpu.vector_load %arg6[%swap3A_160, %swap3A_161] {strides = array<i32>} : memref<2x128xi32, #tpu.memory_space<vmem>>, vector<16xi32>,
          tpu.vector_store %arg6[%swap3A_160, %swap3A_161], %broadcast_in_dim3A_3 {strides = array<i32>} : memref<2x128xi32, #tpu.memory_space<vmem>>, vector<16xi32>,
          %swap3A_163 = arith.constant 0 : i32
          %swap3A_164 = arith.index_cast %swap3A_163 : i32 to index
          %swap3A_165 = arith.constant 48 : index
          %swap3A_166 = tpu.vector_load %arg6[%swap3A_164, %swap3A_165] {strides = array<i32>} : memref<2x128xi32, #tpu.memory_space<vmem>>, vector<16xi32>,
          tpu.vector_store %arg6[%swap3A_164, %swap3A_165], %broadcast_in_dim3A_3 {strides = array<i32>} : memref<2x128xi32, #tpu.memory_space<vmem>>, vector<16xi32>,
          %swap3A_167 = arith.constant 0 : i32
          %swap3A_168 = arith.index_cast %swap3A_167 : i32 to index
          %swap3A_169 = arith.constant 64 : index
          %swap3A_170 = tpu.vector_load %arg6[%swap3A_168, %swap3A_169] {strides = array<i32>} : memref<2x128xi32, #tpu.memory_space<vmem>>, vector<16xi32>,
          tpu.vector_store %arg6[%swap3A_168, %swap3A_169], %broadcast_in_dim3A_3 {strides = array<i32>} : memref<2x128xi32, #tpu.memory_space<vmem>>, vector<16xi32>,
          %swap3A_171 = arith.constant 0 : i32
          %swap3A_172 = arith.index_cast %swap3A_171 : i32 to index
          %swap3A_173 = arith.constant 80 : index
          %swap3A_174 = tpu.vector_load %arg6[%swap3A_172, %swap3A_173] {strides = array<i32>} : memref<2x128xi32, #tpu.memory_space<vmem>>, vector<16xi32>,
          tpu.vector_store %arg6[%swap3A_172, %swap3A_173], %broadcast_in_dim3A_3 {strides = array<i32>} : memref<2x128xi32, #tpu.memory_space<vmem>>, vector<16xi32>,
          %swap3A_175 = arith.constant 0 : i32
          %swap3A_176 = arith.index_cast %swap3A_175 : i32 to index
          %swap3A_177 = arith.constant 96 : index
          %swap3A_178 = tpu.vector_load %arg6[%swap3A_176, %swap3A_177] {strides = array<i32>} : memref<2x128xi32, #tpu.memory_space<vmem>>, vector<16xi32>,
          tpu.vector_store %arg6[%swap3A_176, %swap3A_177], %broadcast_in_dim3A_3 {strides = array<i32>} : memref<2x128xi32, #tpu.memory_space<vmem>>, vector<16xi32>,
          %swap3A_179 = arith.constant 0 : i32
          %swap3A_180 = arith.index_cast %swap3A_179 : i32 to index
          %swap3A_181 = arith.constant 112 : index
          %swap3A_182 = tpu.vector_load %arg6[%swap3A_180, %swap3A_181] {strides = array<i32>} : memref<2x128xi32, #tpu.memory_space<vmem>>, vector<16xi32>,
          tpu.vector_store %arg6[%swap3A_180, %swap3A_181], %broadcast_in_dim3A_3 {strides = array<i32>} : memref<2x128xi32, #tpu.memory_space<vmem>>, vector<16xi32>,
        } else {
        }
      } else {
      }
      %dma_wait3A_115 = arith.constant 1 : i32
      %dma_wait3A_116 = arith.constant 1 : i32
      %dma_wait3A_117 = arith.constant 0 : i32
      %dma_wait3A_118 = arith.constant 0 : i32
      %dma_wait3A_119 = tpu.memref_slice %arg7[%dma_wait3A_116, %dma_wait3A_117, %dma_wait3A_118] : memref<2x128x128xf32, #tpu.memory_space<vmem>> -> memref<1x128x128xf32, #tpu.memory_space<vmem>>
      %dma_wait3A_120 = tpu.memref_squeeze %dma_wait3A_119 : memref<1x128x128xf32, #tpu.memory_space<vmem>> -> memref<128x128xf32, #tpu.memory_space<vmem>>
      %dma_wait3A_121 = arith.constant 0 : i32
      %dma_wait3A_122 = tpu.memref_slice %arg5[%dma_wait3A_115, %dma_wait3A_121] : memref<2x128xi32, #tpu.memory_space<vmem>> -> memref<1x128xi32, #tpu.memory_space<vmem>>
      %dma_wait3A_123 = tpu.memref_squeeze %dma_wait3A_122 : memref<1x128xi32, #tpu.memory_space<vmem>> -> memref<128xi32, #tpu.memory_space<vmem>>
      %dma_wait3A_124 = arith.constant 0 : i32
      %dma_wait3A_125 = arith.constant 0 : i32
      %dma_wait3A_126 = tpu.memref_slice %arg2[%dma_wait3A_124, %dma_wait3A_125] : memref<10000x128xf32, #tpu.memory_space<hbm>> -> memref<10000x128xf32, #tpu.memory_space<hbm>>
      tpu.wait_indirect_dma semaphore(%arg10 : memref<!tpu.dma_semaphore, #tpu.memory_space<semaphore_mem>>) src(%dma_wait3A_126 : memref<10000x128xf32, #tpu.memory_space<hbm>>) dst(%dma_wait3A_120 : memref<128x128xf32, #tpu.memory_space<vmem>>)
      %run_scoped3A_127 = arith.constant 1 : i32
      %run_scoped3A_128 = arith.constant 1 : i32
      "tpu.region"() ({
        %run_scoped3A_137 = tpu.sem_alloc : memref<!tpu.dma_semaphore, #tpu.memory_space<semaphore_mem>>
        %dma_start3A_138 = arith.constant 0 : i32
        %dma_start3A_139 = arith.constant 0 : i32
        %dma_start3A_140 = tpu.memref_slice %arg7[%run_scoped3A_127, %dma_start3A_138, %dma_start3A_139] : memref<2x128x128xf32, #tpu.memory_space<vmem>> -> memref<1x128x128xf32, #tpu.memory_space<vmem>>
        %dma_start3A_141 = tpu.memref_squeeze %dma_start3A_140 : memref<1x128x128xf32, #tpu.memory_space<vmem>> -> memref<128x128xf32, #tpu.memory_space<vmem>>
        %dma_start3A_142 = arith.constant 0 : i32
        %dma_start3A_143 = tpu.memref_slice %arg6[%run_scoped3A_128, %dma_start3A_142] : memref<2x128xi32, #tpu.memory_space<vmem>> -> memref<1x128xi32, #tpu.memory_space<vmem>>
        %dma_start3A_144 = tpu.memref_squeeze %dma_start3A_143 : memref<1x128xi32, #tpu.memory_space<vmem>> -> memref<128xi32, #tpu.memory_space<vmem>>
        %dma_start3A_145 = arith.constant 0 : i32
        %dma_start3A_146 = arith.constant 0 : i32
        %dma_start3A_147 = tpu.memref_slice %arg8[%dma_start3A_145, %dma_start3A_146] : memref<10016x128xf32, #tpu.memory_space<vmem_shared>> -> memref<10016x128xf32, #tpu.memory_space<vmem_shared>>
        tpu.enqueue_indirect_dma source(%dma_start3A_141 : memref<128x128xf32, #tpu.memory_space<vmem>>) target(%dma_start3A_147 : memref<10016x128xf32, #tpu.memory_space<vmem_shared>>) offsets(%dma_start3A_144 : memref<128xi32, #tpu.memory_space<vmem>>) semaphore(%run_scoped3A_137 : memref<!tpu.dma_semaphore, #tpu.memory_space<semaphore_mem>>) {add = true}
        %dma_wait3A_148 = arith.constant 0 : i32
        %dma_wait3A_149 = arith.constant 0 : i32
        %dma_wait3A_150 = tpu.memref_slice %arg7[%run_scoped3A_127, %dma_wait3A_148, %dma_wait3A_149] : memref<2x128x128xf32, #tpu.memory_space<vmem>> -> memref<1x128x128xf32, #tpu.memory_space<vmem>>
        %dma_wait3A_151 = tpu.memref_squeeze %dma_wait3A_150 : memref<1x128x128xf32, #tpu.memory_space<vmem>> -> memref<128x128xf32, #tpu.memory_space<vmem>>
        %dma_wait3A_152 = arith.constant 0 : i32
        %dma_wait3A_153 = tpu.memref_slice %arg6[%run_scoped3A_128, %dma_wait3A_152] : memref<2x128xi32, #tpu.memory_space<vmem>> -> memref<1x128xi32, #tpu.memory_space<vmem>>
        %dma_wait3A_154 = tpu.memref_squeeze %dma_wait3A_153 : memref<1x128xi32, #tpu.memory_space<vmem>> -> memref<128xi32, #tpu.memory_space<vmem>>
        %dma_wait3A_155 = arith.constant 0 : i32
        %dma_wait3A_156 = arith.constant 0 : i32
        %dma_wait3A_157 = tpu.memref_slice %arg8[%dma_wait3A_155, %dma_wait3A_156] : memref<10016x128xf32, #tpu.memory_space<vmem_shared>> -> memref<10016x128xf32, #tpu.memory_space<vmem_shared>>
        tpu.wait_indirect_dma semaphore(%run_scoped3A_137 : memref<!tpu.dma_semaphore, #tpu.memory_space<semaphore_mem>>) src(%dma_wait3A_151 : memref<128x128xf32, #tpu.memory_space<vmem>>) dst(%dma_wait3A_157 : memref<10016x128xf32, #tpu.memory_space<vmem_shared>>)
        tpu.yield
      }) : () -> ()
      %add3A_129 = arith.constant 1 : i32
      %add3A_130 = arith.addi %scan3A_70, %add3A_129 : i32
      %lt3A_131 = arith.constant 40 : i32
      %lt3A_132 = arith.cmpi slt, %add3A_130, %lt3A_131 : i32
      %convert_element_type3A_133 = arith.extui %lt3A_132 : i1 to i32
      %cond3A_134 = arith.constant 0 : i32
      %cond3A_135 = arith.cmpi ne, %convert_element_type3A_133, %cond3A_134 : i32
      scf.if %cond3A_135 {
        %add3A_137 = arith.constant 2 : i32
        %add3A_138 = arith.addi %mul3A_73, %add3A_137 : i32
        %mul3A_139 = arith.constant 32 : i32
        %mul3A_140 = arith.muli %add3A_138, %mul3A_139 : i32
        %add3A_141 = arith.addi %mul3A_140, %add3A : i32
        %lt3A_142 = arith.constant 2500 : i32
        %lt3A_143 = arith.cmpi slt, %add3A_141, %lt3A_142 : i32
        %convert_element_type3A_144 = arith.extui %lt3A_143 : i1 to i32
        %cond3A_145 = arith.constant 0 : i32
        %cond3A_146 = arith.cmpi ne, %convert_element_type3A_144, %cond3A_145 : i32
        scf.if %cond3A_146 {
          %mul3A_174 = arith.constant 128 : i32
          %mul3A_175 = arith.muli %add3A_141, %mul3A_174 : i32
          %dma_wait3A_176 = arith.constant 0 : i32
          %dma_wait3A_177 = arith.constant 0 : i32
          %dma_wait3A_178 = arith.constant 0 : i32
          %dma_wait3A_179 = tpu.memref_slice %arg5[%dma_wait3A_177, %dma_wait3A_178] : memref<2x128xi32, #tpu.memory_space<vmem>> -> memref<1x128xi32, #tpu.memory_space<vmem>>
          %dma_wait3A_180 = tpu.memref_squeeze %dma_wait3A_179 : memref<1x128xi32, #tpu.memory_space<vmem>> -> memref<128xi32, #tpu.memory_space<vmem>>
          %dma_wait3A_181 = tpu.memref_slice %arg3[%dma_wait3A_176, %mul3A_175] : memref<2x320000xi32, #tpu.memory_space<hbm>> -> memref<1x128xi32, #tpu.memory_space<hbm>>
          %dma_wait3A_182 = tpu.memref_squeeze %dma_wait3A_181 : memref<1x128xi32, #tpu.memory_space<hbm>> -> memref<128xi32, #tpu.memory_space<hbm>>
          %dma_wait3A_183 = arith.constant 0 : i32
          %dma_wait3A_184 = tpu.memref_slice %arg5[%dma_wait3A_177, %dma_wait3A_183] : memref<2x128xi32, #tpu.memory_space<vmem>> -> memref<1x128xi32, #tpu.memory_space<vmem>>
          %dma_wait3A_185 = tpu.memref_squeeze %dma_wait3A_184 : memref<1x128xi32, #tpu.memory_space<vmem>> -> memref<128xi32, #tpu.memory_space<vmem>>
          %dma_wait3A_186 = tpu.memref_slice %arg3[%dma_wait3A_176, %mul3A_175] : memref<2x320000xi32, #tpu.memory_space<hbm>> -> memref<1x128xi32, #tpu.memory_space<hbm>>
          %dma_wait3A_187 = tpu.memref_squeeze %dma_wait3A_186 : memref<1x128xi32, #tpu.memory_space<hbm>> -> memref<128xi32, #tpu.memory_space<hbm>>
          tpu.wait_dma2 semaphore(%arg11 : memref<!tpu.dma_semaphore, #tpu.memory_space<semaphore_mem>>) src(%dma_wait3A_187 : memref<128xi32, #tpu.memory_space<hbm>>) dst(%dma_wait3A_185 : memref<128xi32, #tpu.memory_space<vmem>>)
          %mul3A_188 = arith.constant 128 : i32
          %mul3A_189 = arith.muli %add3A_141, %mul3A_188 : i32
          %dma_wait3A_190 = arith.constant 1 : i32
          %dma_wait3A_191 = arith.constant 0 : i32
          %dma_wait3A_192 = arith.constant 0 : i32
          %dma_wait3A_193 = tpu.memref_slice %arg6[%dma_wait3A_191, %dma_wait3A_192] : memref<2x128xi32, #tpu.memory_space<vmem>> -> memref<1x128xi32, #tpu.memory_space<vmem>>
          %dma_wait3A_194 = tpu.memref_squeeze %dma_wait3A_193 : memref<1x128xi32, #tpu.memory_space<vmem>> -> memref<128xi32, #tpu.memory_space<vmem>>
          %dma_wait3A_195 = tpu.memref_slice %arg3[%dma_wait3A_190, %mul3A_189] : memref<2x320000xi32, #tpu.memory_space<hbm>> -> memref<1x128xi32, #tpu.memory_space<hbm>>
          %dma_wait3A_196 = tpu.memref_squeeze %dma_wait3A_195 : memref<1x128xi32, #tpu.memory_space<hbm>> -> memref<128xi32, #tpu.memory_space<hbm>>
          %dma_wait3A_197 = arith.constant 0 : i32
          %dma_wait3A_198 = tpu.memref_slice %arg6[%dma_wait3A_191, %dma_wait3A_197] : memref<2x128xi32, #tpu.memory_space<vmem>> -> memref<1x128xi32, #tpu.memory_space<vmem>>
          %dma_wait3A_199 = tpu.memref_squeeze %dma_wait3A_198 : memref<1x128xi32, #tpu.memory_space<vmem>> -> memref<128xi32, #tpu.memory_space<vmem>>
          %dma_wait3A_200 = tpu.memref_slice %arg3[%dma_wait3A_190, %mul3A_189] : memref<2x320000xi32, #tpu.memory_space<hbm>> -> memref<1x128xi32, #tpu.memory_space<hbm>>
          %dma_wait3A_201 = tpu.memref_squeeze %dma_wait3A_200 : memref<1x128xi32, #tpu.memory_space<hbm>> -> memref<128xi32, #tpu.memory_space<hbm>>
          tpu.wait_dma2 semaphore(%arg13 : memref<!tpu.dma_semaphore, #tpu.memory_space<semaphore_mem>>) src(%dma_wait3A_201 : memref<128xi32, #tpu.memory_space<hbm>>) dst(%dma_wait3A_199 : memref<128xi32, #tpu.memory_space<vmem>>)
        } else {
        }
        %dma_start3A_147 = arith.constant 0 : i32
        %dma_start3A_148 = arith.constant 0 : i32
        %dma_start3A_149 = arith.constant 0 : i32
        %dma_start3A_150 = arith.constant 0 : i32
        %dma_start3A_151 = tpu.memref_slice %arg7[%dma_start3A_148, %dma_start3A_149, %dma_start3A_150] : memref<2x128x128xf32, #tpu.memory_space<vmem>> -> memref<1x128x128xf32, #tpu.memory_space<vmem>>
        %dma_start3A_152 = tpu.memref_squeeze %dma_start3A_151 : memref<1x128x128xf32, #tpu.memory_space<vmem>> -> memref<128x128xf32, #tpu.memory_space<vmem>>
        %dma_start3A_153 = arith.constant 0 : i32
        %dma_start3A_154 = tpu.memref_slice %arg5[%dma_start3A_147, %dma_start3A_153] : memref<2x128xi32, #tpu.memory_space<vmem>> -> memref<1x128xi32, #tpu.memory_space<vmem>>
        %dma_start3A_155 = tpu.memref_squeeze %dma_start3A_154 : memref<1x128xi32, #tpu.memory_space<vmem>> -> memref<128xi32, #tpu.memory_space<vmem>>
        %dma_start3A_156 = arith.constant 0 : i32
        %dma_start3A_157 = arith.constant 0 : i32
        %dma_start3A_158 = tpu.memref_slice %arg2[%dma_start3A_156, %dma_start3A_157] : memref<10000x128xf32, #tpu.memory_space<hbm>> -> memref<10000x128xf32, #tpu.memory_space<hbm>>
        tpu.enqueue_indirect_dma source(%dma_start3A_158 : memref<10000x128xf32, #tpu.memory_space<hbm>>) target(%dma_start3A_152 : memref<128x128xf32, #tpu.memory_space<vmem>>) offsets(%dma_start3A_155 : memref<128xi32, #tpu.memory_space<vmem>>) semaphore(%arg9 : memref<!tpu.dma_semaphore, #tpu.memory_space<semaphore_mem>>)
        %add3A_159 = arith.constant 3 : i32
        %add3A_160 = arith.addi %mul3A_73, %add3A_159 : i32
        %mul3A_161 = arith.constant 32 : i32
        %mul3A_162 = arith.muli %add3A_160, %mul3A_161 : i32
        %add3A_163 = arith.addi %mul3A_162, %add3A : i32
        %lt3A_164 = arith.constant 2500 : i32
        %lt3A_165 = arith.cmpi slt, %add3A_163, %lt3A_164 : i32
        %convert_element_type3A_166 = arith.extui %lt3A_165 : i1 to i32
        %cond3A_167 = arith.constant 0 : i32
        %cond3A_168 = arith.cmpi ne, %convert_element_type3A_166, %cond3A_167 : i32
        scf.if %cond3A_168 {
          %mul3A_174 = arith.constant 128 : i32
          %mul3A_175 = arith.muli %add3A_163, %mul3A_174 : i32
          %dma_start3A_176 = arith.constant 0 : i32
          %dma_start3A_177 = arith.constant 1 : i32
          %dma_start3A_178 = arith.constant 0 : i32
          %dma_start3A_179 = tpu.memref_slice %arg5[%dma_start3A_177, %dma_start3A_178] : memref<2x128xi32, #tpu.memory_space<vmem>> -> memref<1x128xi32, #tpu.memory_space<vmem>>
          %dma_start3A_180 = tpu.memref_squeeze %dma_start3A_179 : memref<1x128xi32, #tpu.memory_space<vmem>> -> memref<128xi32, #tpu.memory_space<vmem>>
          %dma_start3A_181 = tpu.memref_slice %arg3[%dma_start3A_176, %mul3A_175] : memref<2x320000xi32, #tpu.memory_space<hbm>> -> memref<1x128xi32, #tpu.memory_space<hbm>>
          %dma_start3A_182 = tpu.memref_squeeze %dma_start3A_181 : memref<1x128xi32, #tpu.memory_space<hbm>> -> memref<128xi32, #tpu.memory_space<hbm>>
          %dma_start3A_183 = arith.constant 0 : i32
          %dma_start3A_184 = tpu.memref_slice %arg5[%dma_start3A_177, %dma_start3A_183] : memref<2x128xi32, #tpu.memory_space<vmem>> -> memref<1x128xi32, #tpu.memory_space<vmem>>
          %dma_start3A_185 = tpu.memref_squeeze %dma_start3A_184 : memref<1x128xi32, #tpu.memory_space<vmem>> -> memref<128xi32, #tpu.memory_space<vmem>>
          %dma_start3A_186 = tpu.memref_slice %arg3[%dma_start3A_176, %mul3A_175] : memref<2x320000xi32, #tpu.memory_space<hbm>> -> memref<1x128xi32, #tpu.memory_space<hbm>>
          %dma_start3A_187 = tpu.memref_squeeze %dma_start3A_186 : memref<1x128xi32, #tpu.memory_space<hbm>> -> memref<128xi32, #tpu.memory_space<hbm>>
          tpu.enqueue_dma source(%dma_start3A_187 : memref<128xi32, #tpu.memory_space<hbm>>) target(%dma_start3A_185 : memref<128xi32, #tpu.memory_space<vmem>>) target_semaphore(%arg12 : memref<!tpu.dma_semaphore, #tpu.memory_space<semaphore_mem>>)
          %mul3A_188 = arith.constant 128 : i32
          %mul3A_189 = arith.muli %add3A_163, %mul3A_188 : i32
          %dma_start3A_190 = arith.constant 1 : i32
          %dma_start3A_191 = arith.constant 1 : i32
          %dma_start3A_192 = arith.constant 0 : i32
          %dma_start3A_193 = tpu.memref_slice %arg6[%dma_start3A_191, %dma_start3A_192] : memref<2x128xi32, #tpu.memory_space<vmem>> -> memref<1x128xi32, #tpu.memory_space<vmem>>
          %dma_start3A_194 = tpu.memref_squeeze %dma_start3A_193 : memref<1x128xi32, #tpu.memory_space<vmem>> -> memref<128xi32, #tpu.memory_space<vmem>>
          %dma_start3A_195 = tpu.memref_slice %arg3[%dma_start3A_190, %mul3A_189] : memref<2x320000xi32, #tpu.memory_space<hbm>> -> memref<1x128xi32, #tpu.memory_space<hbm>>
          %dma_start3A_196 = tpu.memref_squeeze %dma_start3A_195 : memref<1x128xi32, #tpu.memory_space<hbm>> -> memref<128xi32, #tpu.memory_space<hbm>>
          %dma_start3A_197 = arith.constant 0 : i32
          %dma_start3A_198 = tpu.memref_slice %arg6[%dma_start3A_191, %dma_start3A_197] : memref<2x128xi32, #tpu.memory_space<vmem>> -> memref<1x128xi32, #tpu.memory_space<vmem>>
          %dma_start3A_199 = tpu.memref_squeeze %dma_start3A_198 : memref<1x128xi32, #tpu.memory_space<vmem>> -> memref<128xi32, #tpu.memory_space<vmem>>
          %dma_start3A_200 = tpu.memref_slice %arg3[%dma_start3A_190, %mul3A_189] : memref<2x320000xi32, #tpu.memory_space<hbm>> -> memref<1x128xi32, #tpu.memory_space<hbm>>
          %dma_start3A_201 = tpu.memref_squeeze %dma_start3A_200 : memref<1x128xi32, #tpu.memory_space<hbm>> -> memref<128xi32, #tpu.memory_space<hbm>>
          tpu.enqueue_dma source(%dma_start3A_201 : memref<128xi32, #tpu.memory_space<hbm>>) target(%dma_start3A_199 : memref<128xi32, #tpu.memory_space<vmem>>) target_semaphore(%arg14 : memref<!tpu.dma_semaphore, #tpu.memory_space<semaphore_mem>>)
        } else {
        }
        %ge3A_169 = arith.constant 2500 : i32
        %ge3A_170 = arith.cmpi sge, %add3A_163, %ge3A_169 : i32
        %convert_element_type3A_171 = arith.extui %ge3A_170 : i1 to i32
        %cond3A_172 = arith.constant 0 : i32
        %cond3A_173 = arith.cmpi ne, %convert_element_type3A_171, %cond3A_172 : i32
        scf.if %cond3A_173 {
          %swap3A = arith.constant 1 : i32
          %swap3A_174 = arith.index_cast %swap3A : i32 to index
          %swap3A_175 = arith.constant 0 : index
          %swap3A_176 = tpu.vector_load %arg6[%swap3A_174, %swap3A_175] {strides = array<i32>} : memref<2x128xi32, #tpu.memory_space<vmem>>, vector<16xi32>,
          tpu.vector_store %arg6[%swap3A_174, %swap3A_175], %broadcast_in_dim3A_3 {strides = array<i32>} : memref<2x128xi32, #tpu.memory_space<vmem>>, vector<16xi32>,
          %swap3A_177 = arith.constant 1 : i32
          %swap3A_178 = arith.index_cast %swap3A_177 : i32 to index
          %swap3A_179 = arith.constant 16 : index
          %swap3A_180 = tpu.vector_load %arg6[%swap3A_178, %swap3A_179] {strides = array<i32>} : memref<2x128xi32, #tpu.memory_space<vmem>>, vector<16xi32>,
          tpu.vector_store %arg6[%swap3A_178, %swap3A_179], %broadcast_in_dim3A_3 {strides = array<i32>} : memref<2x128xi32, #tpu.memory_space<vmem>>, vector<16xi32>,
          %swap3A_181 = arith.constant 1 : i32
          %swap3A_182 = arith.index_cast %swap3A_181 : i32 to index
          %swap3A_183 = arith.constant 32 : index
          %swap3A_184 = tpu.vector_load %arg6[%swap3A_182, %swap3A_183] {strides = array<i32>} : memref<2x128xi32, #tpu.memory_space<vmem>>, vector<16xi32>,
          tpu.vector_store %arg6[%swap3A_182, %swap3A_183], %broadcast_in_dim3A_3 {strides = array<i32>} : memref<2x128xi32, #tpu.memory_space<vmem>>, vector<16xi32>,
          %swap3A_185 = arith.constant 1 : i32
          %swap3A_186 = arith.index_cast %swap3A_185 : i32 to index
          %swap3A_187 = arith.constant 48 : index
          %swap3A_188 = tpu.vector_load %arg6[%swap3A_186, %swap3A_187] {strides = array<i32>} : memref<2x128xi32, #tpu.memory_space<vmem>>, vector<16xi32>,
          tpu.vector_store %arg6[%swap3A_186, %swap3A_187], %broadcast_in_dim3A_3 {strides = array<i32>} : memref<2x128xi32, #tpu.memory_space<vmem>>, vector<16xi32>,
          %swap3A_189 = arith.constant 1 : i32
          %swap3A_190 = arith.index_cast %swap3A_189 : i32 to index
          %swap3A_191 = arith.constant 64 : index
          %swap3A_192 = tpu.vector_load %arg6[%swap3A_190, %swap3A_191] {strides = array<i32>} : memref<2x128xi32, #tpu.memory_space<vmem>>, vector<16xi32>,
          tpu.vector_store %arg6[%swap3A_190, %swap3A_191], %broadcast_in_dim3A_3 {strides = array<i32>} : memref<2x128xi32, #tpu.memory_space<vmem>>, vector<16xi32>,
          %swap3A_193 = arith.constant 1 : i32
          %swap3A_194 = arith.index_cast %swap3A_193 : i32 to index
          %swap3A_195 = arith.constant 80 : index
          %swap3A_196 = tpu.vector_load %arg6[%swap3A_194, %swap3A_195] {strides = array<i32>} : memref<2x128xi32, #tpu.memory_space<vmem>>, vector<16xi32>,
          tpu.vector_store %arg6[%swap3A_194, %swap3A_195], %broadcast_in_dim3A_3 {strides = array<i32>} : memref<2x128xi32, #tpu.memory_space<vmem>>, vector<16xi32>,
          %swap3A_197 = arith.constant 1 : i32
          %swap3A_198 = arith.index_cast %swap3A_197 : i32 to index
          %swap3A_199 = arith.constant 96 : index
          %swap3A_200 = tpu.vector_load %arg6[%swap3A_198, %swap3A_199] {strides = array<i32>} : memref<2x128xi32, #tpu.memory_space<vmem>>, vector<16xi32>,
          tpu.vector_store %arg6[%swap3A_198, %swap3A_199], %broadcast_in_dim3A_3 {strides = array<i32>} : memref<2x128xi32, #tpu.memory_space<vmem>>, vector<16xi32>,
          %swap3A_201 = arith.constant 1 : i32
          %swap3A_202 = arith.index_cast %swap3A_201 : i32 to index
          %swap3A_203 = arith.constant 112 : index
          %swap3A_204 = tpu.vector_load %arg6[%swap3A_202, %swap3A_203] {strides = array<i32>} : memref<2x128xi32, #tpu.memory_space<vmem>>, vector<16xi32>,
          tpu.vector_store %arg6[%swap3A_202, %swap3A_203], %broadcast_in_dim3A_3 {strides = array<i32>} : memref<2x128xi32, #tpu.memory_space<vmem>>, vector<16xi32>,
        } else {
        }
      } else {
      }
      %scan3A_136 = arith.constant 0 : i32
      scf.yield %scan3A_136 : i32
    }
    %scan3A_61 = arith.constant 40 : i32
    %barrier3A_62 = arith.constant 0 : index
    tpu.barrier barrier_id(%barrier3A_62)
    %scan3A_63 = arith.constant 0 : i32
    %scan3A_64 = arith.constant 0 : i32
    %scan3A_65 = arith.constant 40 : i32
    %scan3A_66 = arith.addi %scan3A_64, %scan3A_65 : i32
    %scan3A_67 = arith.constant 1 : i32
    %scan3A_68 = scf.for %scan3A_70 = %scan3A_64 to %scan3A_66 step %scan3A_67 iter_args(%scan3A_71 = %scan3A_63) -> (i32)  : i32 {
      %mul3A_72 = arith.constant 16 : i32
      %mul3A_73 = arith.muli %scan3A_70, %mul3A_72 : i32
      %add3A_74 = arith.addi %mul3A_73, %arg1 : i32
      %lt3A_75 = arith.constant 625 : i32
      %lt3A_76 = arith.cmpi slt, %add3A_74, %lt3A_75 : i32
      %convert_element_type3A_77 = arith.extui %lt3A_76 : i1 to i32
      %cond3A_78 = arith.constant 0 : i32
      %cond3A_79 = arith.cmpi ne, %convert_element_type3A_77, %cond3A_78 : i32
      scf.if %cond3A_79 {
        %mul3A_81 = arith.constant 16 : i32
        %mul3A_82 = arith.muli %add3A_74, %mul3A_81 : i32
        %run_scoped3A = arith.constant 0 : i32
        "tpu.region"() ({
          %run_scoped3A_84 = tpu.sem_alloc : memref<!tpu.dma_semaphore, #tpu.memory_space<semaphore_mem>>
          %dma_start3A_85 = arith.constant 0 : i32
          %dma_start3A_86 = arith.constant 0 : i32
          %dma_start3A_87 = tpu.memref_slice %arg7[%run_scoped3A, %dma_start3A_85, %dma_start3A_86] : memref<2x128x128xf32, #tpu.memory_space<vmem>> -> memref<1x16x128xf32, #tpu.memory_space<vmem>>
          %dma_start3A_88 = tpu.memref_squeeze %dma_start3A_87 : memref<1x16x128xf32, #tpu.memory_space<vmem>> -> memref<16x128xf32, #tpu.memory_space<vmem>>
          %dma_start3A_89 = arith.constant 0 : i32
          %dma_start3A_90 = tpu.memref_slice %arg8[%mul3A_82, %dma_start3A_89] : memref<10016x128xf32, #tpu.memory_space<vmem_shared>> -> memref<16x128xf32, #tpu.memory_space<vmem_shared>>
          %dma_start3A_91 = arith.constant 0 : i32
          %dma_start3A_92 = arith.constant 0 : i32
          %dma_start3A_93 = tpu.memref_slice %arg7[%run_scoped3A, %dma_start3A_91, %dma_start3A_92] : memref<2x128x128xf32, #tpu.memory_space<vmem>> -> memref<1x16x128xf32, #tpu.memory_space<vmem>>
          %dma_start3A_94 = tpu.memref_squeeze %dma_start3A_93 : memref<1x16x128xf32, #tpu.memory_space<vmem>> -> memref<16x128xf32, #tpu.memory_space<vmem>>
          %dma_start3A_95 = arith.constant 0 : i32
          %dma_start3A_96 = tpu.memref_slice %arg8[%mul3A_82, %dma_start3A_95] : memref<10016x128xf32, #tpu.memory_space<vmem_shared>> -> memref<16x128xf32, #tpu.memory_space<vmem_shared>>
          tpu.enqueue_dma source(%dma_start3A_96 : memref<16x128xf32, #tpu.memory_space<vmem_shared>>) target(%dma_start3A_94 : memref<16x128xf32, #tpu.memory_space<vmem>>) target_semaphore(%run_scoped3A_84 : memref<!tpu.dma_semaphore, #tpu.memory_space<semaphore_mem>>)
          %dma_wait3A = arith.constant 0 : i32
          %dma_wait3A_97 = arith.constant 0 : i32
          %dma_wait3A_98 = tpu.memref_slice %arg7[%run_scoped3A, %dma_wait3A, %dma_wait3A_97] : memref<2x128x128xf32, #tpu.memory_space<vmem>> -> memref<1x16x128xf32, #tpu.memory_space<vmem>>
          %dma_wait3A_99 = tpu.memref_squeeze %dma_wait3A_98 : memref<1x16x128xf32, #tpu.memory_space<vmem>> -> memref<16x128xf32, #tpu.memory_space<vmem>>
          %dma_wait3A_100 = arith.constant 0 : i32
          %dma_wait3A_101 = tpu.memref_slice %arg8[%mul3A_82, %dma_wait3A_100] : memref<10016x128xf32, #tpu.memory_space<vmem_shared>> -> memref<16x128xf32, #tpu.memory_space<vmem_shared>>
          %dma_wait3A_102 = arith.constant 0 : i32
          %dma_wait3A_103 = arith.constant 0 : i32
          %dma_wait3A_104 = tpu.memref_slice %arg7[%run_scoped3A, %dma_wait3A_102, %dma_wait3A_103] : memref<2x128x128xf32, #tpu.memory_space<vmem>> -> memref<1x16x128xf32, #tpu.memory_space<vmem>>
          %dma_wait3A_105 = tpu.memref_squeeze %dma_wait3A_104 : memref<1x16x128xf32, #tpu.memory_space<vmem>> -> memref<16x128xf32, #tpu.memory_space<vmem>>
          %dma_wait3A_106 = arith.constant 0 : i32
          %dma_wait3A_107 = tpu.memref_slice %arg8[%mul3A_82, %dma_wait3A_106] : memref<10016x128xf32, #tpu.memory_space<vmem_shared>> -> memref<16x128xf32, #tpu.memory_space<vmem_shared>>
          tpu.wait_dma2 semaphore(%run_scoped3A_84 : memref<!tpu.dma_semaphore, #tpu.memory_space<semaphore_mem>>) src(%dma_wait3A_107 : memref<16x128xf32, #tpu.memory_space<vmem_shared>>) dst(%dma_wait3A_105 : memref<16x128xf32, #tpu.memory_space<vmem>>)
          tpu.yield
        }) : () -> ()
        %run_scoped3A_83 = arith.constant 0 : i32
        "tpu.region"() ({
          %run_scoped3A_84 = tpu.sem_alloc : memref<!tpu.dma_semaphore, #tpu.memory_space<semaphore_mem>>
          %dma_start3A_85 = arith.constant 0 : i32
          %dma_start3A_86 = arith.constant 0 : i32
          %dma_start3A_87 = tpu.memref_slice %arg7[%run_scoped3A_83, %dma_start3A_85, %dma_start3A_86] : memref<2x128x128xf32, #tpu.memory_space<vmem>> -> memref<1x16x128xf32, #tpu.memory_space<vmem>>
          %dma_start3A_88 = tpu.memref_squeeze %dma_start3A_87 : memref<1x16x128xf32, #tpu.memory_space<vmem>> -> memref<16x128xf32, #tpu.memory_space<vmem>>
          %dma_start3A_89 = arith.constant 0 : i32
          %dma_start3A_90 = tpu.memref_slice %arg4[%arg0, %mul3A_82, %dma_start3A_89] : memref<2x10000x128xf32, #tpu.memory_space<hbm>> -> memref<1x16x128xf32, #tpu.memory_space<hbm>>
          %dma_start3A_91 = tpu.memref_squeeze %dma_start3A_90 : memref<1x16x128xf32, #tpu.memory_space<hbm>> -> memref<16x128xf32, #tpu.memory_space<hbm>>
          %dma_start3A_92 = arith.constant 0 : i32
          %dma_start3A_93 = tpu.memref_slice %arg4[%arg0, %mul3A_82, %dma_start3A_92] : memref<2x10000x128xf32, #tpu.memory_space<hbm>> -> memref<1x16x128xf32, #tpu.memory_space<hbm>>
          %dma_start3A_94 = tpu.memref_squeeze %dma_start3A_93 : memref<1x16x128xf32, #tpu.memory_space<hbm>> -> memref<16x128xf32, #tpu.memory_space<hbm>>
          %dma_start3A_95 = arith.constant 0 : i32
          %dma_start3A_96 = arith.constant 0 : i32
          %dma_start3A_97 = tpu.memref_slice %arg7[%run_scoped3A_83, %dma_start3A_95, %dma_start3A_96] : memref<2x128x128xf32, #tpu.memory_space<vmem>> -> memref<1x16x128xf32, #tpu.memory_space<vmem>>
          %dma_start3A_98 = tpu.memref_squeeze %dma_start3A_97 : memref<1x16x128xf32, #tpu.memory_space<vmem>> -> memref<16x128xf32, #tpu.memory_space<vmem>>
          tpu.enqueue_dma source(%dma_start3A_98 : memref<16x128xf32, #tpu.memory_space<vmem>>) target(%dma_start3A_94 : memref<16x128xf32, #tpu.memory_space<hbm>>) target_semaphore(%run_scoped3A_84 : memref<!tpu.dma_semaphore, #tpu.memory_space<semaphore_mem>>)
          %dma_wait3A = arith.constant 0 : i32
          %dma_wait3A_99 = arith.constant 0 : i32
          %dma_wait3A_100 = tpu.memref_slice %arg7[%run_scoped3A_83, %dma_wait3A, %dma_wait3A_99] : memref<2x128x128xf32, #tpu.memory_space<vmem>> -> memref<1x16x128xf32, #tpu.memory_space<vmem>>
          %dma_wait3A_101 = tpu.memref_squeeze %dma_wait3A_100 : memref<1x16x128xf32, #tpu.memory_space<vmem>> -> memref<16x128xf32, #tpu.memory_space<vmem>>
          %dma_wait3A_102 = arith.constant 0 : i32
          %dma_wait3A_103 = tpu.memref_slice %arg4[%arg0, %mul3A_82, %dma_wait3A_102] : memref<2x10000x128xf32, #tpu.memory_space<hbm>> -> memref<1x16x128xf32, #tpu.memory_space<hbm>>
          %dma_wait3A_104 = tpu.memref_squeeze %dma_wait3A_103 : memref<1x16x128xf32, #tpu.memory_space<hbm>> -> memref<16x128xf32, #tpu.memory_space<hbm>>
          %dma_wait3A_105 = arith.constant 0 : i32
          %dma_wait3A_106 = tpu.memref_slice %arg4[%arg0, %mul3A_82, %dma_wait3A_105] : memref<2x10000x128xf32, #tpu.memory_space<hbm>> -> memref<1x16x128xf32, #tpu.memory_space<hbm>>
          %dma_wait3A_107 = tpu.memref_squeeze %dma_wait3A_106 : memref<1x16x128xf32, #tpu.memory_space<hbm>> -> memref<16x128xf32, #tpu.memory_space<hbm>>
          %dma_wait3A_108 = arith.constant 0 : i32
          %dma_wait3A_109 = arith.constant 0 : i32
          %dma_wait3A_110 = tpu.memref_slice %arg7[%run_scoped3A_83, %dma_wait3A_108, %dma_wait3A_109] : memref<2x128x128xf32, #tpu.memory_space<vmem>> -> memref<1x16x128xf32, #tpu.memory_space<vmem>>
          %dma_wait3A_111 = tpu.memref_squeeze %dma_wait3A_110 : memref<1x16x128xf32, #tpu.memory_space<vmem>> -> memref<16x128xf32, #tpu.memory_space<vmem>>
          tpu.wait_dma2 semaphore(%run_scoped3A_84 : memref<!tpu.dma_semaphore, #tpu.memory_space<semaphore_mem>>) src(%dma_wait3A_111 : memref<16x128xf32, #tpu.memory_space<vmem>>) dst(%dma_wait3A_107 : memref<16x128xf32, #tpu.memory_space<hbm>>)
          tpu.yield
        }) : () -> ()
      } else {
      }
      %scan3A_80 = arith.constant 0 : i32
      scf.yield %scan3A_80 : i32
    }
    %scan3A_69 = arith.constant 40 : i32
    return
  }
}

module attributes {stable_mosaic.version = 14 : i64} {
  func.func @_tc_g1_body(%arg0: i32, %arg1: memref<1024x128xf32, #tpu.memory_space<vmem>>, %arg2: memref<128x128xf32, #tpu.memory_space<vmem>>, %arg3: memref<32x1024xf32, #tpu.memory_space<vmem>>, %arg4: memref<1024x128xf32, #tpu.memory_space<vmem>>, %arg5: memref<1024x128xf32, #tpu.memory_space<vmem>>) attributes {dimension_semantics = [#tpu.dimension_semantics<arbitrary>], iteration_bounds = array<i64: 10>, scalar_prefetch = 0 : i64, scratch_operands = 0 : i64, tpu.core_type = #tpu.core_type<tc>, window_params = [{transform_indices = @transform_0, window_bounds = array<i64: 1024, 128>}, {pipeline_mode = #tpu.pipeline_mode<synchronous>, transform_indices = @transform_1, window_bounds = array<i64: 128, 128>}, {transform_indices = @transform_2, window_bounds = array<i64: 32, 1024>}, {transform_indices = @transform_3, window_bounds = array<i64: 1024, 128>}, {transform_indices = @transform_4, window_bounds = array<i64: 1024, 128>}]} {
    %get3A = arith.constant 0 : index
    %get3A_0 = arith.constant 0 : index
    %get3A_1 = vector.load %arg3[%get3A, %get3A_0] : memref<32x1024xf32, #tpu.memory_space<vmem>>, vector<32x1024xf32>
    %reduce_sum3A = arith.constant dense<0.000000e+00> : vector<1024xf32>
    %reduce_sum3A_2 = vector.multi_reduction <add>, %get3A_1, %reduce_sum3A [0] : vector<32x1024xf32> to vector<1024xf32>
    %add3A = arith.constant 1.000000e+00 : f32
    %add3A_3 = vector.broadcast %add3A : f32 to vector<1024xf32>
    %add3A_4 = arith.addf %add3A_3, %reduce_sum3A_2 : vector<1024xf32>
    %rsqrt3A = math.rsqrt %add3A_4 : vector<1024xf32>
    %broadcast_in_dim3A = vector.shape_cast %rsqrt3A : vector<1024xf32> to vector<1024x1xf32>
    %get3A_5 = arith.constant 0 : index
    %get3A_6 = arith.constant 0 : index
    %get3A_7 = vector.load %arg1[%get3A_5, %get3A_6] : memref<1024x128xf32, #tpu.memory_space<vmem>>, vector<1024x128xf32>
    %get3A_8 = arith.constant 0 : index
    %get3A_9 = arith.constant 0 : index
    %get3A_10 = vector.load %arg2[%get3A_8, %get3A_9] : memref<128x128xf32, #tpu.memory_space<vmem>>, vector<128x128xf32>
    %dot_general3A = arith.constant dense<0.000000e+00> : vector<1024x128xf32>
    %dot_general3A_11 = tpu.matmul %get3A_7, %get3A_10, %dot_general3A {dimension_numbers = #tpu.dot_dimension_numbers<[1], [0], [0], [1], [0, 0, 1, 1], [], []>, transpose_lhs_hint = false} : vector<1024x128xf32>, vector<128x128xf32>, vector<1024x128xf32> -> vector<1024x128xf32>
    %mul3A = vector.broadcast %broadcast_in_dim3A : vector<1024x1xf32> to vector<1024x128xf32>
    %mul3A_12 = arith.mulf %dot_general3A_11, %mul3A : vector<1024x128xf32>
    %swap3A = arith.constant 0 : index
    %swap3A_13 = arith.constant 0 : index
    %swap3A_14 = vector.load %arg4[%swap3A, %swap3A_13] : memref<1024x128xf32, #tpu.memory_space<vmem>>, vector<1024x128xf32>
    tpu.vector_store %arg4[%swap3A, %swap3A_13], %mul3A_12 {strides = array<i32>} : memref<1024x128xf32, #tpu.memory_space<vmem>>, vector<1024x128xf32>,
    %broadcast_in_dim3A_15 = vector.shape_cast %broadcast_in_dim3A : vector<1024x1xf32> to vector<1024x1xf32>
    %broadcast_in_dim3A_16 = vector.broadcast %broadcast_in_dim3A_15 : vector<1024x1xf32> to vector<1024x128xf32>
    %swap3A_17 = arith.constant 0 : index
    %swap3A_18 = arith.constant 0 : index
    %swap3A_19 = vector.load %arg5[%swap3A_17, %swap3A_18] : memref<1024x128xf32, #tpu.memory_space<vmem>>, vector<1024x128xf32>
    tpu.vector_store %arg5[%swap3A_17, %swap3A_18], %broadcast_in_dim3A_16 {strides = array<i32>} : memref<1024x128xf32, #tpu.memory_space<vmem>>, vector<1024x128xf32>,
    return
  }
  func.func @transform_0(%arg0: i32) -> (i32, i32) {
    %c0_i32 = arith.constant 0 : i32
    %c0_i32_0 = arith.constant 0 : i32
    return %arg0, %c0_i32 : i32, i32
  }
  func.func @transform_1(%arg0: i32) -> (i32, i32) {
    %c0_i32 = arith.constant 0 : i32
    %c0_i32_0 = arith.constant 0 : i32
    %c0_i32_1 = arith.constant 0 : i32
    return %c0_i32, %c0_i32_0 : i32, i32
  }
  func.func @transform_2(%arg0: i32) -> (i32, i32) {
    %c0_i32 = arith.constant 0 : i32
    %c0_i32_0 = arith.constant 0 : i32
    return %c0_i32, %arg0 : i32, i32
  }
  func.func @transform_3(%arg0: i32) -> (i32, i32) {
    %c0_i32 = arith.constant 0 : i32
    %c0_i32_0 = arith.constant 0 : i32
    return %arg0, %c0_i32 : i32, i32
  }
  func.func @transform_4(%arg0: i32) -> (i32, i32) {
    %c0_i32 = arith.constant 0 : i32
    %c0_i32_0 = arith.constant 0 : i32
    return %arg0, %c0_i32 : i32, i32
  }
}

module attributes {stable_mosaic.version = 14 : i64} {
  func.func @_tc_mid_body(%arg0: i32, %arg1: memref<2x1000x128xf32, #tpu.memory_space<vmem>>, %arg2: memref<1000x128xf32, #tpu.memory_space<vmem>>, %arg3: memref<1000x128xf32, #tpu.memory_space<vmem>>, %arg4: memref<128xf32, #tpu.memory_space<vmem>>, %arg5: memref<128x128xf32, #tpu.memory_space<vmem>>, %arg6: memref<1000x128xf32, #tpu.memory_space<vmem>>) attributes {dimension_semantics = [#tpu.dimension_semantics<arbitrary>], iteration_bounds = array<i64: 10>, scalar_prefetch = 0 : i64, scratch_operands = 0 : i64, tpu.core_type = #tpu.core_type<tc>, window_params = [{transform_indices = @transform_0, window_bounds = array<i64: 2, 1000, 128>}, {transform_indices = @transform_1, window_bounds = array<i64: 1000, 128>}, {transform_indices = @transform_2, window_bounds = array<i64: 1000, 128>}, {pipeline_mode = #tpu.pipeline_mode<synchronous>, transform_indices = @transform_3, window_bounds = array<i64: 128>}, {pipeline_mode = #tpu.pipeline_mode<synchronous>, transform_indices = @transform_4, window_bounds = array<i64: 128, 128>}, {transform_indices = @transform_5, window_bounds = array<i64: 1000, 128>}]} {
    %get3A = arith.constant 0 : index
    %get3A_0 = arith.constant 0 : index
    %get3A_1 = vector.load %arg3[%get3A, %get3A_0] : memref<1000x128xf32, #tpu.memory_space<vmem>>, vector<1000x128xf32>
    %get3A_2 = arith.constant 0 : index
    %get3A_3 = arith.constant 0 : index
    %get3A_4 = arith.constant 0 : index
    %get3A_5 = vector.load %arg1[%get3A_2, %get3A_3, %get3A_4] : memref<2x1000x128xf32, #tpu.memory_space<vmem>>, vector<1x1000x128xf32>
    %get3A_6 = vector.shape_cast %get3A_5 : vector<1x1000x128xf32> to vector<1000x128xf32>
    %get3A_7 = arith.constant 1 : index
    %get3A_8 = arith.constant 0 : index
    %get3A_9 = arith.constant 0 : index
    %get3A_10 = vector.load %arg1[%get3A_7, %get3A_8, %get3A_9] : memref<2x1000x128xf32, #tpu.memory_space<vmem>>, vector<1x1000x128xf32>
    %get3A_11 = vector.shape_cast %get3A_10 : vector<1x1000x128xf32> to vector<1000x128xf32>
    %add3A = arith.addf %get3A_6, %get3A_11 : vector<1000x128xf32>
    %get3A_12 = arith.constant 0 : index
    %get3A_13 = arith.constant 0 : index
    %get3A_14 = vector.load %arg2[%get3A_12, %get3A_13] : memref<1000x128xf32, #tpu.memory_space<vmem>>, vector<1000x128xf32>
    %add3A_15 = arith.addf %add3A, %get3A_14 : vector<1000x128xf32>
    %mul3A = arith.mulf %get3A_1, %add3A_15 : vector<1000x128xf32>
    %get3A_16 = arith.constant 0 : index
    %get3A_17 = vector.load %arg4[%get3A_16] : memref<128xf32, #tpu.memory_space<vmem>>, vector<128xf32>
    %broadcast_in_dim3A = vector.shape_cast %get3A_17 : vector<128xf32> to vector<1x128xf32>
    %add3A_18 = vector.broadcast %broadcast_in_dim3A : vector<1x128xf32> to vector<1000x128xf32>
    %add3A_19 = arith.addf %mul3A, %add3A_18 : vector<1000x128xf32>
    %max3A = arith.constant 0.000000e+00 : f32
    %max3A_20 = vector.broadcast %max3A : f32 to vector<1000x128xf32>
    %max3A_21 = arith.maximumf %add3A_19, %max3A_20 : vector<1000x128xf32>
    %get3A_22 = arith.constant 0 : index
    %get3A_23 = arith.constant 0 : index
    %get3A_24 = vector.load %arg5[%get3A_22, %get3A_23] : memref<128x128xf32, #tpu.memory_space<vmem>>, vector<128x128xf32>
    %dot_general3A = arith.constant dense<0.000000e+00> : vector<1000x128xf32>
    %dot_general3A_25 = tpu.matmul %max3A_21, %get3A_24, %dot_general3A {dimension_numbers = #tpu.dot_dimension_numbers<[1], [0], [0], [1], [0, 0, 1, 1], [], []>, transpose_lhs_hint = false} : vector<1000x128xf32>, vector<128x128xf32>, vector<1000x128xf32> -> vector<1000x128xf32>
    %mul3A_26 = arith.mulf %get3A_1, %dot_general3A_25 : vector<1000x128xf32>
    %swap3A = arith.constant 0 : index
    %swap3A_27 = arith.constant 0 : index
    %swap3A_28 = vector.load %arg6[%swap3A, %swap3A_27] : memref<1000x128xf32, #tpu.memory_space<vmem>>, vector<1000x128xf32>
    tpu.vector_store %arg6[%swap3A, %swap3A_27], %mul3A_26 {strides = array<i32>} : memref<1000x128xf32, #tpu.memory_space<vmem>>, vector<1000x128xf32>,
    return
  }
  func.func @transform_0(%arg0: i32) -> (i32, i32, i32) {
    %c0_i32 = arith.constant 0 : i32
    %c0_i32_0 = arith.constant 0 : i32
    %c0_i32_1 = arith.constant 0 : i32
    return %c0_i32, %arg0, %c0_i32_0 : i32, i32, i32
  }
  func.func @transform_1(%arg0: i32) -> (i32, i32) {
    %c0_i32 = arith.constant 0 : i32
    %c0_i32_0 = arith.constant 0 : i32
    return %arg0, %c0_i32 : i32, i32
  }
  func.func @transform_2(%arg0: i32) -> (i32, i32) {
    %c0_i32 = arith.constant 0 : i32
    %c0_i32_0 = arith.constant 0 : i32
    return %arg0, %c0_i32 : i32, i32
  }
  func.func @transform_3(%arg0: i32) -> i32 {
    %c0_i32 = arith.constant 0 : i32
    %c0_i32_0 = arith.constant 0 : i32
    return %c0_i32 : i32
  }
  func.func @transform_4(%arg0: i32) -> (i32, i32) {
    %c0_i32 = arith.constant 0 : i32
    %c0_i32_0 = arith.constant 0 : i32
    %c0_i32_1 = arith.constant 0 : i32
    return %c0_i32, %c0_i32_0 : i32, i32
  }
  func.func @transform_5(%arg0: i32) -> (i32, i32) {
    %c0_i32 = arith.constant 0 : i32
    %c0_i32_0 = arith.constant 0 : i32
    return %arg0, %c0_i32 : i32, i32
  }
}

module attributes {stable_mosaic.version = 14 : i64} {
  func.func @_tc_tr_body(%arg0: i32, %arg1: memref<2x2x100x128xf32, #tpu.memory_space<vmem>>, %arg2: memref<2x100x128xf32, #tpu.memory_space<vmem>>, %arg3: memref<2x100x128xf32, #tpu.memory_space<vmem>>, %arg4: memref<128xf32, #tpu.memory_space<vmem>>, %arg5: memref<2x100x128xf32, #tpu.memory_space<vmem>>, %arg6: memref<16x128xf32, #tpu.memory_space<vmem>>, %arg7: memref<2x128x128xf32, #tpu.memory_space<vmem>>, %arg8: memref<2x128xf32, #tpu.memory_space<vmem>>, %arg9: memref<2x128x128xf32, #tpu.memory_space<vmem>>, %arg10: memref<2x128xf32, #tpu.memory_space<vmem>>, %arg11: memref<2x128x128xf32, #tpu.memory_space<vmem>>, %arg12: memref<2x128xf32, #tpu.memory_space<vmem>>, %arg13: memref<2x128x128xf32, #tpu.memory_space<vmem>>, %arg14: memref<2x128xf32, #tpu.memory_space<vmem>>, %arg15: memref<2x128x512xf32, #tpu.memory_space<vmem>>, %arg16: memref<2x512xf32, #tpu.memory_space<vmem>>, %arg17: memref<2x512x128xf32, #tpu.memory_space<vmem>>, %arg18: memref<2x128xf32, #tpu.memory_space<vmem>>, %arg19: memref<2x128xf32, #tpu.memory_space<vmem>>, %arg20: memref<2x128xf32, #tpu.memory_space<vmem>>, %arg21: memref<2x128xf32, #tpu.memory_space<vmem>>, %arg22: memref<2x128xf32, #tpu.memory_space<vmem>>, %arg23: memref<2x100x128xf32, #tpu.memory_space<vmem>>) attributes {dimension_semantics = [#tpu.dimension_semantics<arbitrary>], iteration_bounds = array<i64: 50>, scalar_prefetch = 0 : i64, scratch_operands = 0 : i64, tpu.core_type = #tpu.core_type<tc>, window_params = [{transform_indices = @transform_0, window_bounds = array<i64: 2, 2, 100, 128>}, {transform_indices = @transform_1, window_bounds = array<i64: 2, 100, 128>}, {transform_indices = @transform_2, window_bounds = array<i64: 2, 100, 128>}, {pipeline_mode = #tpu.pipeline_mode<synchronous>, transform_indices = @transform_3, window_bounds = array<i64: 128>}, {transform_indices = @transform_4, window_bounds = array<i64: 2, 100, 128>}, {pipeline_mode = #tpu.pipeline_mode<synchronous>, transform_indices = @transform_5, window_bounds = array<i64: 16, 128>}, {pipeline_mode = #tpu.pipeline_mode<synchronous>, transform_indices = @transform_6, window_bounds = array<i64: 2, 128, 128>}, {pipeline_mode = #tpu.pipeline_mode<synchronous>, transform_indices = @transform_7, window_bounds = array<i64: 2, 128>}, {pipeline_mode = #tpu.pipeline_mode<synchronous>, transform_indices = @transform_8, window_bounds = array<i64: 2, 128, 128>}, {pipeline_mode = #tpu.pipeline_mode<synchronous>, transform_indices = @transform_9, window_bounds = array<i64: 2, 128>}, {pipeline_mode = #tpu.pipeline_mode<synchronous>, transform_indices = @transform_10, window_bounds = array<i64: 2, 128, 128>}, {pipeline_mode = #tpu.pipeline_mode<synchronous>, transform_indices = @transform_11, window_bounds = array<i64: 2, 128>}, {pipeline_mode = #tpu.pipeline_mode<synchronous>, transform_indices = @transform_12, window_bounds = array<i64: 2, 128, 128>}, {pipeline_mode = #tpu.pipeline_mode<synchronous>, transform_indices = @transform_13, window_bounds = array<i64: 2, 128>}, {pipeline_mode = #tpu.pipeline_mode<synchronous>, transform_indices = @transform_14, window_bounds = array<i64: 2, 128, 512>}, {pipeline_mode = #tpu.pipeline_mode<synchronous>, transform_indices = @transform_15, window_bounds = array<i64: 2, 512>}, {pipeline_mode = #tpu.pipeline_mode<synchronous>, transform_indices = @transform_16, window_bounds = array<i64: 2, 512, 128>}, {pipeline_mode = #tpu.pipeline_mode<synchronous>, transform_indices = @transform_17, window_bounds = array<i64: 2, 128>}, {pipeline_mode = #tpu.pipeline_mode<synchronous>, transform_indices = @transform_18, window_bounds = array<i64: 2, 128>}, {pipeline_mode = #tpu.pipeline_mode<synchronous>, transform_indices = @transform_19, window_bounds = array<i64: 2, 128>}, {pipeline_mode = #tpu.pipeline_mode<synchronous>, transform_indices = @transform_20, window_bounds = array<i64: 2, 128>}, {pipeline_mode = #tpu.pipeline_mode<synchronous>, transform_indices = @transform_21, window_bounds = array<i64: 2, 128>}, {transform_indices = @transform_22, window_bounds = array<i64: 2, 100, 128>}]} {
    %get3A = arith.constant 0 : index
    %get3A_0 = arith.constant 0 : index
    %get3A_1 = arith.constant 0 : index
    %get3A_2 = vector.load %arg3[%get3A, %get3A_0, %get3A_1] : memref<2x100x128xf32, #tpu.memory_space<vmem>>, vector<1x100x128xf32>
    %get3A_3 = vector.shape_cast %get3A_2 : vector<1x100x128xf32> to vector<100x128xf32>
    %get3A_4 = arith.constant 0 : index
    %get3A_5 = arith.constant 0 : index
    %get3A_6 = arith.constant 0 : index
    %get3A_7 = arith.constant 0 : index
    %get3A_8 = vector.load %arg1[%get3A_4, %get3A_5, %get3A_6, %get3A_7] : memref<2x2x100x128xf32, #tpu.memory_space<vmem>>, vector<1x1x100x128xf32>
    %get3A_9 = vector.shape_cast %get3A_8 : vector<1x1x100x128xf32> to vector<100x128xf32>
    %get3A_10 = arith.constant 1 : index
    %get3A_11 = arith.constant 0 : index
    %get3A_12 = arith.constant 0 : index
    %get3A_13 = arith.constant 0 : index
    %get3A_14 = vector.load %arg1[%get3A_10, %get3A_11, %get3A_12, %get3A_13] : memref<2x2x100x128xf32, #tpu.memory_space<vmem>>, vector<1x1x100x128xf32>
    %get3A_15 = vector.shape_cast %get3A_14 : vector<1x1x100x128xf32> to vector<100x128xf32>
    %add3A = arith.addf %get3A_9, %get3A_15 : vector<100x128xf32>
    %get3A_16 = arith.constant 0 : index
    %get3A_17 = arith.constant 0 : index
    %get3A_18 = arith.constant 0 : index
    %get3A_19 = vector.load %arg2[%get3A_16, %get3A_17, %get3A_18] : memref<2x100x128xf32, #tpu.memory_space<vmem>>, vector<1x100x128xf32>
    %get3A_20 = vector.shape_cast %get3A_19 : vector<1x100x128xf32> to vector<100x128xf32>
    %add3A_21 = arith.addf %add3A, %get3A_20 : vector<100x128xf32>
    %mul3A = arith.mulf %get3A_3, %add3A_21 : vector<100x128xf32>
    %get3A_22 = arith.constant 0 : index
    %get3A_23 = vector.load %arg4[%get3A_22] : memref<128xf32, #tpu.memory_space<vmem>>, vector<128xf32>
    %broadcast_in_dim3A = vector.shape_cast %get3A_23 : vector<128xf32> to vector<1x128xf32>
    %add3A_24 = vector.broadcast %broadcast_in_dim3A : vector<1x128xf32> to vector<100x128xf32>
    %add3A_25 = arith.addf %mul3A, %add3A_24 : vector<100x128xf32>
    %max3A = arith.constant 0.000000e+00 : f32
    %max3A_26 = vector.broadcast %max3A : f32 to vector<100x128xf32>
    %max3A_27 = arith.maximumf %add3A_25, %max3A_26 : vector<100x128xf32>
    %get3A_28 = arith.constant 0 : index
    %get3A_29 = arith.constant 0 : index
    %get3A_30 = arith.constant 0 : index
    %get3A_31 = vector.load %arg5[%get3A_28, %get3A_29, %get3A_30] : memref<2x100x128xf32, #tpu.memory_space<vmem>>, vector<1x100x128xf32>
    %get3A_32 = vector.shape_cast %get3A_31 : vector<1x100x128xf32> to vector<100x128xf32>
    %get3A_33 = arith.constant 0 : index
    %get3A_34 = arith.constant 0 : index
    %get3A_35 = arith.constant 0 : index
    %get3A_36 = vector.load %arg7[%get3A_33, %get3A_34, %get3A_35] : memref<2x128x128xf32, #tpu.memory_space<vmem>>, vector<1x128x128xf32>
    %get3A_37 = vector.shape_cast %get3A_36 : vector<1x128x128xf32> to vector<128x128xf32>
    %dot_general3A = arith.constant dense<0.000000e+00> : vector<100x128xf32>
    %dot_general3A_38 = tpu.matmul %get3A_32, %get3A_37, %dot_general3A {dimension_numbers = #tpu.dot_dimension_numbers<[1], [0], [0], [1], [0, 0, 1, 1], [], []>, transpose_lhs_hint = false} : vector<100x128xf32>, vector<128x128xf32>, vector<100x128xf32> -> vector<100x128xf32>
    %get3A_39 = arith.constant 0 : index
    %get3A_40 = arith.constant 0 : index
    %get3A_41 = vector.load %arg8[%get3A_39, %get3A_40] : memref<2x128xf32, #tpu.memory_space<vmem>>, vector<1x128xf32>
    %get3A_42 = vector.shape_cast %get3A_41 : vector<1x128xf32> to vector<128xf32>
    %broadcast_in_dim3A_43 = vector.shape_cast %get3A_42 : vector<128xf32> to vector<1x128xf32>
    %add3A_44 = vector.broadcast %broadcast_in_dim3A_43 : vector<1x128xf32> to vector<100x128xf32>
    %add3A_45 = arith.addf %dot_general3A_38, %add3A_44 : vector<100x128xf32>
    %mul3A_46 = arith.constant 0.353553385 : f32
    %mul3A_47 = vector.broadcast %mul3A_46 : f32 to vector<100x128xf32>
    %mul3A_48 = arith.mulf %add3A_45, %mul3A_47 : vector<100x128xf32>
    %get3A_49 = arith.constant 0 : index
    %get3A_50 = arith.constant 0 : index
    %get3A_51 = arith.constant 0 : index
    %get3A_52 = vector.load %arg9[%get3A_49, %get3A_50, %get3A_51] : memref<2x128x128xf32, #tpu.memory_space<vmem>>, vector<1x128x128xf32>
    %get3A_53 = vector.shape_cast %get3A_52 : vector<1x128x128xf32> to vector<128x128xf32>
    %dot_general3A_54 = arith.constant dense<0.000000e+00> : vector<100x128xf32>
    %dot_general3A_55 = tpu.matmul %max3A_27, %get3A_53, %dot_general3A_54 {dimension_numbers = #tpu.dot_dimension_numbers<[1], [0], [0], [1], [0, 0, 1, 1], [], []>, transpose_lhs_hint = false} : vector<100x128xf32>, vector<128x128xf32>, vector<100x128xf32> -> vector<100x128xf32>
    %get3A_56 = arith.constant 0 : index
    %get3A_57 = arith.constant 0 : index
    %get3A_58 = vector.load %arg10[%get3A_56, %get3A_57] : memref<2x128xf32, #tpu.memory_space<vmem>>, vector<1x128xf32>
    %get3A_59 = vector.shape_cast %get3A_58 : vector<1x128xf32> to vector<128xf32>
    %broadcast_in_dim3A_60 = vector.shape_cast %get3A_59 : vector<128xf32> to vector<1x128xf32>
    %add3A_61 = vector.broadcast %broadcast_in_dim3A_60 : vector<1x128xf32> to vector<100x128xf32>
    %add3A_62 = arith.addf %dot_general3A_55, %add3A_61 : vector<100x128xf32>
    %get3A_63 = arith.constant 0 : index
    %get3A_64 = arith.constant 0 : index
    %get3A_65 = arith.constant 0 : index
    %get3A_66 = vector.load %arg11[%get3A_63, %get3A_64, %get3A_65] : memref<2x128x128xf32, #tpu.memory_space<vmem>>, vector<1x128x128xf32>
    %get3A_67 = vector.shape_cast %get3A_66 : vector<1x128x128xf32> to vector<128x128xf32>
    %dot_general3A_68 = arith.constant dense<0.000000e+00> : vector<100x128xf32>
    %dot_general3A_69 = tpu.matmul %max3A_27, %get3A_67, %dot_general3A_68 {dimension_numbers = #tpu.dot_dimension_numbers<[1], [0], [0], [1], [0, 0, 1, 1], [], []>, transpose_lhs_hint = false} : vector<100x128xf32>, vector<128x128xf32>, vector<100x128xf32> -> vector<100x128xf32>
    %get3A_70 = arith.constant 0 : index
    %get3A_71 = arith.constant 0 : index
    %get3A_72 = vector.load %arg12[%get3A_70, %get3A_71] : memref<2x128xf32, #tpu.memory_space<vmem>>, vector<1x128xf32>
    %get3A_73 = vector.shape_cast %get3A_72 : vector<1x128xf32> to vector<128xf32>
    %broadcast_in_dim3A_74 = vector.shape_cast %get3A_73 : vector<128xf32> to vector<1x128xf32>
    %add3A_75 = vector.broadcast %broadcast_in_dim3A_74 : vector<1x128xf32> to vector<100x128xf32>
    %add3A_76 = arith.addf %dot_general3A_69, %add3A_75 : vector<100x128xf32>
    %get3A_77 = arith.constant 0 : index
    %get3A_78 = arith.constant 0 : index
    %get3A_79 = vector.load %arg6[%get3A_77, %get3A_78] : memref<16x128xf32, #tpu.memory_space<vmem>>, vector<1x128xf32>
    %get3A_80 = vector.shape_cast %get3A_79 : vector<1x128xf32> to vector<128xf32>
    %broadcast_in_dim3A_81 = vector.shape_cast %get3A_80 : vector<128xf32> to vector<1x128xf32>
    %mul3A_82 = vector.broadcast %broadcast_in_dim3A_81 : vector<1x128xf32> to vector<100x128xf32>
    %mul3A_83 = arith.mulf %add3A_62, %mul3A_82 : vector<100x128xf32>
    %dot_general3A_84 = arith.constant dense<0.000000e+00> : vector<100x100xf32>
    %dot_general3A_85 = tpu.matmul %mul3A_48, %mul3A_83, %dot_general3A_84 {dimension_numbers = #tpu.dot_dimension_numbers<[1], [1], [0], [0], [0, 0, 1, 0], [], []>, transpose_lhs_hint = false} : vector<100x128xf32>, vector<100x128xf32>, vector<100x100xf32> -> vector<100x100xf32>
    %reduce_max3A = arith.constant dense<0xFF800000> : vector<100xf32>
    %reduce_max3A_86 = vector.multi_reduction <maximumf>, %dot_general3A_85, %reduce_max3A [1] : vector<100x100xf32> to vector<100xf32>
    %broadcast_in_dim3A_87 = vector.shape_cast %reduce_max3A_86 : vector<100xf32> to vector<100x1xf32>
    %sub3A = vector.broadcast %broadcast_in_dim3A_87 : vector<100x1xf32> to vector<100x100xf32>
    %sub3A_88 = arith.subf %dot_general3A_85, %sub3A : vector<100x100xf32>
    %min3A = arith.constant 0.000000e+00 : f32
    %min3A_89 = vector.broadcast %min3A : f32 to vector<100x100xf32>
    %min3A_90 = arith.minimumf %sub3A_88, %min3A_89 : vector<100x100xf32>
    %exp3A = math.exp %min3A_90 : vector<100x100xf32>
    %reduce_sum3A = arith.constant dense<0.000000e+00> : vector<100xf32>
    %reduce_sum3A_91 = vector.multi_reduction <add>, %exp3A, %reduce_sum3A [1] : vector<100x100xf32> to vector<100xf32>
    %broadcast_in_dim3A_92 = vector.shape_cast %reduce_sum3A_91 : vector<100xf32> to vector<100x1xf32>
    %div3A = vector.broadcast %broadcast_in_dim3A_92 : vector<100x1xf32> to vector<100x100xf32>
    %div3A_93 = arith.divf %exp3A, %div3A : vector<100x100xf32>
    %mul3A_94 = vector.broadcast %broadcast_in_dim3A_81 : vector<1x128xf32> to vector<100x128xf32>
    %mul3A_95 = arith.mulf %add3A_76, %mul3A_94 : vector<100x128xf32>
    %dot_general3A_96 = arith.constant dense<0.000000e+00> : vector<100x128xf32>
    %dot_general3A_97 = tpu.matmul %div3A_93, %mul3A_95, %dot_general3A_96 {dimension_numbers = #tpu.dot_dimension_numbers<[1], [0], [0], [1], [0, 0, 1, 1], [], []>, transpose_lhs_hint = false} : vector<100x100xf32>, vector<100x128xf32>, vector<100x128xf32> -> vector<100x128xf32>
    %get3A_98 = arith.constant 1 : index
    %get3A_99 = arith.constant 0 : index
    %get3A_100 = vector.load %arg6[%get3A_98, %get3A_99] : memref<16x128xf32, #tpu.memory_space<vmem>>, vector<1x128xf32>
    %get3A_101 = vector.shape_cast %get3A_100 : vector<1x128xf32> to vector<128xf32>
    %broadcast_in_dim3A_102 = vector.shape_cast %get3A_101 : vector<128xf32> to vector<1x128xf32>
    %mul3A_103 = vector.broadcast %broadcast_in_dim3A_102 : vector<1x128xf32> to vector<100x128xf32>
    %mul3A_104 = arith.mulf %add3A_62, %mul3A_103 : vector<100x128xf32>
    %dot_general3A_105 = arith.constant dense<0.000000e+00> : vector<100x100xf32>
    %dot_general3A_106 = tpu.matmul %mul3A_48, %mul3A_104, %dot_general3A_105 {dimension_numbers = #tpu.dot_dimension_numbers<[1], [1], [0], [0], [0, 0, 1, 0], [], []>, transpose_lhs_hint = false} : vector<100x128xf32>, vector<100x128xf32>, vector<100x100xf32> -> vector<100x100xf32>
    %reduce_max3A_107 = arith.constant dense<0xFF800000> : vector<100xf32>
    %reduce_max3A_108 = vector.multi_reduction <maximumf>, %dot_general3A_106, %reduce_max3A_107 [1] : vector<100x100xf32> to vector<100xf32>
    %broadcast_in_dim3A_109 = vector.shape_cast %reduce_max3A_108 : vector<100xf32> to vector<100x1xf32>
    %sub3A_110 = vector.broadcast %broadcast_in_dim3A_109 : vector<100x1xf32> to vector<100x100xf32>
    %sub3A_111 = arith.subf %dot_general3A_106, %sub3A_110 : vector<100x100xf32>
    %min3A_112 = arith.constant 0.000000e+00 : f32
    %min3A_113 = vector.broadcast %min3A_112 : f32 to vector<100x100xf32>
    %min3A_114 = arith.minimumf %sub3A_111, %min3A_113 : vector<100x100xf32>
    %exp3A_115 = math.exp %min3A_114 : vector<100x100xf32>
    %reduce_sum3A_116 = arith.constant dense<0.000000e+00> : vector<100xf32>
    %reduce_sum3A_117 = vector.multi_reduction <add>, %exp3A_115, %reduce_sum3A_116 [1] : vector<100x100xf32> to vector<100xf32>
    %broadcast_in_dim3A_118 = vector.shape_cast %reduce_sum3A_117 : vector<100xf32> to vector<100x1xf32>
    %div3A_119 = vector.broadcast %broadcast_in_dim3A_118 : vector<100x1xf32> to vector<100x100xf32>
    %div3A_120 = arith.divf %exp3A_115, %div3A_119 : vector<100x100xf32>
    %mul3A_121 = vector.broadcast %broadcast_in_dim3A_102 : vector<1x128xf32> to vector<100x128xf32>
    %mul3A_122 = arith.mulf %add3A_76, %mul3A_121 : vector<100x128xf32>
    %dot_general3A_123 = arith.constant dense<0.000000e+00> : vector<100x128xf32>
    %dot_general3A_124 = tpu.matmul %div3A_120, %mul3A_122, %dot_general3A_123 {dimension_numbers = #tpu.dot_dimension_numbers<[1], [0], [0], [1], [0, 0, 1, 1], [], []>, transpose_lhs_hint = false} : vector<100x100xf32>, vector<100x128xf32>, vector<100x128xf32> -> vector<100x128xf32>
    %add3A_125 = arith.addf %dot_general3A_97, %dot_general3A_124 : vector<100x128xf32>
    %get3A_126 = arith.constant 2 : index
    %get3A_127 = arith.constant 0 : index
    %get3A_128 = vector.load %arg6[%get3A_126, %get3A_127] : memref<16x128xf32, #tpu.memory_space<vmem>>, vector<1x128xf32>
    %get3A_129 = vector.shape_cast %get3A_128 : vector<1x128xf32> to vector<128xf32>
    %broadcast_in_dim3A_130 = vector.shape_cast %get3A_129 : vector<128xf32> to vector<1x128xf32>
    %mul3A_131 = vector.broadcast %broadcast_in_dim3A_130 : vector<1x128xf32> to vector<100x128xf32>
    %mul3A_132 = arith.mulf %add3A_62, %mul3A_131 : vector<100x128xf32>
    %dot_general3A_133 = arith.constant dense<0.000000e+00> : vector<100x100xf32>
    %dot_general3A_134 = tpu.matmul %mul3A_48, %mul3A_132, %dot_general3A_133 {dimension_numbers = #tpu.dot_dimension_numbers<[1], [1], [0], [0], [0, 0, 1, 0], [], []>, transpose_lhs_hint = false} : vector<100x128xf32>, vector<100x128xf32>, vector<100x100xf32> -> vector<100x100xf32>
    %reduce_max3A_135 = arith.constant dense<0xFF800000> : vector<100xf32>
    %reduce_max3A_136 = vector.multi_reduction <maximumf>, %dot_general3A_134, %reduce_max3A_135 [1] : vector<100x100xf32> to vector<100xf32>
    %broadcast_in_dim3A_137 = vector.shape_cast %reduce_max3A_136 : vector<100xf32> to vector<100x1xf32>
    %sub3A_138 = vector.broadcast %broadcast_in_dim3A_137 : vector<100x1xf32> to vector<100x100xf32>
    %sub3A_139 = arith.subf %dot_general3A_134, %sub3A_138 : vector<100x100xf32>
    %min3A_140 = arith.constant 0.000000e+00 : f32
    %min3A_141 = vector.broadcast %min3A_140 : f32 to vector<100x100xf32>
    %min3A_142 = arith.minimumf %sub3A_139, %min3A_141 : vector<100x100xf32>
    %exp3A_143 = math.exp %min3A_142 : vector<100x100xf32>
    %reduce_sum3A_144 = arith.constant dense<0.000000e+00> : vector<100xf32>
    %reduce_sum3A_145 = vector.multi_reduction <add>, %exp3A_143, %reduce_sum3A_144 [1] : vector<100x100xf32> to vector<100xf32>
    %broadcast_in_dim3A_146 = vector.shape_cast %reduce_sum3A_145 : vector<100xf32> to vector<100x1xf32>
    %div3A_147 = vector.broadcast %broadcast_in_dim3A_146 : vector<100x1xf32> to vector<100x100xf32>
    %div3A_148 = arith.divf %exp3A_143, %div3A_147 : vector<100x100xf32>
    %mul3A_149 = vector.broadcast %broadcast_in_dim3A_130 : vector<1x128xf32> to vector<100x128xf32>
    %mul3A_150 = arith.mulf %add3A_76, %mul3A_149 : vector<100x128xf32>
    %dot_general3A_151 = arith.constant dense<0.000000e+00> : vector<100x128xf32>
    %dot_general3A_152 = tpu.matmul %div3A_148, %mul3A_150, %dot_general3A_151 {dimension_numbers = #tpu.dot_dimension_numbers<[1], [0], [0], [1], [0, 0, 1, 1], [], []>, transpose_lhs_hint = false} : vector<100x100xf32>, vector<100x128xf32>, vector<100x128xf32> -> vector<100x128xf32>
    %add3A_153 = arith.addf %add3A_125, %dot_general3A_152 : vector<100x128xf32>
    %get3A_154 = arith.constant 3 : index
    %get3A_155 = arith.constant 0 : index
    %get3A_156 = vector.load %arg6[%get3A_154, %get3A_155] : memref<16x128xf32, #tpu.memory_space<vmem>>, vector<1x128xf32>
    %get3A_157 = vector.shape_cast %get3A_156 : vector<1x128xf32> to vector<128xf32>
    %broadcast_in_dim3A_158 = vector.shape_cast %get3A_157 : vector<128xf32> to vector<1x128xf32>
    %mul3A_159 = vector.broadcast %broadcast_in_dim3A_158 : vector<1x128xf32> to vector<100x128xf32>
    %mul3A_160 = arith.mulf %add3A_62, %mul3A_159 : vector<100x128xf32>
    %dot_general3A_161 = arith.constant dense<0.000000e+00> : vector<100x100xf32>
    %dot_general3A_162 = tpu.matmul %mul3A_48, %mul3A_160, %dot_general3A_161 {dimension_numbers = #tpu.dot_dimension_numbers<[1], [1], [0], [0], [0, 0, 1, 0], [], []>, transpose_lhs_hint = false} : vector<100x128xf32>, vector<100x128xf32>, vector<100x100xf32> -> vector<100x100xf32>
    %reduce_max3A_163 = arith.constant dense<0xFF800000> : vector<100xf32>
    %reduce_max3A_164 = vector.multi_reduction <maximumf>, %dot_general3A_162, %reduce_max3A_163 [1] : vector<100x100xf32> to vector<100xf32>
    %broadcast_in_dim3A_165 = vector.shape_cast %reduce_max3A_164 : vector<100xf32> to vector<100x1xf32>
    %sub3A_166 = vector.broadcast %broadcast_in_dim3A_165 : vector<100x1xf32> to vector<100x100xf32>
    %sub3A_167 = arith.subf %dot_general3A_162, %sub3A_166 : vector<100x100xf32>
    %min3A_168 = arith.constant 0.000000e+00 : f32
    %min3A_169 = vector.broadcast %min3A_168 : f32 to vector<100x100xf32>
    %min3A_170 = arith.minimumf %sub3A_167, %min3A_169 : vector<100x100xf32>
    %exp3A_171 = math.exp %min3A_170 : vector<100x100xf32>
    %reduce_sum3A_172 = arith.constant dense<0.000000e+00> : vector<100xf32>
    %reduce_sum3A_173 = vector.multi_reduction <add>, %exp3A_171, %reduce_sum3A_172 [1] : vector<100x100xf32> to vector<100xf32>
    %broadcast_in_dim3A_174 = vector.shape_cast %reduce_sum3A_173 : vector<100xf32> to vector<100x1xf32>
    %div3A_175 = vector.broadcast %broadcast_in_dim3A_174 : vector<100x1xf32> to vector<100x100xf32>
    %div3A_176 = arith.divf %exp3A_171, %div3A_175 : vector<100x100xf32>
    %mul3A_177 = vector.broadcast %broadcast_in_dim3A_158 : vector<1x128xf32> to vector<100x128xf32>
    %mul3A_178 = arith.mulf %add3A_76, %mul3A_177 : vector<100x128xf32>
    %dot_general3A_179 = arith.constant dense<0.000000e+00> : vector<100x128xf32>
    %dot_general3A_180 = tpu.matmul %div3A_176, %mul3A_178, %dot_general3A_179 {dimension_numbers = #tpu.dot_dimension_numbers<[1], [0], [0], [1], [0, 0, 1, 1], [], []>, transpose_lhs_hint = false} : vector<100x100xf32>, vector<100x128xf32>, vector<100x128xf32> -> vector<100x128xf32>
    %add3A_181 = arith.addf %add3A_153, %dot_general3A_180 : vector<100x128xf32>
    %get3A_182 = arith.constant 4 : index
    %get3A_183 = arith.constant 0 : index
    %get3A_184 = vector.load %arg6[%get3A_182, %get3A_183] : memref<16x128xf32, #tpu.memory_space<vmem>>, vector<1x128xf32>
    %get3A_185 = vector.shape_cast %get3A_184 : vector<1x128xf32> to vector<128xf32>
    %broadcast_in_dim3A_186 = vector.shape_cast %get3A_185 : vector<128xf32> to vector<1x128xf32>
    %mul3A_187 = vector.broadcast %broadcast_in_dim3A_186 : vector<1x128xf32> to vector<100x128xf32>
    %mul3A_188 = arith.mulf %add3A_62, %mul3A_187 : vector<100x128xf32>
    %dot_general3A_189 = arith.constant dense<0.000000e+00> : vector<100x100xf32>
    %dot_general3A_190 = tpu.matmul %mul3A_48, %mul3A_188, %dot_general3A_189 {dimension_numbers = #tpu.dot_dimension_numbers<[1], [1], [0], [0], [0, 0, 1, 0], [], []>, transpose_lhs_hint = false} : vector<100x128xf32>, vector<100x128xf32>, vector<100x100xf32> -> vector<100x100xf32>
    %reduce_max3A_191 = arith.constant dense<0xFF800000> : vector<100xf32>
    %reduce_max3A_192 = vector.multi_reduction <maximumf>, %dot_general3A_190, %reduce_max3A_191 [1] : vector<100x100xf32> to vector<100xf32>
    %broadcast_in_dim3A_193 = vector.shape_cast %reduce_max3A_192 : vector<100xf32> to vector<100x1xf32>
    %sub3A_194 = vector.broadcast %broadcast_in_dim3A_193 : vector<100x1xf32> to vector<100x100xf32>
    %sub3A_195 = arith.subf %dot_general3A_190, %sub3A_194 : vector<100x100xf32>
    %min3A_196 = arith.constant 0.000000e+00 : f32
    %min3A_197 = vector.broadcast %min3A_196 : f32 to vector<100x100xf32>
    %min3A_198 = arith.minimumf %sub3A_195, %min3A_197 : vector<100x100xf32>
    %exp3A_199 = math.exp %min3A_198 : vector<100x100xf32>
    %reduce_sum3A_200 = arith.constant dense<0.000000e+00> : vector<100xf32>
    %reduce_sum3A_201 = vector.multi_reduction <add>, %exp3A_199, %reduce_sum3A_200 [1] : vector<100x100xf32> to vector<100xf32>
    %broadcast_in_dim3A_202 = vector.shape_cast %reduce_sum3A_201 : vector<100xf32> to vector<100x1xf32>
    %div3A_203 = vector.broadcast %broadcast_in_dim3A_202 : vector<100x1xf32> to vector<100x100xf32>
    %div3A_204 = arith.divf %exp3A_199, %div3A_203 : vector<100x100xf32>
    %mul3A_205 = vector.broadcast %broadcast_in_dim3A_186 : vector<1x128xf32> to vector<100x128xf32>
    %mul3A_206 = arith.mulf %add3A_76, %mul3A_205 : vector<100x128xf32>
    %dot_general3A_207 = arith.constant dense<0.000000e+00> : vector<100x128xf32>
    %dot_general3A_208 = tpu.matmul %div3A_204, %mul3A_206, %dot_general3A_207 {dimension_numbers = #tpu.dot_dimension_numbers<[1], [0], [0], [1], [0, 0, 1, 1], [], []>, transpose_lhs_hint = false} : vector<100x100xf32>, vector<100x128xf32>, vector<100x128xf32> -> vector<100x128xf32>
    %add3A_209 = arith.addf %add3A_181, %dot_general3A_208 : vector<100x128xf32>
    %get3A_210 = arith.constant 5 : index
    %get3A_211 = arith.constant 0 : index
    %get3A_212 = vector.load %arg6[%get3A_210, %get3A_211] : memref<16x128xf32, #tpu.memory_space<vmem>>, vector<1x128xf32>
    %get3A_213 = vector.shape_cast %get3A_212 : vector<1x128xf32> to vector<128xf32>
    %broadcast_in_dim3A_214 = vector.shape_cast %get3A_213 : vector<128xf32> to vector<1x128xf32>
    %mul3A_215 = vector.broadcast %broadcast_in_dim3A_214 : vector<1x128xf32> to vector<100x128xf32>
    %mul3A_216 = arith.mulf %add3A_62, %mul3A_215 : vector<100x128xf32>
    %dot_general3A_217 = arith.constant dense<0.000000e+00> : vector<100x100xf32>
    %dot_general3A_218 = tpu.matmul %mul3A_48, %mul3A_216, %dot_general3A_217 {dimension_numbers = #tpu.dot_dimension_numbers<[1], [1], [0], [0], [0, 0, 1, 0], [], []>, transpose_lhs_hint = false} : vector<100x128xf32>, vector<100x128xf32>, vector<100x100xf32> -> vector<100x100xf32>
    %reduce_max3A_219 = arith.constant dense<0xFF800000> : vector<100xf32>
    %reduce_max3A_220 = vector.multi_reduction <maximumf>, %dot_general3A_218, %reduce_max3A_219 [1] : vector<100x100xf32> to vector<100xf32>
    %broadcast_in_dim3A_221 = vector.shape_cast %reduce_max3A_220 : vector<100xf32> to vector<100x1xf32>
    %sub3A_222 = vector.broadcast %broadcast_in_dim3A_221 : vector<100x1xf32> to vector<100x100xf32>
    %sub3A_223 = arith.subf %dot_general3A_218, %sub3A_222 : vector<100x100xf32>
    %min3A_224 = arith.constant 0.000000e+00 : f32
    %min3A_225 = vector.broadcast %min3A_224 : f32 to vector<100x100xf32>
    %min3A_226 = arith.minimumf %sub3A_223, %min3A_225 : vector<100x100xf32>
    %exp3A_227 = math.exp %min3A_226 : vector<100x100xf32>
    %reduce_sum3A_228 = arith.constant dense<0.000000e+00> : vector<100xf32>
    %reduce_sum3A_229 = vector.multi_reduction <add>, %exp3A_227, %reduce_sum3A_228 [1] : vector<100x100xf32> to vector<100xf32>
    %broadcast_in_dim3A_230 = vector.shape_cast %reduce_sum3A_229 : vector<100xf32> to vector<100x1xf32>
    %div3A_231 = vector.broadcast %broadcast_in_dim3A_230 : vector<100x1xf32> to vector<100x100xf32>
    %div3A_232 = arith.divf %exp3A_227, %div3A_231 : vector<100x100xf32>
    %mul3A_233 = vector.broadcast %broadcast_in_dim3A_214 : vector<1x128xf32> to vector<100x128xf32>
    %mul3A_234 = arith.mulf %add3A_76, %mul3A_233 : vector<100x128xf32>
    %dot_general3A_235 = arith.constant dense<0.000000e+00> : vector<100x128xf32>
    %dot_general3A_236 = tpu.matmul %div3A_232, %mul3A_234, %dot_general3A_235 {dimension_numbers = #tpu.dot_dimension_numbers<[1], [0], [0], [1], [0, 0, 1, 1], [], []>, transpose_lhs_hint = false} : vector<100x100xf32>, vector<100x128xf32>, vector<100x128xf32> -> vector<100x128xf32>
    %add3A_237 = arith.addf %add3A_209, %dot_general3A_236 : vector<100x128xf32>
    %get3A_238 = arith.constant 6 : index
    %get3A_239 = arith.constant 0 : index
    %get3A_240 = vector.load %arg6[%get3A_238, %get3A_239] : memref<16x128xf32, #tpu.memory_space<vmem>>, vector<1x128xf32>
    %get3A_241 = vector.shape_cast %get3A_240 : vector<1x128xf32> to vector<128xf32>
    %broadcast_in_dim3A_242 = vector.shape_cast %get3A_241 : vector<128xf32> to vector<1x128xf32>
    %mul3A_243 = vector.broadcast %broadcast_in_dim3A_242 : vector<1x128xf32> to vector<100x128xf32>
    %mul3A_244 = arith.mulf %add3A_62, %mul3A_243 : vector<100x128xf32>
    %dot_general3A_245 = arith.constant dense<0.000000e+00> : vector<100x100xf32>
    %dot_general3A_246 = tpu.matmul %mul3A_48, %mul3A_244, %dot_general3A_245 {dimension_numbers = #tpu.dot_dimension_numbers<[1], [1], [0], [0], [0, 0, 1, 0], [], []>, transpose_lhs_hint = false} : vector<100x128xf32>, vector<100x128xf32>, vector<100x100xf32> -> vector<100x100xf32>
    %reduce_max3A_247 = arith.constant dense<0xFF800000> : vector<100xf32>
    %reduce_max3A_248 = vector.multi_reduction <maximumf>, %dot_general3A_246, %reduce_max3A_247 [1] : vector<100x100xf32> to vector<100xf32>
    %broadcast_in_dim3A_249 = vector.shape_cast %reduce_max3A_248 : vector<100xf32> to vector<100x1xf32>
    %sub3A_250 = vector.broadcast %broadcast_in_dim3A_249 : vector<100x1xf32> to vector<100x100xf32>
    %sub3A_251 = arith.subf %dot_general3A_246, %sub3A_250 : vector<100x100xf32>
    %min3A_252 = arith.constant 0.000000e+00 : f32
    %min3A_253 = vector.broadcast %min3A_252 : f32 to vector<100x100xf32>
    %min3A_254 = arith.minimumf %sub3A_251, %min3A_253 : vector<100x100xf32>
    %exp3A_255 = math.exp %min3A_254 : vector<100x100xf32>
    %reduce_sum3A_256 = arith.constant dense<0.000000e+00> : vector<100xf32>
    %reduce_sum3A_257 = vector.multi_reduction <add>, %exp3A_255, %reduce_sum3A_256 [1] : vector<100x100xf32> to vector<100xf32>
    %broadcast_in_dim3A_258 = vector.shape_cast %reduce_sum3A_257 : vector<100xf32> to vector<100x1xf32>
    %div3A_259 = vector.broadcast %broadcast_in_dim3A_258 : vector<100x1xf32> to vector<100x100xf32>
    %div3A_260 = arith.divf %exp3A_255, %div3A_259 : vector<100x100xf32>
    %mul3A_261 = vector.broadcast %broadcast_in_dim3A_242 : vector<1x128xf32> to vector<100x128xf32>
    %mul3A_262 = arith.mulf %add3A_76, %mul3A_261 : vector<100x128xf32>
    %dot_general3A_263 = arith.constant dense<0.000000e+00> : vector<100x128xf32>
    %dot_general3A_264 = tpu.matmul %div3A_260, %mul3A_262, %dot_general3A_263 {dimension_numbers = #tpu.dot_dimension_numbers<[1], [0], [0], [1], [0, 0, 1, 1], [], []>, transpose_lhs_hint = false} : vector<100x100xf32>, vector<100x128xf32>, vector<100x128xf32> -> vector<100x128xf32>
    %add3A_265 = arith.addf %add3A_237, %dot_general3A_264 : vector<100x128xf32>
    %get3A_266 = arith.constant 7 : index
    %get3A_267 = arith.constant 0 : index
    %get3A_268 = vector.load %arg6[%get3A_266, %get3A_267] : memref<16x128xf32, #tpu.memory_space<vmem>>, vector<1x128xf32>
    %get3A_269 = vector.shape_cast %get3A_268 : vector<1x128xf32> to vector<128xf32>
    %broadcast_in_dim3A_270 = vector.shape_cast %get3A_269 : vector<128xf32> to vector<1x128xf32>
    %mul3A_271 = vector.broadcast %broadcast_in_dim3A_270 : vector<1x128xf32> to vector<100x128xf32>
    %mul3A_272 = arith.mulf %add3A_62, %mul3A_271 : vector<100x128xf32>
    %dot_general3A_273 = arith.constant dense<0.000000e+00> : vector<100x100xf32>
    %dot_general3A_274 = tpu.matmul %mul3A_48, %mul3A_272, %dot_general3A_273 {dimension_numbers = #tpu.dot_dimension_numbers<[1], [1], [0], [0], [0, 0, 1, 0], [], []>, transpose_lhs_hint = false} : vector<100x128xf32>, vector<100x128xf32>, vector<100x100xf32> -> vector<100x100xf32>
    %reduce_max3A_275 = arith.constant dense<0xFF800000> : vector<100xf32>
    %reduce_max3A_276 = vector.multi_reduction <maximumf>, %dot_general3A_274, %reduce_max3A_275 [1] : vector<100x100xf32> to vector<100xf32>
    %broadcast_in_dim3A_277 = vector.shape_cast %reduce_max3A_276 : vector<100xf32> to vector<100x1xf32>
    %sub3A_278 = vector.broadcast %broadcast_in_dim3A_277 : vector<100x1xf32> to vector<100x100xf32>
    %sub3A_279 = arith.subf %dot_general3A_274, %sub3A_278 : vector<100x100xf32>
    %min3A_280 = arith.constant 0.000000e+00 : f32
    %min3A_281 = vector.broadcast %min3A_280 : f32 to vector<100x100xf32>
    %min3A_282 = arith.minimumf %sub3A_279, %min3A_281 : vector<100x100xf32>
    %exp3A_283 = math.exp %min3A_282 : vector<100x100xf32>
    %reduce_sum3A_284 = arith.constant dense<0.000000e+00> : vector<100xf32>
    %reduce_sum3A_285 = vector.multi_reduction <add>, %exp3A_283, %reduce_sum3A_284 [1] : vector<100x100xf32> to vector<100xf32>
    %broadcast_in_dim3A_286 = vector.shape_cast %reduce_sum3A_285 : vector<100xf32> to vector<100x1xf32>
    %div3A_287 = vector.broadcast %broadcast_in_dim3A_286 : vector<100x1xf32> to vector<100x100xf32>
    %div3A_288 = arith.divf %exp3A_283, %div3A_287 : vector<100x100xf32>
    %mul3A_289 = vector.broadcast %broadcast_in_dim3A_270 : vector<1x128xf32> to vector<100x128xf32>
    %mul3A_290 = arith.mulf %add3A_76, %mul3A_289 : vector<100x128xf32>
    %dot_general3A_291 = arith.constant dense<0.000000e+00> : vector<100x128xf32>
    %dot_general3A_292 = tpu.matmul %div3A_288, %mul3A_290, %dot_general3A_291 {dimension_numbers = #tpu.dot_dimension_numbers<[1], [0], [0], [1], [0, 0, 1, 1], [], []>, transpose_lhs_hint = false} : vector<100x100xf32>, vector<100x128xf32>, vector<100x128xf32> -> vector<100x128xf32>
    %add3A_293 = arith.addf %add3A_265, %dot_general3A_292 : vector<100x128xf32>
    %get3A_294 = arith.constant 8 : index
    %get3A_295 = arith.constant 0 : index
    %get3A_296 = vector.load %arg6[%get3A_294, %get3A_295] : memref<16x128xf32, #tpu.memory_space<vmem>>, vector<1x128xf32>
    %get3A_297 = vector.shape_cast %get3A_296 : vector<1x128xf32> to vector<128xf32>
    %broadcast_in_dim3A_298 = vector.shape_cast %get3A_297 : vector<128xf32> to vector<1x128xf32>
    %mul3A_299 = vector.broadcast %broadcast_in_dim3A_298 : vector<1x128xf32> to vector<100x128xf32>
    %mul3A_300 = arith.mulf %add3A_62, %mul3A_299 : vector<100x128xf32>
    %dot_general3A_301 = arith.constant dense<0.000000e+00> : vector<100x100xf32>
    %dot_general3A_302 = tpu.matmul %mul3A_48, %mul3A_300, %dot_general3A_301 {dimension_numbers = #tpu.dot_dimension_numbers<[1], [1], [0], [0], [0, 0, 1, 0], [], []>, transpose_lhs_hint = false} : vector<100x128xf32>, vector<100x128xf32>, vector<100x100xf32> -> vector<100x100xf32>
    %reduce_max3A_303 = arith.constant dense<0xFF800000> : vector<100xf32>
    %reduce_max3A_304 = vector.multi_reduction <maximumf>, %dot_general3A_302, %reduce_max3A_303 [1] : vector<100x100xf32> to vector<100xf32>
    %broadcast_in_dim3A_305 = vector.shape_cast %reduce_max3A_304 : vector<100xf32> to vector<100x1xf32>
    %sub3A_306 = vector.broadcast %broadcast_in_dim3A_305 : vector<100x1xf32> to vector<100x100xf32>
    %sub3A_307 = arith.subf %dot_general3A_302, %sub3A_306 : vector<100x100xf32>
    %min3A_308 = arith.constant 0.000000e+00 : f32
    %min3A_309 = vector.broadcast %min3A_308 : f32 to vector<100x100xf32>
    %min3A_310 = arith.minimumf %sub3A_307, %min3A_309 : vector<100x100xf32>
    %exp3A_311 = math.exp %min3A_310 : vector<100x100xf32>
    %reduce_sum3A_312 = arith.constant dense<0.000000e+00> : vector<100xf32>
    %reduce_sum3A_313 = vector.multi_reduction <add>, %exp3A_311, %reduce_sum3A_312 [1] : vector<100x100xf32> to vector<100xf32>
    %broadcast_in_dim3A_314 = vector.shape_cast %reduce_sum3A_313 : vector<100xf32> to vector<100x1xf32>
    %div3A_315 = vector.broadcast %broadcast_in_dim3A_314 : vector<100x1xf32> to vector<100x100xf32>
    %div3A_316 = arith.divf %exp3A_311, %div3A_315 : vector<100x100xf32>
    %mul3A_317 = vector.broadcast %broadcast_in_dim3A_298 : vector<1x128xf32> to vector<100x128xf32>
    %mul3A_318 = arith.mulf %add3A_76, %mul3A_317 : vector<100x128xf32>
    %dot_general3A_319 = arith.constant dense<0.000000e+00> : vector<100x128xf32>
    %dot_general3A_320 = tpu.matmul %div3A_316, %mul3A_318, %dot_general3A_319 {dimension_numbers = #tpu.dot_dimension_numbers<[1], [0], [0], [1], [0, 0, 1, 1], [], []>, transpose_lhs_hint = false} : vector<100x100xf32>, vector<100x128xf32>, vector<100x128xf32> -> vector<100x128xf32>
    %add3A_321 = arith.addf %add3A_293, %dot_general3A_320 : vector<100x128xf32>
    %get3A_322 = arith.constant 9 : index
    %get3A_323 = arith.constant 0 : index
    %get3A_324 = vector.load %arg6[%get3A_322, %get3A_323] : memref<16x128xf32, #tpu.memory_space<vmem>>, vector<1x128xf32>
    %get3A_325 = vector.shape_cast %get3A_324 : vector<1x128xf32> to vector<128xf32>
    %broadcast_in_dim3A_326 = vector.shape_cast %get3A_325 : vector<128xf32> to vector<1x128xf32>
    %mul3A_327 = vector.broadcast %broadcast_in_dim3A_326 : vector<1x128xf32> to vector<100x128xf32>
    %mul3A_328 = arith.mulf %add3A_62, %mul3A_327 : vector<100x128xf32>
    %dot_general3A_329 = arith.constant dense<0.000000e+00> : vector<100x100xf32>
    %dot_general3A_330 = tpu.matmul %mul3A_48, %mul3A_328, %dot_general3A_329 {dimension_numbers = #tpu.dot_dimension_numbers<[1], [1], [0], [0], [0, 0, 1, 0], [], []>, transpose_lhs_hint = false} : vector<100x128xf32>, vector<100x128xf32>, vector<100x100xf32> -> vector<100x100xf32>
    %reduce_max3A_331 = arith.constant dense<0xFF800000> : vector<100xf32>
    %reduce_max3A_332 = vector.multi_reduction <maximumf>, %dot_general3A_330, %reduce_max3A_331 [1] : vector<100x100xf32> to vector<100xf32>
    %broadcast_in_dim3A_333 = vector.shape_cast %reduce_max3A_332 : vector<100xf32> to vector<100x1xf32>
    %sub3A_334 = vector.broadcast %broadcast_in_dim3A_333 : vector<100x1xf32> to vector<100x100xf32>
    %sub3A_335 = arith.subf %dot_general3A_330, %sub3A_334 : vector<100x100xf32>
    %min3A_336 = arith.constant 0.000000e+00 : f32
    %min3A_337 = vector.broadcast %min3A_336 : f32 to vector<100x100xf32>
    %min3A_338 = arith.minimumf %sub3A_335, %min3A_337 : vector<100x100xf32>
    %exp3A_339 = math.exp %min3A_338 : vector<100x100xf32>
    %reduce_sum3A_340 = arith.constant dense<0.000000e+00> : vector<100xf32>
    %reduce_sum3A_341 = vector.multi_reduction <add>, %exp3A_339, %reduce_sum3A_340 [1] : vector<100x100xf32> to vector<100xf32>
    %broadcast_in_dim3A_342 = vector.shape_cast %reduce_sum3A_341 : vector<100xf32> to vector<100x1xf32>
    %div3A_343 = vector.broadcast %broadcast_in_dim3A_342 : vector<100x1xf32> to vector<100x100xf32>
    %div3A_344 = arith.divf %exp3A_339, %div3A_343 : vector<100x100xf32>
    %mul3A_345 = vector.broadcast %broadcast_in_dim3A_326 : vector<1x128xf32> to vector<100x128xf32>
    %mul3A_346 = arith.mulf %add3A_76, %mul3A_345 : vector<100x128xf32>
    %dot_general3A_347 = arith.constant dense<0.000000e+00> : vector<100x128xf32>
    %dot_general3A_348 = tpu.matmul %div3A_344, %mul3A_346, %dot_general3A_347 {dimension_numbers = #tpu.dot_dimension_numbers<[1], [0], [0], [1], [0, 0, 1, 1], [], []>, transpose_lhs_hint = false} : vector<100x100xf32>, vector<100x128xf32>, vector<100x128xf32> -> vector<100x128xf32>
    %add3A_349 = arith.addf %add3A_321, %dot_general3A_348 : vector<100x128xf32>
    %get3A_350 = arith.constant 10 : index
    %get3A_351 = arith.constant 0 : index
    %get3A_352 = vector.load %arg6[%get3A_350, %get3A_351] : memref<16x128xf32, #tpu.memory_space<vmem>>, vector<1x128xf32>
    %get3A_353 = vector.shape_cast %get3A_352 : vector<1x128xf32> to vector<128xf32>
    %broadcast_in_dim3A_354 = vector.shape_cast %get3A_353 : vector<128xf32> to vector<1x128xf32>
    %mul3A_355 = vector.broadcast %broadcast_in_dim3A_354 : vector<1x128xf32> to vector<100x128xf32>
    %mul3A_356 = arith.mulf %add3A_62, %mul3A_355 : vector<100x128xf32>
    %dot_general3A_357 = arith.constant dense<0.000000e+00> : vector<100x100xf32>
    %dot_general3A_358 = tpu.matmul %mul3A_48, %mul3A_356, %dot_general3A_357 {dimension_numbers = #tpu.dot_dimension_numbers<[1], [1], [0], [0], [0, 0, 1, 0], [], []>, transpose_lhs_hint = false} : vector<100x128xf32>, vector<100x128xf32>, vector<100x100xf32> -> vector<100x100xf32>
    %reduce_max3A_359 = arith.constant dense<0xFF800000> : vector<100xf32>
    %reduce_max3A_360 = vector.multi_reduction <maximumf>, %dot_general3A_358, %reduce_max3A_359 [1] : vector<100x100xf32> to vector<100xf32>
    %broadcast_in_dim3A_361 = vector.shape_cast %reduce_max3A_360 : vector<100xf32> to vector<100x1xf32>
    %sub3A_362 = vector.broadcast %broadcast_in_dim3A_361 : vector<100x1xf32> to vector<100x100xf32>
    %sub3A_363 = arith.subf %dot_general3A_358, %sub3A_362 : vector<100x100xf32>
    %min3A_364 = arith.constant 0.000000e+00 : f32
    %min3A_365 = vector.broadcast %min3A_364 : f32 to vector<100x100xf32>
    %min3A_366 = arith.minimumf %sub3A_363, %min3A_365 : vector<100x100xf32>
    %exp3A_367 = math.exp %min3A_366 : vector<100x100xf32>
    %reduce_sum3A_368 = arith.constant dense<0.000000e+00> : vector<100xf32>
    %reduce_sum3A_369 = vector.multi_reduction <add>, %exp3A_367, %reduce_sum3A_368 [1] : vector<100x100xf32> to vector<100xf32>
    %broadcast_in_dim3A_370 = vector.shape_cast %reduce_sum3A_369 : vector<100xf32> to vector<100x1xf32>
    %div3A_371 = vector.broadcast %broadcast_in_dim3A_370 : vector<100x1xf32> to vector<100x100xf32>
    %div3A_372 = arith.divf %exp3A_367, %div3A_371 : vector<100x100xf32>
    %mul3A_373 = vector.broadcast %broadcast_in_dim3A_354 : vector<1x128xf32> to vector<100x128xf32>
    %mul3A_374 = arith.mulf %add3A_76, %mul3A_373 : vector<100x128xf32>
    %dot_general3A_375 = arith.constant dense<0.000000e+00> : vector<100x128xf32>
    %dot_general3A_376 = tpu.matmul %div3A_372, %mul3A_374, %dot_general3A_375 {dimension_numbers = #tpu.dot_dimension_numbers<[1], [0], [0], [1], [0, 0, 1, 1], [], []>, transpose_lhs_hint = false} : vector<100x100xf32>, vector<100x128xf32>, vector<100x128xf32> -> vector<100x128xf32>
    %add3A_377 = arith.addf %add3A_349, %dot_general3A_376 : vector<100x128xf32>
    %get3A_378 = arith.constant 11 : index
    %get3A_379 = arith.constant 0 : index
    %get3A_380 = vector.load %arg6[%get3A_378, %get3A_379] : memref<16x128xf32, #tpu.memory_space<vmem>>, vector<1x128xf32>
    %get3A_381 = vector.shape_cast %get3A_380 : vector<1x128xf32> to vector<128xf32>
    %broadcast_in_dim3A_382 = vector.shape_cast %get3A_381 : vector<128xf32> to vector<1x128xf32>
    %mul3A_383 = vector.broadcast %broadcast_in_dim3A_382 : vector<1x128xf32> to vector<100x128xf32>
    %mul3A_384 = arith.mulf %add3A_62, %mul3A_383 : vector<100x128xf32>
    %dot_general3A_385 = arith.constant dense<0.000000e+00> : vector<100x100xf32>
    %dot_general3A_386 = tpu.matmul %mul3A_48, %mul3A_384, %dot_general3A_385 {dimension_numbers = #tpu.dot_dimension_numbers<[1], [1], [0], [0], [0, 0, 1, 0], [], []>, transpose_lhs_hint = false} : vector<100x128xf32>, vector<100x128xf32>, vector<100x100xf32> -> vector<100x100xf32>
    %reduce_max3A_387 = arith.constant dense<0xFF800000> : vector<100xf32>
    %reduce_max3A_388 = vector.multi_reduction <maximumf>, %dot_general3A_386, %reduce_max3A_387 [1] : vector<100x100xf32> to vector<100xf32>
    %broadcast_in_dim3A_389 = vector.shape_cast %reduce_max3A_388 : vector<100xf32> to vector<100x1xf32>
    %sub3A_390 = vector.broadcast %broadcast_in_dim3A_389 : vector<100x1xf32> to vector<100x100xf32>
    %sub3A_391 = arith.subf %dot_general3A_386, %sub3A_390 : vector<100x100xf32>
    %min3A_392 = arith.constant 0.000000e+00 : f32
    %min3A_393 = vector.broadcast %min3A_392 : f32 to vector<100x100xf32>
    %min3A_394 = arith.minimumf %sub3A_391, %min3A_393 : vector<100x100xf32>
    %exp3A_395 = math.exp %min3A_394 : vector<100x100xf32>
    %reduce_sum3A_396 = arith.constant dense<0.000000e+00> : vector<100xf32>
    %reduce_sum3A_397 = vector.multi_reduction <add>, %exp3A_395, %reduce_sum3A_396 [1] : vector<100x100xf32> to vector<100xf32>
    %broadcast_in_dim3A_398 = vector.shape_cast %reduce_sum3A_397 : vector<100xf32> to vector<100x1xf32>
    %div3A_399 = vector.broadcast %broadcast_in_dim3A_398 : vector<100x1xf32> to vector<100x100xf32>
    %div3A_400 = arith.divf %exp3A_395, %div3A_399 : vector<100x100xf32>
    %mul3A_401 = vector.broadcast %broadcast_in_dim3A_382 : vector<1x128xf32> to vector<100x128xf32>
    %mul3A_402 = arith.mulf %add3A_76, %mul3A_401 : vector<100x128xf32>
    %dot_general3A_403 = arith.constant dense<0.000000e+00> : vector<100x128xf32>
    %dot_general3A_404 = tpu.matmul %div3A_400, %mul3A_402, %dot_general3A_403 {dimension_numbers = #tpu.dot_dimension_numbers<[1], [0], [0], [1], [0, 0, 1, 1], [], []>, transpose_lhs_hint = false} : vector<100x100xf32>, vector<100x128xf32>, vector<100x128xf32> -> vector<100x128xf32>
    %add3A_405 = arith.addf %add3A_377, %dot_general3A_404 : vector<100x128xf32>
    %get3A_406 = arith.constant 12 : index
    %get3A_407 = arith.constant 0 : index
    %get3A_408 = vector.load %arg6[%get3A_406, %get3A_407] : memref<16x128xf32, #tpu.memory_space<vmem>>, vector<1x128xf32>
    %get3A_409 = vector.shape_cast %get3A_408 : vector<1x128xf32> to vector<128xf32>
    %broadcast_in_dim3A_410 = vector.shape_cast %get3A_409 : vector<128xf32> to vector<1x128xf32>
    %mul3A_411 = vector.broadcast %broadcast_in_dim3A_410 : vector<1x128xf32> to vector<100x128xf32>
    %mul3A_412 = arith.mulf %add3A_62, %mul3A_411 : vector<100x128xf32>
    %dot_general3A_413 = arith.constant dense<0.000000e+00> : vector<100x100xf32>
    %dot_general3A_414 = tpu.matmul %mul3A_48, %mul3A_412, %dot_general3A_413 {dimension_numbers = #tpu.dot_dimension_numbers<[1], [1], [0], [0], [0, 0, 1, 0], [], []>, transpose_lhs_hint = false} : vector<100x128xf32>, vector<100x128xf32>, vector<100x100xf32> -> vector<100x100xf32>
    %reduce_max3A_415 = arith.constant dense<0xFF800000> : vector<100xf32>
    %reduce_max3A_416 = vector.multi_reduction <maximumf>, %dot_general3A_414, %reduce_max3A_415 [1] : vector<100x100xf32> to vector<100xf32>
    %broadcast_in_dim3A_417 = vector.shape_cast %reduce_max3A_416 : vector<100xf32> to vector<100x1xf32>
    %sub3A_418 = vector.broadcast %broadcast_in_dim3A_417 : vector<100x1xf32> to vector<100x100xf32>
    %sub3A_419 = arith.subf %dot_general3A_414, %sub3A_418 : vector<100x100xf32>
    %min3A_420 = arith.constant 0.000000e+00 : f32
    %min3A_421 = vector.broadcast %min3A_420 : f32 to vector<100x100xf32>
    %min3A_422 = arith.minimumf %sub3A_419, %min3A_421 : vector<100x100xf32>
    %exp3A_423 = math.exp %min3A_422 : vector<100x100xf32>
    %reduce_sum3A_424 = arith.constant dense<0.000000e+00> : vector<100xf32>
    %reduce_sum3A_425 = vector.multi_reduction <add>, %exp3A_423, %reduce_sum3A_424 [1] : vector<100x100xf32> to vector<100xf32>
    %broadcast_in_dim3A_426 = vector.shape_cast %reduce_sum3A_425 : vector<100xf32> to vector<100x1xf32>
    %div3A_427 = vector.broadcast %broadcast_in_dim3A_426 : vector<100x1xf32> to vector<100x100xf32>
    %div3A_428 = arith.divf %exp3A_423, %div3A_427 : vector<100x100xf32>
    %mul3A_429 = vector.broadcast %broadcast_in_dim3A_410 : vector<1x128xf32> to vector<100x128xf32>
    %mul3A_430 = arith.mulf %add3A_76, %mul3A_429 : vector<100x128xf32>
    %dot_general3A_431 = arith.constant dense<0.000000e+00> : vector<100x128xf32>
    %dot_general3A_432 = tpu.matmul %div3A_428, %mul3A_430, %dot_general3A_431 {dimension_numbers = #tpu.dot_dimension_numbers<[1], [0], [0], [1], [0, 0, 1, 1], [], []>, transpose_lhs_hint = false} : vector<100x100xf32>, vector<100x128xf32>, vector<100x128xf32> -> vector<100x128xf32>
    %add3A_433 = arith.addf %add3A_405, %dot_general3A_432 : vector<100x128xf32>
    %get3A_434 = arith.constant 13 : index
    %get3A_435 = arith.constant 0 : index
    %get3A_436 = vector.load %arg6[%get3A_434, %get3A_435] : memref<16x128xf32, #tpu.memory_space<vmem>>, vector<1x128xf32>
    %get3A_437 = vector.shape_cast %get3A_436 : vector<1x128xf32> to vector<128xf32>
    %broadcast_in_dim3A_438 = vector.shape_cast %get3A_437 : vector<128xf32> to vector<1x128xf32>
    %mul3A_439 = vector.broadcast %broadcast_in_dim3A_438 : vector<1x128xf32> to vector<100x128xf32>
    %mul3A_440 = arith.mulf %add3A_62, %mul3A_439 : vector<100x128xf32>
    %dot_general3A_441 = arith.constant dense<0.000000e+00> : vector<100x100xf32>
    %dot_general3A_442 = tpu.matmul %mul3A_48, %mul3A_440, %dot_general3A_441 {dimension_numbers = #tpu.dot_dimension_numbers<[1], [1], [0], [0], [0, 0, 1, 0], [], []>, transpose_lhs_hint = false} : vector<100x128xf32>, vector<100x128xf32>, vector<100x100xf32> -> vector<100x100xf32>
    %reduce_max3A_443 = arith.constant dense<0xFF800000> : vector<100xf32>
    %reduce_max3A_444 = vector.multi_reduction <maximumf>, %dot_general3A_442, %reduce_max3A_443 [1] : vector<100x100xf32> to vector<100xf32>
    %broadcast_in_dim3A_445 = vector.shape_cast %reduce_max3A_444 : vector<100xf32> to vector<100x1xf32>
    %sub3A_446 = vector.broadcast %broadcast_in_dim3A_445 : vector<100x1xf32> to vector<100x100xf32>
    %sub3A_447 = arith.subf %dot_general3A_442, %sub3A_446 : vector<100x100xf32>
    %min3A_448 = arith.constant 0.000000e+00 : f32
    %min3A_449 = vector.broadcast %min3A_448 : f32 to vector<100x100xf32>
    %min3A_450 = arith.minimumf %sub3A_447, %min3A_449 : vector<100x100xf32>
    %exp3A_451 = math.exp %min3A_450 : vector<100x100xf32>
    %reduce_sum3A_452 = arith.constant dense<0.000000e+00> : vector<100xf32>
    %reduce_sum3A_453 = vector.multi_reduction <add>, %exp3A_451, %reduce_sum3A_452 [1] : vector<100x100xf32> to vector<100xf32>
    %broadcast_in_dim3A_454 = vector.shape_cast %reduce_sum3A_453 : vector<100xf32> to vector<100x1xf32>
    %div3A_455 = vector.broadcast %broadcast_in_dim3A_454 : vector<100x1xf32> to vector<100x100xf32>
    %div3A_456 = arith.divf %exp3A_451, %div3A_455 : vector<100x100xf32>
    %mul3A_457 = vector.broadcast %broadcast_in_dim3A_438 : vector<1x128xf32> to vector<100x128xf32>
    %mul3A_458 = arith.mulf %add3A_76, %mul3A_457 : vector<100x128xf32>
    %dot_general3A_459 = arith.constant dense<0.000000e+00> : vector<100x128xf32>
    %dot_general3A_460 = tpu.matmul %div3A_456, %mul3A_458, %dot_general3A_459 {dimension_numbers = #tpu.dot_dimension_numbers<[1], [0], [0], [1], [0, 0, 1, 1], [], []>, transpose_lhs_hint = false} : vector<100x100xf32>, vector<100x128xf32>, vector<100x128xf32> -> vector<100x128xf32>
    %add3A_461 = arith.addf %add3A_433, %dot_general3A_460 : vector<100x128xf32>
    %get3A_462 = arith.constant 14 : index
    %get3A_463 = arith.constant 0 : index
    %get3A_464 = vector.load %arg6[%get3A_462, %get3A_463] : memref<16x128xf32, #tpu.memory_space<vmem>>, vector<1x128xf32>
    %get3A_465 = vector.shape_cast %get3A_464 : vector<1x128xf32> to vector<128xf32>
    %broadcast_in_dim3A_466 = vector.shape_cast %get3A_465 : vector<128xf32> to vector<1x128xf32>
    %mul3A_467 = vector.broadcast %broadcast_in_dim3A_466 : vector<1x128xf32> to vector<100x128xf32>
    %mul3A_468 = arith.mulf %add3A_62, %mul3A_467 : vector<100x128xf32>
    %dot_general3A_469 = arith.constant dense<0.000000e+00> : vector<100x100xf32>
    %dot_general3A_470 = tpu.matmul %mul3A_48, %mul3A_468, %dot_general3A_469 {dimension_numbers = #tpu.dot_dimension_numbers<[1], [1], [0], [0], [0, 0, 1, 0], [], []>, transpose_lhs_hint = false} : vector<100x128xf32>, vector<100x128xf32>, vector<100x100xf32> -> vector<100x100xf32>
    %reduce_max3A_471 = arith.constant dense<0xFF800000> : vector<100xf32>
    %reduce_max3A_472 = vector.multi_reduction <maximumf>, %dot_general3A_470, %reduce_max3A_471 [1] : vector<100x100xf32> to vector<100xf32>
    %broadcast_in_dim3A_473 = vector.shape_cast %reduce_max3A_472 : vector<100xf32> to vector<100x1xf32>
    %sub3A_474 = vector.broadcast %broadcast_in_dim3A_473 : vector<100x1xf32> to vector<100x100xf32>
    %sub3A_475 = arith.subf %dot_general3A_470, %sub3A_474 : vector<100x100xf32>
    %min3A_476 = arith.constant 0.000000e+00 : f32
    %min3A_477 = vector.broadcast %min3A_476 : f32 to vector<100x100xf32>
    %min3A_478 = arith.minimumf %sub3A_475, %min3A_477 : vector<100x100xf32>
    %exp3A_479 = math.exp %min3A_478 : vector<100x100xf32>
    %reduce_sum3A_480 = arith.constant dense<0.000000e+00> : vector<100xf32>
    %reduce_sum3A_481 = vector.multi_reduction <add>, %exp3A_479, %reduce_sum3A_480 [1] : vector<100x100xf32> to vector<100xf32>
    %broadcast_in_dim3A_482 = vector.shape_cast %reduce_sum3A_481 : vector<100xf32> to vector<100x1xf32>
    %div3A_483 = vector.broadcast %broadcast_in_dim3A_482 : vector<100x1xf32> to vector<100x100xf32>
    %div3A_484 = arith.divf %exp3A_479, %div3A_483 : vector<100x100xf32>
    %mul3A_485 = vector.broadcast %broadcast_in_dim3A_466 : vector<1x128xf32> to vector<100x128xf32>
    %mul3A_486 = arith.mulf %add3A_76, %mul3A_485 : vector<100x128xf32>
    %dot_general3A_487 = arith.constant dense<0.000000e+00> : vector<100x128xf32>
    %dot_general3A_488 = tpu.matmul %div3A_484, %mul3A_486, %dot_general3A_487 {dimension_numbers = #tpu.dot_dimension_numbers<[1], [0], [0], [1], [0, 0, 1, 1], [], []>, transpose_lhs_hint = false} : vector<100x100xf32>, vector<100x128xf32>, vector<100x128xf32> -> vector<100x128xf32>
    %add3A_489 = arith.addf %add3A_461, %dot_general3A_488 : vector<100x128xf32>
    %get3A_490 = arith.constant 15 : index
    %get3A_491 = arith.constant 0 : index
    %get3A_492 = vector.load %arg6[%get3A_490, %get3A_491] : memref<16x128xf32, #tpu.memory_space<vmem>>, vector<1x128xf32>
    %get3A_493 = vector.shape_cast %get3A_492 : vector<1x128xf32> to vector<128xf32>
    %broadcast_in_dim3A_494 = vector.shape_cast %get3A_493 : vector<128xf32> to vector<1x128xf32>
    %mul3A_495 = vector.broadcast %broadcast_in_dim3A_494 : vector<1x128xf32> to vector<100x128xf32>
    %mul3A_496 = arith.mulf %add3A_62, %mul3A_495 : vector<100x128xf32>
    %dot_general3A_497 = arith.constant dense<0.000000e+00> : vector<100x100xf32>
    %dot_general3A_498 = tpu.matmul %mul3A_48, %mul3A_496, %dot_general3A_497 {dimension_numbers = #tpu.dot_dimension_numbers<[1], [1], [0], [0], [0, 0, 1, 0], [], []>, transpose_lhs_hint = false} : vector<100x128xf32>, vector<100x128xf32>, vector<100x100xf32> -> vector<100x100xf32>
    %reduce_max3A_499 = arith.constant dense<0xFF800000> : vector<100xf32>
    %reduce_max3A_500 = vector.multi_reduction <maximumf>, %dot_general3A_498, %reduce_max3A_499 [1] : vector<100x100xf32> to vector<100xf32>
    %broadcast_in_dim3A_501 = vector.shape_cast %reduce_max3A_500 : vector<100xf32> to vector<100x1xf32>
    %sub3A_502 = vector.broadcast %broadcast_in_dim3A_501 : vector<100x1xf32> to vector<100x100xf32>
    %sub3A_503 = arith.subf %dot_general3A_498, %sub3A_502 : vector<100x100xf32>
    %min3A_504 = arith.constant 0.000000e+00 : f32
    %min3A_505 = vector.broadcast %min3A_504 : f32 to vector<100x100xf32>
    %min3A_506 = arith.minimumf %sub3A_503, %min3A_505 : vector<100x100xf32>
    %exp3A_507 = math.exp %min3A_506 : vector<100x100xf32>
    %reduce_sum3A_508 = arith.constant dense<0.000000e+00> : vector<100xf32>
    %reduce_sum3A_509 = vector.multi_reduction <add>, %exp3A_507, %reduce_sum3A_508 [1] : vector<100x100xf32> to vector<100xf32>
    %broadcast_in_dim3A_510 = vector.shape_cast %reduce_sum3A_509 : vector<100xf32> to vector<100x1xf32>
    %div3A_511 = vector.broadcast %broadcast_in_dim3A_510 : vector<100x1xf32> to vector<100x100xf32>
    %div3A_512 = arith.divf %exp3A_507, %div3A_511 : vector<100x100xf32>
    %mul3A_513 = vector.broadcast %broadcast_in_dim3A_494 : vector<1x128xf32> to vector<100x128xf32>
    %mul3A_514 = arith.mulf %add3A_76, %mul3A_513 : vector<100x128xf32>
    %dot_general3A_515 = arith.constant dense<0.000000e+00> : vector<100x128xf32>
    %dot_general3A_516 = tpu.matmul %div3A_512, %mul3A_514, %dot_general3A_515 {dimension_numbers = #tpu.dot_dimension_numbers<[1], [0], [0], [1], [0, 0, 1, 1], [], []>, transpose_lhs_hint = false} : vector<100x100xf32>, vector<100x128xf32>, vector<100x128xf32> -> vector<100x128xf32>
    %add3A_517 = arith.addf %add3A_489, %dot_general3A_516 : vector<100x128xf32>
    %get3A_518 = arith.constant 0 : index
    %get3A_519 = arith.constant 0 : index
    %get3A_520 = arith.constant 0 : index
    %get3A_521 = vector.load %arg13[%get3A_518, %get3A_519, %get3A_520] : memref<2x128x128xf32, #tpu.memory_space<vmem>>, vector<1x128x128xf32>
    %get3A_522 = vector.shape_cast %get3A_521 : vector<1x128x128xf32> to vector<128x128xf32>
    %dot_general3A_523 = arith.constant dense<0.000000e+00> : vector<100x128xf32>
    %dot_general3A_524 = tpu.matmul %add3A_517, %get3A_522, %dot_general3A_523 {dimension_numbers = #tpu.dot_dimension_numbers<[1], [0], [0], [1], [0, 0, 1, 1], [], []>, transpose_lhs_hint = false} : vector<100x128xf32>, vector<128x128xf32>, vector<100x128xf32> -> vector<100x128xf32>
    %get3A_525 = arith.constant 0 : index
    %get3A_526 = arith.constant 0 : index
    %get3A_527 = vector.load %arg14[%get3A_525, %get3A_526] : memref<2x128xf32, #tpu.memory_space<vmem>>, vector<1x128xf32>
    %get3A_528 = vector.shape_cast %get3A_527 : vector<1x128xf32> to vector<128xf32>
    %broadcast_in_dim3A_529 = vector.shape_cast %get3A_528 : vector<128xf32> to vector<1x128xf32>
    %add3A_530 = vector.broadcast %broadcast_in_dim3A_529 : vector<1x128xf32> to vector<100x128xf32>
    %add3A_531 = arith.addf %dot_general3A_524, %add3A_530 : vector<100x128xf32>
    %add3A_532 = arith.addf %get3A_32, %add3A_531 : vector<100x128xf32>
    %get3A_533 = arith.constant 0 : index
    %get3A_534 = arith.constant 0 : index
    %get3A_535 = vector.load %arg19[%get3A_533, %get3A_534] : memref<2x128xf32, #tpu.memory_space<vmem>>, vector<1x128xf32>
    %get3A_536 = vector.shape_cast %get3A_535 : vector<1x128xf32> to vector<128xf32>
    %get3A_537 = arith.constant 0 : index
    %get3A_538 = arith.constant 0 : index
    %get3A_539 = vector.load %arg20[%get3A_537, %get3A_538] : memref<2x128xf32, #tpu.memory_space<vmem>>, vector<1x128xf32>
    %get3A_540 = vector.shape_cast %get3A_539 : vector<1x128xf32> to vector<128xf32>
    %reduce_sum3A_541 = arith.constant dense<0.000000e+00> : vector<100xf32>
    %reduce_sum3A_542 = vector.multi_reduction <add>, %add3A_532, %reduce_sum3A_541 [1] : vector<100x128xf32> to vector<100xf32>
    %broadcast_in_dim3A_543 = vector.shape_cast %reduce_sum3A_542 : vector<100xf32> to vector<100x1xf32>
    %div3A_544 = arith.constant 1.280000e+02 : f32
    %div3A_545 = vector.broadcast %div3A_544 : f32 to vector<100x1xf32>
    %div3A_546 = arith.divf %broadcast_in_dim3A_543, %div3A_545 : vector<100x1xf32>
    %sub3A_547 = vector.broadcast %div3A_546 : vector<100x1xf32> to vector<100x128xf32>
    %sub3A_548 = arith.subf %add3A_532, %sub3A_547 : vector<100x128xf32>
    %mul3A_549 = arith.mulf %sub3A_548, %sub3A_548 : vector<100x128xf32>
    %reduce_sum3A_550 = arith.constant dense<0.000000e+00> : vector<100xf32>
    %reduce_sum3A_551 = vector.multi_reduction <add>, %mul3A_549, %reduce_sum3A_550 [1] : vector<100x128xf32> to vector<100xf32>
    %broadcast_in_dim3A_552 = vector.shape_cast %reduce_sum3A_551 : vector<100xf32> to vector<100x1xf32>
    %div3A_553 = arith.constant 1.280000e+02 : f32
    %div3A_554 = vector.broadcast %div3A_553 : f32 to vector<100x1xf32>
    %div3A_555 = arith.divf %broadcast_in_dim3A_552, %div3A_554 : vector<100x1xf32>
    %add3A_556 = arith.constant 9.99999974E-6 : f32
    %add3A_557 = vector.broadcast %add3A_556 : f32 to vector<100x1xf32>
    %add3A_558 = arith.addf %div3A_555, %add3A_557 : vector<100x1xf32>
    %rsqrt3A = math.rsqrt %add3A_558 : vector<100x1xf32>
    %mul3A_559 = vector.broadcast %rsqrt3A : vector<100x1xf32> to vector<100x128xf32>
    %mul3A_560 = arith.mulf %sub3A_548, %mul3A_559 : vector<100x128xf32>
    %broadcast_in_dim3A_561 = vector.shape_cast %get3A_536 : vector<128xf32> to vector<1x128xf32>
    %mul3A_562 = vector.broadcast %broadcast_in_dim3A_561 : vector<1x128xf32> to vector<100x128xf32>
    %mul3A_563 = arith.mulf %mul3A_560, %mul3A_562 : vector<100x128xf32>
    %broadcast_in_dim3A_564 = vector.shape_cast %get3A_540 : vector<128xf32> to vector<1x128xf32>
    %add3A_565 = vector.broadcast %broadcast_in_dim3A_564 : vector<1x128xf32> to vector<100x128xf32>
    %add3A_566 = arith.addf %mul3A_563, %add3A_565 : vector<100x128xf32>
    %get3A_567 = arith.constant 0 : index
    %get3A_568 = arith.constant 0 : index
    %get3A_569 = arith.constant 0 : index
    %get3A_570 = vector.load %arg15[%get3A_567, %get3A_568, %get3A_569] : memref<2x128x512xf32, #tpu.memory_space<vmem>>, vector<1x128x512xf32>
    %get3A_571 = vector.shape_cast %get3A_570 : vector<1x128x512xf32> to vector<128x512xf32>
    %dot_general3A_572 = arith.constant dense<0.000000e+00> : vector<100x512xf32>
    %dot_general3A_573 = tpu.matmul %add3A_566, %get3A_571, %dot_general3A_572 {dimension_numbers = #tpu.dot_dimension_numbers<[1], [0], [0], [1], [0, 0, 1, 1], [], []>, transpose_lhs_hint = false} : vector<100x128xf32>, vector<128x512xf32>, vector<100x512xf32> -> vector<100x512xf32>
    %get3A_574 = arith.constant 0 : index
    %get3A_575 = arith.constant 0 : index
    %get3A_576 = vector.load %arg16[%get3A_574, %get3A_575] : memref<2x512xf32, #tpu.memory_space<vmem>>, vector<1x512xf32>
    %get3A_577 = vector.shape_cast %get3A_576 : vector<1x512xf32> to vector<512xf32>
    %broadcast_in_dim3A_578 = vector.shape_cast %get3A_577 : vector<512xf32> to vector<1x512xf32>
    %add3A_579 = vector.broadcast %broadcast_in_dim3A_578 : vector<1x512xf32> to vector<100x512xf32>
    %add3A_580 = arith.addf %dot_general3A_573, %add3A_579 : vector<100x512xf32>
    %max3A_581 = arith.constant 0.000000e+00 : f32
    %max3A_582 = vector.broadcast %max3A_581 : f32 to vector<100x512xf32>
    %max3A_583 = arith.maximumf %add3A_580, %max3A_582 : vector<100x512xf32>
    %get3A_584 = arith.constant 0 : index
    %get3A_585 = arith.constant 0 : index
    %get3A_586 = arith.constant 0 : index
    %get3A_587 = vector.load %arg17[%get3A_584, %get3A_585, %get3A_586] : memref<2x512x128xf32, #tpu.memory_space<vmem>>, vector<1x512x128xf32>
    %get3A_588 = vector.shape_cast %get3A_587 : vector<1x512x128xf32> to vector<512x128xf32>
    %dot_general3A_589 = arith.constant dense<0.000000e+00> : vector<100x128xf32>
    %dot_general3A_590 = tpu.matmul %max3A_583, %get3A_588, %dot_general3A_589 {dimension_numbers = #tpu.dot_dimension_numbers<[1], [0], [0], [1], [0, 0, 1, 1], [], []>, transpose_lhs_hint = false} : vector<100x512xf32>, vector<512x128xf32>, vector<100x128xf32> -> vector<100x128xf32>
    %get3A_591 = arith.constant 0 : index
    %get3A_592 = arith.constant 0 : index
    %get3A_593 = vector.load %arg18[%get3A_591, %get3A_592] : memref<2x128xf32, #tpu.memory_space<vmem>>, vector<1x128xf32>
    %get3A_594 = vector.shape_cast %get3A_593 : vector<1x128xf32> to vector<128xf32>
    %broadcast_in_dim3A_595 = vector.shape_cast %get3A_594 : vector<128xf32> to vector<1x128xf32>
    %add3A_596 = vector.broadcast %broadcast_in_dim3A_595 : vector<1x128xf32> to vector<100x128xf32>
    %add3A_597 = arith.addf %dot_general3A_590, %add3A_596 : vector<100x128xf32>
    %add3A_598 = arith.addf %add3A_566, %add3A_597 : vector<100x128xf32>
    %get3A_599 = arith.constant 0 : index
    %get3A_600 = arith.constant 0 : index
    %get3A_601 = vector.load %arg21[%get3A_599, %get3A_600] : memref<2x128xf32, #tpu.memory_space<vmem>>, vector<1x128xf32>
    %get3A_602 = vector.shape_cast %get3A_601 : vector<1x128xf32> to vector<128xf32>
    %get3A_603 = arith.constant 0 : index
    %get3A_604 = arith.constant 0 : index
    %get3A_605 = vector.load %arg22[%get3A_603, %get3A_604] : memref<2x128xf32, #tpu.memory_space<vmem>>, vector<1x128xf32>
    %get3A_606 = vector.shape_cast %get3A_605 : vector<1x128xf32> to vector<128xf32>
    %reduce_sum3A_607 = arith.constant dense<0.000000e+00> : vector<100xf32>
    %reduce_sum3A_608 = vector.multi_reduction <add>, %add3A_598, %reduce_sum3A_607 [1] : vector<100x128xf32> to vector<100xf32>
    %broadcast_in_dim3A_609 = vector.shape_cast %reduce_sum3A_608 : vector<100xf32> to vector<100x1xf32>
    %div3A_610 = arith.constant 1.280000e+02 : f32
    %div3A_611 = vector.broadcast %div3A_610 : f32 to vector<100x1xf32>
    %div3A_612 = arith.divf %broadcast_in_dim3A_609, %div3A_611 : vector<100x1xf32>
    %sub3A_613 = vector.broadcast %div3A_612 : vector<100x1xf32> to vector<100x128xf32>
    %sub3A_614 = arith.subf %add3A_598, %sub3A_613 : vector<100x128xf32>
    %mul3A_615 = arith.mulf %sub3A_614, %sub3A_614 : vector<100x128xf32>
    %reduce_sum3A_616 = arith.constant dense<0.000000e+00> : vector<100xf32>
    %reduce_sum3A_617 = vector.multi_reduction <add>, %mul3A_615, %reduce_sum3A_616 [1] : vector<100x128xf32> to vector<100xf32>
    %broadcast_in_dim3A_618 = vector.shape_cast %reduce_sum3A_617 : vector<100xf32> to vector<100x1xf32>
    %div3A_619 = arith.constant 1.280000e+02 : f32
    %div3A_620 = vector.broadcast %div3A_619 : f32 to vector<100x1xf32>
    %div3A_621 = arith.divf %broadcast_in_dim3A_618, %div3A_620 : vector<100x1xf32>
    %add3A_622 = arith.constant 9.99999974E-6 : f32
    %add3A_623 = vector.broadcast %add3A_622 : f32 to vector<100x1xf32>
    %add3A_624 = arith.addf %div3A_621, %add3A_623 : vector<100x1xf32>
    %rsqrt3A_625 = math.rsqrt %add3A_624 : vector<100x1xf32>
    %mul3A_626 = vector.broadcast %rsqrt3A_625 : vector<100x1xf32> to vector<100x128xf32>
    %mul3A_627 = arith.mulf %sub3A_614, %mul3A_626 : vector<100x128xf32>
    %broadcast_in_dim3A_628 = vector.shape_cast %get3A_602 : vector<128xf32> to vector<1x128xf32>
    %mul3A_629 = vector.broadcast %broadcast_in_dim3A_628 : vector<1x128xf32> to vector<100x128xf32>
    %mul3A_630 = arith.mulf %mul3A_627, %mul3A_629 : vector<100x128xf32>
    %broadcast_in_dim3A_631 = vector.shape_cast %get3A_606 : vector<128xf32> to vector<1x128xf32>
    %add3A_632 = vector.broadcast %broadcast_in_dim3A_631 : vector<1x128xf32> to vector<100x128xf32>
    %add3A_633 = arith.addf %mul3A_630, %add3A_632 : vector<100x128xf32>
    %get3A_634 = arith.constant 1 : index
    %get3A_635 = arith.constant 0 : index
    %get3A_636 = arith.constant 0 : index
    %get3A_637 = vector.load %arg7[%get3A_634, %get3A_635, %get3A_636] : memref<2x128x128xf32, #tpu.memory_space<vmem>>, vector<1x128x128xf32>
    %get3A_638 = vector.shape_cast %get3A_637 : vector<1x128x128xf32> to vector<128x128xf32>
    %dot_general3A_639 = arith.constant dense<0.000000e+00> : vector<100x128xf32>
    %dot_general3A_640 = tpu.matmul %add3A_633, %get3A_638, %dot_general3A_639 {dimension_numbers = #tpu.dot_dimension_numbers<[1], [0], [0], [1], [0, 0, 1, 1], [], []>, transpose_lhs_hint = false} : vector<100x128xf32>, vector<128x128xf32>, vector<100x128xf32> -> vector<100x128xf32>
    %get3A_641 = arith.constant 1 : index
    %get3A_642 = arith.constant 0 : index
    %get3A_643 = vector.load %arg8[%get3A_641, %get3A_642] : memref<2x128xf32, #tpu.memory_space<vmem>>, vector<1x128xf32>
    %get3A_644 = vector.shape_cast %get3A_643 : vector<1x128xf32> to vector<128xf32>
    %broadcast_in_dim3A_645 = vector.shape_cast %get3A_644 : vector<128xf32> to vector<1x128xf32>
    %add3A_646 = vector.broadcast %broadcast_in_dim3A_645 : vector<1x128xf32> to vector<100x128xf32>
    %add3A_647 = arith.addf %dot_general3A_640, %add3A_646 : vector<100x128xf32>
    %mul3A_648 = arith.constant 0.353553385 : f32
    %mul3A_649 = vector.broadcast %mul3A_648 : f32 to vector<100x128xf32>
    %mul3A_650 = arith.mulf %add3A_647, %mul3A_649 : vector<100x128xf32>
    %get3A_651 = arith.constant 1 : index
    %get3A_652 = arith.constant 0 : index
    %get3A_653 = arith.constant 0 : index
    %get3A_654 = vector.load %arg9[%get3A_651, %get3A_652, %get3A_653] : memref<2x128x128xf32, #tpu.memory_space<vmem>>, vector<1x128x128xf32>
    %get3A_655 = vector.shape_cast %get3A_654 : vector<1x128x128xf32> to vector<128x128xf32>
    %dot_general3A_656 = arith.constant dense<0.000000e+00> : vector<100x128xf32>
    %dot_general3A_657 = tpu.matmul %max3A_27, %get3A_655, %dot_general3A_656 {dimension_numbers = #tpu.dot_dimension_numbers<[1], [0], [0], [1], [0, 0, 1, 1], [], []>, transpose_lhs_hint = false} : vector<100x128xf32>, vector<128x128xf32>, vector<100x128xf32> -> vector<100x128xf32>
    %get3A_658 = arith.constant 1 : index
    %get3A_659 = arith.constant 0 : index
    %get3A_660 = vector.load %arg10[%get3A_658, %get3A_659] : memref<2x128xf32, #tpu.memory_space<vmem>>, vector<1x128xf32>
    %get3A_661 = vector.shape_cast %get3A_660 : vector<1x128xf32> to vector<128xf32>
    %broadcast_in_dim3A_662 = vector.shape_cast %get3A_661 : vector<128xf32> to vector<1x128xf32>
    %add3A_663 = vector.broadcast %broadcast_in_dim3A_662 : vector<1x128xf32> to vector<100x128xf32>
    %add3A_664 = arith.addf %dot_general3A_657, %add3A_663 : vector<100x128xf32>
    %get3A_665 = arith.constant 1 : index
    %get3A_666 = arith.constant 0 : index
    %get3A_667 = arith.constant 0 : index
    %get3A_668 = vector.load %arg11[%get3A_665, %get3A_666, %get3A_667] : memref<2x128x128xf32, #tpu.memory_space<vmem>>, vector<1x128x128xf32>
    %get3A_669 = vector.shape_cast %get3A_668 : vector<1x128x128xf32> to vector<128x128xf32>
    %dot_general3A_670 = arith.constant dense<0.000000e+00> : vector<100x128xf32>
    %dot_general3A_671 = tpu.matmul %max3A_27, %get3A_669, %dot_general3A_670 {dimension_numbers = #tpu.dot_dimension_numbers<[1], [0], [0], [1], [0, 0, 1, 1], [], []>, transpose_lhs_hint = false} : vector<100x128xf32>, vector<128x128xf32>, vector<100x128xf32> -> vector<100x128xf32>
    %get3A_672 = arith.constant 1 : index
    %get3A_673 = arith.constant 0 : index
    %get3A_674 = vector.load %arg12[%get3A_672, %get3A_673] : memref<2x128xf32, #tpu.memory_space<vmem>>, vector<1x128xf32>
    %get3A_675 = vector.shape_cast %get3A_674 : vector<1x128xf32> to vector<128xf32>
    %broadcast_in_dim3A_676 = vector.shape_cast %get3A_675 : vector<128xf32> to vector<1x128xf32>
    %add3A_677 = vector.broadcast %broadcast_in_dim3A_676 : vector<1x128xf32> to vector<100x128xf32>
    %add3A_678 = arith.addf %dot_general3A_671, %add3A_677 : vector<100x128xf32>
    %get3A_679 = arith.constant 0 : index
    %get3A_680 = arith.constant 0 : index
    %get3A_681 = vector.load %arg6[%get3A_679, %get3A_680] : memref<16x128xf32, #tpu.memory_space<vmem>>, vector<1x128xf32>
    %get3A_682 = vector.shape_cast %get3A_681 : vector<1x128xf32> to vector<128xf32>
    %broadcast_in_dim3A_683 = vector.shape_cast %get3A_682 : vector<128xf32> to vector<1x128xf32>
    %mul3A_684 = vector.broadcast %broadcast_in_dim3A_683 : vector<1x128xf32> to vector<100x128xf32>
    %mul3A_685 = arith.mulf %add3A_664, %mul3A_684 : vector<100x128xf32>
    %dot_general3A_686 = arith.constant dense<0.000000e+00> : vector<100x100xf32>
    %dot_general3A_687 = tpu.matmul %mul3A_650, %mul3A_685, %dot_general3A_686 {dimension_numbers = #tpu.dot_dimension_numbers<[1], [1], [0], [0], [0, 0, 1, 0], [], []>, transpose_lhs_hint = false} : vector<100x128xf32>, vector<100x128xf32>, vector<100x100xf32> -> vector<100x100xf32>
    %reduce_max3A_688 = arith.constant dense<0xFF800000> : vector<100xf32>
    %reduce_max3A_689 = vector.multi_reduction <maximumf>, %dot_general3A_687, %reduce_max3A_688 [1] : vector<100x100xf32> to vector<100xf32>
    %broadcast_in_dim3A_690 = vector.shape_cast %reduce_max3A_689 : vector<100xf32> to vector<100x1xf32>
    %sub3A_691 = vector.broadcast %broadcast_in_dim3A_690 : vector<100x1xf32> to vector<100x100xf32>
    %sub3A_692 = arith.subf %dot_general3A_687, %sub3A_691 : vector<100x100xf32>
    %min3A_693 = arith.constant 0.000000e+00 : f32
    %min3A_694 = vector.broadcast %min3A_693 : f32 to vector<100x100xf32>
    %min3A_695 = arith.minimumf %sub3A_692, %min3A_694 : vector<100x100xf32>
    %exp3A_696 = math.exp %min3A_695 : vector<100x100xf32>
    %reduce_sum3A_697 = arith.constant dense<0.000000e+00> : vector<100xf32>
    %reduce_sum3A_698 = vector.multi_reduction <add>, %exp3A_696, %reduce_sum3A_697 [1] : vector<100x100xf32> to vector<100xf32>
    %broadcast_in_dim3A_699 = vector.shape_cast %reduce_sum3A_698 : vector<100xf32> to vector<100x1xf32>
    %div3A_700 = vector.broadcast %broadcast_in_dim3A_699 : vector<100x1xf32> to vector<100x100xf32>
    %div3A_701 = arith.divf %exp3A_696, %div3A_700 : vector<100x100xf32>
    %mul3A_702 = vector.broadcast %broadcast_in_dim3A_683 : vector<1x128xf32> to vector<100x128xf32>
    %mul3A_703 = arith.mulf %add3A_678, %mul3A_702 : vector<100x128xf32>
    %dot_general3A_704 = arith.constant dense<0.000000e+00> : vector<100x128xf32>
    %dot_general3A_705 = tpu.matmul %div3A_701, %mul3A_703, %dot_general3A_704 {dimension_numbers = #tpu.dot_dimension_numbers<[1], [0], [0], [1], [0, 0, 1, 1], [], []>, transpose_lhs_hint = false} : vector<100x100xf32>, vector<100x128xf32>, vector<100x128xf32> -> vector<100x128xf32>
    %get3A_706 = arith.constant 1 : index
    %get3A_707 = arith.constant 0 : index
    %get3A_708 = vector.load %arg6[%get3A_706, %get3A_707] : memref<16x128xf32, #tpu.memory_space<vmem>>, vector<1x128xf32>
    %get3A_709 = vector.shape_cast %get3A_708 : vector<1x128xf32> to vector<128xf32>
    %broadcast_in_dim3A_710 = vector.shape_cast %get3A_709 : vector<128xf32> to vector<1x128xf32>
    %mul3A_711 = vector.broadcast %broadcast_in_dim3A_710 : vector<1x128xf32> to vector<100x128xf32>
    %mul3A_712 = arith.mulf %add3A_664, %mul3A_711 : vector<100x128xf32>
    %dot_general3A_713 = arith.constant dense<0.000000e+00> : vector<100x100xf32>
    %dot_general3A_714 = tpu.matmul %mul3A_650, %mul3A_712, %dot_general3A_713 {dimension_numbers = #tpu.dot_dimension_numbers<[1], [1], [0], [0], [0, 0, 1, 0], [], []>, transpose_lhs_hint = false} : vector<100x128xf32>, vector<100x128xf32>, vector<100x100xf32> -> vector<100x100xf32>
    %reduce_max3A_715 = arith.constant dense<0xFF800000> : vector<100xf32>
    %reduce_max3A_716 = vector.multi_reduction <maximumf>, %dot_general3A_714, %reduce_max3A_715 [1] : vector<100x100xf32> to vector<100xf32>
    %broadcast_in_dim3A_717 = vector.shape_cast %reduce_max3A_716 : vector<100xf32> to vector<100x1xf32>
    %sub3A_718 = vector.broadcast %broadcast_in_dim3A_717 : vector<100x1xf32> to vector<100x100xf32>
    %sub3A_719 = arith.subf %dot_general3A_714, %sub3A_718 : vector<100x100xf32>
    %min3A_720 = arith.constant 0.000000e+00 : f32
    %min3A_721 = vector.broadcast %min3A_720 : f32 to vector<100x100xf32>
    %min3A_722 = arith.minimumf %sub3A_719, %min3A_721 : vector<100x100xf32>
    %exp3A_723 = math.exp %min3A_722 : vector<100x100xf32>
    %reduce_sum3A_724 = arith.constant dense<0.000000e+00> : vector<100xf32>
    %reduce_sum3A_725 = vector.multi_reduction <add>, %exp3A_723, %reduce_sum3A_724 [1] : vector<100x100xf32> to vector<100xf32>
    %broadcast_in_dim3A_726 = vector.shape_cast %reduce_sum3A_725 : vector<100xf32> to vector<100x1xf32>
    %div3A_727 = vector.broadcast %broadcast_in_dim3A_726 : vector<100x1xf32> to vector<100x100xf32>
    %div3A_728 = arith.divf %exp3A_723, %div3A_727 : vector<100x100xf32>
    %mul3A_729 = vector.broadcast %broadcast_in_dim3A_710 : vector<1x128xf32> to vector<100x128xf32>
    %mul3A_730 = arith.mulf %add3A_678, %mul3A_729 : vector<100x128xf32>
    %dot_general3A_731 = arith.constant dense<0.000000e+00> : vector<100x128xf32>
    %dot_general3A_732 = tpu.matmul %div3A_728, %mul3A_730, %dot_general3A_731 {dimension_numbers = #tpu.dot_dimension_numbers<[1], [0], [0], [1], [0, 0, 1, 1], [], []>, transpose_lhs_hint = false} : vector<100x100xf32>, vector<100x128xf32>, vector<100x128xf32> -> vector<100x128xf32>
    %add3A_733 = arith.addf %dot_general3A_705, %dot_general3A_732 : vector<100x128xf32>
    %get3A_734 = arith.constant 2 : index
    %get3A_735 = arith.constant 0 : index
    %get3A_736 = vector.load %arg6[%get3A_734, %get3A_735] : memref<16x128xf32, #tpu.memory_space<vmem>>, vector<1x128xf32>
    %get3A_737 = vector.shape_cast %get3A_736 : vector<1x128xf32> to vector<128xf32>
    %broadcast_in_dim3A_738 = vector.shape_cast %get3A_737 : vector<128xf32> to vector<1x128xf32>
    %mul3A_739 = vector.broadcast %broadcast_in_dim3A_738 : vector<1x128xf32> to vector<100x128xf32>
    %mul3A_740 = arith.mulf %add3A_664, %mul3A_739 : vector<100x128xf32>
    %dot_general3A_741 = arith.constant dense<0.000000e+00> : vector<100x100xf32>
    %dot_general3A_742 = tpu.matmul %mul3A_650, %mul3A_740, %dot_general3A_741 {dimension_numbers = #tpu.dot_dimension_numbers<[1], [1], [0], [0], [0, 0, 1, 0], [], []>, transpose_lhs_hint = false} : vector<100x128xf32>, vector<100x128xf32>, vector<100x100xf32> -> vector<100x100xf32>
    %reduce_max3A_743 = arith.constant dense<0xFF800000> : vector<100xf32>
    %reduce_max3A_744 = vector.multi_reduction <maximumf>, %dot_general3A_742, %reduce_max3A_743 [1] : vector<100x100xf32> to vector<100xf32>
    %broadcast_in_dim3A_745 = vector.shape_cast %reduce_max3A_744 : vector<100xf32> to vector<100x1xf32>
    %sub3A_746 = vector.broadcast %broadcast_in_dim3A_745 : vector<100x1xf32> to vector<100x100xf32>
    %sub3A_747 = arith.subf %dot_general3A_742, %sub3A_746 : vector<100x100xf32>
    %min3A_748 = arith.constant 0.000000e+00 : f32
    %min3A_749 = vector.broadcast %min3A_748 : f32 to vector<100x100xf32>
    %min3A_750 = arith.minimumf %sub3A_747, %min3A_749 : vector<100x100xf32>
    %exp3A_751 = math.exp %min3A_750 : vector<100x100xf32>
    %reduce_sum3A_752 = arith.constant dense<0.000000e+00> : vector<100xf32>
    %reduce_sum3A_753 = vector.multi_reduction <add>, %exp3A_751, %reduce_sum3A_752 [1] : vector<100x100xf32> to vector<100xf32>
    %broadcast_in_dim3A_754 = vector.shape_cast %reduce_sum3A_753 : vector<100xf32> to vector<100x1xf32>
    %div3A_755 = vector.broadcast %broadcast_in_dim3A_754 : vector<100x1xf32> to vector<100x100xf32>
    %div3A_756 = arith.divf %exp3A_751, %div3A_755 : vector<100x100xf32>
    %mul3A_757 = vector.broadcast %broadcast_in_dim3A_738 : vector<1x128xf32> to vector<100x128xf32>
    %mul3A_758 = arith.mulf %add3A_678, %mul3A_757 : vector<100x128xf32>
    %dot_general3A_759 = arith.constant dense<0.000000e+00> : vector<100x128xf32>
    %dot_general3A_760 = tpu.matmul %div3A_756, %mul3A_758, %dot_general3A_759 {dimension_numbers = #tpu.dot_dimension_numbers<[1], [0], [0], [1], [0, 0, 1, 1], [], []>, transpose_lhs_hint = false} : vector<100x100xf32>, vector<100x128xf32>, vector<100x128xf32> -> vector<100x128xf32>
    %add3A_761 = arith.addf %add3A_733, %dot_general3A_760 : vector<100x128xf32>
    %get3A_762 = arith.constant 3 : index
    %get3A_763 = arith.constant 0 : index
    %get3A_764 = vector.load %arg6[%get3A_762, %get3A_763] : memref<16x128xf32, #tpu.memory_space<vmem>>, vector<1x128xf32>
    %get3A_765 = vector.shape_cast %get3A_764 : vector<1x128xf32> to vector<128xf32>
    %broadcast_in_dim3A_766 = vector.shape_cast %get3A_765 : vector<128xf32> to vector<1x128xf32>
    %mul3A_767 = vector.broadcast %broadcast_in_dim3A_766 : vector<1x128xf32> to vector<100x128xf32>
    %mul3A_768 = arith.mulf %add3A_664, %mul3A_767 : vector<100x128xf32>
    %dot_general3A_769 = arith.constant dense<0.000000e+00> : vector<100x100xf32>
    %dot_general3A_770 = tpu.matmul %mul3A_650, %mul3A_768, %dot_general3A_769 {dimension_numbers = #tpu.dot_dimension_numbers<[1], [1], [0], [0], [0, 0, 1, 0], [], []>, transpose_lhs_hint = false} : vector<100x128xf32>, vector<100x128xf32>, vector<100x100xf32> -> vector<100x100xf32>
    %reduce_max3A_771 = arith.constant dense<0xFF800000> : vector<100xf32>
    %reduce_max3A_772 = vector.multi_reduction <maximumf>, %dot_general3A_770, %reduce_max3A_771 [1] : vector<100x100xf32> to vector<100xf32>
    %broadcast_in_dim3A_773 = vector.shape_cast %reduce_max3A_772 : vector<100xf32> to vector<100x1xf32>
    %sub3A_774 = vector.broadcast %broadcast_in_dim3A_773 : vector<100x1xf32> to vector<100x100xf32>
    %sub3A_775 = arith.subf %dot_general3A_770, %sub3A_774 : vector<100x100xf32>
    %min3A_776 = arith.constant 0.000000e+00 : f32
    %min3A_777 = vector.broadcast %min3A_776 : f32 to vector<100x100xf32>
    %min3A_778 = arith.minimumf %sub3A_775, %min3A_777 : vector<100x100xf32>
    %exp3A_779 = math.exp %min3A_778 : vector<100x100xf32>
    %reduce_sum3A_780 = arith.constant dense<0.000000e+00> : vector<100xf32>
    %reduce_sum3A_781 = vector.multi_reduction <add>, %exp3A_779, %reduce_sum3A_780 [1] : vector<100x100xf32> to vector<100xf32>
    %broadcast_in_dim3A_782 = vector.shape_cast %reduce_sum3A_781 : vector<100xf32> to vector<100x1xf32>
    %div3A_783 = vector.broadcast %broadcast_in_dim3A_782 : vector<100x1xf32> to vector<100x100xf32>
    %div3A_784 = arith.divf %exp3A_779, %div3A_783 : vector<100x100xf32>
    %mul3A_785 = vector.broadcast %broadcast_in_dim3A_766 : vector<1x128xf32> to vector<100x128xf32>
    %mul3A_786 = arith.mulf %add3A_678, %mul3A_785 : vector<100x128xf32>
    %dot_general3A_787 = arith.constant dense<0.000000e+00> : vector<100x128xf32>
    %dot_general3A_788 = tpu.matmul %div3A_784, %mul3A_786, %dot_general3A_787 {dimension_numbers = #tpu.dot_dimension_numbers<[1], [0], [0], [1], [0, 0, 1, 1], [], []>, transpose_lhs_hint = false} : vector<100x100xf32>, vector<100x128xf32>, vector<100x128xf32> -> vector<100x128xf32>
    %add3A_789 = arith.addf %add3A_761, %dot_general3A_788 : vector<100x128xf32>
    %get3A_790 = arith.constant 4 : index
    %get3A_791 = arith.constant 0 : index
    %get3A_792 = vector.load %arg6[%get3A_790, %get3A_791] : memref<16x128xf32, #tpu.memory_space<vmem>>, vector<1x128xf32>
    %get3A_793 = vector.shape_cast %get3A_792 : vector<1x128xf32> to vector<128xf32>
    %broadcast_in_dim3A_794 = vector.shape_cast %get3A_793 : vector<128xf32> to vector<1x128xf32>
    %mul3A_795 = vector.broadcast %broadcast_in_dim3A_794 : vector<1x128xf32> to vector<100x128xf32>
    %mul3A_796 = arith.mulf %add3A_664, %mul3A_795 : vector<100x128xf32>
    %dot_general3A_797 = arith.constant dense<0.000000e+00> : vector<100x100xf32>
    %dot_general3A_798 = tpu.matmul %mul3A_650, %mul3A_796, %dot_general3A_797 {dimension_numbers = #tpu.dot_dimension_numbers<[1], [1], [0], [0], [0, 0, 1, 0], [], []>, transpose_lhs_hint = false} : vector<100x128xf32>, vector<100x128xf32>, vector<100x100xf32> -> vector<100x100xf32>
    %reduce_max3A_799 = arith.constant dense<0xFF800000> : vector<100xf32>
    %reduce_max3A_800 = vector.multi_reduction <maximumf>, %dot_general3A_798, %reduce_max3A_799 [1] : vector<100x100xf32> to vector<100xf32>
    %broadcast_in_dim3A_801 = vector.shape_cast %reduce_max3A_800 : vector<100xf32> to vector<100x1xf32>
    %sub3A_802 = vector.broadcast %broadcast_in_dim3A_801 : vector<100x1xf32> to vector<100x100xf32>
    %sub3A_803 = arith.subf %dot_general3A_798, %sub3A_802 : vector<100x100xf32>
    %min3A_804 = arith.constant 0.000000e+00 : f32
    %min3A_805 = vector.broadcast %min3A_804 : f32 to vector<100x100xf32>
    %min3A_806 = arith.minimumf %sub3A_803, %min3A_805 : vector<100x100xf32>
    %exp3A_807 = math.exp %min3A_806 : vector<100x100xf32>
    %reduce_sum3A_808 = arith.constant dense<0.000000e+00> : vector<100xf32>
    %reduce_sum3A_809 = vector.multi_reduction <add>, %exp3A_807, %reduce_sum3A_808 [1] : vector<100x100xf32> to vector<100xf32>
    %broadcast_in_dim3A_810 = vector.shape_cast %reduce_sum3A_809 : vector<100xf32> to vector<100x1xf32>
    %div3A_811 = vector.broadcast %broadcast_in_dim3A_810 : vector<100x1xf32> to vector<100x100xf32>
    %div3A_812 = arith.divf %exp3A_807, %div3A_811 : vector<100x100xf32>
    %mul3A_813 = vector.broadcast %broadcast_in_dim3A_794 : vector<1x128xf32> to vector<100x128xf32>
    %mul3A_814 = arith.mulf %add3A_678, %mul3A_813 : vector<100x128xf32>
    %dot_general3A_815 = arith.constant dense<0.000000e+00> : vector<100x128xf32>
    %dot_general3A_816 = tpu.matmul %div3A_812, %mul3A_814, %dot_general3A_815 {dimension_numbers = #tpu.dot_dimension_numbers<[1], [0], [0], [1], [0, 0, 1, 1], [], []>, transpose_lhs_hint = false} : vector<100x100xf32>, vector<100x128xf32>, vector<100x128xf32> -> vector<100x128xf32>
    %add3A_817 = arith.addf %add3A_789, %dot_general3A_816 : vector<100x128xf32>
    %get3A_818 = arith.constant 5 : index
    %get3A_819 = arith.constant 0 : index
    %get3A_820 = vector.load %arg6[%get3A_818, %get3A_819] : memref<16x128xf32, #tpu.memory_space<vmem>>, vector<1x128xf32>
    %get3A_821 = vector.shape_cast %get3A_820 : vector<1x128xf32> to vector<128xf32>
    %broadcast_in_dim3A_822 = vector.shape_cast %get3A_821 : vector<128xf32> to vector<1x128xf32>
    %mul3A_823 = vector.broadcast %broadcast_in_dim3A_822 : vector<1x128xf32> to vector<100x128xf32>
    %mul3A_824 = arith.mulf %add3A_664, %mul3A_823 : vector<100x128xf32>
    %dot_general3A_825 = arith.constant dense<0.000000e+00> : vector<100x100xf32>
    %dot_general3A_826 = tpu.matmul %mul3A_650, %mul3A_824, %dot_general3A_825 {dimension_numbers = #tpu.dot_dimension_numbers<[1], [1], [0], [0], [0, 0, 1, 0], [], []>, transpose_lhs_hint = false} : vector<100x128xf32>, vector<100x128xf32>, vector<100x100xf32> -> vector<100x100xf32>
    %reduce_max3A_827 = arith.constant dense<0xFF800000> : vector<100xf32>
    %reduce_max3A_828 = vector.multi_reduction <maximumf>, %dot_general3A_826, %reduce_max3A_827 [1] : vector<100x100xf32> to vector<100xf32>
    %broadcast_in_dim3A_829 = vector.shape_cast %reduce_max3A_828 : vector<100xf32> to vector<100x1xf32>
    %sub3A_830 = vector.broadcast %broadcast_in_dim3A_829 : vector<100x1xf32> to vector<100x100xf32>
    %sub3A_831 = arith.subf %dot_general3A_826, %sub3A_830 : vector<100x100xf32>
    %min3A_832 = arith.constant 0.000000e+00 : f32
    %min3A_833 = vector.broadcast %min3A_832 : f32 to vector<100x100xf32>
    %min3A_834 = arith.minimumf %sub3A_831, %min3A_833 : vector<100x100xf32>
    %exp3A_835 = math.exp %min3A_834 : vector<100x100xf32>
    %reduce_sum3A_836 = arith.constant dense<0.000000e+00> : vector<100xf32>
    %reduce_sum3A_837 = vector.multi_reduction <add>, %exp3A_835, %reduce_sum3A_836 [1] : vector<100x100xf32> to vector<100xf32>
    %broadcast_in_dim3A_838 = vector.shape_cast %reduce_sum3A_837 : vector<100xf32> to vector<100x1xf32>
    %div3A_839 = vector.broadcast %broadcast_in_dim3A_838 : vector<100x1xf32> to vector<100x100xf32>
    %div3A_840 = arith.divf %exp3A_835, %div3A_839 : vector<100x100xf32>
    %mul3A_841 = vector.broadcast %broadcast_in_dim3A_822 : vector<1x128xf32> to vector<100x128xf32>
    %mul3A_842 = arith.mulf %add3A_678, %mul3A_841 : vector<100x128xf32>
    %dot_general3A_843 = arith.constant dense<0.000000e+00> : vector<100x128xf32>
    %dot_general3A_844 = tpu.matmul %div3A_840, %mul3A_842, %dot_general3A_843 {dimension_numbers = #tpu.dot_dimension_numbers<[1], [0], [0], [1], [0, 0, 1, 1], [], []>, transpose_lhs_hint = false} : vector<100x100xf32>, vector<100x128xf32>, vector<100x128xf32> -> vector<100x128xf32>
    %add3A_845 = arith.addf %add3A_817, %dot_general3A_844 : vector<100x128xf32>
    %get3A_846 = arith.constant 6 : index
    %get3A_847 = arith.constant 0 : index
    %get3A_848 = vector.load %arg6[%get3A_846, %get3A_847] : memref<16x128xf32, #tpu.memory_space<vmem>>, vector<1x128xf32>
    %get3A_849 = vector.shape_cast %get3A_848 : vector<1x128xf32> to vector<128xf32>
    %broadcast_in_dim3A_850 = vector.shape_cast %get3A_849 : vector<128xf32> to vector<1x128xf32>
    %mul3A_851 = vector.broadcast %broadcast_in_dim3A_850 : vector<1x128xf32> to vector<100x128xf32>
    %mul3A_852 = arith.mulf %add3A_664, %mul3A_851 : vector<100x128xf32>
    %dot_general3A_853 = arith.constant dense<0.000000e+00> : vector<100x100xf32>
    %dot_general3A_854 = tpu.matmul %mul3A_650, %mul3A_852, %dot_general3A_853 {dimension_numbers = #tpu.dot_dimension_numbers<[1], [1], [0], [0], [0, 0, 1, 0], [], []>, transpose_lhs_hint = false} : vector<100x128xf32>, vector<100x128xf32>, vector<100x100xf32> -> vector<100x100xf32>
    %reduce_max3A_855 = arith.constant dense<0xFF800000> : vector<100xf32>
    %reduce_max3A_856 = vector.multi_reduction <maximumf>, %dot_general3A_854, %reduce_max3A_855 [1] : vector<100x100xf32> to vector<100xf32>
    %broadcast_in_dim3A_857 = vector.shape_cast %reduce_max3A_856 : vector<100xf32> to vector<100x1xf32>
    %sub3A_858 = vector.broadcast %broadcast_in_dim3A_857 : vector<100x1xf32> to vector<100x100xf32>
    %sub3A_859 = arith.subf %dot_general3A_854, %sub3A_858 : vector<100x100xf32>
    %min3A_860 = arith.constant 0.000000e+00 : f32
    %min3A_861 = vector.broadcast %min3A_860 : f32 to vector<100x100xf32>
    %min3A_862 = arith.minimumf %sub3A_859, %min3A_861 : vector<100x100xf32>
    %exp3A_863 = math.exp %min3A_862 : vector<100x100xf32>
    %reduce_sum3A_864 = arith.constant dense<0.000000e+00> : vector<100xf32>
    %reduce_sum3A_865 = vector.multi_reduction <add>, %exp3A_863, %reduce_sum3A_864 [1] : vector<100x100xf32> to vector<100xf32>
    %broadcast_in_dim3A_866 = vector.shape_cast %reduce_sum3A_865 : vector<100xf32> to vector<100x1xf32>
    %div3A_867 = vector.broadcast %broadcast_in_dim3A_866 : vector<100x1xf32> to vector<100x100xf32>
    %div3A_868 = arith.divf %exp3A_863, %div3A_867 : vector<100x100xf32>
    %mul3A_869 = vector.broadcast %broadcast_in_dim3A_850 : vector<1x128xf32> to vector<100x128xf32>
    %mul3A_870 = arith.mulf %add3A_678, %mul3A_869 : vector<100x128xf32>
    %dot_general3A_871 = arith.constant dense<0.000000e+00> : vector<100x128xf32>
    %dot_general3A_872 = tpu.matmul %div3A_868, %mul3A_870, %dot_general3A_871 {dimension_numbers = #tpu.dot_dimension_numbers<[1], [0], [0], [1], [0, 0, 1, 1], [], []>, transpose_lhs_hint = false} : vector<100x100xf32>, vector<100x128xf32>, vector<100x128xf32> -> vector<100x128xf32>
    %add3A_873 = arith.addf %add3A_845, %dot_general3A_872 : vector<100x128xf32>
    %get3A_874 = arith.constant 7 : index
    %get3A_875 = arith.constant 0 : index
    %get3A_876 = vector.load %arg6[%get3A_874, %get3A_875] : memref<16x128xf32, #tpu.memory_space<vmem>>, vector<1x128xf32>
    %get3A_877 = vector.shape_cast %get3A_876 : vector<1x128xf32> to vector<128xf32>
    %broadcast_in_dim3A_878 = vector.shape_cast %get3A_877 : vector<128xf32> to vector<1x128xf32>
    %mul3A_879 = vector.broadcast %broadcast_in_dim3A_878 : vector<1x128xf32> to vector<100x128xf32>
    %mul3A_880 = arith.mulf %add3A_664, %mul3A_879 : vector<100x128xf32>
    %dot_general3A_881 = arith.constant dense<0.000000e+00> : vector<100x100xf32>
    %dot_general3A_882 = tpu.matmul %mul3A_650, %mul3A_880, %dot_general3A_881 {dimension_numbers = #tpu.dot_dimension_numbers<[1], [1], [0], [0], [0, 0, 1, 0], [], []>, transpose_lhs_hint = false} : vector<100x128xf32>, vector<100x128xf32>, vector<100x100xf32> -> vector<100x100xf32>
    %reduce_max3A_883 = arith.constant dense<0xFF800000> : vector<100xf32>
    %reduce_max3A_884 = vector.multi_reduction <maximumf>, %dot_general3A_882, %reduce_max3A_883 [1] : vector<100x100xf32> to vector<100xf32>
    %broadcast_in_dim3A_885 = vector.shape_cast %reduce_max3A_884 : vector<100xf32> to vector<100x1xf32>
    %sub3A_886 = vector.broadcast %broadcast_in_dim3A_885 : vector<100x1xf32> to vector<100x100xf32>
    %sub3A_887 = arith.subf %dot_general3A_882, %sub3A_886 : vector<100x100xf32>
    %min3A_888 = arith.constant 0.000000e+00 : f32
    %min3A_889 = vector.broadcast %min3A_888 : f32 to vector<100x100xf32>
    %min3A_890 = arith.minimumf %sub3A_887, %min3A_889 : vector<100x100xf32>
    %exp3A_891 = math.exp %min3A_890 : vector<100x100xf32>
    %reduce_sum3A_892 = arith.constant dense<0.000000e+00> : vector<100xf32>
    %reduce_sum3A_893 = vector.multi_reduction <add>, %exp3A_891, %reduce_sum3A_892 [1] : vector<100x100xf32> to vector<100xf32>
    %broadcast_in_dim3A_894 = vector.shape_cast %reduce_sum3A_893 : vector<100xf32> to vector<100x1xf32>
    %div3A_895 = vector.broadcast %broadcast_in_dim3A_894 : vector<100x1xf32> to vector<100x100xf32>
    %div3A_896 = arith.divf %exp3A_891, %div3A_895 : vector<100x100xf32>
    %mul3A_897 = vector.broadcast %broadcast_in_dim3A_878 : vector<1x128xf32> to vector<100x128xf32>
    %mul3A_898 = arith.mulf %add3A_678, %mul3A_897 : vector<100x128xf32>
    %dot_general3A_899 = arith.constant dense<0.000000e+00> : vector<100x128xf32>
    %dot_general3A_900 = tpu.matmul %div3A_896, %mul3A_898, %dot_general3A_899 {dimension_numbers = #tpu.dot_dimension_numbers<[1], [0], [0], [1], [0, 0, 1, 1], [], []>, transpose_lhs_hint = false} : vector<100x100xf32>, vector<100x128xf32>, vector<100x128xf32> -> vector<100x128xf32>
    %add3A_901 = arith.addf %add3A_873, %dot_general3A_900 : vector<100x128xf32>
    %get3A_902 = arith.constant 8 : index
    %get3A_903 = arith.constant 0 : index
    %get3A_904 = vector.load %arg6[%get3A_902, %get3A_903] : memref<16x128xf32, #tpu.memory_space<vmem>>, vector<1x128xf32>
    %get3A_905 = vector.shape_cast %get3A_904 : vector<1x128xf32> to vector<128xf32>
    %broadcast_in_dim3A_906 = vector.shape_cast %get3A_905 : vector<128xf32> to vector<1x128xf32>
    %mul3A_907 = vector.broadcast %broadcast_in_dim3A_906 : vector<1x128xf32> to vector<100x128xf32>
    %mul3A_908 = arith.mulf %add3A_664, %mul3A_907 : vector<100x128xf32>
    %dot_general3A_909 = arith.constant dense<0.000000e+00> : vector<100x100xf32>
    %dot_general3A_910 = tpu.matmul %mul3A_650, %mul3A_908, %dot_general3A_909 {dimension_numbers = #tpu.dot_dimension_numbers<[1], [1], [0], [0], [0, 0, 1, 0], [], []>, transpose_lhs_hint = false} : vector<100x128xf32>, vector<100x128xf32>, vector<100x100xf32> -> vector<100x100xf32>
    %reduce_max3A_911 = arith.constant dense<0xFF800000> : vector<100xf32>
    %reduce_max3A_912 = vector.multi_reduction <maximumf>, %dot_general3A_910, %reduce_max3A_911 [1] : vector<100x100xf32> to vector<100xf32>
    %broadcast_in_dim3A_913 = vector.shape_cast %reduce_max3A_912 : vector<100xf32> to vector<100x1xf32>
    %sub3A_914 = vector.broadcast %broadcast_in_dim3A_913 : vector<100x1xf32> to vector<100x100xf32>
    %sub3A_915 = arith.subf %dot_general3A_910, %sub3A_914 : vector<100x100xf32>
    %min3A_916 = arith.constant 0.000000e+00 : f32
    %min3A_917 = vector.broadcast %min3A_916 : f32 to vector<100x100xf32>
    %min3A_918 = arith.minimumf %sub3A_915, %min3A_917 : vector<100x100xf32>
    %exp3A_919 = math.exp %min3A_918 : vector<100x100xf32>
    %reduce_sum3A_920 = arith.constant dense<0.000000e+00> : vector<100xf32>
    %reduce_sum3A_921 = vector.multi_reduction <add>, %exp3A_919, %reduce_sum3A_920 [1] : vector<100x100xf32> to vector<100xf32>
    %broadcast_in_dim3A_922 = vector.shape_cast %reduce_sum3A_921 : vector<100xf32> to vector<100x1xf32>
    %div3A_923 = vector.broadcast %broadcast_in_dim3A_922 : vector<100x1xf32> to vector<100x100xf32>
    %div3A_924 = arith.divf %exp3A_919, %div3A_923 : vector<100x100xf32>
    %mul3A_925 = vector.broadcast %broadcast_in_dim3A_906 : vector<1x128xf32> to vector<100x128xf32>
    %mul3A_926 = arith.mulf %add3A_678, %mul3A_925 : vector<100x128xf32>
    %dot_general3A_927 = arith.constant dense<0.000000e+00> : vector<100x128xf32>
    %dot_general3A_928 = tpu.matmul %div3A_924, %mul3A_926, %dot_general3A_927 {dimension_numbers = #tpu.dot_dimension_numbers<[1], [0], [0], [1], [0, 0, 1, 1], [], []>, transpose_lhs_hint = false} : vector<100x100xf32>, vector<100x128xf32>, vector<100x128xf32> -> vector<100x128xf32>
    %add3A_929 = arith.addf %add3A_901, %dot_general3A_928 : vector<100x128xf32>
    %get3A_930 = arith.constant 9 : index
    %get3A_931 = arith.constant 0 : index
    %get3A_932 = vector.load %arg6[%get3A_930, %get3A_931] : memref<16x128xf32, #tpu.memory_space<vmem>>, vector<1x128xf32>
    %get3A_933 = vector.shape_cast %get3A_932 : vector<1x128xf32> to vector<128xf32>
    %broadcast_in_dim3A_934 = vector.shape_cast %get3A_933 : vector<128xf32> to vector<1x128xf32>
    %mul3A_935 = vector.broadcast %broadcast_in_dim3A_934 : vector<1x128xf32> to vector<100x128xf32>
    %mul3A_936 = arith.mulf %add3A_664, %mul3A_935 : vector<100x128xf32>
    %dot_general3A_937 = arith.constant dense<0.000000e+00> : vector<100x100xf32>
    %dot_general3A_938 = tpu.matmul %mul3A_650, %mul3A_936, %dot_general3A_937 {dimension_numbers = #tpu.dot_dimension_numbers<[1], [1], [0], [0], [0, 0, 1, 0], [], []>, transpose_lhs_hint = false} : vector<100x128xf32>, vector<100x128xf32>, vector<100x100xf32> -> vector<100x100xf32>
    %reduce_max3A_939 = arith.constant dense<0xFF800000> : vector<100xf32>
    %reduce_max3A_940 = vector.multi_reduction <maximumf>, %dot_general3A_938, %reduce_max3A_939 [1] : vector<100x100xf32> to vector<100xf32>
    %broadcast_in_dim3A_941 = vector.shape_cast %reduce_max3A_940 : vector<100xf32> to vector<100x1xf32>
    %sub3A_942 = vector.broadcast %broadcast_in_dim3A_941 : vector<100x1xf32> to vector<100x100xf32>
    %sub3A_943 = arith.subf %dot_general3A_938, %sub3A_942 : vector<100x100xf32>
    %min3A_944 = arith.constant 0.000000e+00 : f32
    %min3A_945 = vector.broadcast %min3A_944 : f32 to vector<100x100xf32>
    %min3A_946 = arith.minimumf %sub3A_943, %min3A_945 : vector<100x100xf32>
    %exp3A_947 = math.exp %min3A_946 : vector<100x100xf32>
    %reduce_sum3A_948 = arith.constant dense<0.000000e+00> : vector<100xf32>
    %reduce_sum3A_949 = vector.multi_reduction <add>, %exp3A_947, %reduce_sum3A_948 [1] : vector<100x100xf32> to vector<100xf32>
    %broadcast_in_dim3A_950 = vector.shape_cast %reduce_sum3A_949 : vector<100xf32> to vector<100x1xf32>
    %div3A_951 = vector.broadcast %broadcast_in_dim3A_950 : vector<100x1xf32> to vector<100x100xf32>
    %div3A_952 = arith.divf %exp3A_947, %div3A_951 : vector<100x100xf32>
    %mul3A_953 = vector.broadcast %broadcast_in_dim3A_934 : vector<1x128xf32> to vector<100x128xf32>
    %mul3A_954 = arith.mulf %add3A_678, %mul3A_953 : vector<100x128xf32>
    %dot_general3A_955 = arith.constant dense<0.000000e+00> : vector<100x128xf32>
    %dot_general3A_956 = tpu.matmul %div3A_952, %mul3A_954, %dot_general3A_955 {dimension_numbers = #tpu.dot_dimension_numbers<[1], [0], [0], [1], [0, 0, 1, 1], [], []>, transpose_lhs_hint = false} : vector<100x100xf32>, vector<100x128xf32>, vector<100x128xf32> -> vector<100x128xf32>
    %add3A_957 = arith.addf %add3A_929, %dot_general3A_956 : vector<100x128xf32>
    %get3A_958 = arith.constant 10 : index
    %get3A_959 = arith.constant 0 : index
    %get3A_960 = vector.load %arg6[%get3A_958, %get3A_959] : memref<16x128xf32, #tpu.memory_space<vmem>>, vector<1x128xf32>
    %get3A_961 = vector.shape_cast %get3A_960 : vector<1x128xf32> to vector<128xf32>
    %broadcast_in_dim3A_962 = vector.shape_cast %get3A_961 : vector<128xf32> to vector<1x128xf32>
    %mul3A_963 = vector.broadcast %broadcast_in_dim3A_962 : vector<1x128xf32> to vector<100x128xf32>
    %mul3A_964 = arith.mulf %add3A_664, %mul3A_963 : vector<100x128xf32>
    %dot_general3A_965 = arith.constant dense<0.000000e+00> : vector<100x100xf32>
    %dot_general3A_966 = tpu.matmul %mul3A_650, %mul3A_964, %dot_general3A_965 {dimension_numbers = #tpu.dot_dimension_numbers<[1], [1], [0], [0], [0, 0, 1, 0], [], []>, transpose_lhs_hint = false} : vector<100x128xf32>, vector<100x128xf32>, vector<100x100xf32> -> vector<100x100xf32>
    %reduce_max3A_967 = arith.constant dense<0xFF800000> : vector<100xf32>
    %reduce_max3A_968 = vector.multi_reduction <maximumf>, %dot_general3A_966, %reduce_max3A_967 [1] : vector<100x100xf32> to vector<100xf32>
    %broadcast_in_dim3A_969 = vector.shape_cast %reduce_max3A_968 : vector<100xf32> to vector<100x1xf32>
    %sub3A_970 = vector.broadcast %broadcast_in_dim3A_969 : vector<100x1xf32> to vector<100x100xf32>
    %sub3A_971 = arith.subf %dot_general3A_966, %sub3A_970 : vector<100x100xf32>
    %min3A_972 = arith.constant 0.000000e+00 : f32
    %min3A_973 = vector.broadcast %min3A_972 : f32 to vector<100x100xf32>
    %min3A_974 = arith.minimumf %sub3A_971, %min3A_973 : vector<100x100xf32>
    %exp3A_975 = math.exp %min3A_974 : vector<100x100xf32>
    %reduce_sum3A_976 = arith.constant dense<0.000000e+00> : vector<100xf32>
    %reduce_sum3A_977 = vector.multi_reduction <add>, %exp3A_975, %reduce_sum3A_976 [1] : vector<100x100xf32> to vector<100xf32>
    %broadcast_in_dim3A_978 = vector.shape_cast %reduce_sum3A_977 : vector<100xf32> to vector<100x1xf32>
    %div3A_979 = vector.broadcast %broadcast_in_dim3A_978 : vector<100x1xf32> to vector<100x100xf32>
    %div3A_980 = arith.divf %exp3A_975, %div3A_979 : vector<100x100xf32>
    %mul3A_981 = vector.broadcast %broadcast_in_dim3A_962 : vector<1x128xf32> to vector<100x128xf32>
    %mul3A_982 = arith.mulf %add3A_678, %mul3A_981 : vector<100x128xf32>
    %dot_general3A_983 = arith.constant dense<0.000000e+00> : vector<100x128xf32>
    %dot_general3A_984 = tpu.matmul %div3A_980, %mul3A_982, %dot_general3A_983 {dimension_numbers = #tpu.dot_dimension_numbers<[1], [0], [0], [1], [0, 0, 1, 1], [], []>, transpose_lhs_hint = false} : vector<100x100xf32>, vector<100x128xf32>, vector<100x128xf32> -> vector<100x128xf32>
    %add3A_985 = arith.addf %add3A_957, %dot_general3A_984 : vector<100x128xf32>
    %get3A_986 = arith.constant 11 : index
    %get3A_987 = arith.constant 0 : index
    %get3A_988 = vector.load %arg6[%get3A_986, %get3A_987] : memref<16x128xf32, #tpu.memory_space<vmem>>, vector<1x128xf32>
    %get3A_989 = vector.shape_cast %get3A_988 : vector<1x128xf32> to vector<128xf32>
    %broadcast_in_dim3A_990 = vector.shape_cast %get3A_989 : vector<128xf32> to vector<1x128xf32>
    %mul3A_991 = vector.broadcast %broadcast_in_dim3A_990 : vector<1x128xf32> to vector<100x128xf32>
    %mul3A_992 = arith.mulf %add3A_664, %mul3A_991 : vector<100x128xf32>
    %dot_general3A_993 = arith.constant dense<0.000000e+00> : vector<100x100xf32>
    %dot_general3A_994 = tpu.matmul %mul3A_650, %mul3A_992, %dot_general3A_993 {dimension_numbers = #tpu.dot_dimension_numbers<[1], [1], [0], [0], [0, 0, 1, 0], [], []>, transpose_lhs_hint = false} : vector<100x128xf32>, vector<100x128xf32>, vector<100x100xf32> -> vector<100x100xf32>
    %reduce_max3A_995 = arith.constant dense<0xFF800000> : vector<100xf32>
    %reduce_max3A_996 = vector.multi_reduction <maximumf>, %dot_general3A_994, %reduce_max3A_995 [1] : vector<100x100xf32> to vector<100xf32>
    %broadcast_in_dim3A_997 = vector.shape_cast %reduce_max3A_996 : vector<100xf32> to vector<100x1xf32>
    %sub3A_998 = vector.broadcast %broadcast_in_dim3A_997 : vector<100x1xf32> to vector<100x100xf32>
    %sub3A_999 = arith.subf %dot_general3A_994, %sub3A_998 : vector<100x100xf32>
    %min3A_1000 = arith.constant 0.000000e+00 : f32
    %min3A_1001 = vector.broadcast %min3A_1000 : f32 to vector<100x100xf32>
    %min3A_1002 = arith.minimumf %sub3A_999, %min3A_1001 : vector<100x100xf32>
    %exp3A_1003 = math.exp %min3A_1002 : vector<100x100xf32>
    %reduce_sum3A_1004 = arith.constant dense<0.000000e+00> : vector<100xf32>
    %reduce_sum3A_1005 = vector.multi_reduction <add>, %exp3A_1003, %reduce_sum3A_1004 [1] : vector<100x100xf32> to vector<100xf32>
    %broadcast_in_dim3A_1006 = vector.shape_cast %reduce_sum3A_1005 : vector<100xf32> to vector<100x1xf32>
    %div3A_1007 = vector.broadcast %broadcast_in_dim3A_1006 : vector<100x1xf32> to vector<100x100xf32>
    %div3A_1008 = arith.divf %exp3A_1003, %div3A_1007 : vector<100x100xf32>
    %mul3A_1009 = vector.broadcast %broadcast_in_dim3A_990 : vector<1x128xf32> to vector<100x128xf32>
    %mul3A_1010 = arith.mulf %add3A_678, %mul3A_1009 : vector<100x128xf32>
    %dot_general3A_1011 = arith.constant dense<0.000000e+00> : vector<100x128xf32>
    %dot_general3A_1012 = tpu.matmul %div3A_1008, %mul3A_1010, %dot_general3A_1011 {dimension_numbers = #tpu.dot_dimension_numbers<[1], [0], [0], [1], [0, 0, 1, 1], [], []>, transpose_lhs_hint = false} : vector<100x100xf32>, vector<100x128xf32>, vector<100x128xf32> -> vector<100x128xf32>
    %add3A_1013 = arith.addf %add3A_985, %dot_general3A_1012 : vector<100x128xf32>
    %get3A_1014 = arith.constant 12 : index
    %get3A_1015 = arith.constant 0 : index
    %get3A_1016 = vector.load %arg6[%get3A_1014, %get3A_1015] : memref<16x128xf32, #tpu.memory_space<vmem>>, vector<1x128xf32>
    %get3A_1017 = vector.shape_cast %get3A_1016 : vector<1x128xf32> to vector<128xf32>
    %broadcast_in_dim3A_1018 = vector.shape_cast %get3A_1017 : vector<128xf32> to vector<1x128xf32>
    %mul3A_1019 = vector.broadcast %broadcast_in_dim3A_1018 : vector<1x128xf32> to vector<100x128xf32>
    %mul3A_1020 = arith.mulf %add3A_664, %mul3A_1019 : vector<100x128xf32>
    %dot_general3A_1021 = arith.constant dense<0.000000e+00> : vector<100x100xf32>
    %dot_general3A_1022 = tpu.matmul %mul3A_650, %mul3A_1020, %dot_general3A_1021 {dimension_numbers = #tpu.dot_dimension_numbers<[1], [1], [0], [0], [0, 0, 1, 0], [], []>, transpose_lhs_hint = false} : vector<100x128xf32>, vector<100x128xf32>, vector<100x100xf32> -> vector<100x100xf32>
    %reduce_max3A_1023 = arith.constant dense<0xFF800000> : vector<100xf32>
    %reduce_max3A_1024 = vector.multi_reduction <maximumf>, %dot_general3A_1022, %reduce_max3A_1023 [1] : vector<100x100xf32> to vector<100xf32>
    %broadcast_in_dim3A_1025 = vector.shape_cast %reduce_max3A_1024 : vector<100xf32> to vector<100x1xf32>
    %sub3A_1026 = vector.broadcast %broadcast_in_dim3A_1025 : vector<100x1xf32> to vector<100x100xf32>
    %sub3A_1027 = arith.subf %dot_general3A_1022, %sub3A_1026 : vector<100x100xf32>
    %min3A_1028 = arith.constant 0.000000e+00 : f32
    %min3A_1029 = vector.broadcast %min3A_1028 : f32 to vector<100x100xf32>
    %min3A_1030 = arith.minimumf %sub3A_1027, %min3A_1029 : vector<100x100xf32>
    %exp3A_1031 = math.exp %min3A_1030 : vector<100x100xf32>
    %reduce_sum3A_1032 = arith.constant dense<0.000000e+00> : vector<100xf32>
    %reduce_sum3A_1033 = vector.multi_reduction <add>, %exp3A_1031, %reduce_sum3A_1032 [1] : vector<100x100xf32> to vector<100xf32>
    %broadcast_in_dim3A_1034 = vector.shape_cast %reduce_sum3A_1033 : vector<100xf32> to vector<100x1xf32>
    %div3A_1035 = vector.broadcast %broadcast_in_dim3A_1034 : vector<100x1xf32> to vector<100x100xf32>
    %div3A_1036 = arith.divf %exp3A_1031, %div3A_1035 : vector<100x100xf32>
    %mul3A_1037 = vector.broadcast %broadcast_in_dim3A_1018 : vector<1x128xf32> to vector<100x128xf32>
    %mul3A_1038 = arith.mulf %add3A_678, %mul3A_1037 : vector<100x128xf32>
    %dot_general3A_1039 = arith.constant dense<0.000000e+00> : vector<100x128xf32>
    %dot_general3A_1040 = tpu.matmul %div3A_1036, %mul3A_1038, %dot_general3A_1039 {dimension_numbers = #tpu.dot_dimension_numbers<[1], [0], [0], [1], [0, 0, 1, 1], [], []>, transpose_lhs_hint = false} : vector<100x100xf32>, vector<100x128xf32>, vector<100x128xf32> -> vector<100x128xf32>
    %add3A_1041 = arith.addf %add3A_1013, %dot_general3A_1040 : vector<100x128xf32>
    %get3A_1042 = arith.constant 13 : index
    %get3A_1043 = arith.constant 0 : index
    %get3A_1044 = vector.load %arg6[%get3A_1042, %get3A_1043] : memref<16x128xf32, #tpu.memory_space<vmem>>, vector<1x128xf32>
    %get3A_1045 = vector.shape_cast %get3A_1044 : vector<1x128xf32> to vector<128xf32>
    %broadcast_in_dim3A_1046 = vector.shape_cast %get3A_1045 : vector<128xf32> to vector<1x128xf32>
    %mul3A_1047 = vector.broadcast %broadcast_in_dim3A_1046 : vector<1x128xf32> to vector<100x128xf32>
    %mul3A_1048 = arith.mulf %add3A_664, %mul3A_1047 : vector<100x128xf32>
    %dot_general3A_1049 = arith.constant dense<0.000000e+00> : vector<100x100xf32>
    %dot_general3A_1050 = tpu.matmul %mul3A_650, %mul3A_1048, %dot_general3A_1049 {dimension_numbers = #tpu.dot_dimension_numbers<[1], [1], [0], [0], [0, 0, 1, 0], [], []>, transpose_lhs_hint = false} : vector<100x128xf32>, vector<100x128xf32>, vector<100x100xf32> -> vector<100x100xf32>
    %reduce_max3A_1051 = arith.constant dense<0xFF800000> : vector<100xf32>
    %reduce_max3A_1052 = vector.multi_reduction <maximumf>, %dot_general3A_1050, %reduce_max3A_1051 [1] : vector<100x100xf32> to vector<100xf32>
    %broadcast_in_dim3A_1053 = vector.shape_cast %reduce_max3A_1052 : vector<100xf32> to vector<100x1xf32>
    %sub3A_1054 = vector.broadcast %broadcast_in_dim3A_1053 : vector<100x1xf32> to vector<100x100xf32>
    %sub3A_1055 = arith.subf %dot_general3A_1050, %sub3A_1054 : vector<100x100xf32>
    %min3A_1056 = arith.constant 0.000000e+00 : f32
    %min3A_1057 = vector.broadcast %min3A_1056 : f32 to vector<100x100xf32>
    %min3A_1058 = arith.minimumf %sub3A_1055, %min3A_1057 : vector<100x100xf32>
    %exp3A_1059 = math.exp %min3A_1058 : vector<100x100xf32>
    %reduce_sum3A_1060 = arith.constant dense<0.000000e+00> : vector<100xf32>
    %reduce_sum3A_1061 = vector.multi_reduction <add>, %exp3A_1059, %reduce_sum3A_1060 [1] : vector<100x100xf32> to vector<100xf32>
    %broadcast_in_dim3A_1062 = vector.shape_cast %reduce_sum3A_1061 : vector<100xf32> to vector<100x1xf32>
    %div3A_1063 = vector.broadcast %broadcast_in_dim3A_1062 : vector<100x1xf32> to vector<100x100xf32>
    %div3A_1064 = arith.divf %exp3A_1059, %div3A_1063 : vector<100x100xf32>
    %mul3A_1065 = vector.broadcast %broadcast_in_dim3A_1046 : vector<1x128xf32> to vector<100x128xf32>
    %mul3A_1066 = arith.mulf %add3A_678, %mul3A_1065 : vector<100x128xf32>
    %dot_general3A_1067 = arith.constant dense<0.000000e+00> : vector<100x128xf32>
    %dot_general3A_1068 = tpu.matmul %div3A_1064, %mul3A_1066, %dot_general3A_1067 {dimension_numbers = #tpu.dot_dimension_numbers<[1], [0], [0], [1], [0, 0, 1, 1], [], []>, transpose_lhs_hint = false} : vector<100x100xf32>, vector<100x128xf32>, vector<100x128xf32> -> vector<100x128xf32>
    %add3A_1069 = arith.addf %add3A_1041, %dot_general3A_1068 : vector<100x128xf32>
    %get3A_1070 = arith.constant 14 : index
    %get3A_1071 = arith.constant 0 : index
    %get3A_1072 = vector.load %arg6[%get3A_1070, %get3A_1071] : memref<16x128xf32, #tpu.memory_space<vmem>>, vector<1x128xf32>
    %get3A_1073 = vector.shape_cast %get3A_1072 : vector<1x128xf32> to vector<128xf32>
    %broadcast_in_dim3A_1074 = vector.shape_cast %get3A_1073 : vector<128xf32> to vector<1x128xf32>
    %mul3A_1075 = vector.broadcast %broadcast_in_dim3A_1074 : vector<1x128xf32> to vector<100x128xf32>
    %mul3A_1076 = arith.mulf %add3A_664, %mul3A_1075 : vector<100x128xf32>
    %dot_general3A_1077 = arith.constant dense<0.000000e+00> : vector<100x100xf32>
    %dot_general3A_1078 = tpu.matmul %mul3A_650, %mul3A_1076, %dot_general3A_1077 {dimension_numbers = #tpu.dot_dimension_numbers<[1], [1], [0], [0], [0, 0, 1, 0], [], []>, transpose_lhs_hint = false} : vector<100x128xf32>, vector<100x128xf32>, vector<100x100xf32> -> vector<100x100xf32>
    %reduce_max3A_1079 = arith.constant dense<0xFF800000> : vector<100xf32>
    %reduce_max3A_1080 = vector.multi_reduction <maximumf>, %dot_general3A_1078, %reduce_max3A_1079 [1] : vector<100x100xf32> to vector<100xf32>
    %broadcast_in_dim3A_1081 = vector.shape_cast %reduce_max3A_1080 : vector<100xf32> to vector<100x1xf32>
    %sub3A_1082 = vector.broadcast %broadcast_in_dim3A_1081 : vector<100x1xf32> to vector<100x100xf32>
    %sub3A_1083 = arith.subf %dot_general3A_1078, %sub3A_1082 : vector<100x100xf32>
    %min3A_1084 = arith.constant 0.000000e+00 : f32
    %min3A_1085 = vector.broadcast %min3A_1084 : f32 to vector<100x100xf32>
    %min3A_1086 = arith.minimumf %sub3A_1083, %min3A_1085 : vector<100x100xf32>
    %exp3A_1087 = math.exp %min3A_1086 : vector<100x100xf32>
    %reduce_sum3A_1088 = arith.constant dense<0.000000e+00> : vector<100xf32>
    %reduce_sum3A_1089 = vector.multi_reduction <add>, %exp3A_1087, %reduce_sum3A_1088 [1] : vector<100x100xf32> to vector<100xf32>
    %broadcast_in_dim3A_1090 = vector.shape_cast %reduce_sum3A_1089 : vector<100xf32> to vector<100x1xf32>
    %div3A_1091 = vector.broadcast %broadcast_in_dim3A_1090 : vector<100x1xf32> to vector<100x100xf32>
    %div3A_1092 = arith.divf %exp3A_1087, %div3A_1091 : vector<100x100xf32>
    %mul3A_1093 = vector.broadcast %broadcast_in_dim3A_1074 : vector<1x128xf32> to vector<100x128xf32>
    %mul3A_1094 = arith.mulf %add3A_678, %mul3A_1093 : vector<100x128xf32>
    %dot_general3A_1095 = arith.constant dense<0.000000e+00> : vector<100x128xf32>
    %dot_general3A_1096 = tpu.matmul %div3A_1092, %mul3A_1094, %dot_general3A_1095 {dimension_numbers = #tpu.dot_dimension_numbers<[1], [0], [0], [1], [0, 0, 1, 1], [], []>, transpose_lhs_hint = false} : vector<100x100xf32>, vector<100x128xf32>, vector<100x128xf32> -> vector<100x128xf32>
    %add3A_1097 = arith.addf %add3A_1069, %dot_general3A_1096 : vector<100x128xf32>
    %get3A_1098 = arith.constant 15 : index
    %get3A_1099 = arith.constant 0 : index
    %get3A_1100 = vector.load %arg6[%get3A_1098, %get3A_1099] : memref<16x128xf32, #tpu.memory_space<vmem>>, vector<1x128xf32>
    %get3A_1101 = vector.shape_cast %get3A_1100 : vector<1x128xf32> to vector<128xf32>
    %broadcast_in_dim3A_1102 = vector.shape_cast %get3A_1101 : vector<128xf32> to vector<1x128xf32>
    %mul3A_1103 = vector.broadcast %broadcast_in_dim3A_1102 : vector<1x128xf32> to vector<100x128xf32>
    %mul3A_1104 = arith.mulf %add3A_664, %mul3A_1103 : vector<100x128xf32>
    %dot_general3A_1105 = arith.constant dense<0.000000e+00> : vector<100x100xf32>
    %dot_general3A_1106 = tpu.matmul %mul3A_650, %mul3A_1104, %dot_general3A_1105 {dimension_numbers = #tpu.dot_dimension_numbers<[1], [1], [0], [0], [0, 0, 1, 0], [], []>, transpose_lhs_hint = false} : vector<100x128xf32>, vector<100x128xf32>, vector<100x100xf32> -> vector<100x100xf32>
    %reduce_max3A_1107 = arith.constant dense<0xFF800000> : vector<100xf32>
    %reduce_max3A_1108 = vector.multi_reduction <maximumf>, %dot_general3A_1106, %reduce_max3A_1107 [1] : vector<100x100xf32> to vector<100xf32>
    %broadcast_in_dim3A_1109 = vector.shape_cast %reduce_max3A_1108 : vector<100xf32> to vector<100x1xf32>
    %sub3A_1110 = vector.broadcast %broadcast_in_dim3A_1109 : vector<100x1xf32> to vector<100x100xf32>
    %sub3A_1111 = arith.subf %dot_general3A_1106, %sub3A_1110 : vector<100x100xf32>
    %min3A_1112 = arith.constant 0.000000e+00 : f32
    %min3A_1113 = vector.broadcast %min3A_1112 : f32 to vector<100x100xf32>
    %min3A_1114 = arith.minimumf %sub3A_1111, %min3A_1113 : vector<100x100xf32>
    %exp3A_1115 = math.exp %min3A_1114 : vector<100x100xf32>
    %reduce_sum3A_1116 = arith.constant dense<0.000000e+00> : vector<100xf32>
    %reduce_sum3A_1117 = vector.multi_reduction <add>, %exp3A_1115, %reduce_sum3A_1116 [1] : vector<100x100xf32> to vector<100xf32>
    %broadcast_in_dim3A_1118 = vector.shape_cast %reduce_sum3A_1117 : vector<100xf32> to vector<100x1xf32>
    %div3A_1119 = vector.broadcast %broadcast_in_dim3A_1118 : vector<100x1xf32> to vector<100x100xf32>
    %div3A_1120 = arith.divf %exp3A_1115, %div3A_1119 : vector<100x100xf32>
    %mul3A_1121 = vector.broadcast %broadcast_in_dim3A_1102 : vector<1x128xf32> to vector<100x128xf32>
    %mul3A_1122 = arith.mulf %add3A_678, %mul3A_1121 : vector<100x128xf32>
    %dot_general3A_1123 = arith.constant dense<0.000000e+00> : vector<100x128xf32>
    %dot_general3A_1124 = tpu.matmul %div3A_1120, %mul3A_1122, %dot_general3A_1123 {dimension_numbers = #tpu.dot_dimension_numbers<[1], [0], [0], [1], [0, 0, 1, 1], [], []>, transpose_lhs_hint = false} : vector<100x100xf32>, vector<100x128xf32>, vector<100x128xf32> -> vector<100x128xf32>
    %add3A_1125 = arith.addf %add3A_1097, %dot_general3A_1124 : vector<100x128xf32>
    %get3A_1126 = arith.constant 1 : index
    %get3A_1127 = arith.constant 0 : index
    %get3A_1128 = arith.constant 0 : index
    %get3A_1129 = vector.load %arg13[%get3A_1126, %get3A_1127, %get3A_1128] : memref<2x128x128xf32, #tpu.memory_space<vmem>>, vector<1x128x128xf32>
    %get3A_1130 = vector.shape_cast %get3A_1129 : vector<1x128x128xf32> to vector<128x128xf32>
    %dot_general3A_1131 = arith.constant dense<0.000000e+00> : vector<100x128xf32>
    %dot_general3A_1132 = tpu.matmul %add3A_1125, %get3A_1130, %dot_general3A_1131 {dimension_numbers = #tpu.dot_dimension_numbers<[1], [0], [0], [1], [0, 0, 1, 1], [], []>, transpose_lhs_hint = false} : vector<100x128xf32>, vector<128x128xf32>, vector<100x128xf32> -> vector<100x128xf32>
    %get3A_1133 = arith.constant 1 : index
    %get3A_1134 = arith.constant 0 : index
    %get3A_1135 = vector.load %arg14[%get3A_1133, %get3A_1134] : memref<2x128xf32, #tpu.memory_space<vmem>>, vector<1x128xf32>
    %get3A_1136 = vector.shape_cast %get3A_1135 : vector<1x128xf32> to vector<128xf32>
    %broadcast_in_dim3A_1137 = vector.shape_cast %get3A_1136 : vector<128xf32> to vector<1x128xf32>
    %add3A_1138 = vector.broadcast %broadcast_in_dim3A_1137 : vector<1x128xf32> to vector<100x128xf32>
    %add3A_1139 = arith.addf %dot_general3A_1132, %add3A_1138 : vector<100x128xf32>
    %add3A_1140 = arith.addf %add3A_633, %add3A_1139 : vector<100x128xf32>
    %get3A_1141 = arith.constant 1 : index
    %get3A_1142 = arith.constant 0 : index
    %get3A_1143 = vector.load %arg19[%get3A_1141, %get3A_1142] : memref<2x128xf32, #tpu.memory_space<vmem>>, vector<1x128xf32>
    %get3A_1144 = vector.shape_cast %get3A_1143 : vector<1x128xf32> to vector<128xf32>
    %get3A_1145 = arith.constant 1 : index
    %get3A_1146 = arith.constant 0 : index
    %get3A_1147 = vector.load %arg20[%get3A_1145, %get3A_1146] : memref<2x128xf32, #tpu.memory_space<vmem>>, vector<1x128xf32>
    %get3A_1148 = vector.shape_cast %get3A_1147 : vector<1x128xf32> to vector<128xf32>
    %reduce_sum3A_1149 = arith.constant dense<0.000000e+00> : vector<100xf32>
    %reduce_sum3A_1150 = vector.multi_reduction <add>, %add3A_1140, %reduce_sum3A_1149 [1] : vector<100x128xf32> to vector<100xf32>
    %broadcast_in_dim3A_1151 = vector.shape_cast %reduce_sum3A_1150 : vector<100xf32> to vector<100x1xf32>
    %div3A_1152 = arith.constant 1.280000e+02 : f32
    %div3A_1153 = vector.broadcast %div3A_1152 : f32 to vector<100x1xf32>
    %div3A_1154 = arith.divf %broadcast_in_dim3A_1151, %div3A_1153 : vector<100x1xf32>
    %sub3A_1155 = vector.broadcast %div3A_1154 : vector<100x1xf32> to vector<100x128xf32>
    %sub3A_1156 = arith.subf %add3A_1140, %sub3A_1155 : vector<100x128xf32>
    %mul3A_1157 = arith.mulf %sub3A_1156, %sub3A_1156 : vector<100x128xf32>
    %reduce_sum3A_1158 = arith.constant dense<0.000000e+00> : vector<100xf32>
    %reduce_sum3A_1159 = vector.multi_reduction <add>, %mul3A_1157, %reduce_sum3A_1158 [1] : vector<100x128xf32> to vector<100xf32>
    %broadcast_in_dim3A_1160 = vector.shape_cast %reduce_sum3A_1159 : vector<100xf32> to vector<100x1xf32>
    %div3A_1161 = arith.constant 1.280000e+02 : f32
    %div3A_1162 = vector.broadcast %div3A_1161 : f32 to vector<100x1xf32>
    %div3A_1163 = arith.divf %broadcast_in_dim3A_1160, %div3A_1162 : vector<100x1xf32>
    %add3A_1164 = arith.constant 9.99999974E-6 : f32
    %add3A_1165 = vector.broadcast %add3A_1164 : f32 to vector<100x1xf32>
    %add3A_1166 = arith.addf %div3A_1163, %add3A_1165 : vector<100x1xf32>
    %rsqrt3A_1167 = math.rsqrt %add3A_1166 : vector<100x1xf32>
    %mul3A_1168 = vector.broadcast %rsqrt3A_1167 : vector<100x1xf32> to vector<100x128xf32>
    %mul3A_1169 = arith.mulf %sub3A_1156, %mul3A_1168 : vector<100x128xf32>
    %broadcast_in_dim3A_1170 = vector.shape_cast %get3A_1144 : vector<128xf32> to vector<1x128xf32>
    %mul3A_1171 = vector.broadcast %broadcast_in_dim3A_1170 : vector<1x128xf32> to vector<100x128xf32>
    %mul3A_1172 = arith.mulf %mul3A_1169, %mul3A_1171 : vector<100x128xf32>
    %broadcast_in_dim3A_1173 = vector.shape_cast %get3A_1148 : vector<128xf32> to vector<1x128xf32>
    %add3A_1174 = vector.broadcast %broadcast_in_dim3A_1173 : vector<1x128xf32> to vector<100x128xf32>
    %add3A_1175 = arith.addf %mul3A_1172, %add3A_1174 : vector<100x128xf32>
    %get3A_1176 = arith.constant 1 : index
    %get3A_1177 = arith.constant 0 : index
    %get3A_1178 = arith.constant 0 : index
    %get3A_1179 = vector.load %arg15[%get3A_1176, %get3A_1177, %get3A_1178] : memref<2x128x512xf32, #tpu.memory_space<vmem>>, vector<1x128x512xf32>
    %get3A_1180 = vector.shape_cast %get3A_1179 : vector<1x128x512xf32> to vector<128x512xf32>
    %dot_general3A_1181 = arith.constant dense<0.000000e+00> : vector<100x512xf32>
    %dot_general3A_1182 = tpu.matmul %add3A_1175, %get3A_1180, %dot_general3A_1181 {dimension_numbers = #tpu.dot_dimension_numbers<[1], [0], [0], [1], [0, 0, 1, 1], [], []>, transpose_lhs_hint = false} : vector<100x128xf32>, vector<128x512xf32>, vector<100x512xf32> -> vector<100x512xf32>
    %get3A_1183 = arith.constant 1 : index
    %get3A_1184 = arith.constant 0 : index
    %get3A_1185 = vector.load %arg16[%get3A_1183, %get3A_1184] : memref<2x512xf32, #tpu.memory_space<vmem>>, vector<1x512xf32>
    %get3A_1186 = vector.shape_cast %get3A_1185 : vector<1x512xf32> to vector<512xf32>
    %broadcast_in_dim3A_1187 = vector.shape_cast %get3A_1186 : vector<512xf32> to vector<1x512xf32>
    %add3A_1188 = vector.broadcast %broadcast_in_dim3A_1187 : vector<1x512xf32> to vector<100x512xf32>
    %add3A_1189 = arith.addf %dot_general3A_1182, %add3A_1188 : vector<100x512xf32>
    %max3A_1190 = arith.constant 0.000000e+00 : f32
    %max3A_1191 = vector.broadcast %max3A_1190 : f32 to vector<100x512xf32>
    %max3A_1192 = arith.maximumf %add3A_1189, %max3A_1191 : vector<100x512xf32>
    %get3A_1193 = arith.constant 1 : index
    %get3A_1194 = arith.constant 0 : index
    %get3A_1195 = arith.constant 0 : index
    %get3A_1196 = vector.load %arg17[%get3A_1193, %get3A_1194, %get3A_1195] : memref<2x512x128xf32, #tpu.memory_space<vmem>>, vector<1x512x128xf32>
    %get3A_1197 = vector.shape_cast %get3A_1196 : vector<1x512x128xf32> to vector<512x128xf32>
    %dot_general3A_1198 = arith.constant dense<0.000000e+00> : vector<100x128xf32>
    %dot_general3A_1199 = tpu.matmul %max3A_1192, %get3A_1197, %dot_general3A_1198 {dimension_numbers = #tpu.dot_dimension_numbers<[1], [0], [0], [1], [0, 0, 1, 1], [], []>, transpose_lhs_hint = false} : vector<100x512xf32>, vector<512x128xf32>, vector<100x128xf32> -> vector<100x128xf32>
    %get3A_1200 = arith.constant 1 : index
    %get3A_1201 = arith.constant 0 : index
    %get3A_1202 = vector.load %arg18[%get3A_1200, %get3A_1201] : memref<2x128xf32, #tpu.memory_space<vmem>>, vector<1x128xf32>
    %get3A_1203 = vector.shape_cast %get3A_1202 : vector<1x128xf32> to vector<128xf32>
    %broadcast_in_dim3A_1204 = vector.shape_cast %get3A_1203 : vector<128xf32> to vector<1x128xf32>
    %add3A_1205 = vector.broadcast %broadcast_in_dim3A_1204 : vector<1x128xf32> to vector<100x128xf32>
    %add3A_1206 = arith.addf %dot_general3A_1199, %add3A_1205 : vector<100x128xf32>
    %add3A_1207 = arith.addf %add3A_1175, %add3A_1206 : vector<100x128xf32>
    %get3A_1208 = arith.constant 1 : index
    %get3A_1209 = arith.constant 0 : index
    %get3A_1210 = vector.load %arg21[%get3A_1208, %get3A_1209] : memref<2x128xf32, #tpu.memory_space<vmem>>, vector<1x128xf32>
    %get3A_1211 = vector.shape_cast %get3A_1210 : vector<1x128xf32> to vector<128xf32>
    %get3A_1212 = arith.constant 1 : index
    %get3A_1213 = arith.constant 0 : index
    %get3A_1214 = vector.load %arg22[%get3A_1212, %get3A_1213] : memref<2x128xf32, #tpu.memory_space<vmem>>, vector<1x128xf32>
    %get3A_1215 = vector.shape_cast %get3A_1214 : vector<1x128xf32> to vector<128xf32>
    %reduce_sum3A_1216 = arith.constant dense<0.000000e+00> : vector<100xf32>
    %reduce_sum3A_1217 = vector.multi_reduction <add>, %add3A_1207, %reduce_sum3A_1216 [1] : vector<100x128xf32> to vector<100xf32>
    %broadcast_in_dim3A_1218 = vector.shape_cast %reduce_sum3A_1217 : vector<100xf32> to vector<100x1xf32>
    %div3A_1219 = arith.constant 1.280000e+02 : f32
    %div3A_1220 = vector.broadcast %div3A_1219 : f32 to vector<100x1xf32>
    %div3A_1221 = arith.divf %broadcast_in_dim3A_1218, %div3A_1220 : vector<100x1xf32>
    %sub3A_1222 = vector.broadcast %div3A_1221 : vector<100x1xf32> to vector<100x128xf32>
    %sub3A_1223 = arith.subf %add3A_1207, %sub3A_1222 : vector<100x128xf32>
    %mul3A_1224 = arith.mulf %sub3A_1223, %sub3A_1223 : vector<100x128xf32>
    %reduce_sum3A_1225 = arith.constant dense<0.000000e+00> : vector<100xf32>
    %reduce_sum3A_1226 = vector.multi_reduction <add>, %mul3A_1224, %reduce_sum3A_1225 [1] : vector<100x128xf32> to vector<100xf32>
    %broadcast_in_dim3A_1227 = vector.shape_cast %reduce_sum3A_1226 : vector<100xf32> to vector<100x1xf32>
    %div3A_1228 = arith.constant 1.280000e+02 : f32
    %div3A_1229 = vector.broadcast %div3A_1228 : f32 to vector<100x1xf32>
    %div3A_1230 = arith.divf %broadcast_in_dim3A_1227, %div3A_1229 : vector<100x1xf32>
    %add3A_1231 = arith.constant 9.99999974E-6 : f32
    %add3A_1232 = vector.broadcast %add3A_1231 : f32 to vector<100x1xf32>
    %add3A_1233 = arith.addf %div3A_1230, %add3A_1232 : vector<100x1xf32>
    %rsqrt3A_1234 = math.rsqrt %add3A_1233 : vector<100x1xf32>
    %mul3A_1235 = vector.broadcast %rsqrt3A_1234 : vector<100x1xf32> to vector<100x128xf32>
    %mul3A_1236 = arith.mulf %sub3A_1223, %mul3A_1235 : vector<100x128xf32>
    %broadcast_in_dim3A_1237 = vector.shape_cast %get3A_1211 : vector<128xf32> to vector<1x128xf32>
    %mul3A_1238 = vector.broadcast %broadcast_in_dim3A_1237 : vector<1x128xf32> to vector<100x128xf32>
    %mul3A_1239 = arith.mulf %mul3A_1236, %mul3A_1238 : vector<100x128xf32>
    %broadcast_in_dim3A_1240 = vector.shape_cast %get3A_1215 : vector<128xf32> to vector<1x128xf32>
    %add3A_1241 = vector.broadcast %broadcast_in_dim3A_1240 : vector<1x128xf32> to vector<100x128xf32>
    %add3A_1242 = arith.addf %mul3A_1239, %add3A_1241 : vector<100x128xf32>
    %swap3A = arith.constant 0 : index
    %swap3A_1243 = arith.constant 0 : index
    %swap3A_1244 = arith.constant 0 : index
    %swap3A_1245 = vector.load %arg23[%swap3A, %swap3A_1243, %swap3A_1244] : memref<2x100x128xf32, #tpu.memory_space<vmem>>, vector<1x100x128xf32>
    %swap3A_1246 = vector.shape_cast %swap3A_1245 : vector<1x100x128xf32> to vector<100x128xf32>
    %swap3A_1247 = vector.shape_cast %add3A_1242 : vector<100x128xf32> to vector<1x100x128xf32>
    tpu.vector_store %arg23[%swap3A, %swap3A_1243, %swap3A_1244], %swap3A_1247 {strides = array<i32>} : memref<2x100x128xf32, #tpu.memory_space<vmem>>, vector<1x100x128xf32>,
    %get3A_1248 = arith.constant 1 : index
    %get3A_1249 = arith.constant 0 : index
    %get3A_1250 = arith.constant 0 : index
    %get3A_1251 = vector.load %arg3[%get3A_1248, %get3A_1249, %get3A_1250] : memref<2x100x128xf32, #tpu.memory_space<vmem>>, vector<1x100x128xf32>
    %get3A_1252 = vector.shape_cast %get3A_1251 : vector<1x100x128xf32> to vector<100x128xf32>
    %get3A_1253 = arith.constant 0 : index
    %get3A_1254 = arith.constant 1 : index
    %get3A_1255 = arith.constant 0 : index
    %get3A_1256 = arith.constant 0 : index
    %get3A_1257 = vector.load %arg1[%get3A_1253, %get3A_1254, %get3A_1255, %get3A_1256] : memref<2x2x100x128xf32, #tpu.memory_space<vmem>>, vector<1x1x100x128xf32>
    %get3A_1258 = vector.shape_cast %get3A_1257 : vector<1x1x100x128xf32> to vector<100x128xf32>
    %get3A_1259 = arith.constant 1 : index
    %get3A_1260 = arith.constant 1 : index
    %get3A_1261 = arith.constant 0 : index
    %get3A_1262 = arith.constant 0 : index
    %get3A_1263 = vector.load %arg1[%get3A_1259, %get3A_1260, %get3A_1261, %get3A_1262] : memref<2x2x100x128xf32, #tpu.memory_space<vmem>>, vector<1x1x100x128xf32>
    %get3A_1264 = vector.shape_cast %get3A_1263 : vector<1x1x100x128xf32> to vector<100x128xf32>
    %add3A_1265 = arith.addf %get3A_1258, %get3A_1264 : vector<100x128xf32>
    %get3A_1266 = arith.constant 1 : index
    %get3A_1267 = arith.constant 0 : index
    %get3A_1268 = arith.constant 0 : index
    %get3A_1269 = vector.load %arg2[%get3A_1266, %get3A_1267, %get3A_1268] : memref<2x100x128xf32, #tpu.memory_space<vmem>>, vector<1x100x128xf32>
    %get3A_1270 = vector.shape_cast %get3A_1269 : vector<1x100x128xf32> to vector<100x128xf32>
    %add3A_1271 = arith.addf %add3A_1265, %get3A_1270 : vector<100x128xf32>
    %mul3A_1272 = arith.mulf %get3A_1252, %add3A_1271 : vector<100x128xf32>
    %get3A_1273 = arith.constant 0 : index
    %get3A_1274 = vector.load %arg4[%get3A_1273] : memref<128xf32, #tpu.memory_space<vmem>>, vector<128xf32>
    %broadcast_in_dim3A_1275 = vector.shape_cast %get3A_1274 : vector<128xf32> to vector<1x128xf32>
    %add3A_1276 = vector.broadcast %broadcast_in_dim3A_1275 : vector<1x128xf32> to vector<100x128xf32>
    %add3A_1277 = arith.addf %mul3A_1272, %add3A_1276 : vector<100x128xf32>
    %max3A_1278 = arith.constant 0.000000e+00 : f32
    %max3A_1279 = vector.broadcast %max3A_1278 : f32 to vector<100x128xf32>
    %max3A_1280 = arith.maximumf %add3A_1277, %max3A_1279 : vector<100x128xf32>
    %get3A_1281 = arith.constant 1 : index
    %get3A_1282 = arith.constant 0 : index
    %get3A_1283 = arith.constant 0 : index
    %get3A_1284 = vector.load %arg5[%get3A_1281, %get3A_1282, %get3A_1283] : memref<2x100x128xf32, #tpu.memory_space<vmem>>, vector<1x100x128xf32>
    %get3A_1285 = vector.shape_cast %get3A_1284 : vector<1x100x128xf32> to vector<100x128xf32>
    %get3A_1286 = arith.constant 0 : index
    %get3A_1287 = arith.constant 0 : index
    %get3A_1288 = arith.constant 0 : index
    %get3A_1289 = vector.load %arg7[%get3A_1286, %get3A_1287, %get3A_1288] : memref<2x128x128xf32, #tpu.memory_space<vmem>>, vector<1x128x128xf32>
    %get3A_1290 = vector.shape_cast %get3A_1289 : vector<1x128x128xf32> to vector<128x128xf32>
    %dot_general3A_1291 = arith.constant dense<0.000000e+00> : vector<100x128xf32>
    %dot_general3A_1292 = tpu.matmul %get3A_1285, %get3A_1290, %dot_general3A_1291 {dimension_numbers = #tpu.dot_dimension_numbers<[1], [0], [0], [1], [0, 0, 1, 1], [], []>, transpose_lhs_hint = false} : vector<100x128xf32>, vector<128x128xf32>, vector<100x128xf32> -> vector<100x128xf32>
    %get3A_1293 = arith.constant 0 : index
    %get3A_1294 = arith.constant 0 : index
    %get3A_1295 = vector.load %arg8[%get3A_1293, %get3A_1294] : memref<2x128xf32, #tpu.memory_space<vmem>>, vector<1x128xf32>
    %get3A_1296 = vector.shape_cast %get3A_1295 : vector<1x128xf32> to vector<128xf32>
    %broadcast_in_dim3A_1297 = vector.shape_cast %get3A_1296 : vector<128xf32> to vector<1x128xf32>
    %add3A_1298 = vector.broadcast %broadcast_in_dim3A_1297 : vector<1x128xf32> to vector<100x128xf32>
    %add3A_1299 = arith.addf %dot_general3A_1292, %add3A_1298 : vector<100x128xf32>
    %mul3A_1300 = arith.constant 0.353553385 : f32
    %mul3A_1301 = vector.broadcast %mul3A_1300 : f32 to vector<100x128xf32>
    %mul3A_1302 = arith.mulf %add3A_1299, %mul3A_1301 : vector<100x128xf32>
    %get3A_1303 = arith.constant 0 : index
    %get3A_1304 = arith.constant 0 : index
    %get3A_1305 = arith.constant 0 : index
    %get3A_1306 = vector.load %arg9[%get3A_1303, %get3A_1304, %get3A_1305] : memref<2x128x128xf32, #tpu.memory_space<vmem>>, vector<1x128x128xf32>
    %get3A_1307 = vector.shape_cast %get3A_1306 : vector<1x128x128xf32> to vector<128x128xf32>
    %dot_general3A_1308 = arith.constant dense<0.000000e+00> : vector<100x128xf32>
    %dot_general3A_1309 = tpu.matmul %max3A_1280, %get3A_1307, %dot_general3A_1308 {dimension_numbers = #tpu.dot_dimension_numbers<[1], [0], [0], [1], [0, 0, 1, 1], [], []>, transpose_lhs_hint = false} : vector<100x128xf32>, vector<128x128xf32>, vector<100x128xf32> -> vector<100x128xf32>
    %get3A_1310 = arith.constant 0 : index
    %get3A_1311 = arith.constant 0 : index
    %get3A_1312 = vector.load %arg10[%get3A_1310, %get3A_1311] : memref<2x128xf32, #tpu.memory_space<vmem>>, vector<1x128xf32>
    %get3A_1313 = vector.shape_cast %get3A_1312 : vector<1x128xf32> to vector<128xf32>
    %broadcast_in_dim3A_1314 = vector.shape_cast %get3A_1313 : vector<128xf32> to vector<1x128xf32>
    %add3A_1315 = vector.broadcast %broadcast_in_dim3A_1314 : vector<1x128xf32> to vector<100x128xf32>
    %add3A_1316 = arith.addf %dot_general3A_1309, %add3A_1315 : vector<100x128xf32>
    %get3A_1317 = arith.constant 0 : index
    %get3A_1318 = arith.constant 0 : index
    %get3A_1319 = arith.constant 0 : index
    %get3A_1320 = vector.load %arg11[%get3A_1317, %get3A_1318, %get3A_1319] : memref<2x128x128xf32, #tpu.memory_space<vmem>>, vector<1x128x128xf32>
    %get3A_1321 = vector.shape_cast %get3A_1320 : vector<1x128x128xf32> to vector<128x128xf32>
    %dot_general3A_1322 = arith.constant dense<0.000000e+00> : vector<100x128xf32>
    %dot_general3A_1323 = tpu.matmul %max3A_1280, %get3A_1321, %dot_general3A_1322 {dimension_numbers = #tpu.dot_dimension_numbers<[1], [0], [0], [1], [0, 0, 1, 1], [], []>, transpose_lhs_hint = false} : vector<100x128xf32>, vector<128x128xf32>, vector<100x128xf32> -> vector<100x128xf32>
    %get3A_1324 = arith.constant 0 : index
    %get3A_1325 = arith.constant 0 : index
    %get3A_1326 = vector.load %arg12[%get3A_1324, %get3A_1325] : memref<2x128xf32, #tpu.memory_space<vmem>>, vector<1x128xf32>
    %get3A_1327 = vector.shape_cast %get3A_1326 : vector<1x128xf32> to vector<128xf32>
    %broadcast_in_dim3A_1328 = vector.shape_cast %get3A_1327 : vector<128xf32> to vector<1x128xf32>
    %add3A_1329 = vector.broadcast %broadcast_in_dim3A_1328 : vector<1x128xf32> to vector<100x128xf32>
    %add3A_1330 = arith.addf %dot_general3A_1323, %add3A_1329 : vector<100x128xf32>
    %get3A_1331 = arith.constant 0 : index
    %get3A_1332 = arith.constant 0 : index
    %get3A_1333 = vector.load %arg6[%get3A_1331, %get3A_1332] : memref<16x128xf32, #tpu.memory_space<vmem>>, vector<1x128xf32>
    %get3A_1334 = vector.shape_cast %get3A_1333 : vector<1x128xf32> to vector<128xf32>
    %broadcast_in_dim3A_1335 = vector.shape_cast %get3A_1334 : vector<128xf32> to vector<1x128xf32>
    %mul3A_1336 = vector.broadcast %broadcast_in_dim3A_1335 : vector<1x128xf32> to vector<100x128xf32>
    %mul3A_1337 = arith.mulf %add3A_1316, %mul3A_1336 : vector<100x128xf32>
    %dot_general3A_1338 = arith.constant dense<0.000000e+00> : vector<100x100xf32>
    %dot_general3A_1339 = tpu.matmul %mul3A_1302, %mul3A_1337, %dot_general3A_1338 {dimension_numbers = #tpu.dot_dimension_numbers<[1], [1], [0], [0], [0, 0, 1, 0], [], []>, transpose_lhs_hint = false} : vector<100x128xf32>, vector<100x128xf32>, vector<100x100xf32> -> vector<100x100xf32>
    %reduce_max3A_1340 = arith.constant dense<0xFF800000> : vector<100xf32>
    %reduce_max3A_1341 = vector.multi_reduction <maximumf>, %dot_general3A_1339, %reduce_max3A_1340 [1] : vector<100x100xf32> to vector<100xf32>
    %broadcast_in_dim3A_1342 = vector.shape_cast %reduce_max3A_1341 : vector<100xf32> to vector<100x1xf32>
    %sub3A_1343 = vector.broadcast %broadcast_in_dim3A_1342 : vector<100x1xf32> to vector<100x100xf32>
    %sub3A_1344 = arith.subf %dot_general3A_1339, %sub3A_1343 : vector<100x100xf32>
    %min3A_1345 = arith.constant 0.000000e+00 : f32
    %min3A_1346 = vector.broadcast %min3A_1345 : f32 to vector<100x100xf32>
    %min3A_1347 = arith.minimumf %sub3A_1344, %min3A_1346 : vector<100x100xf32>
    %exp3A_1348 = math.exp %min3A_1347 : vector<100x100xf32>
    %reduce_sum3A_1349 = arith.constant dense<0.000000e+00> : vector<100xf32>
    %reduce_sum3A_1350 = vector.multi_reduction <add>, %exp3A_1348, %reduce_sum3A_1349 [1] : vector<100x100xf32> to vector<100xf32>
    %broadcast_in_dim3A_1351 = vector.shape_cast %reduce_sum3A_1350 : vector<100xf32> to vector<100x1xf32>
    %div3A_1352 = vector.broadcast %broadcast_in_dim3A_1351 : vector<100x1xf32> to vector<100x100xf32>
    %div3A_1353 = arith.divf %exp3A_1348, %div3A_1352 : vector<100x100xf32>
    %mul3A_1354 = vector.broadcast %broadcast_in_dim3A_1335 : vector<1x128xf32> to vector<100x128xf32>
    %mul3A_1355 = arith.mulf %add3A_1330, %mul3A_1354 : vector<100x128xf32>
    %dot_general3A_1356 = arith.constant dense<0.000000e+00> : vector<100x128xf32>
    %dot_general3A_1357 = tpu.matmul %div3A_1353, %mul3A_1355, %dot_general3A_1356 {dimension_numbers = #tpu.dot_dimension_numbers<[1], [0], [0], [1], [0, 0, 1, 1], [], []>, transpose_lhs_hint = false} : vector<100x100xf32>, vector<100x128xf32>, vector<100x128xf32> -> vector<100x128xf32>
    %get3A_1358 = arith.constant 1 : index
    %get3A_1359 = arith.constant 0 : index
    %get3A_1360 = vector.load %arg6[%get3A_1358, %get3A_1359] : memref<16x128xf32, #tpu.memory_space<vmem>>, vector<1x128xf32>
    %get3A_1361 = vector.shape_cast %get3A_1360 : vector<1x128xf32> to vector<128xf32>
    %broadcast_in_dim3A_1362 = vector.shape_cast %get3A_1361 : vector<128xf32> to vector<1x128xf32>
    %mul3A_1363 = vector.broadcast %broadcast_in_dim3A_1362 : vector<1x128xf32> to vector<100x128xf32>
    %mul3A_1364 = arith.mulf %add3A_1316, %mul3A_1363 : vector<100x128xf32>
    %dot_general3A_1365 = arith.constant dense<0.000000e+00> : vector<100x100xf32>
    %dot_general3A_1366 = tpu.matmul %mul3A_1302, %mul3A_1364, %dot_general3A_1365 {dimension_numbers = #tpu.dot_dimension_numbers<[1], [1], [0], [0], [0, 0, 1, 0], [], []>, transpose_lhs_hint = false} : vector<100x128xf32>, vector<100x128xf32>, vector<100x100xf32> -> vector<100x100xf32>
    %reduce_max3A_1367 = arith.constant dense<0xFF800000> : vector<100xf32>
    %reduce_max3A_1368 = vector.multi_reduction <maximumf>, %dot_general3A_1366, %reduce_max3A_1367 [1] : vector<100x100xf32> to vector<100xf32>
    %broadcast_in_dim3A_1369 = vector.shape_cast %reduce_max3A_1368 : vector<100xf32> to vector<100x1xf32>
    %sub3A_1370 = vector.broadcast %broadcast_in_dim3A_1369 : vector<100x1xf32> to vector<100x100xf32>
    %sub3A_1371 = arith.subf %dot_general3A_1366, %sub3A_1370 : vector<100x100xf32>
    %min3A_1372 = arith.constant 0.000000e+00 : f32
    %min3A_1373 = vector.broadcast %min3A_1372 : f32 to vector<100x100xf32>
    %min3A_1374 = arith.minimumf %sub3A_1371, %min3A_1373 : vector<100x100xf32>
    %exp3A_1375 = math.exp %min3A_1374 : vector<100x100xf32>
    %reduce_sum3A_1376 = arith.constant dense<0.000000e+00> : vector<100xf32>
    %reduce_sum3A_1377 = vector.multi_reduction <add>, %exp3A_1375, %reduce_sum3A_1376 [1] : vector<100x100xf32> to vector<100xf32>
    %broadcast_in_dim3A_1378 = vector.shape_cast %reduce_sum3A_1377 : vector<100xf32> to vector<100x1xf32>
    %div3A_1379 = vector.broadcast %broadcast_in_dim3A_1378 : vector<100x1xf32> to vector<100x100xf32>
    %div3A_1380 = arith.divf %exp3A_1375, %div3A_1379 : vector<100x100xf32>
    %mul3A_1381 = vector.broadcast %broadcast_in_dim3A_1362 : vector<1x128xf32> to vector<100x128xf32>
    %mul3A_1382 = arith.mulf %add3A_1330, %mul3A_1381 : vector<100x128xf32>
    %dot_general3A_1383 = arith.constant dense<0.000000e+00> : vector<100x128xf32>
    %dot_general3A_1384 = tpu.matmul %div3A_1380, %mul3A_1382, %dot_general3A_1383 {dimension_numbers = #tpu.dot_dimension_numbers<[1], [0], [0], [1], [0, 0, 1, 1], [], []>, transpose_lhs_hint = false} : vector<100x100xf32>, vector<100x128xf32>, vector<100x128xf32> -> vector<100x128xf32>
    %add3A_1385 = arith.addf %dot_general3A_1357, %dot_general3A_1384 : vector<100x128xf32>
    %get3A_1386 = arith.constant 2 : index
    %get3A_1387 = arith.constant 0 : index
    %get3A_1388 = vector.load %arg6[%get3A_1386, %get3A_1387] : memref<16x128xf32, #tpu.memory_space<vmem>>, vector<1x128xf32>
    %get3A_1389 = vector.shape_cast %get3A_1388 : vector<1x128xf32> to vector<128xf32>
    %broadcast_in_dim3A_1390 = vector.shape_cast %get3A_1389 : vector<128xf32> to vector<1x128xf32>
    %mul3A_1391 = vector.broadcast %broadcast_in_dim3A_1390 : vector<1x128xf32> to vector<100x128xf32>
    %mul3A_1392 = arith.mulf %add3A_1316, %mul3A_1391 : vector<100x128xf32>
    %dot_general3A_1393 = arith.constant dense<0.000000e+00> : vector<100x100xf32>
    %dot_general3A_1394 = tpu.matmul %mul3A_1302, %mul3A_1392, %dot_general3A_1393 {dimension_numbers = #tpu.dot_dimension_numbers<[1], [1], [0], [0], [0, 0, 1, 0], [], []>, transpose_lhs_hint = false} : vector<100x128xf32>, vector<100x128xf32>, vector<100x100xf32> -> vector<100x100xf32>
    %reduce_max3A_1395 = arith.constant dense<0xFF800000> : vector<100xf32>
    %reduce_max3A_1396 = vector.multi_reduction <maximumf>, %dot_general3A_1394, %reduce_max3A_1395 [1] : vector<100x100xf32> to vector<100xf32>
    %broadcast_in_dim3A_1397 = vector.shape_cast %reduce_max3A_1396 : vector<100xf32> to vector<100x1xf32>
    %sub3A_1398 = vector.broadcast %broadcast_in_dim3A_1397 : vector<100x1xf32> to vector<100x100xf32>
    %sub3A_1399 = arith.subf %dot_general3A_1394, %sub3A_1398 : vector<100x100xf32>
    %min3A_1400 = arith.constant 0.000000e+00 : f32
    %min3A_1401 = vector.broadcast %min3A_1400 : f32 to vector<100x100xf32>
    %min3A_1402 = arith.minimumf %sub3A_1399, %min3A_1401 : vector<100x100xf32>
    %exp3A_1403 = math.exp %min3A_1402 : vector<100x100xf32>
    %reduce_sum3A_1404 = arith.constant dense<0.000000e+00> : vector<100xf32>
    %reduce_sum3A_1405 = vector.multi_reduction <add>, %exp3A_1403, %reduce_sum3A_1404 [1] : vector<100x100xf32> to vector<100xf32>
    %broadcast_in_dim3A_1406 = vector.shape_cast %reduce_sum3A_1405 : vector<100xf32> to vector<100x1xf32>
    %div3A_1407 = vector.broadcast %broadcast_in_dim3A_1406 : vector<100x1xf32> to vector<100x100xf32>
    %div3A_1408 = arith.divf %exp3A_1403, %div3A_1407 : vector<100x100xf32>
    %mul3A_1409 = vector.broadcast %broadcast_in_dim3A_1390 : vector<1x128xf32> to vector<100x128xf32>
    %mul3A_1410 = arith.mulf %add3A_1330, %mul3A_1409 : vector<100x128xf32>
    %dot_general3A_1411 = arith.constant dense<0.000000e+00> : vector<100x128xf32>
    %dot_general3A_1412 = tpu.matmul %div3A_1408, %mul3A_1410, %dot_general3A_1411 {dimension_numbers = #tpu.dot_dimension_numbers<[1], [0], [0], [1], [0, 0, 1, 1], [], []>, transpose_lhs_hint = false} : vector<100x100xf32>, vector<100x128xf32>, vector<100x128xf32> -> vector<100x128xf32>
    %add3A_1413 = arith.addf %add3A_1385, %dot_general3A_1412 : vector<100x128xf32>
    %get3A_1414 = arith.constant 3 : index
    %get3A_1415 = arith.constant 0 : index
    %get3A_1416 = vector.load %arg6[%get3A_1414, %get3A_1415] : memref<16x128xf32, #tpu.memory_space<vmem>>, vector<1x128xf32>
    %get3A_1417 = vector.shape_cast %get3A_1416 : vector<1x128xf32> to vector<128xf32>
    %broadcast_in_dim3A_1418 = vector.shape_cast %get3A_1417 : vector<128xf32> to vector<1x128xf32>
    %mul3A_1419 = vector.broadcast %broadcast_in_dim3A_1418 : vector<1x128xf32> to vector<100x128xf32>
    %mul3A_1420 = arith.mulf %add3A_1316, %mul3A_1419 : vector<100x128xf32>
    %dot_general3A_1421 = arith.constant dense<0.000000e+00> : vector<100x100xf32>
    %dot_general3A_1422 = tpu.matmul %mul3A_1302, %mul3A_1420, %dot_general3A_1421 {dimension_numbers = #tpu.dot_dimension_numbers<[1], [1], [0], [0], [0, 0, 1, 0], [], []>, transpose_lhs_hint = false} : vector<100x128xf32>, vector<100x128xf32>, vector<100x100xf32> -> vector<100x100xf32>
    %reduce_max3A_1423 = arith.constant dense<0xFF800000> : vector<100xf32>
    %reduce_max3A_1424 = vector.multi_reduction <maximumf>, %dot_general3A_1422, %reduce_max3A_1423 [1] : vector<100x100xf32> to vector<100xf32>
    %broadcast_in_dim3A_1425 = vector.shape_cast %reduce_max3A_1424 : vector<100xf32> to vector<100x1xf32>
    %sub3A_1426 = vector.broadcast %broadcast_in_dim3A_1425 : vector<100x1xf32> to vector<100x100xf32>
    %sub3A_1427 = arith.subf %dot_general3A_1422, %sub3A_1426 : vector<100x100xf32>
    %min3A_1428 = arith.constant 0.000000e+00 : f32
    %min3A_1429 = vector.broadcast %min3A_1428 : f32 to vector<100x100xf32>
    %min3A_1430 = arith.minimumf %sub3A_1427, %min3A_1429 : vector<100x100xf32>
    %exp3A_1431 = math.exp %min3A_1430 : vector<100x100xf32>
    %reduce_sum3A_1432 = arith.constant dense<0.000000e+00> : vector<100xf32>
    %reduce_sum3A_1433 = vector.multi_reduction <add>, %exp3A_1431, %reduce_sum3A_1432 [1] : vector<100x100xf32> to vector<100xf32>
    %broadcast_in_dim3A_1434 = vector.shape_cast %reduce_sum3A_1433 : vector<100xf32> to vector<100x1xf32>
    %div3A_1435 = vector.broadcast %broadcast_in_dim3A_1434 : vector<100x1xf32> to vector<100x100xf32>
    %div3A_1436 = arith.divf %exp3A_1431, %div3A_1435 : vector<100x100xf32>
    %mul3A_1437 = vector.broadcast %broadcast_in_dim3A_1418 : vector<1x128xf32> to vector<100x128xf32>
    %mul3A_1438 = arith.mulf %add3A_1330, %mul3A_1437 : vector<100x128xf32>
    %dot_general3A_1439 = arith.constant dense<0.000000e+00> : vector<100x128xf32>
    %dot_general3A_1440 = tpu.matmul %div3A_1436, %mul3A_1438, %dot_general3A_1439 {dimension_numbers = #tpu.dot_dimension_numbers<[1], [0], [0], [1], [0, 0, 1, 1], [], []>, transpose_lhs_hint = false} : vector<100x100xf32>, vector<100x128xf32>, vector<100x128xf32> -> vector<100x128xf32>
    %add3A_1441 = arith.addf %add3A_1413, %dot_general3A_1440 : vector<100x128xf32>
    %get3A_1442 = arith.constant 4 : index
    %get3A_1443 = arith.constant 0 : index
    %get3A_1444 = vector.load %arg6[%get3A_1442, %get3A_1443] : memref<16x128xf32, #tpu.memory_space<vmem>>, vector<1x128xf32>
    %get3A_1445 = vector.shape_cast %get3A_1444 : vector<1x128xf32> to vector<128xf32>
    %broadcast_in_dim3A_1446 = vector.shape_cast %get3A_1445 : vector<128xf32> to vector<1x128xf32>
    %mul3A_1447 = vector.broadcast %broadcast_in_dim3A_1446 : vector<1x128xf32> to vector<100x128xf32>
    %mul3A_1448 = arith.mulf %add3A_1316, %mul3A_1447 : vector<100x128xf32>
    %dot_general3A_1449 = arith.constant dense<0.000000e+00> : vector<100x100xf32>
    %dot_general3A_1450 = tpu.matmul %mul3A_1302, %mul3A_1448, %dot_general3A_1449 {dimension_numbers = #tpu.dot_dimension_numbers<[1], [1], [0], [0], [0, 0, 1, 0], [], []>, transpose_lhs_hint = false} : vector<100x128xf32>, vector<100x128xf32>, vector<100x100xf32> -> vector<100x100xf32>
    %reduce_max3A_1451 = arith.constant dense<0xFF800000> : vector<100xf32>
    %reduce_max3A_1452 = vector.multi_reduction <maximumf>, %dot_general3A_1450, %reduce_max3A_1451 [1] : vector<100x100xf32> to vector<100xf32>
    %broadcast_in_dim3A_1453 = vector.shape_cast %reduce_max3A_1452 : vector<100xf32> to vector<100x1xf32>
    %sub3A_1454 = vector.broadcast %broadcast_in_dim3A_1453 : vector<100x1xf32> to vector<100x100xf32>
    %sub3A_1455 = arith.subf %dot_general3A_1450, %sub3A_1454 : vector<100x100xf32>
    %min3A_1456 = arith.constant 0.000000e+00 : f32
    %min3A_1457 = vector.broadcast %min3A_1456 : f32 to vector<100x100xf32>
    %min3A_1458 = arith.minimumf %sub3A_1455, %min3A_1457 : vector<100x100xf32>
    %exp3A_1459 = math.exp %min3A_1458 : vector<100x100xf32>
    %reduce_sum3A_1460 = arith.constant dense<0.000000e+00> : vector<100xf32>
    %reduce_sum3A_1461 = vector.multi_reduction <add>, %exp3A_1459, %reduce_sum3A_1460 [1] : vector<100x100xf32> to vector<100xf32>
    %broadcast_in_dim3A_1462 = vector.shape_cast %reduce_sum3A_1461 : vector<100xf32> to vector<100x1xf32>
    %div3A_1463 = vector.broadcast %broadcast_in_dim3A_1462 : vector<100x1xf32> to vector<100x100xf32>
    %div3A_1464 = arith.divf %exp3A_1459, %div3A_1463 : vector<100x100xf32>
    %mul3A_1465 = vector.broadcast %broadcast_in_dim3A_1446 : vector<1x128xf32> to vector<100x128xf32>
    %mul3A_1466 = arith.mulf %add3A_1330, %mul3A_1465 : vector<100x128xf32>
    %dot_general3A_1467 = arith.constant dense<0.000000e+00> : vector<100x128xf32>
    %dot_general3A_1468 = tpu.matmul %div3A_1464, %mul3A_1466, %dot_general3A_1467 {dimension_numbers = #tpu.dot_dimension_numbers<[1], [0], [0], [1], [0, 0, 1, 1], [], []>, transpose_lhs_hint = false} : vector<100x100xf32>, vector<100x128xf32>, vector<100x128xf32> -> vector<100x128xf32>
    %add3A_1469 = arith.addf %add3A_1441, %dot_general3A_1468 : vector<100x128xf32>
    %get3A_1470 = arith.constant 5 : index
    %get3A_1471 = arith.constant 0 : index
    %get3A_1472 = vector.load %arg6[%get3A_1470, %get3A_1471] : memref<16x128xf32, #tpu.memory_space<vmem>>, vector<1x128xf32>
    %get3A_1473 = vector.shape_cast %get3A_1472 : vector<1x128xf32> to vector<128xf32>
    %broadcast_in_dim3A_1474 = vector.shape_cast %get3A_1473 : vector<128xf32> to vector<1x128xf32>
    %mul3A_1475 = vector.broadcast %broadcast_in_dim3A_1474 : vector<1x128xf32> to vector<100x128xf32>
    %mul3A_1476 = arith.mulf %add3A_1316, %mul3A_1475 : vector<100x128xf32>
    %dot_general3A_1477 = arith.constant dense<0.000000e+00> : vector<100x100xf32>
    %dot_general3A_1478 = tpu.matmul %mul3A_1302, %mul3A_1476, %dot_general3A_1477 {dimension_numbers = #tpu.dot_dimension_numbers<[1], [1], [0], [0], [0, 0, 1, 0], [], []>, transpose_lhs_hint = false} : vector<100x128xf32>, vector<100x128xf32>, vector<100x100xf32> -> vector<100x100xf32>
    %reduce_max3A_1479 = arith.constant dense<0xFF800000> : vector<100xf32>
    %reduce_max3A_1480 = vector.multi_reduction <maximumf>, %dot_general3A_1478, %reduce_max3A_1479 [1] : vector<100x100xf32> to vector<100xf32>
    %broadcast_in_dim3A_1481 = vector.shape_cast %reduce_max3A_1480 : vector<100xf32> to vector<100x1xf32>
    %sub3A_1482 = vector.broadcast %broadcast_in_dim3A_1481 : vector<100x1xf32> to vector<100x100xf32>
    %sub3A_1483 = arith.subf %dot_general3A_1478, %sub3A_1482 : vector<100x100xf32>
    %min3A_1484 = arith.constant 0.000000e+00 : f32
    %min3A_1485 = vector.broadcast %min3A_1484 : f32 to vector<100x100xf32>
    %min3A_1486 = arith.minimumf %sub3A_1483, %min3A_1485 : vector<100x100xf32>
    %exp3A_1487 = math.exp %min3A_1486 : vector<100x100xf32>
    %reduce_sum3A_1488 = arith.constant dense<0.000000e+00> : vector<100xf32>
    %reduce_sum3A_1489 = vector.multi_reduction <add>, %exp3A_1487, %reduce_sum3A_1488 [1] : vector<100x100xf32> to vector<100xf32>
    %broadcast_in_dim3A_1490 = vector.shape_cast %reduce_sum3A_1489 : vector<100xf32> to vector<100x1xf32>
    %div3A_1491 = vector.broadcast %broadcast_in_dim3A_1490 : vector<100x1xf32> to vector<100x100xf32>
    %div3A_1492 = arith.divf %exp3A_1487, %div3A_1491 : vector<100x100xf32>
    %mul3A_1493 = vector.broadcast %broadcast_in_dim3A_1474 : vector<1x128xf32> to vector<100x128xf32>
    %mul3A_1494 = arith.mulf %add3A_1330, %mul3A_1493 : vector<100x128xf32>
    %dot_general3A_1495 = arith.constant dense<0.000000e+00> : vector<100x128xf32>
    %dot_general3A_1496 = tpu.matmul %div3A_1492, %mul3A_1494, %dot_general3A_1495 {dimension_numbers = #tpu.dot_dimension_numbers<[1], [0], [0], [1], [0, 0, 1, 1], [], []>, transpose_lhs_hint = false} : vector<100x100xf32>, vector<100x128xf32>, vector<100x128xf32> -> vector<100x128xf32>
    %add3A_1497 = arith.addf %add3A_1469, %dot_general3A_1496 : vector<100x128xf32>
    %get3A_1498 = arith.constant 6 : index
    %get3A_1499 = arith.constant 0 : index
    %get3A_1500 = vector.load %arg6[%get3A_1498, %get3A_1499] : memref<16x128xf32, #tpu.memory_space<vmem>>, vector<1x128xf32>
    %get3A_1501 = vector.shape_cast %get3A_1500 : vector<1x128xf32> to vector<128xf32>
    %broadcast_in_dim3A_1502 = vector.shape_cast %get3A_1501 : vector<128xf32> to vector<1x128xf32>
    %mul3A_1503 = vector.broadcast %broadcast_in_dim3A_1502 : vector<1x128xf32> to vector<100x128xf32>
    %mul3A_1504 = arith.mulf %add3A_1316, %mul3A_1503 : vector<100x128xf32>
    %dot_general3A_1505 = arith.constant dense<0.000000e+00> : vector<100x100xf32>
    %dot_general3A_1506 = tpu.matmul %mul3A_1302, %mul3A_1504, %dot_general3A_1505 {dimension_numbers = #tpu.dot_dimension_numbers<[1], [1], [0], [0], [0, 0, 1, 0], [], []>, transpose_lhs_hint = false} : vector<100x128xf32>, vector<100x128xf32>, vector<100x100xf32> -> vector<100x100xf32>
    %reduce_max3A_1507 = arith.constant dense<0xFF800000> : vector<100xf32>
    %reduce_max3A_1508 = vector.multi_reduction <maximumf>, %dot_general3A_1506, %reduce_max3A_1507 [1] : vector<100x100xf32> to vector<100xf32>
    %broadcast_in_dim3A_1509 = vector.shape_cast %reduce_max3A_1508 : vector<100xf32> to vector<100x1xf32>
    %sub3A_1510 = vector.broadcast %broadcast_in_dim3A_1509 : vector<100x1xf32> to vector<100x100xf32>
    %sub3A_1511 = arith.subf %dot_general3A_1506, %sub3A_1510 : vector<100x100xf32>
    %min3A_1512 = arith.constant 0.000000e+00 : f32
    %min3A_1513 = vector.broadcast %min3A_1512 : f32 to vector<100x100xf32>
    %min3A_1514 = arith.minimumf %sub3A_1511, %min3A_1513 : vector<100x100xf32>
    %exp3A_1515 = math.exp %min3A_1514 : vector<100x100xf32>
    %reduce_sum3A_1516 = arith.constant dense<0.000000e+00> : vector<100xf32>
    %reduce_sum3A_1517 = vector.multi_reduction <add>, %exp3A_1515, %reduce_sum3A_1516 [1] : vector<100x100xf32> to vector<100xf32>
    %broadcast_in_dim3A_1518 = vector.shape_cast %reduce_sum3A_1517 : vector<100xf32> to vector<100x1xf32>
    %div3A_1519 = vector.broadcast %broadcast_in_dim3A_1518 : vector<100x1xf32> to vector<100x100xf32>
    %div3A_1520 = arith.divf %exp3A_1515, %div3A_1519 : vector<100x100xf32>
    %mul3A_1521 = vector.broadcast %broadcast_in_dim3A_1502 : vector<1x128xf32> to vector<100x128xf32>
    %mul3A_1522 = arith.mulf %add3A_1330, %mul3A_1521 : vector<100x128xf32>
    %dot_general3A_1523 = arith.constant dense<0.000000e+00> : vector<100x128xf32>
    %dot_general3A_1524 = tpu.matmul %div3A_1520, %mul3A_1522, %dot_general3A_1523 {dimension_numbers = #tpu.dot_dimension_numbers<[1], [0], [0], [1], [0, 0, 1, 1], [], []>, transpose_lhs_hint = false} : vector<100x100xf32>, vector<100x128xf32>, vector<100x128xf32> -> vector<100x128xf32>
    %add3A_1525 = arith.addf %add3A_1497, %dot_general3A_1524 : vector<100x128xf32>
    %get3A_1526 = arith.constant 7 : index
    %get3A_1527 = arith.constant 0 : index
    %get3A_1528 = vector.load %arg6[%get3A_1526, %get3A_1527] : memref<16x128xf32, #tpu.memory_space<vmem>>, vector<1x128xf32>
    %get3A_1529 = vector.shape_cast %get3A_1528 : vector<1x128xf32> to vector<128xf32>
    %broadcast_in_dim3A_1530 = vector.shape_cast %get3A_1529 : vector<128xf32> to vector<1x128xf32>
    %mul3A_1531 = vector.broadcast %broadcast_in_dim3A_1530 : vector<1x128xf32> to vector<100x128xf32>
    %mul3A_1532 = arith.mulf %add3A_1316, %mul3A_1531 : vector<100x128xf32>
    %dot_general3A_1533 = arith.constant dense<0.000000e+00> : vector<100x100xf32>
    %dot_general3A_1534 = tpu.matmul %mul3A_1302, %mul3A_1532, %dot_general3A_1533 {dimension_numbers = #tpu.dot_dimension_numbers<[1], [1], [0], [0], [0, 0, 1, 0], [], []>, transpose_lhs_hint = false} : vector<100x128xf32>, vector<100x128xf32>, vector<100x100xf32> -> vector<100x100xf32>
    %reduce_max3A_1535 = arith.constant dense<0xFF800000> : vector<100xf32>
    %reduce_max3A_1536 = vector.multi_reduction <maximumf>, %dot_general3A_1534, %reduce_max3A_1535 [1] : vector<100x100xf32> to vector<100xf32>
    %broadcast_in_dim3A_1537 = vector.shape_cast %reduce_max3A_1536 : vector<100xf32> to vector<100x1xf32>
    %sub3A_1538 = vector.broadcast %broadcast_in_dim3A_1537 : vector<100x1xf32> to vector<100x100xf32>
    %sub3A_1539 = arith.subf %dot_general3A_1534, %sub3A_1538 : vector<100x100xf32>
    %min3A_1540 = arith.constant 0.000000e+00 : f32
    %min3A_1541 = vector.broadcast %min3A_1540 : f32 to vector<100x100xf32>
    %min3A_1542 = arith.minimumf %sub3A_1539, %min3A_1541 : vector<100x100xf32>
    %exp3A_1543 = math.exp %min3A_1542 : vector<100x100xf32>
    %reduce_sum3A_1544 = arith.constant dense<0.000000e+00> : vector<100xf32>
    %reduce_sum3A_1545 = vector.multi_reduction <add>, %exp3A_1543, %reduce_sum3A_1544 [1] : vector<100x100xf32> to vector<100xf32>
    %broadcast_in_dim3A_1546 = vector.shape_cast %reduce_sum3A_1545 : vector<100xf32> to vector<100x1xf32>
    %div3A_1547 = vector.broadcast %broadcast_in_dim3A_1546 : vector<100x1xf32> to vector<100x100xf32>
    %div3A_1548 = arith.divf %exp3A_1543, %div3A_1547 : vector<100x100xf32>
    %mul3A_1549 = vector.broadcast %broadcast_in_dim3A_1530 : vector<1x128xf32> to vector<100x128xf32>
    %mul3A_1550 = arith.mulf %add3A_1330, %mul3A_1549 : vector<100x128xf32>
    %dot_general3A_1551 = arith.constant dense<0.000000e+00> : vector<100x128xf32>
    %dot_general3A_1552 = tpu.matmul %div3A_1548, %mul3A_1550, %dot_general3A_1551 {dimension_numbers = #tpu.dot_dimension_numbers<[1], [0], [0], [1], [0, 0, 1, 1], [], []>, transpose_lhs_hint = false} : vector<100x100xf32>, vector<100x128xf32>, vector<100x128xf32> -> vector<100x128xf32>
    %add3A_1553 = arith.addf %add3A_1525, %dot_general3A_1552 : vector<100x128xf32>
    %get3A_1554 = arith.constant 8 : index
    %get3A_1555 = arith.constant 0 : index
    %get3A_1556 = vector.load %arg6[%get3A_1554, %get3A_1555] : memref<16x128xf32, #tpu.memory_space<vmem>>, vector<1x128xf32>
    %get3A_1557 = vector.shape_cast %get3A_1556 : vector<1x128xf32> to vector<128xf32>
    %broadcast_in_dim3A_1558 = vector.shape_cast %get3A_1557 : vector<128xf32> to vector<1x128xf32>
    %mul3A_1559 = vector.broadcast %broadcast_in_dim3A_1558 : vector<1x128xf32> to vector<100x128xf32>
    %mul3A_1560 = arith.mulf %add3A_1316, %mul3A_1559 : vector<100x128xf32>
    %dot_general3A_1561 = arith.constant dense<0.000000e+00> : vector<100x100xf32>
    %dot_general3A_1562 = tpu.matmul %mul3A_1302, %mul3A_1560, %dot_general3A_1561 {dimension_numbers = #tpu.dot_dimension_numbers<[1], [1], [0], [0], [0, 0, 1, 0], [], []>, transpose_lhs_hint = false} : vector<100x128xf32>, vector<100x128xf32>, vector<100x100xf32> -> vector<100x100xf32>
    %reduce_max3A_1563 = arith.constant dense<0xFF800000> : vector<100xf32>
    %reduce_max3A_1564 = vector.multi_reduction <maximumf>, %dot_general3A_1562, %reduce_max3A_1563 [1] : vector<100x100xf32> to vector<100xf32>
    %broadcast_in_dim3A_1565 = vector.shape_cast %reduce_max3A_1564 : vector<100xf32> to vector<100x1xf32>
    %sub3A_1566 = vector.broadcast %broadcast_in_dim3A_1565 : vector<100x1xf32> to vector<100x100xf32>
    %sub3A_1567 = arith.subf %dot_general3A_1562, %sub3A_1566 : vector<100x100xf32>
    %min3A_1568 = arith.constant 0.000000e+00 : f32
    %min3A_1569 = vector.broadcast %min3A_1568 : f32 to vector<100x100xf32>
    %min3A_1570 = arith.minimumf %sub3A_1567, %min3A_1569 : vector<100x100xf32>
    %exp3A_1571 = math.exp %min3A_1570 : vector<100x100xf32>
    %reduce_sum3A_1572 = arith.constant dense<0.000000e+00> : vector<100xf32>
    %reduce_sum3A_1573 = vector.multi_reduction <add>, %exp3A_1571, %reduce_sum3A_1572 [1] : vector<100x100xf32> to vector<100xf32>
    %broadcast_in_dim3A_1574 = vector.shape_cast %reduce_sum3A_1573 : vector<100xf32> to vector<100x1xf32>
    %div3A_1575 = vector.broadcast %broadcast_in_dim3A_1574 : vector<100x1xf32> to vector<100x100xf32>
    %div3A_1576 = arith.divf %exp3A_1571, %div3A_1575 : vector<100x100xf32>
    %mul3A_1577 = vector.broadcast %broadcast_in_dim3A_1558 : vector<1x128xf32> to vector<100x128xf32>
    %mul3A_1578 = arith.mulf %add3A_1330, %mul3A_1577 : vector<100x128xf32>
    %dot_general3A_1579 = arith.constant dense<0.000000e+00> : vector<100x128xf32>
    %dot_general3A_1580 = tpu.matmul %div3A_1576, %mul3A_1578, %dot_general3A_1579 {dimension_numbers = #tpu.dot_dimension_numbers<[1], [0], [0], [1], [0, 0, 1, 1], [], []>, transpose_lhs_hint = false} : vector<100x100xf32>, vector<100x128xf32>, vector<100x128xf32> -> vector<100x128xf32>
    %add3A_1581 = arith.addf %add3A_1553, %dot_general3A_1580 : vector<100x128xf32>
    %get3A_1582 = arith.constant 9 : index
    %get3A_1583 = arith.constant 0 : index
    %get3A_1584 = vector.load %arg6[%get3A_1582, %get3A_1583] : memref<16x128xf32, #tpu.memory_space<vmem>>, vector<1x128xf32>
    %get3A_1585 = vector.shape_cast %get3A_1584 : vector<1x128xf32> to vector<128xf32>
    %broadcast_in_dim3A_1586 = vector.shape_cast %get3A_1585 : vector<128xf32> to vector<1x128xf32>
    %mul3A_1587 = vector.broadcast %broadcast_in_dim3A_1586 : vector<1x128xf32> to vector<100x128xf32>
    %mul3A_1588 = arith.mulf %add3A_1316, %mul3A_1587 : vector<100x128xf32>
    %dot_general3A_1589 = arith.constant dense<0.000000e+00> : vector<100x100xf32>
    %dot_general3A_1590 = tpu.matmul %mul3A_1302, %mul3A_1588, %dot_general3A_1589 {dimension_numbers = #tpu.dot_dimension_numbers<[1], [1], [0], [0], [0, 0, 1, 0], [], []>, transpose_lhs_hint = false} : vector<100x128xf32>, vector<100x128xf32>, vector<100x100xf32> -> vector<100x100xf32>
    %reduce_max3A_1591 = arith.constant dense<0xFF800000> : vector<100xf32>
    %reduce_max3A_1592 = vector.multi_reduction <maximumf>, %dot_general3A_1590, %reduce_max3A_1591 [1] : vector<100x100xf32> to vector<100xf32>
    %broadcast_in_dim3A_1593 = vector.shape_cast %reduce_max3A_1592 : vector<100xf32> to vector<100x1xf32>
    %sub3A_1594 = vector.broadcast %broadcast_in_dim3A_1593 : vector<100x1xf32> to vector<100x100xf32>
    %sub3A_1595 = arith.subf %dot_general3A_1590, %sub3A_1594 : vector<100x100xf32>
    %min3A_1596 = arith.constant 0.000000e+00 : f32
    %min3A_1597 = vector.broadcast %min3A_1596 : f32 to vector<100x100xf32>
    %min3A_1598 = arith.minimumf %sub3A_1595, %min3A_1597 : vector<100x100xf32>
    %exp3A_1599 = math.exp %min3A_1598 : vector<100x100xf32>
    %reduce_sum3A_1600 = arith.constant dense<0.000000e+00> : vector<100xf32>
    %reduce_sum3A_1601 = vector.multi_reduction <add>, %exp3A_1599, %reduce_sum3A_1600 [1] : vector<100x100xf32> to vector<100xf32>
    %broadcast_in_dim3A_1602 = vector.shape_cast %reduce_sum3A_1601 : vector<100xf32> to vector<100x1xf32>
    %div3A_1603 = vector.broadcast %broadcast_in_dim3A_1602 : vector<100x1xf32> to vector<100x100xf32>
    %div3A_1604 = arith.divf %exp3A_1599, %div3A_1603 : vector<100x100xf32>
    %mul3A_1605 = vector.broadcast %broadcast_in_dim3A_1586 : vector<1x128xf32> to vector<100x128xf32>
    %mul3A_1606 = arith.mulf %add3A_1330, %mul3A_1605 : vector<100x128xf32>
    %dot_general3A_1607 = arith.constant dense<0.000000e+00> : vector<100x128xf32>
    %dot_general3A_1608 = tpu.matmul %div3A_1604, %mul3A_1606, %dot_general3A_1607 {dimension_numbers = #tpu.dot_dimension_numbers<[1], [0], [0], [1], [0, 0, 1, 1], [], []>, transpose_lhs_hint = false} : vector<100x100xf32>, vector<100x128xf32>, vector<100x128xf32> -> vector<100x128xf32>
    %add3A_1609 = arith.addf %add3A_1581, %dot_general3A_1608 : vector<100x128xf32>
    %get3A_1610 = arith.constant 10 : index
    %get3A_1611 = arith.constant 0 : index
    %get3A_1612 = vector.load %arg6[%get3A_1610, %get3A_1611] : memref<16x128xf32, #tpu.memory_space<vmem>>, vector<1x128xf32>
    %get3A_1613 = vector.shape_cast %get3A_1612 : vector<1x128xf32> to vector<128xf32>
    %broadcast_in_dim3A_1614 = vector.shape_cast %get3A_1613 : vector<128xf32> to vector<1x128xf32>
    %mul3A_1615 = vector.broadcast %broadcast_in_dim3A_1614 : vector<1x128xf32> to vector<100x128xf32>
    %mul3A_1616 = arith.mulf %add3A_1316, %mul3A_1615 : vector<100x128xf32>
    %dot_general3A_1617 = arith.constant dense<0.000000e+00> : vector<100x100xf32>
    %dot_general3A_1618 = tpu.matmul %mul3A_1302, %mul3A_1616, %dot_general3A_1617 {dimension_numbers = #tpu.dot_dimension_numbers<[1], [1], [0], [0], [0, 0, 1, 0], [], []>, transpose_lhs_hint = false} : vector<100x128xf32>, vector<100x128xf32>, vector<100x100xf32> -> vector<100x100xf32>
    %reduce_max3A_1619 = arith.constant dense<0xFF800000> : vector<100xf32>
    %reduce_max3A_1620 = vector.multi_reduction <maximumf>, %dot_general3A_1618, %reduce_max3A_1619 [1] : vector<100x100xf32> to vector<100xf32>
    %broadcast_in_dim3A_1621 = vector.shape_cast %reduce_max3A_1620 : vector<100xf32> to vector<100x1xf32>
    %sub3A_1622 = vector.broadcast %broadcast_in_dim3A_1621 : vector<100x1xf32> to vector<100x100xf32>
    %sub3A_1623 = arith.subf %dot_general3A_1618, %sub3A_1622 : vector<100x100xf32>
    %min3A_1624 = arith.constant 0.000000e+00 : f32
    %min3A_1625 = vector.broadcast %min3A_1624 : f32 to vector<100x100xf32>
    %min3A_1626 = arith.minimumf %sub3A_1623, %min3A_1625 : vector<100x100xf32>
    %exp3A_1627 = math.exp %min3A_1626 : vector<100x100xf32>
    %reduce_sum3A_1628 = arith.constant dense<0.000000e+00> : vector<100xf32>
    %reduce_sum3A_1629 = vector.multi_reduction <add>, %exp3A_1627, %reduce_sum3A_1628 [1] : vector<100x100xf32> to vector<100xf32>
    %broadcast_in_dim3A_1630 = vector.shape_cast %reduce_sum3A_1629 : vector<100xf32> to vector<100x1xf32>
    %div3A_1631 = vector.broadcast %broadcast_in_dim3A_1630 : vector<100x1xf32> to vector<100x100xf32>
    %div3A_1632 = arith.divf %exp3A_1627, %div3A_1631 : vector<100x100xf32>
    %mul3A_1633 = vector.broadcast %broadcast_in_dim3A_1614 : vector<1x128xf32> to vector<100x128xf32>
    %mul3A_1634 = arith.mulf %add3A_1330, %mul3A_1633 : vector<100x128xf32>
    %dot_general3A_1635 = arith.constant dense<0.000000e+00> : vector<100x128xf32>
    %dot_general3A_1636 = tpu.matmul %div3A_1632, %mul3A_1634, %dot_general3A_1635 {dimension_numbers = #tpu.dot_dimension_numbers<[1], [0], [0], [1], [0, 0, 1, 1], [], []>, transpose_lhs_hint = false} : vector<100x100xf32>, vector<100x128xf32>, vector<100x128xf32> -> vector<100x128xf32>
    %add3A_1637 = arith.addf %add3A_1609, %dot_general3A_1636 : vector<100x128xf32>
    %get3A_1638 = arith.constant 11 : index
    %get3A_1639 = arith.constant 0 : index
    %get3A_1640 = vector.load %arg6[%get3A_1638, %get3A_1639] : memref<16x128xf32, #tpu.memory_space<vmem>>, vector<1x128xf32>
    %get3A_1641 = vector.shape_cast %get3A_1640 : vector<1x128xf32> to vector<128xf32>
    %broadcast_in_dim3A_1642 = vector.shape_cast %get3A_1641 : vector<128xf32> to vector<1x128xf32>
    %mul3A_1643 = vector.broadcast %broadcast_in_dim3A_1642 : vector<1x128xf32> to vector<100x128xf32>
    %mul3A_1644 = arith.mulf %add3A_1316, %mul3A_1643 : vector<100x128xf32>
    %dot_general3A_1645 = arith.constant dense<0.000000e+00> : vector<100x100xf32>
    %dot_general3A_1646 = tpu.matmul %mul3A_1302, %mul3A_1644, %dot_general3A_1645 {dimension_numbers = #tpu.dot_dimension_numbers<[1], [1], [0], [0], [0, 0, 1, 0], [], []>, transpose_lhs_hint = false} : vector<100x128xf32>, vector<100x128xf32>, vector<100x100xf32> -> vector<100x100xf32>
    %reduce_max3A_1647 = arith.constant dense<0xFF800000> : vector<100xf32>
    %reduce_max3A_1648 = vector.multi_reduction <maximumf>, %dot_general3A_1646, %reduce_max3A_1647 [1] : vector<100x100xf32> to vector<100xf32>
    %broadcast_in_dim3A_1649 = vector.shape_cast %reduce_max3A_1648 : vector<100xf32> to vector<100x1xf32>
    %sub3A_1650 = vector.broadcast %broadcast_in_dim3A_1649 : vector<100x1xf32> to vector<100x100xf32>
    %sub3A_1651 = arith.subf %dot_general3A_1646, %sub3A_1650 : vector<100x100xf32>
    %min3A_1652 = arith.constant 0.000000e+00 : f32
    %min3A_1653 = vector.broadcast %min3A_1652 : f32 to vector<100x100xf32>
    %min3A_1654 = arith.minimumf %sub3A_1651, %min3A_1653 : vector<100x100xf32>
    %exp3A_1655 = math.exp %min3A_1654 : vector<100x100xf32>
    %reduce_sum3A_1656 = arith.constant dense<0.000000e+00> : vector<100xf32>
    %reduce_sum3A_1657 = vector.multi_reduction <add>, %exp3A_1655, %reduce_sum3A_1656 [1] : vector<100x100xf32> to vector<100xf32>
    %broadcast_in_dim3A_1658 = vector.shape_cast %reduce_sum3A_1657 : vector<100xf32> to vector<100x1xf32>
    %div3A_1659 = vector.broadcast %broadcast_in_dim3A_1658 : vector<100x1xf32> to vector<100x100xf32>
    %div3A_1660 = arith.divf %exp3A_1655, %div3A_1659 : vector<100x100xf32>
    %mul3A_1661 = vector.broadcast %broadcast_in_dim3A_1642 : vector<1x128xf32> to vector<100x128xf32>
    %mul3A_1662 = arith.mulf %add3A_1330, %mul3A_1661 : vector<100x128xf32>
    %dot_general3A_1663 = arith.constant dense<0.000000e+00> : vector<100x128xf32>
    %dot_general3A_1664 = tpu.matmul %div3A_1660, %mul3A_1662, %dot_general3A_1663 {dimension_numbers = #tpu.dot_dimension_numbers<[1], [0], [0], [1], [0, 0, 1, 1], [], []>, transpose_lhs_hint = false} : vector<100x100xf32>, vector<100x128xf32>, vector<100x128xf32> -> vector<100x128xf32>
    %add3A_1665 = arith.addf %add3A_1637, %dot_general3A_1664 : vector<100x128xf32>
    %get3A_1666 = arith.constant 12 : index
    %get3A_1667 = arith.constant 0 : index
    %get3A_1668 = vector.load %arg6[%get3A_1666, %get3A_1667] : memref<16x128xf32, #tpu.memory_space<vmem>>, vector<1x128xf32>
    %get3A_1669 = vector.shape_cast %get3A_1668 : vector<1x128xf32> to vector<128xf32>
    %broadcast_in_dim3A_1670 = vector.shape_cast %get3A_1669 : vector<128xf32> to vector<1x128xf32>
    %mul3A_1671 = vector.broadcast %broadcast_in_dim3A_1670 : vector<1x128xf32> to vector<100x128xf32>
    %mul3A_1672 = arith.mulf %add3A_1316, %mul3A_1671 : vector<100x128xf32>
    %dot_general3A_1673 = arith.constant dense<0.000000e+00> : vector<100x100xf32>
    %dot_general3A_1674 = tpu.matmul %mul3A_1302, %mul3A_1672, %dot_general3A_1673 {dimension_numbers = #tpu.dot_dimension_numbers<[1], [1], [0], [0], [0, 0, 1, 0], [], []>, transpose_lhs_hint = false} : vector<100x128xf32>, vector<100x128xf32>, vector<100x100xf32> -> vector<100x100xf32>
    %reduce_max3A_1675 = arith.constant dense<0xFF800000> : vector<100xf32>
    %reduce_max3A_1676 = vector.multi_reduction <maximumf>, %dot_general3A_1674, %reduce_max3A_1675 [1] : vector<100x100xf32> to vector<100xf32>
    %broadcast_in_dim3A_1677 = vector.shape_cast %reduce_max3A_1676 : vector<100xf32> to vector<100x1xf32>
    %sub3A_1678 = vector.broadcast %broadcast_in_dim3A_1677 : vector<100x1xf32> to vector<100x100xf32>
    %sub3A_1679 = arith.subf %dot_general3A_1674, %sub3A_1678 : vector<100x100xf32>
    %min3A_1680 = arith.constant 0.000000e+00 : f32
    %min3A_1681 = vector.broadcast %min3A_1680 : f32 to vector<100x100xf32>
    %min3A_1682 = arith.minimumf %sub3A_1679, %min3A_1681 : vector<100x100xf32>
    %exp3A_1683 = math.exp %min3A_1682 : vector<100x100xf32>
    %reduce_sum3A_1684 = arith.constant dense<0.000000e+00> : vector<100xf32>
    %reduce_sum3A_1685 = vector.multi_reduction <add>, %exp3A_1683, %reduce_sum3A_1684 [1] : vector<100x100xf32> to vector<100xf32>
    %broadcast_in_dim3A_1686 = vector.shape_cast %reduce_sum3A_1685 : vector<100xf32> to vector<100x1xf32>
    %div3A_1687 = vector.broadcast %broadcast_in_dim3A_1686 : vector<100x1xf32> to vector<100x100xf32>
    %div3A_1688 = arith.divf %exp3A_1683, %div3A_1687 : vector<100x100xf32>
    %mul3A_1689 = vector.broadcast %broadcast_in_dim3A_1670 : vector<1x128xf32> to vector<100x128xf32>
    %mul3A_1690 = arith.mulf %add3A_1330, %mul3A_1689 : vector<100x128xf32>
    %dot_general3A_1691 = arith.constant dense<0.000000e+00> : vector<100x128xf32>
    %dot_general3A_1692 = tpu.matmul %div3A_1688, %mul3A_1690, %dot_general3A_1691 {dimension_numbers = #tpu.dot_dimension_numbers<[1], [0], [0], [1], [0, 0, 1, 1], [], []>, transpose_lhs_hint = false} : vector<100x100xf32>, vector<100x128xf32>, vector<100x128xf32> -> vector<100x128xf32>
    %add3A_1693 = arith.addf %add3A_1665, %dot_general3A_1692 : vector<100x128xf32>
    %get3A_1694 = arith.constant 13 : index
    %get3A_1695 = arith.constant 0 : index
    %get3A_1696 = vector.load %arg6[%get3A_1694, %get3A_1695] : memref<16x128xf32, #tpu.memory_space<vmem>>, vector<1x128xf32>
    %get3A_1697 = vector.shape_cast %get3A_1696 : vector<1x128xf32> to vector<128xf32>
    %broadcast_in_dim3A_1698 = vector.shape_cast %get3A_1697 : vector<128xf32> to vector<1x128xf32>
    %mul3A_1699 = vector.broadcast %broadcast_in_dim3A_1698 : vector<1x128xf32> to vector<100x128xf32>
    %mul3A_1700 = arith.mulf %add3A_1316, %mul3A_1699 : vector<100x128xf32>
    %dot_general3A_1701 = arith.constant dense<0.000000e+00> : vector<100x100xf32>
    %dot_general3A_1702 = tpu.matmul %mul3A_1302, %mul3A_1700, %dot_general3A_1701 {dimension_numbers = #tpu.dot_dimension_numbers<[1], [1], [0], [0], [0, 0, 1, 0], [], []>, transpose_lhs_hint = false} : vector<100x128xf32>, vector<100x128xf32>, vector<100x100xf32> -> vector<100x100xf32>
    %reduce_max3A_1703 = arith.constant dense<0xFF800000> : vector<100xf32>
    %reduce_max3A_1704 = vector.multi_reduction <maximumf>, %dot_general3A_1702, %reduce_max3A_1703 [1] : vector<100x100xf32> to vector<100xf32>
    %broadcast_in_dim3A_1705 = vector.shape_cast %reduce_max3A_1704 : vector<100xf32> to vector<100x1xf32>
    %sub3A_1706 = vector.broadcast %broadcast_in_dim3A_1705 : vector<100x1xf32> to vector<100x100xf32>
    %sub3A_1707 = arith.subf %dot_general3A_1702, %sub3A_1706 : vector<100x100xf32>
    %min3A_1708 = arith.constant 0.000000e+00 : f32
    %min3A_1709 = vector.broadcast %min3A_1708 : f32 to vector<100x100xf32>
    %min3A_1710 = arith.minimumf %sub3A_1707, %min3A_1709 : vector<100x100xf32>
    %exp3A_1711 = math.exp %min3A_1710 : vector<100x100xf32>
    %reduce_sum3A_1712 = arith.constant dense<0.000000e+00> : vector<100xf32>
    %reduce_sum3A_1713 = vector.multi_reduction <add>, %exp3A_1711, %reduce_sum3A_1712 [1] : vector<100x100xf32> to vector<100xf32>
    %broadcast_in_dim3A_1714 = vector.shape_cast %reduce_sum3A_1713 : vector<100xf32> to vector<100x1xf32>
    %div3A_1715 = vector.broadcast %broadcast_in_dim3A_1714 : vector<100x1xf32> to vector<100x100xf32>
    %div3A_1716 = arith.divf %exp3A_1711, %div3A_1715 : vector<100x100xf32>
    %mul3A_1717 = vector.broadcast %broadcast_in_dim3A_1698 : vector<1x128xf32> to vector<100x128xf32>
    %mul3A_1718 = arith.mulf %add3A_1330, %mul3A_1717 : vector<100x128xf32>
    %dot_general3A_1719 = arith.constant dense<0.000000e+00> : vector<100x128xf32>
    %dot_general3A_1720 = tpu.matmul %div3A_1716, %mul3A_1718, %dot_general3A_1719 {dimension_numbers = #tpu.dot_dimension_numbers<[1], [0], [0], [1], [0, 0, 1, 1], [], []>, transpose_lhs_hint = false} : vector<100x100xf32>, vector<100x128xf32>, vector<100x128xf32> -> vector<100x128xf32>
    %add3A_1721 = arith.addf %add3A_1693, %dot_general3A_1720 : vector<100x128xf32>
    %get3A_1722 = arith.constant 14 : index
    %get3A_1723 = arith.constant 0 : index
    %get3A_1724 = vector.load %arg6[%get3A_1722, %get3A_1723] : memref<16x128xf32, #tpu.memory_space<vmem>>, vector<1x128xf32>
    %get3A_1725 = vector.shape_cast %get3A_1724 : vector<1x128xf32> to vector<128xf32>
    %broadcast_in_dim3A_1726 = vector.shape_cast %get3A_1725 : vector<128xf32> to vector<1x128xf32>
    %mul3A_1727 = vector.broadcast %broadcast_in_dim3A_1726 : vector<1x128xf32> to vector<100x128xf32>
    %mul3A_1728 = arith.mulf %add3A_1316, %mul3A_1727 : vector<100x128xf32>
    %dot_general3A_1729 = arith.constant dense<0.000000e+00> : vector<100x100xf32>
    %dot_general3A_1730 = tpu.matmul %mul3A_1302, %mul3A_1728, %dot_general3A_1729 {dimension_numbers = #tpu.dot_dimension_numbers<[1], [1], [0], [0], [0, 0, 1, 0], [], []>, transpose_lhs_hint = false} : vector<100x128xf32>, vector<100x128xf32>, vector<100x100xf32> -> vector<100x100xf32>
    %reduce_max3A_1731 = arith.constant dense<0xFF800000> : vector<100xf32>
    %reduce_max3A_1732 = vector.multi_reduction <maximumf>, %dot_general3A_1730, %reduce_max3A_1731 [1] : vector<100x100xf32> to vector<100xf32>
    %broadcast_in_dim3A_1733 = vector.shape_cast %reduce_max3A_1732 : vector<100xf32> to vector<100x1xf32>
    %sub3A_1734 = vector.broadcast %broadcast_in_dim3A_1733 : vector<100x1xf32> to vector<100x100xf32>
    %sub3A_1735 = arith.subf %dot_general3A_1730, %sub3A_1734 : vector<100x100xf32>
    %min3A_1736 = arith.constant 0.000000e+00 : f32
    %min3A_1737 = vector.broadcast %min3A_1736 : f32 to vector<100x100xf32>
    %min3A_1738 = arith.minimumf %sub3A_1735, %min3A_1737 : vector<100x100xf32>
    %exp3A_1739 = math.exp %min3A_1738 : vector<100x100xf32>
    %reduce_sum3A_1740 = arith.constant dense<0.000000e+00> : vector<100xf32>
    %reduce_sum3A_1741 = vector.multi_reduction <add>, %exp3A_1739, %reduce_sum3A_1740 [1] : vector<100x100xf32> to vector<100xf32>
    %broadcast_in_dim3A_1742 = vector.shape_cast %reduce_sum3A_1741 : vector<100xf32> to vector<100x1xf32>
    %div3A_1743 = vector.broadcast %broadcast_in_dim3A_1742 : vector<100x1xf32> to vector<100x100xf32>
    %div3A_1744 = arith.divf %exp3A_1739, %div3A_1743 : vector<100x100xf32>
    %mul3A_1745 = vector.broadcast %broadcast_in_dim3A_1726 : vector<1x128xf32> to vector<100x128xf32>
    %mul3A_1746 = arith.mulf %add3A_1330, %mul3A_1745 : vector<100x128xf32>
    %dot_general3A_1747 = arith.constant dense<0.000000e+00> : vector<100x128xf32>
    %dot_general3A_1748 = tpu.matmul %div3A_1744, %mul3A_1746, %dot_general3A_1747 {dimension_numbers = #tpu.dot_dimension_numbers<[1], [0], [0], [1], [0, 0, 1, 1], [], []>, transpose_lhs_hint = false} : vector<100x100xf32>, vector<100x128xf32>, vector<100x128xf32> -> vector<100x128xf32>
    %add3A_1749 = arith.addf %add3A_1721, %dot_general3A_1748 : vector<100x128xf32>
    %get3A_1750 = arith.constant 15 : index
    %get3A_1751 = arith.constant 0 : index
    %get3A_1752 = vector.load %arg6[%get3A_1750, %get3A_1751] : memref<16x128xf32, #tpu.memory_space<vmem>>, vector<1x128xf32>
    %get3A_1753 = vector.shape_cast %get3A_1752 : vector<1x128xf32> to vector<128xf32>
    %broadcast_in_dim3A_1754 = vector.shape_cast %get3A_1753 : vector<128xf32> to vector<1x128xf32>
    %mul3A_1755 = vector.broadcast %broadcast_in_dim3A_1754 : vector<1x128xf32> to vector<100x128xf32>
    %mul3A_1756 = arith.mulf %add3A_1316, %mul3A_1755 : vector<100x128xf32>
    %dot_general3A_1757 = arith.constant dense<0.000000e+00> : vector<100x100xf32>
    %dot_general3A_1758 = tpu.matmul %mul3A_1302, %mul3A_1756, %dot_general3A_1757 {dimension_numbers = #tpu.dot_dimension_numbers<[1], [1], [0], [0], [0, 0, 1, 0], [], []>, transpose_lhs_hint = false} : vector<100x128xf32>, vector<100x128xf32>, vector<100x100xf32> -> vector<100x100xf32>
    %reduce_max3A_1759 = arith.constant dense<0xFF800000> : vector<100xf32>
    %reduce_max3A_1760 = vector.multi_reduction <maximumf>, %dot_general3A_1758, %reduce_max3A_1759 [1] : vector<100x100xf32> to vector<100xf32>
    %broadcast_in_dim3A_1761 = vector.shape_cast %reduce_max3A_1760 : vector<100xf32> to vector<100x1xf32>
    %sub3A_1762 = vector.broadcast %broadcast_in_dim3A_1761 : vector<100x1xf32> to vector<100x100xf32>
    %sub3A_1763 = arith.subf %dot_general3A_1758, %sub3A_1762 : vector<100x100xf32>
    %min3A_1764 = arith.constant 0.000000e+00 : f32
    %min3A_1765 = vector.broadcast %min3A_1764 : f32 to vector<100x100xf32>
    %min3A_1766 = arith.minimumf %sub3A_1763, %min3A_1765 : vector<100x100xf32>
    %exp3A_1767 = math.exp %min3A_1766 : vector<100x100xf32>
    %reduce_sum3A_1768 = arith.constant dense<0.000000e+00> : vector<100xf32>
    %reduce_sum3A_1769 = vector.multi_reduction <add>, %exp3A_1767, %reduce_sum3A_1768 [1] : vector<100x100xf32> to vector<100xf32>
    %broadcast_in_dim3A_1770 = vector.shape_cast %reduce_sum3A_1769 : vector<100xf32> to vector<100x1xf32>
    %div3A_1771 = vector.broadcast %broadcast_in_dim3A_1770 : vector<100x1xf32> to vector<100x100xf32>
    %div3A_1772 = arith.divf %exp3A_1767, %div3A_1771 : vector<100x100xf32>
    %mul3A_1773 = vector.broadcast %broadcast_in_dim3A_1754 : vector<1x128xf32> to vector<100x128xf32>
    %mul3A_1774 = arith.mulf %add3A_1330, %mul3A_1773 : vector<100x128xf32>
    %dot_general3A_1775 = arith.constant dense<0.000000e+00> : vector<100x128xf32>
    %dot_general3A_1776 = tpu.matmul %div3A_1772, %mul3A_1774, %dot_general3A_1775 {dimension_numbers = #tpu.dot_dimension_numbers<[1], [0], [0], [1], [0, 0, 1, 1], [], []>, transpose_lhs_hint = false} : vector<100x100xf32>, vector<100x128xf32>, vector<100x128xf32> -> vector<100x128xf32>
    %add3A_1777 = arith.addf %add3A_1749, %dot_general3A_1776 : vector<100x128xf32>
    %get3A_1778 = arith.constant 0 : index
    %get3A_1779 = arith.constant 0 : index
    %get3A_1780 = arith.constant 0 : index
    %get3A_1781 = vector.load %arg13[%get3A_1778, %get3A_1779, %get3A_1780] : memref<2x128x128xf32, #tpu.memory_space<vmem>>, vector<1x128x128xf32>
    %get3A_1782 = vector.shape_cast %get3A_1781 : vector<1x128x128xf32> to vector<128x128xf32>
    %dot_general3A_1783 = arith.constant dense<0.000000e+00> : vector<100x128xf32>
    %dot_general3A_1784 = tpu.matmul %add3A_1777, %get3A_1782, %dot_general3A_1783 {dimension_numbers = #tpu.dot_dimension_numbers<[1], [0], [0], [1], [0, 0, 1, 1], [], []>, transpose_lhs_hint = false} : vector<100x128xf32>, vector<128x128xf32>, vector<100x128xf32> -> vector<100x128xf32>
    %get3A_1785 = arith.constant 0 : index
    %get3A_1786 = arith.constant 0 : index
    %get3A_1787 = vector.load %arg14[%get3A_1785, %get3A_1786] : memref<2x128xf32, #tpu.memory_space<vmem>>, vector<1x128xf32>
    %get3A_1788 = vector.shape_cast %get3A_1787 : vector<1x128xf32> to vector<128xf32>
    %broadcast_in_dim3A_1789 = vector.shape_cast %get3A_1788 : vector<128xf32> to vector<1x128xf32>
    %add3A_1790 = vector.broadcast %broadcast_in_dim3A_1789 : vector<1x128xf32> to vector<100x128xf32>
    %add3A_1791 = arith.addf %dot_general3A_1784, %add3A_1790 : vector<100x128xf32>
    %add3A_1792 = arith.addf %get3A_1285, %add3A_1791 : vector<100x128xf32>
    %get3A_1793 = arith.constant 0 : index
    %get3A_1794 = arith.constant 0 : index
    %get3A_1795 = vector.load %arg19[%get3A_1793, %get3A_1794] : memref<2x128xf32, #tpu.memory_space<vmem>>, vector<1x128xf32>
    %get3A_1796 = vector.shape_cast %get3A_1795 : vector<1x128xf32> to vector<128xf32>
    %get3A_1797 = arith.constant 0 : index
    %get3A_1798 = arith.constant 0 : index
    %get3A_1799 = vector.load %arg20[%get3A_1797, %get3A_1798] : memref<2x128xf32, #tpu.memory_space<vmem>>, vector<1x128xf32>
    %get3A_1800 = vector.shape_cast %get3A_1799 : vector<1x128xf32> to vector<128xf32>
    %reduce_sum3A_1801 = arith.constant dense<0.000000e+00> : vector<100xf32>
    %reduce_sum3A_1802 = vector.multi_reduction <add>, %add3A_1792, %reduce_sum3A_1801 [1] : vector<100x128xf32> to vector<100xf32>
    %broadcast_in_dim3A_1803 = vector.shape_cast %reduce_sum3A_1802 : vector<100xf32> to vector<100x1xf32>
    %div3A_1804 = arith.constant 1.280000e+02 : f32
    %div3A_1805 = vector.broadcast %div3A_1804 : f32 to vector<100x1xf32>
    %div3A_1806 = arith.divf %broadcast_in_dim3A_1803, %div3A_1805 : vector<100x1xf32>
    %sub3A_1807 = vector.broadcast %div3A_1806 : vector<100x1xf32> to vector<100x128xf32>
    %sub3A_1808 = arith.subf %add3A_1792, %sub3A_1807 : vector<100x128xf32>
    %mul3A_1809 = arith.mulf %sub3A_1808, %sub3A_1808 : vector<100x128xf32>
    %reduce_sum3A_1810 = arith.constant dense<0.000000e+00> : vector<100xf32>
    %reduce_sum3A_1811 = vector.multi_reduction <add>, %mul3A_1809, %reduce_sum3A_1810 [1] : vector<100x128xf32> to vector<100xf32>
    %broadcast_in_dim3A_1812 = vector.shape_cast %reduce_sum3A_1811 : vector<100xf32> to vector<100x1xf32>
    %div3A_1813 = arith.constant 1.280000e+02 : f32
    %div3A_1814 = vector.broadcast %div3A_1813 : f32 to vector<100x1xf32>
    %div3A_1815 = arith.divf %broadcast_in_dim3A_1812, %div3A_1814 : vector<100x1xf32>
    %add3A_1816 = arith.constant 9.99999974E-6 : f32
    %add3A_1817 = vector.broadcast %add3A_1816 : f32 to vector<100x1xf32>
    %add3A_1818 = arith.addf %div3A_1815, %add3A_1817 : vector<100x1xf32>
    %rsqrt3A_1819 = math.rsqrt %add3A_1818 : vector<100x1xf32>
    %mul3A_1820 = vector.broadcast %rsqrt3A_1819 : vector<100x1xf32> to vector<100x128xf32>
    %mul3A_1821 = arith.mulf %sub3A_1808, %mul3A_1820 : vector<100x128xf32>
    %broadcast_in_dim3A_1822 = vector.shape_cast %get3A_1796 : vector<128xf32> to vector<1x128xf32>
    %mul3A_1823 = vector.broadcast %broadcast_in_dim3A_1822 : vector<1x128xf32> to vector<100x128xf32>
    %mul3A_1824 = arith.mulf %mul3A_1821, %mul3A_1823 : vector<100x128xf32>
    %broadcast_in_dim3A_1825 = vector.shape_cast %get3A_1800 : vector<128xf32> to vector<1x128xf32>
    %add3A_1826 = vector.broadcast %broadcast_in_dim3A_1825 : vector<1x128xf32> to vector<100x128xf32>
    %add3A_1827 = arith.addf %mul3A_1824, %add3A_1826 : vector<100x128xf32>
    %get3A_1828 = arith.constant 0 : index
    %get3A_1829 = arith.constant 0 : index
    %get3A_1830 = arith.constant 0 : index
    %get3A_1831 = vector.load %arg15[%get3A_1828, %get3A_1829, %get3A_1830] : memref<2x128x512xf32, #tpu.memory_space<vmem>>, vector<1x128x512xf32>
    %get3A_1832 = vector.shape_cast %get3A_1831 : vector<1x128x512xf32> to vector<128x512xf32>
    %dot_general3A_1833 = arith.constant dense<0.000000e+00> : vector<100x512xf32>
    %dot_general3A_1834 = tpu.matmul %add3A_1827, %get3A_1832, %dot_general3A_1833 {dimension_numbers = #tpu.dot_dimension_numbers<[1], [0], [0], [1], [0, 0, 1, 1], [], []>, transpose_lhs_hint = false} : vector<100x128xf32>, vector<128x512xf32>, vector<100x512xf32> -> vector<100x512xf32>
    %get3A_1835 = arith.constant 0 : index
    %get3A_1836 = arith.constant 0 : index
    %get3A_1837 = vector.load %arg16[%get3A_1835, %get3A_1836] : memref<2x512xf32, #tpu.memory_space<vmem>>, vector<1x512xf32>
    %get3A_1838 = vector.shape_cast %get3A_1837 : vector<1x512xf32> to vector<512xf32>
    %broadcast_in_dim3A_1839 = vector.shape_cast %get3A_1838 : vector<512xf32> to vector<1x512xf32>
    %add3A_1840 = vector.broadcast %broadcast_in_dim3A_1839 : vector<1x512xf32> to vector<100x512xf32>
    %add3A_1841 = arith.addf %dot_general3A_1834, %add3A_1840 : vector<100x512xf32>
    %max3A_1842 = arith.constant 0.000000e+00 : f32
    %max3A_1843 = vector.broadcast %max3A_1842 : f32 to vector<100x512xf32>
    %max3A_1844 = arith.maximumf %add3A_1841, %max3A_1843 : vector<100x512xf32>
    %get3A_1845 = arith.constant 0 : index
    %get3A_1846 = arith.constant 0 : index
    %get3A_1847 = arith.constant 0 : index
    %get3A_1848 = vector.load %arg17[%get3A_1845, %get3A_1846, %get3A_1847] : memref<2x512x128xf32, #tpu.memory_space<vmem>>, vector<1x512x128xf32>
    %get3A_1849 = vector.shape_cast %get3A_1848 : vector<1x512x128xf32> to vector<512x128xf32>
    %dot_general3A_1850 = arith.constant dense<0.000000e+00> : vector<100x128xf32>
    %dot_general3A_1851 = tpu.matmul %max3A_1844, %get3A_1849, %dot_general3A_1850 {dimension_numbers = #tpu.dot_dimension_numbers<[1], [0], [0], [1], [0, 0, 1, 1], [], []>, transpose_lhs_hint = false} : vector<100x512xf32>, vector<512x128xf32>, vector<100x128xf32> -> vector<100x128xf32>
    %get3A_1852 = arith.constant 0 : index
    %get3A_1853 = arith.constant 0 : index
    %get3A_1854 = vector.load %arg18[%get3A_1852, %get3A_1853] : memref<2x128xf32, #tpu.memory_space<vmem>>, vector<1x128xf32>
    %get3A_1855 = vector.shape_cast %get3A_1854 : vector<1x128xf32> to vector<128xf32>
    %broadcast_in_dim3A_1856 = vector.shape_cast %get3A_1855 : vector<128xf32> to vector<1x128xf32>
    %add3A_1857 = vector.broadcast %broadcast_in_dim3A_1856 : vector<1x128xf32> to vector<100x128xf32>
    %add3A_1858 = arith.addf %dot_general3A_1851, %add3A_1857 : vector<100x128xf32>
    %add3A_1859 = arith.addf %add3A_1827, %add3A_1858 : vector<100x128xf32>
    %get3A_1860 = arith.constant 0 : index
    %get3A_1861 = arith.constant 0 : index
    %get3A_1862 = vector.load %arg21[%get3A_1860, %get3A_1861] : memref<2x128xf32, #tpu.memory_space<vmem>>, vector<1x128xf32>
    %get3A_1863 = vector.shape_cast %get3A_1862 : vector<1x128xf32> to vector<128xf32>
    %get3A_1864 = arith.constant 0 : index
    %get3A_1865 = arith.constant 0 : index
    %get3A_1866 = vector.load %arg22[%get3A_1864, %get3A_1865] : memref<2x128xf32, #tpu.memory_space<vmem>>, vector<1x128xf32>
    %get3A_1867 = vector.shape_cast %get3A_1866 : vector<1x128xf32> to vector<128xf32>
    %reduce_sum3A_1868 = arith.constant dense<0.000000e+00> : vector<100xf32>
    %reduce_sum3A_1869 = vector.multi_reduction <add>, %add3A_1859, %reduce_sum3A_1868 [1] : vector<100x128xf32> to vector<100xf32>
    %broadcast_in_dim3A_1870 = vector.shape_cast %reduce_sum3A_1869 : vector<100xf32> to vector<100x1xf32>
    %div3A_1871 = arith.constant 1.280000e+02 : f32
    %div3A_1872 = vector.broadcast %div3A_1871 : f32 to vector<100x1xf32>
    %div3A_1873 = arith.divf %broadcast_in_dim3A_1870, %div3A_1872 : vector<100x1xf32>
    %sub3A_1874 = vector.broadcast %div3A_1873 : vector<100x1xf32> to vector<100x128xf32>
    %sub3A_1875 = arith.subf %add3A_1859, %sub3A_1874 : vector<100x128xf32>
    %mul3A_1876 = arith.mulf %sub3A_1875, %sub3A_1875 : vector<100x128xf32>
    %reduce_sum3A_1877 = arith.constant dense<0.000000e+00> : vector<100xf32>
    %reduce_sum3A_1878 = vector.multi_reduction <add>, %mul3A_1876, %reduce_sum3A_1877 [1] : vector<100x128xf32> to vector<100xf32>
    %broadcast_in_dim3A_1879 = vector.shape_cast %reduce_sum3A_1878 : vector<100xf32> to vector<100x1xf32>
    %div3A_1880 = arith.constant 1.280000e+02 : f32
    %div3A_1881 = vector.broadcast %div3A_1880 : f32 to vector<100x1xf32>
    %div3A_1882 = arith.divf %broadcast_in_dim3A_1879, %div3A_1881 : vector<100x1xf32>
    %add3A_1883 = arith.constant 9.99999974E-6 : f32
    %add3A_1884 = vector.broadcast %add3A_1883 : f32 to vector<100x1xf32>
    %add3A_1885 = arith.addf %div3A_1882, %add3A_1884 : vector<100x1xf32>
    %rsqrt3A_1886 = math.rsqrt %add3A_1885 : vector<100x1xf32>
    %mul3A_1887 = vector.broadcast %rsqrt3A_1886 : vector<100x1xf32> to vector<100x128xf32>
    %mul3A_1888 = arith.mulf %sub3A_1875, %mul3A_1887 : vector<100x128xf32>
    %broadcast_in_dim3A_1889 = vector.shape_cast %get3A_1863 : vector<128xf32> to vector<1x128xf32>
    %mul3A_1890 = vector.broadcast %broadcast_in_dim3A_1889 : vector<1x128xf32> to vector<100x128xf32>
    %mul3A_1891 = arith.mulf %mul3A_1888, %mul3A_1890 : vector<100x128xf32>
    %broadcast_in_dim3A_1892 = vector.shape_cast %get3A_1867 : vector<128xf32> to vector<1x128xf32>
    %add3A_1893 = vector.broadcast %broadcast_in_dim3A_1892 : vector<1x128xf32> to vector<100x128xf32>
    %add3A_1894 = arith.addf %mul3A_1891, %add3A_1893 : vector<100x128xf32>
    %get3A_1895 = arith.constant 1 : index
    %get3A_1896 = arith.constant 0 : index
    %get3A_1897 = arith.constant 0 : index
    %get3A_1898 = vector.load %arg7[%get3A_1895, %get3A_1896, %get3A_1897] : memref<2x128x128xf32, #tpu.memory_space<vmem>>, vector<1x128x128xf32>
    %get3A_1899 = vector.shape_cast %get3A_1898 : vector<1x128x128xf32> to vector<128x128xf32>
    %dot_general3A_1900 = arith.constant dense<0.000000e+00> : vector<100x128xf32>
    %dot_general3A_1901 = tpu.matmul %add3A_1894, %get3A_1899, %dot_general3A_1900 {dimension_numbers = #tpu.dot_dimension_numbers<[1], [0], [0], [1], [0, 0, 1, 1], [], []>, transpose_lhs_hint = false} : vector<100x128xf32>, vector<128x128xf32>, vector<100x128xf32> -> vector<100x128xf32>
    %get3A_1902 = arith.constant 1 : index
    %get3A_1903 = arith.constant 0 : index
    %get3A_1904 = vector.load %arg8[%get3A_1902, %get3A_1903] : memref<2x128xf32, #tpu.memory_space<vmem>>, vector<1x128xf32>
    %get3A_1905 = vector.shape_cast %get3A_1904 : vector<1x128xf32> to vector<128xf32>
    %broadcast_in_dim3A_1906 = vector.shape_cast %get3A_1905 : vector<128xf32> to vector<1x128xf32>
    %add3A_1907 = vector.broadcast %broadcast_in_dim3A_1906 : vector<1x128xf32> to vector<100x128xf32>
    %add3A_1908 = arith.addf %dot_general3A_1901, %add3A_1907 : vector<100x128xf32>
    %mul3A_1909 = arith.constant 0.353553385 : f32
    %mul3A_1910 = vector.broadcast %mul3A_1909 : f32 to vector<100x128xf32>
    %mul3A_1911 = arith.mulf %add3A_1908, %mul3A_1910 : vector<100x128xf32>
    %get3A_1912 = arith.constant 1 : index
    %get3A_1913 = arith.constant 0 : index
    %get3A_1914 = arith.constant 0 : index
    %get3A_1915 = vector.load %arg9[%get3A_1912, %get3A_1913, %get3A_1914] : memref<2x128x128xf32, #tpu.memory_space<vmem>>, vector<1x128x128xf32>
    %get3A_1916 = vector.shape_cast %get3A_1915 : vector<1x128x128xf32> to vector<128x128xf32>
    %dot_general3A_1917 = arith.constant dense<0.000000e+00> : vector<100x128xf32>
    %dot_general3A_1918 = tpu.matmul %max3A_1280, %get3A_1916, %dot_general3A_1917 {dimension_numbers = #tpu.dot_dimension_numbers<[1], [0], [0], [1], [0, 0, 1, 1], [], []>, transpose_lhs_hint = false} : vector<100x128xf32>, vector<128x128xf32>, vector<100x128xf32> -> vector<100x128xf32>
    %get3A_1919 = arith.constant 1 : index
    %get3A_1920 = arith.constant 0 : index
    %get3A_1921 = vector.load %arg10[%get3A_1919, %get3A_1920] : memref<2x128xf32, #tpu.memory_space<vmem>>, vector<1x128xf32>
    %get3A_1922 = vector.shape_cast %get3A_1921 : vector<1x128xf32> to vector<128xf32>
    %broadcast_in_dim3A_1923 = vector.shape_cast %get3A_1922 : vector<128xf32> to vector<1x128xf32>
    %add3A_1924 = vector.broadcast %broadcast_in_dim3A_1923 : vector<1x128xf32> to vector<100x128xf32>
    %add3A_1925 = arith.addf %dot_general3A_1918, %add3A_1924 : vector<100x128xf32>
    %get3A_1926 = arith.constant 1 : index
    %get3A_1927 = arith.constant 0 : index
    %get3A_1928 = arith.constant 0 : index
    %get3A_1929 = vector.load %arg11[%get3A_1926, %get3A_1927, %get3A_1928] : memref<2x128x128xf32, #tpu.memory_space<vmem>>, vector<1x128x128xf32>
    %get3A_1930 = vector.shape_cast %get3A_1929 : vector<1x128x128xf32> to vector<128x128xf32>
    %dot_general3A_1931 = arith.constant dense<0.000000e+00> : vector<100x128xf32>
    %dot_general3A_1932 = tpu.matmul %max3A_1280, %get3A_1930, %dot_general3A_1931 {dimension_numbers = #tpu.dot_dimension_numbers<[1], [0], [0], [1], [0, 0, 1, 1], [], []>, transpose_lhs_hint = false} : vector<100x128xf32>, vector<128x128xf32>, vector<100x128xf32> -> vector<100x128xf32>
    %get3A_1933 = arith.constant 1 : index
    %get3A_1934 = arith.constant 0 : index
    %get3A_1935 = vector.load %arg12[%get3A_1933, %get3A_1934] : memref<2x128xf32, #tpu.memory_space<vmem>>, vector<1x128xf32>
    %get3A_1936 = vector.shape_cast %get3A_1935 : vector<1x128xf32> to vector<128xf32>
    %broadcast_in_dim3A_1937 = vector.shape_cast %get3A_1936 : vector<128xf32> to vector<1x128xf32>
    %add3A_1938 = vector.broadcast %broadcast_in_dim3A_1937 : vector<1x128xf32> to vector<100x128xf32>
    %add3A_1939 = arith.addf %dot_general3A_1932, %add3A_1938 : vector<100x128xf32>
    %get3A_1940 = arith.constant 0 : index
    %get3A_1941 = arith.constant 0 : index
    %get3A_1942 = vector.load %arg6[%get3A_1940, %get3A_1941] : memref<16x128xf32, #tpu.memory_space<vmem>>, vector<1x128xf32>
    %get3A_1943 = vector.shape_cast %get3A_1942 : vector<1x128xf32> to vector<128xf32>
    %broadcast_in_dim3A_1944 = vector.shape_cast %get3A_1943 : vector<128xf32> to vector<1x128xf32>
    %mul3A_1945 = vector.broadcast %broadcast_in_dim3A_1944 : vector<1x128xf32> to vector<100x128xf32>
    %mul3A_1946 = arith.mulf %add3A_1925, %mul3A_1945 : vector<100x128xf32>
    %dot_general3A_1947 = arith.constant dense<0.000000e+00> : vector<100x100xf32>
    %dot_general3A_1948 = tpu.matmul %mul3A_1911, %mul3A_1946, %dot_general3A_1947 {dimension_numbers = #tpu.dot_dimension_numbers<[1], [1], [0], [0], [0, 0, 1, 0], [], []>, transpose_lhs_hint = false} : vector<100x128xf32>, vector<100x128xf32>, vector<100x100xf32> -> vector<100x100xf32>
    %reduce_max3A_1949 = arith.constant dense<0xFF800000> : vector<100xf32>
    %reduce_max3A_1950 = vector.multi_reduction <maximumf>, %dot_general3A_1948, %reduce_max3A_1949 [1] : vector<100x100xf32> to vector<100xf32>
    %broadcast_in_dim3A_1951 = vector.shape_cast %reduce_max3A_1950 : vector<100xf32> to vector<100x1xf32>
    %sub3A_1952 = vector.broadcast %broadcast_in_dim3A_1951 : vector<100x1xf32> to vector<100x100xf32>
    %sub3A_1953 = arith.subf %dot_general3A_1948, %sub3A_1952 : vector<100x100xf32>
    %min3A_1954 = arith.constant 0.000000e+00 : f32
    %min3A_1955 = vector.broadcast %min3A_1954 : f32 to vector<100x100xf32>
    %min3A_1956 = arith.minimumf %sub3A_1953, %min3A_1955 : vector<100x100xf32>
    %exp3A_1957 = math.exp %min3A_1956 : vector<100x100xf32>
    %reduce_sum3A_1958 = arith.constant dense<0.000000e+00> : vector<100xf32>
    %reduce_sum3A_1959 = vector.multi_reduction <add>, %exp3A_1957, %reduce_sum3A_1958 [1] : vector<100x100xf32> to vector<100xf32>
    %broadcast_in_dim3A_1960 = vector.shape_cast %reduce_sum3A_1959 : vector<100xf32> to vector<100x1xf32>
    %div3A_1961 = vector.broadcast %broadcast_in_dim3A_1960 : vector<100x1xf32> to vector<100x100xf32>
    %div3A_1962 = arith.divf %exp3A_1957, %div3A_1961 : vector<100x100xf32>
    %mul3A_1963 = vector.broadcast %broadcast_in_dim3A_1944 : vector<1x128xf32> to vector<100x128xf32>
    %mul3A_1964 = arith.mulf %add3A_1939, %mul3A_1963 : vector<100x128xf32>
    %dot_general3A_1965 = arith.constant dense<0.000000e+00> : vector<100x128xf32>
    %dot_general3A_1966 = tpu.matmul %div3A_1962, %mul3A_1964, %dot_general3A_1965 {dimension_numbers = #tpu.dot_dimension_numbers<[1], [0], [0], [1], [0, 0, 1, 1], [], []>, transpose_lhs_hint = false} : vector<100x100xf32>, vector<100x128xf32>, vector<100x128xf32> -> vector<100x128xf32>
    %get3A_1967 = arith.constant 1 : index
    %get3A_1968 = arith.constant 0 : index
    %get3A_1969 = vector.load %arg6[%get3A_1967, %get3A_1968] : memref<16x128xf32, #tpu.memory_space<vmem>>, vector<1x128xf32>
    %get3A_1970 = vector.shape_cast %get3A_1969 : vector<1x128xf32> to vector<128xf32>
    %broadcast_in_dim3A_1971 = vector.shape_cast %get3A_1970 : vector<128xf32> to vector<1x128xf32>
    %mul3A_1972 = vector.broadcast %broadcast_in_dim3A_1971 : vector<1x128xf32> to vector<100x128xf32>
    %mul3A_1973 = arith.mulf %add3A_1925, %mul3A_1972 : vector<100x128xf32>
    %dot_general3A_1974 = arith.constant dense<0.000000e+00> : vector<100x100xf32>
    %dot_general3A_1975 = tpu.matmul %mul3A_1911, %mul3A_1973, %dot_general3A_1974 {dimension_numbers = #tpu.dot_dimension_numbers<[1], [1], [0], [0], [0, 0, 1, 0], [], []>, transpose_lhs_hint = false} : vector<100x128xf32>, vector<100x128xf32>, vector<100x100xf32> -> vector<100x100xf32>
    %reduce_max3A_1976 = arith.constant dense<0xFF800000> : vector<100xf32>
    %reduce_max3A_1977 = vector.multi_reduction <maximumf>, %dot_general3A_1975, %reduce_max3A_1976 [1] : vector<100x100xf32> to vector<100xf32>
    %broadcast_in_dim3A_1978 = vector.shape_cast %reduce_max3A_1977 : vector<100xf32> to vector<100x1xf32>
    %sub3A_1979 = vector.broadcast %broadcast_in_dim3A_1978 : vector<100x1xf32> to vector<100x100xf32>
    %sub3A_1980 = arith.subf %dot_general3A_1975, %sub3A_1979 : vector<100x100xf32>
    %min3A_1981 = arith.constant 0.000000e+00 : f32
    %min3A_1982 = vector.broadcast %min3A_1981 : f32 to vector<100x100xf32>
    %min3A_1983 = arith.minimumf %sub3A_1980, %min3A_1982 : vector<100x100xf32>
    %exp3A_1984 = math.exp %min3A_1983 : vector<100x100xf32>
    %reduce_sum3A_1985 = arith.constant dense<0.000000e+00> : vector<100xf32>
    %reduce_sum3A_1986 = vector.multi_reduction <add>, %exp3A_1984, %reduce_sum3A_1985 [1] : vector<100x100xf32> to vector<100xf32>
    %broadcast_in_dim3A_1987 = vector.shape_cast %reduce_sum3A_1986 : vector<100xf32> to vector<100x1xf32>
    %div3A_1988 = vector.broadcast %broadcast_in_dim3A_1987 : vector<100x1xf32> to vector<100x100xf32>
    %div3A_1989 = arith.divf %exp3A_1984, %div3A_1988 : vector<100x100xf32>
    %mul3A_1990 = vector.broadcast %broadcast_in_dim3A_1971 : vector<1x128xf32> to vector<100x128xf32>
    %mul3A_1991 = arith.mulf %add3A_1939, %mul3A_1990 : vector<100x128xf32>
    %dot_general3A_1992 = arith.constant dense<0.000000e+00> : vector<100x128xf32>
    %dot_general3A_1993 = tpu.matmul %div3A_1989, %mul3A_1991, %dot_general3A_1992 {dimension_numbers = #tpu.dot_dimension_numbers<[1], [0], [0], [1], [0, 0, 1, 1], [], []>, transpose_lhs_hint = false} : vector<100x100xf32>, vector<100x128xf32>, vector<100x128xf32> -> vector<100x128xf32>
    %add3A_1994 = arith.addf %dot_general3A_1966, %dot_general3A_1993 : vector<100x128xf32>
    %get3A_1995 = arith.constant 2 : index
    %get3A_1996 = arith.constant 0 : index
    %get3A_1997 = vector.load %arg6[%get3A_1995, %get3A_1996] : memref<16x128xf32, #tpu.memory_space<vmem>>, vector<1x128xf32>
    %get3A_1998 = vector.shape_cast %get3A_1997 : vector<1x128xf32> to vector<128xf32>
    %broadcast_in_dim3A_1999 = vector.shape_cast %get3A_1998 : vector<128xf32> to vector<1x128xf32>
    %mul3A_2000 = vector.broadcast %broadcast_in_dim3A_1999 : vector<1x128xf32> to vector<100x128xf32>
    %mul3A_2001 = arith.mulf %add3A_1925, %mul3A_2000 : vector<100x128xf32>
    %dot_general3A_2002 = arith.constant dense<0.000000e+00> : vector<100x100xf32>
    %dot_general3A_2003 = tpu.matmul %mul3A_1911, %mul3A_2001, %dot_general3A_2002 {dimension_numbers = #tpu.dot_dimension_numbers<[1], [1], [0], [0], [0, 0, 1, 0], [], []>, transpose_lhs_hint = false} : vector<100x128xf32>, vector<100x128xf32>, vector<100x100xf32> -> vector<100x100xf32>
    %reduce_max3A_2004 = arith.constant dense<0xFF800000> : vector<100xf32>
    %reduce_max3A_2005 = vector.multi_reduction <maximumf>, %dot_general3A_2003, %reduce_max3A_2004 [1] : vector<100x100xf32> to vector<100xf32>
    %broadcast_in_dim3A_2006 = vector.shape_cast %reduce_max3A_2005 : vector<100xf32> to vector<100x1xf32>
    %sub3A_2007 = vector.broadcast %broadcast_in_dim3A_2006 : vector<100x1xf32> to vector<100x100xf32>
    %sub3A_2008 = arith.subf %dot_general3A_2003, %sub3A_2007 : vector<100x100xf32>
    %min3A_2009 = arith.constant 0.000000e+00 : f32
    %min3A_2010 = vector.broadcast %min3A_2009 : f32 to vector<100x100xf32>
    %min3A_2011 = arith.minimumf %sub3A_2008, %min3A_2010 : vector<100x100xf32>
    %exp3A_2012 = math.exp %min3A_2011 : vector<100x100xf32>
    %reduce_sum3A_2013 = arith.constant dense<0.000000e+00> : vector<100xf32>
    %reduce_sum3A_2014 = vector.multi_reduction <add>, %exp3A_2012, %reduce_sum3A_2013 [1] : vector<100x100xf32> to vector<100xf32>
    %broadcast_in_dim3A_2015 = vector.shape_cast %reduce_sum3A_2014 : vector<100xf32> to vector<100x1xf32>
    %div3A_2016 = vector.broadcast %broadcast_in_dim3A_2015 : vector<100x1xf32> to vector<100x100xf32>
    %div3A_2017 = arith.divf %exp3A_2012, %div3A_2016 : vector<100x100xf32>
    %mul3A_2018 = vector.broadcast %broadcast_in_dim3A_1999 : vector<1x128xf32> to vector<100x128xf32>
    %mul3A_2019 = arith.mulf %add3A_1939, %mul3A_2018 : vector<100x128xf32>
    %dot_general3A_2020 = arith.constant dense<0.000000e+00> : vector<100x128xf32>
    %dot_general3A_2021 = tpu.matmul %div3A_2017, %mul3A_2019, %dot_general3A_2020 {dimension_numbers = #tpu.dot_dimension_numbers<[1], [0], [0], [1], [0, 0, 1, 1], [], []>, transpose_lhs_hint = false} : vector<100x100xf32>, vector<100x128xf32>, vector<100x128xf32> -> vector<100x128xf32>
    %add3A_2022 = arith.addf %add3A_1994, %dot_general3A_2021 : vector<100x128xf32>
    %get3A_2023 = arith.constant 3 : index
    %get3A_2024 = arith.constant 0 : index
    %get3A_2025 = vector.load %arg6[%get3A_2023, %get3A_2024] : memref<16x128xf32, #tpu.memory_space<vmem>>, vector<1x128xf32>
    %get3A_2026 = vector.shape_cast %get3A_2025 : vector<1x128xf32> to vector<128xf32>
    %broadcast_in_dim3A_2027 = vector.shape_cast %get3A_2026 : vector<128xf32> to vector<1x128xf32>
    %mul3A_2028 = vector.broadcast %broadcast_in_dim3A_2027 : vector<1x128xf32> to vector<100x128xf32>
    %mul3A_2029 = arith.mulf %add3A_1925, %mul3A_2028 : vector<100x128xf32>
    %dot_general3A_2030 = arith.constant dense<0.000000e+00> : vector<100x100xf32>
    %dot_general3A_2031 = tpu.matmul %mul3A_1911, %mul3A_2029, %dot_general3A_2030 {dimension_numbers = #tpu.dot_dimension_numbers<[1], [1], [0], [0], [0, 0, 1, 0], [], []>, transpose_lhs_hint = false} : vector<100x128xf32>, vector<100x128xf32>, vector<100x100xf32> -> vector<100x100xf32>
    %reduce_max3A_2032 = arith.constant dense<0xFF800000> : vector<100xf32>
    %reduce_max3A_2033 = vector.multi_reduction <maximumf>, %dot_general3A_2031, %reduce_max3A_2032 [1] : vector<100x100xf32> to vector<100xf32>
    %broadcast_in_dim3A_2034 = vector.shape_cast %reduce_max3A_2033 : vector<100xf32> to vector<100x1xf32>
    %sub3A_2035 = vector.broadcast %broadcast_in_dim3A_2034 : vector<100x1xf32> to vector<100x100xf32>
    %sub3A_2036 = arith.subf %dot_general3A_2031, %sub3A_2035 : vector<100x100xf32>
    %min3A_2037 = arith.constant 0.000000e+00 : f32
    %min3A_2038 = vector.broadcast %min3A_2037 : f32 to vector<100x100xf32>
    %min3A_2039 = arith.minimumf %sub3A_2036, %min3A_2038 : vector<100x100xf32>
    %exp3A_2040 = math.exp %min3A_2039 : vector<100x100xf32>
    %reduce_sum3A_2041 = arith.constant dense<0.000000e+00> : vector<100xf32>
    %reduce_sum3A_2042 = vector.multi_reduction <add>, %exp3A_2040, %reduce_sum3A_2041 [1] : vector<100x100xf32> to vector<100xf32>
    %broadcast_in_dim3A_2043 = vector.shape_cast %reduce_sum3A_2042 : vector<100xf32> to vector<100x1xf32>
    %div3A_2044 = vector.broadcast %broadcast_in_dim3A_2043 : vector<100x1xf32> to vector<100x100xf32>
    %div3A_2045 = arith.divf %exp3A_2040, %div3A_2044 : vector<100x100xf32>
    %mul3A_2046 = vector.broadcast %broadcast_in_dim3A_2027 : vector<1x128xf32> to vector<100x128xf32>
    %mul3A_2047 = arith.mulf %add3A_1939, %mul3A_2046 : vector<100x128xf32>
    %dot_general3A_2048 = arith.constant dense<0.000000e+00> : vector<100x128xf32>
    %dot_general3A_2049 = tpu.matmul %div3A_2045, %mul3A_2047, %dot_general3A_2048 {dimension_numbers = #tpu.dot_dimension_numbers<[1], [0], [0], [1], [0, 0, 1, 1], [], []>, transpose_lhs_hint = false} : vector<100x100xf32>, vector<100x128xf32>, vector<100x128xf32> -> vector<100x128xf32>
    %add3A_2050 = arith.addf %add3A_2022, %dot_general3A_2049 : vector<100x128xf32>
    %get3A_2051 = arith.constant 4 : index
    %get3A_2052 = arith.constant 0 : index
    %get3A_2053 = vector.load %arg6[%get3A_2051, %get3A_2052] : memref<16x128xf32, #tpu.memory_space<vmem>>, vector<1x128xf32>
    %get3A_2054 = vector.shape_cast %get3A_2053 : vector<1x128xf32> to vector<128xf32>
    %broadcast_in_dim3A_2055 = vector.shape_cast %get3A_2054 : vector<128xf32> to vector<1x128xf32>
    %mul3A_2056 = vector.broadcast %broadcast_in_dim3A_2055 : vector<1x128xf32> to vector<100x128xf32>
    %mul3A_2057 = arith.mulf %add3A_1925, %mul3A_2056 : vector<100x128xf32>
    %dot_general3A_2058 = arith.constant dense<0.000000e+00> : vector<100x100xf32>
    %dot_general3A_2059 = tpu.matmul %mul3A_1911, %mul3A_2057, %dot_general3A_2058 {dimension_numbers = #tpu.dot_dimension_numbers<[1], [1], [0], [0], [0, 0, 1, 0], [], []>, transpose_lhs_hint = false} : vector<100x128xf32>, vector<100x128xf32>, vector<100x100xf32> -> vector<100x100xf32>
    %reduce_max3A_2060 = arith.constant dense<0xFF800000> : vector<100xf32>
    %reduce_max3A_2061 = vector.multi_reduction <maximumf>, %dot_general3A_2059, %reduce_max3A_2060 [1] : vector<100x100xf32> to vector<100xf32>
    %broadcast_in_dim3A_2062 = vector.shape_cast %reduce_max3A_2061 : vector<100xf32> to vector<100x1xf32>
    %sub3A_2063 = vector.broadcast %broadcast_in_dim3A_2062 : vector<100x1xf32> to vector<100x100xf32>
    %sub3A_2064 = arith.subf %dot_general3A_2059, %sub3A_2063 : vector<100x100xf32>
    %min3A_2065 = arith.constant 0.000000e+00 : f32
    %min3A_2066 = vector.broadcast %min3A_2065 : f32 to vector<100x100xf32>
    %min3A_2067 = arith.minimumf %sub3A_2064, %min3A_2066 : vector<100x100xf32>
    %exp3A_2068 = math.exp %min3A_2067 : vector<100x100xf32>
    %reduce_sum3A_2069 = arith.constant dense<0.000000e+00> : vector<100xf32>
    %reduce_sum3A_2070 = vector.multi_reduction <add>, %exp3A_2068, %reduce_sum3A_2069 [1] : vector<100x100xf32> to vector<100xf32>
    %broadcast_in_dim3A_2071 = vector.shape_cast %reduce_sum3A_2070 : vector<100xf32> to vector<100x1xf32>
    %div3A_2072 = vector.broadcast %broadcast_in_dim3A_2071 : vector<100x1xf32> to vector<100x100xf32>
    %div3A_2073 = arith.divf %exp3A_2068, %div3A_2072 : vector<100x100xf32>
    %mul3A_2074 = vector.broadcast %broadcast_in_dim3A_2055 : vector<1x128xf32> to vector<100x128xf32>
    %mul3A_2075 = arith.mulf %add3A_1939, %mul3A_2074 : vector<100x128xf32>
    %dot_general3A_2076 = arith.constant dense<0.000000e+00> : vector<100x128xf32>
    %dot_general3A_2077 = tpu.matmul %div3A_2073, %mul3A_2075, %dot_general3A_2076 {dimension_numbers = #tpu.dot_dimension_numbers<[1], [0], [0], [1], [0, 0, 1, 1], [], []>, transpose_lhs_hint = false} : vector<100x100xf32>, vector<100x128xf32>, vector<100x128xf32> -> vector<100x128xf32>
    %add3A_2078 = arith.addf %add3A_2050, %dot_general3A_2077 : vector<100x128xf32>
    %get3A_2079 = arith.constant 5 : index
    %get3A_2080 = arith.constant 0 : index
    %get3A_2081 = vector.load %arg6[%get3A_2079, %get3A_2080] : memref<16x128xf32, #tpu.memory_space<vmem>>, vector<1x128xf32>
    %get3A_2082 = vector.shape_cast %get3A_2081 : vector<1x128xf32> to vector<128xf32>
    %broadcast_in_dim3A_2083 = vector.shape_cast %get3A_2082 : vector<128xf32> to vector<1x128xf32>
    %mul3A_2084 = vector.broadcast %broadcast_in_dim3A_2083 : vector<1x128xf32> to vector<100x128xf32>
    %mul3A_2085 = arith.mulf %add3A_1925, %mul3A_2084 : vector<100x128xf32>
    %dot_general3A_2086 = arith.constant dense<0.000000e+00> : vector<100x100xf32>
    %dot_general3A_2087 = tpu.matmul %mul3A_1911, %mul3A_2085, %dot_general3A_2086 {dimension_numbers = #tpu.dot_dimension_numbers<[1], [1], [0], [0], [0, 0, 1, 0], [], []>, transpose_lhs_hint = false} : vector<100x128xf32>, vector<100x128xf32>, vector<100x100xf32> -> vector<100x100xf32>
    %reduce_max3A_2088 = arith.constant dense<0xFF800000> : vector<100xf32>
    %reduce_max3A_2089 = vector.multi_reduction <maximumf>, %dot_general3A_2087, %reduce_max3A_2088 [1] : vector<100x100xf32> to vector<100xf32>
    %broadcast_in_dim3A_2090 = vector.shape_cast %reduce_max3A_2089 : vector<100xf32> to vector<100x1xf32>
    %sub3A_2091 = vector.broadcast %broadcast_in_dim3A_2090 : vector<100x1xf32> to vector<100x100xf32>
    %sub3A_2092 = arith.subf %dot_general3A_2087, %sub3A_2091 : vector<100x100xf32>
    %min3A_2093 = arith.constant 0.000000e+00 : f32
    %min3A_2094 = vector.broadcast %min3A_2093 : f32 to vector<100x100xf32>
    %min3A_2095 = arith.minimumf %sub3A_2092, %min3A_2094 : vector<100x100xf32>
    %exp3A_2096 = math.exp %min3A_2095 : vector<100x100xf32>
    %reduce_sum3A_2097 = arith.constant dense<0.000000e+00> : vector<100xf32>
    %reduce_sum3A_2098 = vector.multi_reduction <add>, %exp3A_2096, %reduce_sum3A_2097 [1] : vector<100x100xf32> to vector<100xf32>
    %broadcast_in_dim3A_2099 = vector.shape_cast %reduce_sum3A_2098 : vector<100xf32> to vector<100x1xf32>
    %div3A_2100 = vector.broadcast %broadcast_in_dim3A_2099 : vector<100x1xf32> to vector<100x100xf32>
    %div3A_2101 = arith.divf %exp3A_2096, %div3A_2100 : vector<100x100xf32>
    %mul3A_2102 = vector.broadcast %broadcast_in_dim3A_2083 : vector<1x128xf32> to vector<100x128xf32>
    %mul3A_2103 = arith.mulf %add3A_1939, %mul3A_2102 : vector<100x128xf32>
    %dot_general3A_2104 = arith.constant dense<0.000000e+00> : vector<100x128xf32>
    %dot_general3A_2105 = tpu.matmul %div3A_2101, %mul3A_2103, %dot_general3A_2104 {dimension_numbers = #tpu.dot_dimension_numbers<[1], [0], [0], [1], [0, 0, 1, 1], [], []>, transpose_lhs_hint = false} : vector<100x100xf32>, vector<100x128xf32>, vector<100x128xf32> -> vector<100x128xf32>
    %add3A_2106 = arith.addf %add3A_2078, %dot_general3A_2105 : vector<100x128xf32>
    %get3A_2107 = arith.constant 6 : index
    %get3A_2108 = arith.constant 0 : index
    %get3A_2109 = vector.load %arg6[%get3A_2107, %get3A_2108] : memref<16x128xf32, #tpu.memory_space<vmem>>, vector<1x128xf32>
    %get3A_2110 = vector.shape_cast %get3A_2109 : vector<1x128xf32> to vector<128xf32>
    %broadcast_in_dim3A_2111 = vector.shape_cast %get3A_2110 : vector<128xf32> to vector<1x128xf32>
    %mul3A_2112 = vector.broadcast %broadcast_in_dim3A_2111 : vector<1x128xf32> to vector<100x128xf32>
    %mul3A_2113 = arith.mulf %add3A_1925, %mul3A_2112 : vector<100x128xf32>
    %dot_general3A_2114 = arith.constant dense<0.000000e+00> : vector<100x100xf32>
    %dot_general3A_2115 = tpu.matmul %mul3A_1911, %mul3A_2113, %dot_general3A_2114 {dimension_numbers = #tpu.dot_dimension_numbers<[1], [1], [0], [0], [0, 0, 1, 0], [], []>, transpose_lhs_hint = false} : vector<100x128xf32>, vector<100x128xf32>, vector<100x100xf32> -> vector<100x100xf32>
    %reduce_max3A_2116 = arith.constant dense<0xFF800000> : vector<100xf32>
    %reduce_max3A_2117 = vector.multi_reduction <maximumf>, %dot_general3A_2115, %reduce_max3A_2116 [1] : vector<100x100xf32> to vector<100xf32>
    %broadcast_in_dim3A_2118 = vector.shape_cast %reduce_max3A_2117 : vector<100xf32> to vector<100x1xf32>
    %sub3A_2119 = vector.broadcast %broadcast_in_dim3A_2118 : vector<100x1xf32> to vector<100x100xf32>
    %sub3A_2120 = arith.subf %dot_general3A_2115, %sub3A_2119 : vector<100x100xf32>
    %min3A_2121 = arith.constant 0.000000e+00 : f32
    %min3A_2122 = vector.broadcast %min3A_2121 : f32 to vector<100x100xf32>
    %min3A_2123 = arith.minimumf %sub3A_2120, %min3A_2122 : vector<100x100xf32>
    %exp3A_2124 = math.exp %min3A_2123 : vector<100x100xf32>
    %reduce_sum3A_2125 = arith.constant dense<0.000000e+00> : vector<100xf32>
    %reduce_sum3A_2126 = vector.multi_reduction <add>, %exp3A_2124, %reduce_sum3A_2125 [1] : vector<100x100xf32> to vector<100xf32>
    %broadcast_in_dim3A_2127 = vector.shape_cast %reduce_sum3A_2126 : vector<100xf32> to vector<100x1xf32>
    %div3A_2128 = vector.broadcast %broadcast_in_dim3A_2127 : vector<100x1xf32> to vector<100x100xf32>
    %div3A_2129 = arith.divf %exp3A_2124, %div3A_2128 : vector<100x100xf32>
    %mul3A_2130 = vector.broadcast %broadcast_in_dim3A_2111 : vector<1x128xf32> to vector<100x128xf32>
    %mul3A_2131 = arith.mulf %add3A_1939, %mul3A_2130 : vector<100x128xf32>
    %dot_general3A_2132 = arith.constant dense<0.000000e+00> : vector<100x128xf32>
    %dot_general3A_2133 = tpu.matmul %div3A_2129, %mul3A_2131, %dot_general3A_2132 {dimension_numbers = #tpu.dot_dimension_numbers<[1], [0], [0], [1], [0, 0, 1, 1], [], []>, transpose_lhs_hint = false} : vector<100x100xf32>, vector<100x128xf32>, vector<100x128xf32> -> vector<100x128xf32>
    %add3A_2134 = arith.addf %add3A_2106, %dot_general3A_2133 : vector<100x128xf32>
    %get3A_2135 = arith.constant 7 : index
    %get3A_2136 = arith.constant 0 : index
    %get3A_2137 = vector.load %arg6[%get3A_2135, %get3A_2136] : memref<16x128xf32, #tpu.memory_space<vmem>>, vector<1x128xf32>
    %get3A_2138 = vector.shape_cast %get3A_2137 : vector<1x128xf32> to vector<128xf32>
    %broadcast_in_dim3A_2139 = vector.shape_cast %get3A_2138 : vector<128xf32> to vector<1x128xf32>
    %mul3A_2140 = vector.broadcast %broadcast_in_dim3A_2139 : vector<1x128xf32> to vector<100x128xf32>
    %mul3A_2141 = arith.mulf %add3A_1925, %mul3A_2140 : vector<100x128xf32>
    %dot_general3A_2142 = arith.constant dense<0.000000e+00> : vector<100x100xf32>
    %dot_general3A_2143 = tpu.matmul %mul3A_1911, %mul3A_2141, %dot_general3A_2142 {dimension_numbers = #tpu.dot_dimension_numbers<[1], [1], [0], [0], [0, 0, 1, 0], [], []>, transpose_lhs_hint = false} : vector<100x128xf32>, vector<100x128xf32>, vector<100x100xf32> -> vector<100x100xf32>
    %reduce_max3A_2144 = arith.constant dense<0xFF800000> : vector<100xf32>
    %reduce_max3A_2145 = vector.multi_reduction <maximumf>, %dot_general3A_2143, %reduce_max3A_2144 [1] : vector<100x100xf32> to vector<100xf32>
    %broadcast_in_dim3A_2146 = vector.shape_cast %reduce_max3A_2145 : vector<100xf32> to vector<100x1xf32>
    %sub3A_2147 = vector.broadcast %broadcast_in_dim3A_2146 : vector<100x1xf32> to vector<100x100xf32>
    %sub3A_2148 = arith.subf %dot_general3A_2143, %sub3A_2147 : vector<100x100xf32>
    %min3A_2149 = arith.constant 0.000000e+00 : f32
    %min3A_2150 = vector.broadcast %min3A_2149 : f32 to vector<100x100xf32>
    %min3A_2151 = arith.minimumf %sub3A_2148, %min3A_2150 : vector<100x100xf32>
    %exp3A_2152 = math.exp %min3A_2151 : vector<100x100xf32>
    %reduce_sum3A_2153 = arith.constant dense<0.000000e+00> : vector<100xf32>
    %reduce_sum3A_2154 = vector.multi_reduction <add>, %exp3A_2152, %reduce_sum3A_2153 [1] : vector<100x100xf32> to vector<100xf32>
    %broadcast_in_dim3A_2155 = vector.shape_cast %reduce_sum3A_2154 : vector<100xf32> to vector<100x1xf32>
    %div3A_2156 = vector.broadcast %broadcast_in_dim3A_2155 : vector<100x1xf32> to vector<100x100xf32>
    %div3A_2157 = arith.divf %exp3A_2152, %div3A_2156 : vector<100x100xf32>
    %mul3A_2158 = vector.broadcast %broadcast_in_dim3A_2139 : vector<1x128xf32> to vector<100x128xf32>
    %mul3A_2159 = arith.mulf %add3A_1939, %mul3A_2158 : vector<100x128xf32>
    %dot_general3A_2160 = arith.constant dense<0.000000e+00> : vector<100x128xf32>
    %dot_general3A_2161 = tpu.matmul %div3A_2157, %mul3A_2159, %dot_general3A_2160 {dimension_numbers = #tpu.dot_dimension_numbers<[1], [0], [0], [1], [0, 0, 1, 1], [], []>, transpose_lhs_hint = false} : vector<100x100xf32>, vector<100x128xf32>, vector<100x128xf32> -> vector<100x128xf32>
    %add3A_2162 = arith.addf %add3A_2134, %dot_general3A_2161 : vector<100x128xf32>
    %get3A_2163 = arith.constant 8 : index
    %get3A_2164 = arith.constant 0 : index
    %get3A_2165 = vector.load %arg6[%get3A_2163, %get3A_2164] : memref<16x128xf32, #tpu.memory_space<vmem>>, vector<1x128xf32>
    %get3A_2166 = vector.shape_cast %get3A_2165 : vector<1x128xf32> to vector<128xf32>
    %broadcast_in_dim3A_2167 = vector.shape_cast %get3A_2166 : vector<128xf32> to vector<1x128xf32>
    %mul3A_2168 = vector.broadcast %broadcast_in_dim3A_2167 : vector<1x128xf32> to vector<100x128xf32>
    %mul3A_2169 = arith.mulf %add3A_1925, %mul3A_2168 : vector<100x128xf32>
    %dot_general3A_2170 = arith.constant dense<0.000000e+00> : vector<100x100xf32>
    %dot_general3A_2171 = tpu.matmul %mul3A_1911, %mul3A_2169, %dot_general3A_2170 {dimension_numbers = #tpu.dot_dimension_numbers<[1], [1], [0], [0], [0, 0, 1, 0], [], []>, transpose_lhs_hint = false} : vector<100x128xf32>, vector<100x128xf32>, vector<100x100xf32> -> vector<100x100xf32>
    %reduce_max3A_2172 = arith.constant dense<0xFF800000> : vector<100xf32>
    %reduce_max3A_2173 = vector.multi_reduction <maximumf>, %dot_general3A_2171, %reduce_max3A_2172 [1] : vector<100x100xf32> to vector<100xf32>
    %broadcast_in_dim3A_2174 = vector.shape_cast %reduce_max3A_2173 : vector<100xf32> to vector<100x1xf32>
    %sub3A_2175 = vector.broadcast %broadcast_in_dim3A_2174 : vector<100x1xf32> to vector<100x100xf32>
    %sub3A_2176 = arith.subf %dot_general3A_2171, %sub3A_2175 : vector<100x100xf32>
    %min3A_2177 = arith.constant 0.000000e+00 : f32
    %min3A_2178 = vector.broadcast %min3A_2177 : f32 to vector<100x100xf32>
    %min3A_2179 = arith.minimumf %sub3A_2176, %min3A_2178 : vector<100x100xf32>
    %exp3A_2180 = math.exp %min3A_2179 : vector<100x100xf32>
    %reduce_sum3A_2181 = arith.constant dense<0.000000e+00> : vector<100xf32>
    %reduce_sum3A_2182 = vector.multi_reduction <add>, %exp3A_2180, %reduce_sum3A_2181 [1] : vector<100x100xf32> to vector<100xf32>
    %broadcast_in_dim3A_2183 = vector.shape_cast %reduce_sum3A_2182 : vector<100xf32> to vector<100x1xf32>
    %div3A_2184 = vector.broadcast %broadcast_in_dim3A_2183 : vector<100x1xf32> to vector<100x100xf32>
    %div3A_2185 = arith.divf %exp3A_2180, %div3A_2184 : vector<100x100xf32>
    %mul3A_2186 = vector.broadcast %broadcast_in_dim3A_2167 : vector<1x128xf32> to vector<100x128xf32>
    %mul3A_2187 = arith.mulf %add3A_1939, %mul3A_2186 : vector<100x128xf32>
    %dot_general3A_2188 = arith.constant dense<0.000000e+00> : vector<100x128xf32>
    %dot_general3A_2189 = tpu.matmul %div3A_2185, %mul3A_2187, %dot_general3A_2188 {dimension_numbers = #tpu.dot_dimension_numbers<[1], [0], [0], [1], [0, 0, 1, 1], [], []>, transpose_lhs_hint = false} : vector<100x100xf32>, vector<100x128xf32>, vector<100x128xf32> -> vector<100x128xf32>
    %add3A_2190 = arith.addf %add3A_2162, %dot_general3A_2189 : vector<100x128xf32>
    %get3A_2191 = arith.constant 9 : index
    %get3A_2192 = arith.constant 0 : index
    %get3A_2193 = vector.load %arg6[%get3A_2191, %get3A_2192] : memref<16x128xf32, #tpu.memory_space<vmem>>, vector<1x128xf32>
    %get3A_2194 = vector.shape_cast %get3A_2193 : vector<1x128xf32> to vector<128xf32>
    %broadcast_in_dim3A_2195 = vector.shape_cast %get3A_2194 : vector<128xf32> to vector<1x128xf32>
    %mul3A_2196 = vector.broadcast %broadcast_in_dim3A_2195 : vector<1x128xf32> to vector<100x128xf32>
    %mul3A_2197 = arith.mulf %add3A_1925, %mul3A_2196 : vector<100x128xf32>
    %dot_general3A_2198 = arith.constant dense<0.000000e+00> : vector<100x100xf32>
    %dot_general3A_2199 = tpu.matmul %mul3A_1911, %mul3A_2197, %dot_general3A_2198 {dimension_numbers = #tpu.dot_dimension_numbers<[1], [1], [0], [0], [0, 0, 1, 0], [], []>, transpose_lhs_hint = false} : vector<100x128xf32>, vector<100x128xf32>, vector<100x100xf32> -> vector<100x100xf32>
    %reduce_max3A_2200 = arith.constant dense<0xFF800000> : vector<100xf32>
    %reduce_max3A_2201 = vector.multi_reduction <maximumf>, %dot_general3A_2199, %reduce_max3A_2200 [1] : vector<100x100xf32> to vector<100xf32>
    %broadcast_in_dim3A_2202 = vector.shape_cast %reduce_max3A_2201 : vector<100xf32> to vector<100x1xf32>
    %sub3A_2203 = vector.broadcast %broadcast_in_dim3A_2202 : vector<100x1xf32> to vector<100x100xf32>
    %sub3A_2204 = arith.subf %dot_general3A_2199, %sub3A_2203 : vector<100x100xf32>
    %min3A_2205 = arith.constant 0.000000e+00 : f32
    %min3A_2206 = vector.broadcast %min3A_2205 : f32 to vector<100x100xf32>
    %min3A_2207 = arith.minimumf %sub3A_2204, %min3A_2206 : vector<100x100xf32>
    %exp3A_2208 = math.exp %min3A_2207 : vector<100x100xf32>
    %reduce_sum3A_2209 = arith.constant dense<0.000000e+00> : vector<100xf32>
    %reduce_sum3A_2210 = vector.multi_reduction <add>, %exp3A_2208, %reduce_sum3A_2209 [1] : vector<100x100xf32> to vector<100xf32>
    %broadcast_in_dim3A_2211 = vector.shape_cast %reduce_sum3A_2210 : vector<100xf32> to vector<100x1xf32>
    %div3A_2212 = vector.broadcast %broadcast_in_dim3A_2211 : vector<100x1xf32> to vector<100x100xf32>
    %div3A_2213 = arith.divf %exp3A_2208, %div3A_2212 : vector<100x100xf32>
    %mul3A_2214 = vector.broadcast %broadcast_in_dim3A_2195 : vector<1x128xf32> to vector<100x128xf32>
    %mul3A_2215 = arith.mulf %add3A_1939, %mul3A_2214 : vector<100x128xf32>
    %dot_general3A_2216 = arith.constant dense<0.000000e+00> : vector<100x128xf32>
    %dot_general3A_2217 = tpu.matmul %div3A_2213, %mul3A_2215, %dot_general3A_2216 {dimension_numbers = #tpu.dot_dimension_numbers<[1], [0], [0], [1], [0, 0, 1, 1], [], []>, transpose_lhs_hint = false} : vector<100x100xf32>, vector<100x128xf32>, vector<100x128xf32> -> vector<100x128xf32>
    %add3A_2218 = arith.addf %add3A_2190, %dot_general3A_2217 : vector<100x128xf32>
    %get3A_2219 = arith.constant 10 : index
    %get3A_2220 = arith.constant 0 : index
    %get3A_2221 = vector.load %arg6[%get3A_2219, %get3A_2220] : memref<16x128xf32, #tpu.memory_space<vmem>>, vector<1x128xf32>
    %get3A_2222 = vector.shape_cast %get3A_2221 : vector<1x128xf32> to vector<128xf32>
    %broadcast_in_dim3A_2223 = vector.shape_cast %get3A_2222 : vector<128xf32> to vector<1x128xf32>
    %mul3A_2224 = vector.broadcast %broadcast_in_dim3A_2223 : vector<1x128xf32> to vector<100x128xf32>
    %mul3A_2225 = arith.mulf %add3A_1925, %mul3A_2224 : vector<100x128xf32>
    %dot_general3A_2226 = arith.constant dense<0.000000e+00> : vector<100x100xf32>
    %dot_general3A_2227 = tpu.matmul %mul3A_1911, %mul3A_2225, %dot_general3A_2226 {dimension_numbers = #tpu.dot_dimension_numbers<[1], [1], [0], [0], [0, 0, 1, 0], [], []>, transpose_lhs_hint = false} : vector<100x128xf32>, vector<100x128xf32>, vector<100x100xf32> -> vector<100x100xf32>
    %reduce_max3A_2228 = arith.constant dense<0xFF800000> : vector<100xf32>
    %reduce_max3A_2229 = vector.multi_reduction <maximumf>, %dot_general3A_2227, %reduce_max3A_2228 [1] : vector<100x100xf32> to vector<100xf32>
    %broadcast_in_dim3A_2230 = vector.shape_cast %reduce_max3A_2229 : vector<100xf32> to vector<100x1xf32>
    %sub3A_2231 = vector.broadcast %broadcast_in_dim3A_2230 : vector<100x1xf32> to vector<100x100xf32>
    %sub3A_2232 = arith.subf %dot_general3A_2227, %sub3A_2231 : vector<100x100xf32>
    %min3A_2233 = arith.constant 0.000000e+00 : f32
    %min3A_2234 = vector.broadcast %min3A_2233 : f32 to vector<100x100xf32>
    %min3A_2235 = arith.minimumf %sub3A_2232, %min3A_2234 : vector<100x100xf32>
    %exp3A_2236 = math.exp %min3A_2235 : vector<100x100xf32>
    %reduce_sum3A_2237 = arith.constant dense<0.000000e+00> : vector<100xf32>
    %reduce_sum3A_2238 = vector.multi_reduction <add>, %exp3A_2236, %reduce_sum3A_2237 [1] : vector<100x100xf32> to vector<100xf32>
    %broadcast_in_dim3A_2239 = vector.shape_cast %reduce_sum3A_2238 : vector<100xf32> to vector<100x1xf32>
    %div3A_2240 = vector.broadcast %broadcast_in_dim3A_2239 : vector<100x1xf32> to vector<100x100xf32>
    %div3A_2241 = arith.divf %exp3A_2236, %div3A_2240 : vector<100x100xf32>
    %mul3A_2242 = vector.broadcast %broadcast_in_dim3A_2223 : vector<1x128xf32> to vector<100x128xf32>
    %mul3A_2243 = arith.mulf %add3A_1939, %mul3A_2242 : vector<100x128xf32>
    %dot_general3A_2244 = arith.constant dense<0.000000e+00> : vector<100x128xf32>
    %dot_general3A_2245 = tpu.matmul %div3A_2241, %mul3A_2243, %dot_general3A_2244 {dimension_numbers = #tpu.dot_dimension_numbers<[1], [0], [0], [1], [0, 0, 1, 1], [], []>, transpose_lhs_hint = false} : vector<100x100xf32>, vector<100x128xf32>, vector<100x128xf32> -> vector<100x128xf32>
    %add3A_2246 = arith.addf %add3A_2218, %dot_general3A_2245 : vector<100x128xf32>
    %get3A_2247 = arith.constant 11 : index
    %get3A_2248 = arith.constant 0 : index
    %get3A_2249 = vector.load %arg6[%get3A_2247, %get3A_2248] : memref<16x128xf32, #tpu.memory_space<vmem>>, vector<1x128xf32>
    %get3A_2250 = vector.shape_cast %get3A_2249 : vector<1x128xf32> to vector<128xf32>
    %broadcast_in_dim3A_2251 = vector.shape_cast %get3A_2250 : vector<128xf32> to vector<1x128xf32>
    %mul3A_2252 = vector.broadcast %broadcast_in_dim3A_2251 : vector<1x128xf32> to vector<100x128xf32>
    %mul3A_2253 = arith.mulf %add3A_1925, %mul3A_2252 : vector<100x128xf32>
    %dot_general3A_2254 = arith.constant dense<0.000000e+00> : vector<100x100xf32>
    %dot_general3A_2255 = tpu.matmul %mul3A_1911, %mul3A_2253, %dot_general3A_2254 {dimension_numbers = #tpu.dot_dimension_numbers<[1], [1], [0], [0], [0, 0, 1, 0], [], []>, transpose_lhs_hint = false} : vector<100x128xf32>, vector<100x128xf32>, vector<100x100xf32> -> vector<100x100xf32>
    %reduce_max3A_2256 = arith.constant dense<0xFF800000> : vector<100xf32>
    %reduce_max3A_2257 = vector.multi_reduction <maximumf>, %dot_general3A_2255, %reduce_max3A_2256 [1] : vector<100x100xf32> to vector<100xf32>
    %broadcast_in_dim3A_2258 = vector.shape_cast %reduce_max3A_2257 : vector<100xf32> to vector<100x1xf32>
    %sub3A_2259 = vector.broadcast %broadcast_in_dim3A_2258 : vector<100x1xf32> to vector<100x100xf32>
    %sub3A_2260 = arith.subf %dot_general3A_2255, %sub3A_2259 : vector<100x100xf32>
    %min3A_2261 = arith.constant 0.000000e+00 : f32
    %min3A_2262 = vector.broadcast %min3A_2261 : f32 to vector<100x100xf32>
    %min3A_2263 = arith.minimumf %sub3A_2260, %min3A_2262 : vector<100x100xf32>
    %exp3A_2264 = math.exp %min3A_2263 : vector<100x100xf32>
    %reduce_sum3A_2265 = arith.constant dense<0.000000e+00> : vector<100xf32>
    %reduce_sum3A_2266 = vector.multi_reduction <add>, %exp3A_2264, %reduce_sum3A_2265 [1] : vector<100x100xf32> to vector<100xf32>
    %broadcast_in_dim3A_2267 = vector.shape_cast %reduce_sum3A_2266 : vector<100xf32> to vector<100x1xf32>
    %div3A_2268 = vector.broadcast %broadcast_in_dim3A_2267 : vector<100x1xf32> to vector<100x100xf32>
    %div3A_2269 = arith.divf %exp3A_2264, %div3A_2268 : vector<100x100xf32>
    %mul3A_2270 = vector.broadcast %broadcast_in_dim3A_2251 : vector<1x128xf32> to vector<100x128xf32>
    %mul3A_2271 = arith.mulf %add3A_1939, %mul3A_2270 : vector<100x128xf32>
    %dot_general3A_2272 = arith.constant dense<0.000000e+00> : vector<100x128xf32>
    %dot_general3A_2273 = tpu.matmul %div3A_2269, %mul3A_2271, %dot_general3A_2272 {dimension_numbers = #tpu.dot_dimension_numbers<[1], [0], [0], [1], [0, 0, 1, 1], [], []>, transpose_lhs_hint = false} : vector<100x100xf32>, vector<100x128xf32>, vector<100x128xf32> -> vector<100x128xf32>
    %add3A_2274 = arith.addf %add3A_2246, %dot_general3A_2273 : vector<100x128xf32>
    %get3A_2275 = arith.constant 12 : index
    %get3A_2276 = arith.constant 0 : index
    %get3A_2277 = vector.load %arg6[%get3A_2275, %get3A_2276] : memref<16x128xf32, #tpu.memory_space<vmem>>, vector<1x128xf32>
    %get3A_2278 = vector.shape_cast %get3A_2277 : vector<1x128xf32> to vector<128xf32>
    %broadcast_in_dim3A_2279 = vector.shape_cast %get3A_2278 : vector<128xf32> to vector<1x128xf32>
    %mul3A_2280 = vector.broadcast %broadcast_in_dim3A_2279 : vector<1x128xf32> to vector<100x128xf32>
    %mul3A_2281 = arith.mulf %add3A_1925, %mul3A_2280 : vector<100x128xf32>
    %dot_general3A_2282 = arith.constant dense<0.000000e+00> : vector<100x100xf32>
    %dot_general3A_2283 = tpu.matmul %mul3A_1911, %mul3A_2281, %dot_general3A_2282 {dimension_numbers = #tpu.dot_dimension_numbers<[1], [1], [0], [0], [0, 0, 1, 0], [], []>, transpose_lhs_hint = false} : vector<100x128xf32>, vector<100x128xf32>, vector<100x100xf32> -> vector<100x100xf32>
    %reduce_max3A_2284 = arith.constant dense<0xFF800000> : vector<100xf32>
    %reduce_max3A_2285 = vector.multi_reduction <maximumf>, %dot_general3A_2283, %reduce_max3A_2284 [1] : vector<100x100xf32> to vector<100xf32>
    %broadcast_in_dim3A_2286 = vector.shape_cast %reduce_max3A_2285 : vector<100xf32> to vector<100x1xf32>
    %sub3A_2287 = vector.broadcast %broadcast_in_dim3A_2286 : vector<100x1xf32> to vector<100x100xf32>
    %sub3A_2288 = arith.subf %dot_general3A_2283, %sub3A_2287 : vector<100x100xf32>
    %min3A_2289 = arith.constant 0.000000e+00 : f32
    %min3A_2290 = vector.broadcast %min3A_2289 : f32 to vector<100x100xf32>
    %min3A_2291 = arith.minimumf %sub3A_2288, %min3A_2290 : vector<100x100xf32>
    %exp3A_2292 = math.exp %min3A_2291 : vector<100x100xf32>
    %reduce_sum3A_2293 = arith.constant dense<0.000000e+00> : vector<100xf32>
    %reduce_sum3A_2294 = vector.multi_reduction <add>, %exp3A_2292, %reduce_sum3A_2293 [1] : vector<100x100xf32> to vector<100xf32>
    %broadcast_in_dim3A_2295 = vector.shape_cast %reduce_sum3A_2294 : vector<100xf32> to vector<100x1xf32>
    %div3A_2296 = vector.broadcast %broadcast_in_dim3A_2295 : vector<100x1xf32> to vector<100x100xf32>
    %div3A_2297 = arith.divf %exp3A_2292, %div3A_2296 : vector<100x100xf32>
    %mul3A_2298 = vector.broadcast %broadcast_in_dim3A_2279 : vector<1x128xf32> to vector<100x128xf32>
    %mul3A_2299 = arith.mulf %add3A_1939, %mul3A_2298 : vector<100x128xf32>
    %dot_general3A_2300 = arith.constant dense<0.000000e+00> : vector<100x128xf32>
    %dot_general3A_2301 = tpu.matmul %div3A_2297, %mul3A_2299, %dot_general3A_2300 {dimension_numbers = #tpu.dot_dimension_numbers<[1], [0], [0], [1], [0, 0, 1, 1], [], []>, transpose_lhs_hint = false} : vector<100x100xf32>, vector<100x128xf32>, vector<100x128xf32> -> vector<100x128xf32>
    %add3A_2302 = arith.addf %add3A_2274, %dot_general3A_2301 : vector<100x128xf32>
    %get3A_2303 = arith.constant 13 : index
    %get3A_2304 = arith.constant 0 : index
    %get3A_2305 = vector.load %arg6[%get3A_2303, %get3A_2304] : memref<16x128xf32, #tpu.memory_space<vmem>>, vector<1x128xf32>
    %get3A_2306 = vector.shape_cast %get3A_2305 : vector<1x128xf32> to vector<128xf32>
    %broadcast_in_dim3A_2307 = vector.shape_cast %get3A_2306 : vector<128xf32> to vector<1x128xf32>
    %mul3A_2308 = vector.broadcast %broadcast_in_dim3A_2307 : vector<1x128xf32> to vector<100x128xf32>
    %mul3A_2309 = arith.mulf %add3A_1925, %mul3A_2308 : vector<100x128xf32>
    %dot_general3A_2310 = arith.constant dense<0.000000e+00> : vector<100x100xf32>
    %dot_general3A_2311 = tpu.matmul %mul3A_1911, %mul3A_2309, %dot_general3A_2310 {dimension_numbers = #tpu.dot_dimension_numbers<[1], [1], [0], [0], [0, 0, 1, 0], [], []>, transpose_lhs_hint = false} : vector<100x128xf32>, vector<100x128xf32>, vector<100x100xf32> -> vector<100x100xf32>
    %reduce_max3A_2312 = arith.constant dense<0xFF800000> : vector<100xf32>
    %reduce_max3A_2313 = vector.multi_reduction <maximumf>, %dot_general3A_2311, %reduce_max3A_2312 [1] : vector<100x100xf32> to vector<100xf32>
    %broadcast_in_dim3A_2314 = vector.shape_cast %reduce_max3A_2313 : vector<100xf32> to vector<100x1xf32>
    %sub3A_2315 = vector.broadcast %broadcast_in_dim3A_2314 : vector<100x1xf32> to vector<100x100xf32>
    %sub3A_2316 = arith.subf %dot_general3A_2311, %sub3A_2315 : vector<100x100xf32>
    %min3A_2317 = arith.constant 0.000000e+00 : f32
    %min3A_2318 = vector.broadcast %min3A_2317 : f32 to vector<100x100xf32>
    %min3A_2319 = arith.minimumf %sub3A_2316, %min3A_2318 : vector<100x100xf32>
    %exp3A_2320 = math.exp %min3A_2319 : vector<100x100xf32>
    %reduce_sum3A_2321 = arith.constant dense<0.000000e+00> : vector<100xf32>
    %reduce_sum3A_2322 = vector.multi_reduction <add>, %exp3A_2320, %reduce_sum3A_2321 [1] : vector<100x100xf32> to vector<100xf32>
    %broadcast_in_dim3A_2323 = vector.shape_cast %reduce_sum3A_2322 : vector<100xf32> to vector<100x1xf32>
    %div3A_2324 = vector.broadcast %broadcast_in_dim3A_2323 : vector<100x1xf32> to vector<100x100xf32>
    %div3A_2325 = arith.divf %exp3A_2320, %div3A_2324 : vector<100x100xf32>
    %mul3A_2326 = vector.broadcast %broadcast_in_dim3A_2307 : vector<1x128xf32> to vector<100x128xf32>
    %mul3A_2327 = arith.mulf %add3A_1939, %mul3A_2326 : vector<100x128xf32>
    %dot_general3A_2328 = arith.constant dense<0.000000e+00> : vector<100x128xf32>
    %dot_general3A_2329 = tpu.matmul %div3A_2325, %mul3A_2327, %dot_general3A_2328 {dimension_numbers = #tpu.dot_dimension_numbers<[1], [0], [0], [1], [0, 0, 1, 1], [], []>, transpose_lhs_hint = false} : vector<100x100xf32>, vector<100x128xf32>, vector<100x128xf32> -> vector<100x128xf32>
    %add3A_2330 = arith.addf %add3A_2302, %dot_general3A_2329 : vector<100x128xf32>
    %get3A_2331 = arith.constant 14 : index
    %get3A_2332 = arith.constant 0 : index
    %get3A_2333 = vector.load %arg6[%get3A_2331, %get3A_2332] : memref<16x128xf32, #tpu.memory_space<vmem>>, vector<1x128xf32>
    %get3A_2334 = vector.shape_cast %get3A_2333 : vector<1x128xf32> to vector<128xf32>
    %broadcast_in_dim3A_2335 = vector.shape_cast %get3A_2334 : vector<128xf32> to vector<1x128xf32>
    %mul3A_2336 = vector.broadcast %broadcast_in_dim3A_2335 : vector<1x128xf32> to vector<100x128xf32>
    %mul3A_2337 = arith.mulf %add3A_1925, %mul3A_2336 : vector<100x128xf32>
    %dot_general3A_2338 = arith.constant dense<0.000000e+00> : vector<100x100xf32>
    %dot_general3A_2339 = tpu.matmul %mul3A_1911, %mul3A_2337, %dot_general3A_2338 {dimension_numbers = #tpu.dot_dimension_numbers<[1], [1], [0], [0], [0, 0, 1, 0], [], []>, transpose_lhs_hint = false} : vector<100x128xf32>, vector<100x128xf32>, vector<100x100xf32> -> vector<100x100xf32>
    %reduce_max3A_2340 = arith.constant dense<0xFF800000> : vector<100xf32>
    %reduce_max3A_2341 = vector.multi_reduction <maximumf>, %dot_general3A_2339, %reduce_max3A_2340 [1] : vector<100x100xf32> to vector<100xf32>
    %broadcast_in_dim3A_2342 = vector.shape_cast %reduce_max3A_2341 : vector<100xf32> to vector<100x1xf32>
    %sub3A_2343 = vector.broadcast %broadcast_in_dim3A_2342 : vector<100x1xf32> to vector<100x100xf32>
    %sub3A_2344 = arith.subf %dot_general3A_2339, %sub3A_2343 : vector<100x100xf32>
    %min3A_2345 = arith.constant 0.000000e+00 : f32
    %min3A_2346 = vector.broadcast %min3A_2345 : f32 to vector<100x100xf32>
    %min3A_2347 = arith.minimumf %sub3A_2344, %min3A_2346 : vector<100x100xf32>
    %exp3A_2348 = math.exp %min3A_2347 : vector<100x100xf32>
    %reduce_sum3A_2349 = arith.constant dense<0.000000e+00> : vector<100xf32>
    %reduce_sum3A_2350 = vector.multi_reduction <add>, %exp3A_2348, %reduce_sum3A_2349 [1] : vector<100x100xf32> to vector<100xf32>
    %broadcast_in_dim3A_2351 = vector.shape_cast %reduce_sum3A_2350 : vector<100xf32> to vector<100x1xf32>
    %div3A_2352 = vector.broadcast %broadcast_in_dim3A_2351 : vector<100x1xf32> to vector<100x100xf32>
    %div3A_2353 = arith.divf %exp3A_2348, %div3A_2352 : vector<100x100xf32>
    %mul3A_2354 = vector.broadcast %broadcast_in_dim3A_2335 : vector<1x128xf32> to vector<100x128xf32>
    %mul3A_2355 = arith.mulf %add3A_1939, %mul3A_2354 : vector<100x128xf32>
    %dot_general3A_2356 = arith.constant dense<0.000000e+00> : vector<100x128xf32>
    %dot_general3A_2357 = tpu.matmul %div3A_2353, %mul3A_2355, %dot_general3A_2356 {dimension_numbers = #tpu.dot_dimension_numbers<[1], [0], [0], [1], [0, 0, 1, 1], [], []>, transpose_lhs_hint = false} : vector<100x100xf32>, vector<100x128xf32>, vector<100x128xf32> -> vector<100x128xf32>
    %add3A_2358 = arith.addf %add3A_2330, %dot_general3A_2357 : vector<100x128xf32>
    %get3A_2359 = arith.constant 15 : index
    %get3A_2360 = arith.constant 0 : index
    %get3A_2361 = vector.load %arg6[%get3A_2359, %get3A_2360] : memref<16x128xf32, #tpu.memory_space<vmem>>, vector<1x128xf32>
    %get3A_2362 = vector.shape_cast %get3A_2361 : vector<1x128xf32> to vector<128xf32>
    %broadcast_in_dim3A_2363 = vector.shape_cast %get3A_2362 : vector<128xf32> to vector<1x128xf32>
    %mul3A_2364 = vector.broadcast %broadcast_in_dim3A_2363 : vector<1x128xf32> to vector<100x128xf32>
    %mul3A_2365 = arith.mulf %add3A_1925, %mul3A_2364 : vector<100x128xf32>
    %dot_general3A_2366 = arith.constant dense<0.000000e+00> : vector<100x100xf32>
    %dot_general3A_2367 = tpu.matmul %mul3A_1911, %mul3A_2365, %dot_general3A_2366 {dimension_numbers = #tpu.dot_dimension_numbers<[1], [1], [0], [0], [0, 0, 1, 0], [], []>, transpose_lhs_hint = false} : vector<100x128xf32>, vector<100x128xf32>, vector<100x100xf32> -> vector<100x100xf32>
    %reduce_max3A_2368 = arith.constant dense<0xFF800000> : vector<100xf32>
    %reduce_max3A_2369 = vector.multi_reduction <maximumf>, %dot_general3A_2367, %reduce_max3A_2368 [1] : vector<100x100xf32> to vector<100xf32>
    %broadcast_in_dim3A_2370 = vector.shape_cast %reduce_max3A_2369 : vector<100xf32> to vector<100x1xf32>
    %sub3A_2371 = vector.broadcast %broadcast_in_dim3A_2370 : vector<100x1xf32> to vector<100x100xf32>
    %sub3A_2372 = arith.subf %dot_general3A_2367, %sub3A_2371 : vector<100x100xf32>
    %min3A_2373 = arith.constant 0.000000e+00 : f32
    %min3A_2374 = vector.broadcast %min3A_2373 : f32 to vector<100x100xf32>
    %min3A_2375 = arith.minimumf %sub3A_2372, %min3A_2374 : vector<100x100xf32>
    %exp3A_2376 = math.exp %min3A_2375 : vector<100x100xf32>
    %reduce_sum3A_2377 = arith.constant dense<0.000000e+00> : vector<100xf32>
    %reduce_sum3A_2378 = vector.multi_reduction <add>, %exp3A_2376, %reduce_sum3A_2377 [1] : vector<100x100xf32> to vector<100xf32>
    %broadcast_in_dim3A_2379 = vector.shape_cast %reduce_sum3A_2378 : vector<100xf32> to vector<100x1xf32>
    %div3A_2380 = vector.broadcast %broadcast_in_dim3A_2379 : vector<100x1xf32> to vector<100x100xf32>
    %div3A_2381 = arith.divf %exp3A_2376, %div3A_2380 : vector<100x100xf32>
    %mul3A_2382 = vector.broadcast %broadcast_in_dim3A_2363 : vector<1x128xf32> to vector<100x128xf32>
    %mul3A_2383 = arith.mulf %add3A_1939, %mul3A_2382 : vector<100x128xf32>
    %dot_general3A_2384 = arith.constant dense<0.000000e+00> : vector<100x128xf32>
    %dot_general3A_2385 = tpu.matmul %div3A_2381, %mul3A_2383, %dot_general3A_2384 {dimension_numbers = #tpu.dot_dimension_numbers<[1], [0], [0], [1], [0, 0, 1, 1], [], []>, transpose_lhs_hint = false} : vector<100x100xf32>, vector<100x128xf32>, vector<100x128xf32> -> vector<100x128xf32>
    %add3A_2386 = arith.addf %add3A_2358, %dot_general3A_2385 : vector<100x128xf32>
    %get3A_2387 = arith.constant 1 : index
    %get3A_2388 = arith.constant 0 : index
    %get3A_2389 = arith.constant 0 : index
    %get3A_2390 = vector.load %arg13[%get3A_2387, %get3A_2388, %get3A_2389] : memref<2x128x128xf32, #tpu.memory_space<vmem>>, vector<1x128x128xf32>
    %get3A_2391 = vector.shape_cast %get3A_2390 : vector<1x128x128xf32> to vector<128x128xf32>
    %dot_general3A_2392 = arith.constant dense<0.000000e+00> : vector<100x128xf32>
    %dot_general3A_2393 = tpu.matmul %add3A_2386, %get3A_2391, %dot_general3A_2392 {dimension_numbers = #tpu.dot_dimension_numbers<[1], [0], [0], [1], [0, 0, 1, 1], [], []>, transpose_lhs_hint = false} : vector<100x128xf32>, vector<128x128xf32>, vector<100x128xf32> -> vector<100x128xf32>
    %get3A_2394 = arith.constant 1 : index
    %get3A_2395 = arith.constant 0 : index
    %get3A_2396 = vector.load %arg14[%get3A_2394, %get3A_2395] : memref<2x128xf32, #tpu.memory_space<vmem>>, vector<1x128xf32>
    %get3A_2397 = vector.shape_cast %get3A_2396 : vector<1x128xf32> to vector<128xf32>
    %broadcast_in_dim3A_2398 = vector.shape_cast %get3A_2397 : vector<128xf32> to vector<1x128xf32>
    %add3A_2399 = vector.broadcast %broadcast_in_dim3A_2398 : vector<1x128xf32> to vector<100x128xf32>
    %add3A_2400 = arith.addf %dot_general3A_2393, %add3A_2399 : vector<100x128xf32>
    %add3A_2401 = arith.addf %add3A_1894, %add3A_2400 : vector<100x128xf32>
    %get3A_2402 = arith.constant 1 : index
    %get3A_2403 = arith.constant 0 : index
    %get3A_2404 = vector.load %arg19[%get3A_2402, %get3A_2403] : memref<2x128xf32, #tpu.memory_space<vmem>>, vector<1x128xf32>
    %get3A_2405 = vector.shape_cast %get3A_2404 : vector<1x128xf32> to vector<128xf32>
    %get3A_2406 = arith.constant 1 : index
    %get3A_2407 = arith.constant 0 : index
    %get3A_2408 = vector.load %arg20[%get3A_2406, %get3A_2407] : memref<2x128xf32, #tpu.memory_space<vmem>>, vector<1x128xf32>
    %get3A_2409 = vector.shape_cast %get3A_2408 : vector<1x128xf32> to vector<128xf32>
    %reduce_sum3A_2410 = arith.constant dense<0.000000e+00> : vector<100xf32>
    %reduce_sum3A_2411 = vector.multi_reduction <add>, %add3A_2401, %reduce_sum3A_2410 [1] : vector<100x128xf32> to vector<100xf32>
    %broadcast_in_dim3A_2412 = vector.shape_cast %reduce_sum3A_2411 : vector<100xf32> to vector<100x1xf32>
    %div3A_2413 = arith.constant 1.280000e+02 : f32
    %div3A_2414 = vector.broadcast %div3A_2413 : f32 to vector<100x1xf32>
    %div3A_2415 = arith.divf %broadcast_in_dim3A_2412, %div3A_2414 : vector<100x1xf32>
    %sub3A_2416 = vector.broadcast %div3A_2415 : vector<100x1xf32> to vector<100x128xf32>
    %sub3A_2417 = arith.subf %add3A_2401, %sub3A_2416 : vector<100x128xf32>
    %mul3A_2418 = arith.mulf %sub3A_2417, %sub3A_2417 : vector<100x128xf32>
    %reduce_sum3A_2419 = arith.constant dense<0.000000e+00> : vector<100xf32>
    %reduce_sum3A_2420 = vector.multi_reduction <add>, %mul3A_2418, %reduce_sum3A_2419 [1] : vector<100x128xf32> to vector<100xf32>
    %broadcast_in_dim3A_2421 = vector.shape_cast %reduce_sum3A_2420 : vector<100xf32> to vector<100x1xf32>
    %div3A_2422 = arith.constant 1.280000e+02 : f32
    %div3A_2423 = vector.broadcast %div3A_2422 : f32 to vector<100x1xf32>
    %div3A_2424 = arith.divf %broadcast_in_dim3A_2421, %div3A_2423 : vector<100x1xf32>
    %add3A_2425 = arith.constant 9.99999974E-6 : f32
    %add3A_2426 = vector.broadcast %add3A_2425 : f32 to vector<100x1xf32>
    %add3A_2427 = arith.addf %div3A_2424, %add3A_2426 : vector<100x1xf32>
    %rsqrt3A_2428 = math.rsqrt %add3A_2427 : vector<100x1xf32>
    %mul3A_2429 = vector.broadcast %rsqrt3A_2428 : vector<100x1xf32> to vector<100x128xf32>
    %mul3A_2430 = arith.mulf %sub3A_2417, %mul3A_2429 : vector<100x128xf32>
    %broadcast_in_dim3A_2431 = vector.shape_cast %get3A_2405 : vector<128xf32> to vector<1x128xf32>
    %mul3A_2432 = vector.broadcast %broadcast_in_dim3A_2431 : vector<1x128xf32> to vector<100x128xf32>
    %mul3A_2433 = arith.mulf %mul3A_2430, %mul3A_2432 : vector<100x128xf32>
    %broadcast_in_dim3A_2434 = vector.shape_cast %get3A_2409 : vector<128xf32> to vector<1x128xf32>
    %add3A_2435 = vector.broadcast %broadcast_in_dim3A_2434 : vector<1x128xf32> to vector<100x128xf32>
    %add3A_2436 = arith.addf %mul3A_2433, %add3A_2435 : vector<100x128xf32>
    %get3A_2437 = arith.constant 1 : index
    %get3A_2438 = arith.constant 0 : index
    %get3A_2439 = arith.constant 0 : index
    %get3A_2440 = vector.load %arg15[%get3A_2437, %get3A_2438, %get3A_2439] : memref<2x128x512xf32, #tpu.memory_space<vmem>>, vector<1x128x512xf32>
    %get3A_2441 = vector.shape_cast %get3A_2440 : vector<1x128x512xf32> to vector<128x512xf32>
    %dot_general3A_2442 = arith.constant dense<0.000000e+00> : vector<100x512xf32>
    %dot_general3A_2443 = tpu.matmul %add3A_2436, %get3A_2441, %dot_general3A_2442 {dimension_numbers = #tpu.dot_dimension_numbers<[1], [0], [0], [1], [0, 0, 1, 1], [], []>, transpose_lhs_hint = false} : vector<100x128xf32>, vector<128x512xf32>, vector<100x512xf32> -> vector<100x512xf32>
    %get3A_2444 = arith.constant 1 : index
    %get3A_2445 = arith.constant 0 : index
    %get3A_2446 = vector.load %arg16[%get3A_2444, %get3A_2445] : memref<2x512xf32, #tpu.memory_space<vmem>>, vector<1x512xf32>
    %get3A_2447 = vector.shape_cast %get3A_2446 : vector<1x512xf32> to vector<512xf32>
    %broadcast_in_dim3A_2448 = vector.shape_cast %get3A_2447 : vector<512xf32> to vector<1x512xf32>
    %add3A_2449 = vector.broadcast %broadcast_in_dim3A_2448 : vector<1x512xf32> to vector<100x512xf32>
    %add3A_2450 = arith.addf %dot_general3A_2443, %add3A_2449 : vector<100x512xf32>
    %max3A_2451 = arith.constant 0.000000e+00 : f32
    %max3A_2452 = vector.broadcast %max3A_2451 : f32 to vector<100x512xf32>
    %max3A_2453 = arith.maximumf %add3A_2450, %max3A_2452 : vector<100x512xf32>
    %get3A_2454 = arith.constant 1 : index
    %get3A_2455 = arith.constant 0 : index
    %get3A_2456 = arith.constant 0 : index
    %get3A_2457 = vector.load %arg17[%get3A_2454, %get3A_2455, %get3A_2456] : memref<2x512x128xf32, #tpu.memory_space<vmem>>, vector<1x512x128xf32>
    %get3A_2458 = vector.shape_cast %get3A_2457 : vector<1x512x128xf32> to vector<512x128xf32>
    %dot_general3A_2459 = arith.constant dense<0.000000e+00> : vector<100x128xf32>
    %dot_general3A_2460 = tpu.matmul %max3A_2453, %get3A_2458, %dot_general3A_2459 {dimension_numbers = #tpu.dot_dimension_numbers<[1], [0], [0], [1], [0, 0, 1, 1], [], []>, transpose_lhs_hint = false} : vector<100x512xf32>, vector<512x128xf32>, vector<100x128xf32> -> vector<100x128xf32>
    %get3A_2461 = arith.constant 1 : index
    %get3A_2462 = arith.constant 0 : index
    %get3A_2463 = vector.load %arg18[%get3A_2461, %get3A_2462] : memref<2x128xf32, #tpu.memory_space<vmem>>, vector<1x128xf32>
    %get3A_2464 = vector.shape_cast %get3A_2463 : vector<1x128xf32> to vector<128xf32>
    %broadcast_in_dim3A_2465 = vector.shape_cast %get3A_2464 : vector<128xf32> to vector<1x128xf32>
    %add3A_2466 = vector.broadcast %broadcast_in_dim3A_2465 : vector<1x128xf32> to vector<100x128xf32>
    %add3A_2467 = arith.addf %dot_general3A_2460, %add3A_2466 : vector<100x128xf32>
    %add3A_2468 = arith.addf %add3A_2436, %add3A_2467 : vector<100x128xf32>
    %get3A_2469 = arith.constant 1 : index
    %get3A_2470 = arith.constant 0 : index
    %get3A_2471 = vector.load %arg21[%get3A_2469, %get3A_2470] : memref<2x128xf32, #tpu.memory_space<vmem>>, vector<1x128xf32>
    %get3A_2472 = vector.shape_cast %get3A_2471 : vector<1x128xf32> to vector<128xf32>
    %get3A_2473 = arith.constant 1 : index
    %get3A_2474 = arith.constant 0 : index
    %get3A_2475 = vector.load %arg22[%get3A_2473, %get3A_2474] : memref<2x128xf32, #tpu.memory_space<vmem>>, vector<1x128xf32>
    %get3A_2476 = vector.shape_cast %get3A_2475 : vector<1x128xf32> to vector<128xf32>
    %reduce_sum3A_2477 = arith.constant dense<0.000000e+00> : vector<100xf32>
    %reduce_sum3A_2478 = vector.multi_reduction <add>, %add3A_2468, %reduce_sum3A_2477 [1] : vector<100x128xf32> to vector<100xf32>
    %broadcast_in_dim3A_2479 = vector.shape_cast %reduce_sum3A_2478 : vector<100xf32> to vector<100x1xf32>
    %div3A_2480 = arith.constant 1.280000e+02 : f32
    %div3A_2481 = vector.broadcast %div3A_2480 : f32 to vector<100x1xf32>
    %div3A_2482 = arith.divf %broadcast_in_dim3A_2479, %div3A_2481 : vector<100x1xf32>
    %sub3A_2483 = vector.broadcast %div3A_2482 : vector<100x1xf32> to vector<100x128xf32>
    %sub3A_2484 = arith.subf %add3A_2468, %sub3A_2483 : vector<100x128xf32>
    %mul3A_2485 = arith.mulf %sub3A_2484, %sub3A_2484 : vector<100x128xf32>
    %reduce_sum3A_2486 = arith.constant dense<0.000000e+00> : vector<100xf32>
    %reduce_sum3A_2487 = vector.multi_reduction <add>, %mul3A_2485, %reduce_sum3A_2486 [1] : vector<100x128xf32> to vector<100xf32>
    %broadcast_in_dim3A_2488 = vector.shape_cast %reduce_sum3A_2487 : vector<100xf32> to vector<100x1xf32>
    %div3A_2489 = arith.constant 1.280000e+02 : f32
    %div3A_2490 = vector.broadcast %div3A_2489 : f32 to vector<100x1xf32>
    %div3A_2491 = arith.divf %broadcast_in_dim3A_2488, %div3A_2490 : vector<100x1xf32>
    %add3A_2492 = arith.constant 9.99999974E-6 : f32
    %add3A_2493 = vector.broadcast %add3A_2492 : f32 to vector<100x1xf32>
    %add3A_2494 = arith.addf %div3A_2491, %add3A_2493 : vector<100x1xf32>
    %rsqrt3A_2495 = math.rsqrt %add3A_2494 : vector<100x1xf32>
    %mul3A_2496 = vector.broadcast %rsqrt3A_2495 : vector<100x1xf32> to vector<100x128xf32>
    %mul3A_2497 = arith.mulf %sub3A_2484, %mul3A_2496 : vector<100x128xf32>
    %broadcast_in_dim3A_2498 = vector.shape_cast %get3A_2472 : vector<128xf32> to vector<1x128xf32>
    %mul3A_2499 = vector.broadcast %broadcast_in_dim3A_2498 : vector<1x128xf32> to vector<100x128xf32>
    %mul3A_2500 = arith.mulf %mul3A_2497, %mul3A_2499 : vector<100x128xf32>
    %broadcast_in_dim3A_2501 = vector.shape_cast %get3A_2476 : vector<128xf32> to vector<1x128xf32>
    %add3A_2502 = vector.broadcast %broadcast_in_dim3A_2501 : vector<1x128xf32> to vector<100x128xf32>
    %add3A_2503 = arith.addf %mul3A_2500, %add3A_2502 : vector<100x128xf32>
    %swap3A_2504 = arith.constant 1 : index
    %swap3A_2505 = arith.constant 0 : index
    %swap3A_2506 = arith.constant 0 : index
    %swap3A_2507 = vector.load %arg23[%swap3A_2504, %swap3A_2505, %swap3A_2506] : memref<2x100x128xf32, #tpu.memory_space<vmem>>, vector<1x100x128xf32>
    %swap3A_2508 = vector.shape_cast %swap3A_2507 : vector<1x100x128xf32> to vector<100x128xf32>
    %swap3A_2509 = vector.shape_cast %add3A_2503 : vector<100x128xf32> to vector<1x100x128xf32>
    tpu.vector_store %arg23[%swap3A_2504, %swap3A_2505, %swap3A_2506], %swap3A_2509 {strides = array<i32>} : memref<2x100x128xf32, #tpu.memory_space<vmem>>, vector<1x100x128xf32>,
    return
  }
  func.func @transform_0(%arg0: i32) -> (i32, i32, i32, i32) {
    %c0_i32 = arith.constant 0 : i32
    %c0_i32_0 = arith.constant 0 : i32
    %c0_i32_1 = arith.constant 0 : i32
    %c0_i32_2 = arith.constant 0 : i32
    return %c0_i32, %arg0, %c0_i32_0, %c0_i32_1 : i32, i32, i32, i32
  }
  func.func @transform_1(%arg0: i32) -> (i32, i32, i32) {
    %c0_i32 = arith.constant 0 : i32
    %c0_i32_0 = arith.constant 0 : i32
    %c0_i32_1 = arith.constant 0 : i32
    return %arg0, %c0_i32, %c0_i32_0 : i32, i32, i32
  }
  func.func @transform_2(%arg0: i32) -> (i32, i32, i32) {
    %c0_i32 = arith.constant 0 : i32
    %c0_i32_0 = arith.constant 0 : i32
    %c0_i32_1 = arith.constant 0 : i32
    return %arg0, %c0_i32, %c0_i32_0 : i32, i32, i32
  }
  func.func @transform_3(%arg0: i32) -> i32 {
    %c0_i32 = arith.constant 0 : i32
    %c0_i32_0 = arith.constant 0 : i32
    return %c0_i32 : i32
  }
  func.func @transform_4(%arg0: i32) -> (i32, i32, i32) {
    %c0_i32 = arith.constant 0 : i32
    %c0_i32_0 = arith.constant 0 : i32
    %c0_i32_1 = arith.constant 0 : i32
    return %arg0, %c0_i32, %c0_i32_0 : i32, i32, i32
  }
  func.func @transform_5(%arg0: i32) -> (i32, i32) {
    %c0_i32 = arith.constant 0 : i32
    %c0_i32_0 = arith.constant 0 : i32
    %c0_i32_1 = arith.constant 0 : i32
    return %c0_i32, %c0_i32_0 : i32, i32
  }
  func.func @transform_6(%arg0: i32) -> (i32, i32, i32) {
    %c0_i32 = arith.constant 0 : i32
    %c0_i32_0 = arith.constant 0 : i32
    %c0_i32_1 = arith.constant 0 : i32
    %c0_i32_2 = arith.constant 0 : i32
    return %c0_i32, %c0_i32_0, %c0_i32_1 : i32, i32, i32
  }
  func.func @transform_7(%arg0: i32) -> (i32, i32) {
    %c0_i32 = arith.constant 0 : i32
    %c0_i32_0 = arith.constant 0 : i32
    %c0_i32_1 = arith.constant 0 : i32
    return %c0_i32, %c0_i32_0 : i32, i32
  }
  func.func @transform_8(%arg0: i32) -> (i32, i32, i32) {
    %c0_i32 = arith.constant 0 : i32
    %c0_i32_0 = arith.constant 0 : i32
    %c0_i32_1 = arith.constant 0 : i32
    %c0_i32_2 = arith.constant 0 : i32
    return %c0_i32, %c0_i32_0, %c0_i32_1 : i32, i32, i32
  }
  func.func @transform_9(%arg0: i32) -> (i32, i32) {
    %c0_i32 = arith.constant 0 : i32
    %c0_i32_0 = arith.constant 0 : i32
    %c0_i32_1 = arith.constant 0 : i32
    return %c0_i32, %c0_i32_0 : i32, i32
  }
  func.func @transform_10(%arg0: i32) -> (i32, i32, i32) {
    %c0_i32 = arith.constant 0 : i32
    %c0_i32_0 = arith.constant 0 : i32
    %c0_i32_1 = arith.constant 0 : i32
    %c0_i32_2 = arith.constant 0 : i32
    return %c0_i32, %c0_i32_0, %c0_i32_1 : i32, i32, i32
  }
  func.func @transform_11(%arg0: i32) -> (i32, i32) {
    %c0_i32 = arith.constant 0 : i32
    %c0_i32_0 = arith.constant 0 : i32
    %c0_i32_1 = arith.constant 0 : i32
    return %c0_i32, %c0_i32_0 : i32, i32
  }
  func.func @transform_12(%arg0: i32) -> (i32, i32, i32) {
    %c0_i32 = arith.constant 0 : i32
    %c0_i32_0 = arith.constant 0 : i32
    %c0_i32_1 = arith.constant 0 : i32
    %c0_i32_2 = arith.constant 0 : i32
    return %c0_i32, %c0_i32_0, %c0_i32_1 : i32, i32, i32
  }
  func.func @transform_13(%arg0: i32) -> (i32, i32) {
    %c0_i32 = arith.constant 0 : i32
    %c0_i32_0 = arith.constant 0 : i32
    %c0_i32_1 = arith.constant 0 : i32
    return %c0_i32, %c0_i32_0 : i32, i32
  }
  func.func @transform_14(%arg0: i32) -> (i32, i32, i32) {
    %c0_i32 = arith.constant 0 : i32
    %c0_i32_0 = arith.constant 0 : i32
    %c0_i32_1 = arith.constant 0 : i32
    %c0_i32_2 = arith.constant 0 : i32
    return %c0_i32, %c0_i32_0, %c0_i32_1 : i32, i32, i32
  }
  func.func @transform_15(%arg0: i32) -> (i32, i32) {
    %c0_i32 = arith.constant 0 : i32
    %c0_i32_0 = arith.constant 0 : i32
    %c0_i32_1 = arith.constant 0 : i32
    return %c0_i32, %c0_i32_0 : i32, i32
  }
  func.func @transform_16(%arg0: i32) -> (i32, i32, i32) {
    %c0_i32 = arith.constant 0 : i32
    %c0_i32_0 = arith.constant 0 : i32
    %c0_i32_1 = arith.constant 0 : i32
    %c0_i32_2 = arith.constant 0 : i32
    return %c0_i32, %c0_i32_0, %c0_i32_1 : i32, i32, i32
  }
  func.func @transform_17(%arg0: i32) -> (i32, i32) {
    %c0_i32 = arith.constant 0 : i32
    %c0_i32_0 = arith.constant 0 : i32
    %c0_i32_1 = arith.constant 0 : i32
    return %c0_i32, %c0_i32_0 : i32, i32
  }
  func.func @transform_18(%arg0: i32) -> (i32, i32) {
    %c0_i32 = arith.constant 0 : i32
    %c0_i32_0 = arith.constant 0 : i32
    %c0_i32_1 = arith.constant 0 : i32
    return %c0_i32, %c0_i32_0 : i32, i32
  }
  func.func @transform_19(%arg0: i32) -> (i32, i32) {
    %c0_i32 = arith.constant 0 : i32
    %c0_i32_0 = arith.constant 0 : i32
    %c0_i32_1 = arith.constant 0 : i32
    return %c0_i32, %c0_i32_0 : i32, i32
  }
  func.func @transform_20(%arg0: i32) -> (i32, i32) {
    %c0_i32 = arith.constant 0 : i32
    %c0_i32_0 = arith.constant 0 : i32
    %c0_i32_1 = arith.constant 0 : i32
    return %c0_i32, %c0_i32_0 : i32, i32
  }
  func.func @transform_21(%arg0: i32) -> (i32, i32) {
    %c0_i32 = arith.constant 0 : i32
    %c0_i32_0 = arith.constant 0 : i32
    %c0_i32_1 = arith.constant 0 : i32
    return %c0_i32, %c0_i32_0 : i32, i32
  }
  func.func @transform_22(%arg0: i32) -> (i32, i32, i32) {
    %c0_i32 = arith.constant 0 : i32
    %c0_i32_0 = arith.constant 0 : i32
    %c0_i32_1 = arith.constant 0 : i32
    return %arg0, %c0_i32, %c0_i32_0 : i32, i32, i32
  }
}

</mosaic_0001>

<sc_bundles>
// kernel: kernel.11.cloned.1.call-start
scs
__scs_entry_jumppad:
0x0: {  	(pc) =	sbr.rel $0x88, $3  }
0x1: {  	(tag) =	ssettag $0x0;
	lr =	simm.s32 $0x1  }
0x2: {  	[smem:$0x3F8A] =	sst lr;
	_ =	strace $0xD0000000  }
0x3: {  	_ = 	snop  }
0x4: {  	_ = 	snop  }
0x5: {  	_ = 	snop  }
0x6: {  	_ = 	snop  }
0x7: {  	_ = 	snop  }
__scs_overlays_trampoline_lowered:
0x8: {  	[smem:$0x3F99] =	sst s0  }
0x9: {  	[smem:$0x3F9A] =	sst s1  }
0xa: {  	[smem:$0x3F9B] =	sst s2  }
0xb: {  	[smem:$0x3F9C] =	sst s3  }
0xc: {  	[smem:$0x3F9D] =	sst s4  }
0xd: {  	[smem:$0x3F9E] =	sst s5  }
0xe: {  	[smem:$0x3F9F] =	sst s6  }
0xf: {  	[smem:$0x3FA0] =	sst s7  }
0x10: {  	[smem:$0x3FA1] =	sst s8  }
0x11: {  	[smem:$0x3FA2] =	sst s9;
	s0 =	simm.s32 @!p0 $0x0  }
0x12: {  	s1 =	sld [smem:$0x3F88];
	s0 =	simm.s32 @p0 $0x1  }
0x13: {  	[smem:$0x3FA3] =	sst s0;
	s0 =	simm.s32 @!p1 $0x0  }
0x14: {  	s2 =	sld [smem:$0x3F87];
	s0 =	simm.s32 @p1 $0x1  }
0x15: {  	[smem:$0x3FA4] =	sst s0;
	s0 =	simm.s32 @!p2 $0x0  }
0x16: {  	s3 =	sld [smem:$0x3FDB];
	s0 =	simm.s32 @p2 $0x1  }
0x17: {  	s4 =	simm.s32 $0x1BF5;
	[smem:$0x3FA6] =	sst s0  }
0x18: {  	s0 =	sld [smem:$0x3F89];
	_ =	swait.ge [sflag:s4], $0x0  }
0x19: {  	s7 =	sld [smem:$0x3F8A]  }
0x1a: {  	s8 =	sadd.s32 $0xFFFFE003, lr  }
0x1b: {  	s9 =	sadd.s32 $0xFFFFFEF7, lr;
	s5 =	simm.s32 $0xFFFFFFFF;
	p2 =	slt.u32 s8, $0xFFFFF086  }
0x1c: {  	p1 =	slt.u32 s9, $0xF7A;
	s5 =	simm.s32 @!p2 $0x0  }
0x1d: {  	s5 =	simm.s32 @p1 $0x1;
	p0 =	seq.s32 s7, s2  }
0x1e: {  	s7 =	smul.u32 @!p0 $0xF7A, s2;
	p2 =	seq.s32 @!p0 s5, $0x0  }
0x1f: {  	s9 =	smul.u32 $0xF7A, s1;
	s8 =	simm.s32 @!p0 $0x1BF5;
	p2 =	por !p2, p0  }
0x20: {  	[sflag:s8] =	ssyncset.s32 @!p0 $0xFFFFF086;
	s6 =	sadd.s32 @!p0 s3, s7;
	s7 =	simm.s32 @!p0 $0x108  }
0x21: {  	s3 =	sadd.s32 s3, s9;
	s6 =	sadd.s32 @!p0 $0x88, s6;
	s7 =	simm.s32 @p2 $0x1082  }
0x22: {  	[simem:s7], [sflag:s8] =	dma.local @!p0 [hbm:s6], $0xF7A  }
0x23: {  	s9 =	sor.u32 $0xD0000000, s2;
	s6 =	simm.s32 $0x108;
	_ =	swait.ge @!p0 [sflag:s8], $0x0  }
0x24: {  	s3 =	sadd.s32 $0x88, s3;
	s6 =	simm.s32 @!p1 $0x1082;
	[sflag:s4] =	ssyncset.s32 $0xFFFFF086  }
0x25: {  	[simem:s6], [sflag:s4] =	dma.local [hbm:s3], $0xF7A  }
0x26: {  	[smem:$0x3F8A] =	sst s1;
	(tag) =	ssettag s2;
	_ =	strace s9  }
0x27: {  	s1 =	sld [smem:$0x3F9A]  }
0x28: {  	s2 =	sld [smem:$0x3F9B]  }
0x29: {  	s4 =	sld [smem:$0x3F9D]  }
0x2a: {  	p0 =	seq.s32 s5, $0x0;
	s5 =	sld [smem:$0x3F9E]  }
0x2b: {  	s6 =	sld [smem:$0x3F9F]  }
0x2c: {  	s7 =	sld [smem:$0x3FA0]  }
0x2d: {  	s3 =	simm.s32 $0x108;
	s8 =	sld [smem:$0x3FA1]  }
0x2e: {  	s3 =	simm.s32 @!p0 $0x1082;
	s9 =	sld [smem:$0x3FA2]  }
0x2f: {  	lr =	sadd.s32 s0, s3;
	s0 =	sld [smem:$0x3F99]  }
0x30: {  	s3 =	sld [smem:$0x3F9C]  }
0x31: {  	[smem:$0x3FA5] =	sst s10  }
0x32: {  	s10 =	sld [smem:$0x3FA3];
	_ =	sdelay $0x3  }
0x33: {  	p0 =	seq.s32 s10, $0x1;
	s10 =	sld [smem:$0x3FA5];
	_ =	sdelay $0x3  }
0x34: {  	[smem:$0x3FA5] =	sst s10  }
0x35: {  	s10 =	sld [smem:$0x3FA4];
	_ =	sdelay $0x3  }
0x36: {  	p1 =	seq.s32 s10, $0x1;
	s10 =	sld [smem:$0x3FA5];
	_ =	sdelay $0x3  }
0x37: {  	[smem:$0x3FA5] =	sst s10  }
0x38: {  	s10 =	sld [smem:$0x3FA6]  }
0x39: {  	_ = 	snop;
	(pc) =	sbr.ind lr, $3  }
0x3a: {  	_ = 	snop  }
0x3b: {  	_ = 	snop  }
0x3c: {  	p2 =	seq.s32 s10, $0x1;
	s10 =	sld [smem:$0x3FA5]  }
0x3d: {  	_ =	shalt  }
0x3e: {  	_ =	shalt  }
0x3f: {  	_ =	shalt  }
0x40: {  	_ =	shalt  }
0x41: {  	_ =	shalt  }
0x42: {  	_ =	shalt  }
0x43: {  	_ =	shalt  }
0x44: {  	_ =	shalt  }
0x45: {  	_ =	shalt  }
0x46: {  	_ =	shalt  }
0x47: {  	_ =	shalt  }
0x48: {  	_ =	shalt  }
0x49: {  	_ =	shalt  }
0x4a: {  	_ =	shalt  }
0x4b: {  	_ =	shalt  }
0x4c: {  	_ =	shalt  }
0x4d: {  	_ =	shalt  }
0x4e: {  	_ =	shalt  }
0x4f: {  	_ =	shalt  }
0x50: {  	_ =	shalt  }
0x51: {  	_ =	shalt  }
0x52: {  	_ =	shalt  }
0x53: {  	_ =	shalt  }
0x54: {  	_ =	shalt  }
0x55: {  	_ =	shalt  }
0x56: {  	_ =	shalt  }
0x57: {  	_ =	shalt  }
0x58: {  	_ =	shalt  }
0x59: {  	_ =	shalt  }
0x5a: {  	_ =	shalt  }
0x5b: {  	_ =	shalt  }
0x5c: {  	_ =	shalt  }
0x5d: {  	_ =	shalt  }
0x5e: {  	_ =	shalt  }
0x5f: {  	_ =	shalt  }
0x60: {  	_ =	shalt  }
0x61: {  	_ =	shalt  }
0x62: {  	_ =	shalt  }
0x63: {  	_ =	shalt  }
0x64: {  	_ =	shalt  }
0x65: {  	_ =	shalt  }
0x66: {  	_ =	shalt  }
0x67: {  	_ =	shalt  }
0x68: {  	_ =	shalt  }
0x69: {  	_ =	shalt  }
0x6a: {  	_ =	shalt  }
0x6b: {  	_ =	shalt  }
0x6c: {  	_ =	shalt  }
0x6d: {  	_ =	shalt  }
0x6e: {  	_ =	shalt  }
0x6f: {  	_ =	shalt  }
0x70: {  	_ =	shalt  }
0x71: {  	_ =	shalt  }
0x72: {  	_ =	shalt  }
0x73: {  	_ =	shalt  }
0x74: {  	_ =	shalt  }
0x75: {  	_ =	shalt  }
0x76: {  	_ =	shalt  }
0x77: {  	_ =	shalt  }
0x78: {  	_ =	shalt  }
0x79: {  	_ =	shalt  }
0x7a: {  	_ =	shalt  }
0x7b: {  	_ =	shalt  }
0x7c: {  	_ =	shalt  }
0x7d: {  	_ =	shalt  }
0x7e: {  	_ =	shalt  }
0x7f: {  	_ =	shalt  }
0x80: {  	_ =	shalt  }
0x81: {  	_ =	shalt  }
0x82: {  	_ =	shalt  }
0x83: {  	_ =	shalt  }
0x84: {  	_ =	shalt  }
0x85: {  	_ =	shalt  }
0x86: {  	_ =	shalt  }
0x87: {  	_ =	shalt  }
.Lfunc_end0:
.L_simem_size_0:
called_computation.1_lowered:
.L_overlay_start_0:
0x88: {  	s2 =	sld [smem:$0x3FD9]  }
0x89: {  	s3 =	sld [smem:$0x3FFE];
	_ =	sdelay $0x1  }
0x8a: {  	s1 =	srdreg.scid  }
0x8b: {  	s0 =	sand.u32 $0x1, s1  }
0x8c: {  	s17 =	sshll.u32 s0, $0xA;
	s2 =	sadd.s32 s3, s2  }
0x8d: {  	s2 =	sadd.s32 s2, s17  }
0x8e: {  	[smem:$0x3FB1] =	sst s2  }
0x8f: {  	_ = 	snop  }
0x90: {  	s2 =	sld [smem:$0x3FC7]  }
0x91: {  	s18 =	sld [smem:$0x3FD0];
	(tm) =	ssettm $0x1  }
0x92: {  	s4 =	sld [smem:$0x3FFB];
	_ =	sdelay $0x3  }
0x93: {  	_ =	strace s4  }
0x94: {  	s4 =	sld [smem:$0x3FFC];
	_ =	sdelay $0x3  }
0x95: {  	_ =	strace s4  }
0x96: {  	s4 =	sld [smem:$0x3FFD];
	_ =	sdelay $0x3  }
0x97: {  	_ =	strace s4  }
0x98: {  	_ =	strace $0x8FFFFFFF  }
0x99: {  	s19 =	sld [smem:$0x3FDB];
	_ =	sdelay $0x1  }
0x9a: {  	s5 =	simm.s32 $_scs_section_size  }
0x9b: {  	s6 =	simm.s32 $_size__tile_overlayer_lowered;
	s7 =	simm.s32 $_tile_overlayer_lowered  }
0x9c: {  	s22 =	simm.s32 $0x1BFF;
	s21 =	sshll.u32 s7, $0x1;
	s4 =	sadd.s32 s5, s19  }
0x9d: {  	s8 =	simm.s32 $0x0;
	s20 =	sshll.u32 s6, $0x1;
	s6 =	sadd.s32 s21, s4  }
0x9e: {  	[timem:s8], [sflag:s22] =	dma.local [hbm:s6], s20  }
0x9f: {  	_ =	swait.ge [sflag:s22], s20  }
0xa0: {  	s5 =	ssub.s32 $0x0, s20;
	[sflag:s22] =	ssyncset.done $0x0  }
0xa1: {  	[sflag:s22] =	ssyncadd.s32 s5;
	_ =	sdelay $0x1  }
0xa2: {  	s23 =	simm.s32 $0x1B8B  }
0xa3: {  	_ =	swait.ge [sflag:s23], $0x1  }
0xa4: {  	[sflag:s23] =	ssyncset.done $0x0  }
0xa5: {  	s25 =	simm.s32 $0x1B8E;
	s24 =	sld [smem:$0x3FFE];
	[sflag:s23] =	ssyncadd.s32 $0xFFFFFFFF  }
0xa6: {  	s26 =	simm.s32 $execute0_lowered;
	[smem:$0x3FD2] =	sst s25  }
0xa7: {  	s6 =	sshll.u32 s26, $0x1;
	_ =	strace $0x80000049;
	[dreg:$0x1] =	wrdreg $0xFFFFFFFF  }
0xa8: {  	s28 =	simm.s32 $_size_execute0_lowered;
	s4 =	sadd.s32 s4, s6;
	[dreg:$0x0] =	wrdreg $0x0  }
0xa9: {  	s6 =	sshll.u32 s28, $0x1;
	[dreg:$0x2] =	wrdreg s4  }
0xaa: {  	[dreg:$0x3] =	wrdreg s6  }
0xab: {  	[dreg:$0x4] =	wrdreg $0xC0  }
0xac: {  	_ =	task [dreg:s8], $0x5FFFF  }
0xad: {  	[dreg:$0x1] =	wrdreg $0xFFFFFFFF  }
0xae: {  	[dreg:$0x0] =	wrdreg $0x60  }
0xaf: {  	[dreg:$0x2] =	wrdreg s18  }
0xb0: {  	[dreg:$0x3] =	wrdreg s2  }
0xb1: {  	[dreg:$0x4] =	wrdreg s24  }
0xb2: {  	[dreg:$0x5] =	wrdreg $0x82000  }
0xb3: {  	[dreg:$0x6] =	wrdreg $0x9  }
0xb4: {  	_ =	task.clear_ibuf [dreg:s8], $0x7FFFF;
	_ =	strace $0x90000049  }
0xb5: {  	s29 =	simm.s32 $0x9;
	_ =	strace $0x8000004B  }
0xb6: {  	_ =	swait.ge [sflag:s29], $0x1  }
0xb7: {  	[sflag:s29] =	ssyncadd.s32 $0xFFFFFFFF  }
0xb8: {  	_ =	strace $0x9000004B  }
0xb9: {  	_ =	sfence  }
0xba: {  	s30 =	sld [smem:$0x0];
	_ =	sdelay $0x2  }
0xbb: {  	s31 =	sshll.u32 s1, $0xD;
	s1 =	sshrl.u32 s1, $0x2  }
0xbc: {  	s3 =	sand.u32 $0x4000, s31;
	s1 =	sadd.s32 s1, s30  }
0xbd: {  	s0 =	sor.u32 s3, s0;
	s1 =	sshll.u32 s1, $0x11  }
0xbe: {  	s0 =	sor.u32 s1, s0  }
0xbf: {  	s0 =	sadd.s32 $0x8F2B, s0  }
0xc0: {  	[sflag:s0] =	ssyncadd.remote.s32 $0x1  }
0xc1: {  	_ =	sfence.sel $0xFFFF  }
0xc2: {  	[dreg:$0x0] =	wrdreg $0xFFFFFFFF;
	(pc) =	sbr.abs _section_cstart, $3  }
0xc3: {  	[dreg:$0x1] =	wrdreg $0xFFFFFFFF  }
0xc4: {  	_ =	task.clear_ibuf [dreg:s8], $0x2FFFF;
	_ =	strace $0x9FFFFFFF  }
0xc5: {  	(tm) =	ssettm $0x7FFFFFFF  }
tec
execute0_lowered:
.L_overlay_start_1:
0x0: {  	(tag) =	ssettag $0x1  }
0x1: {  	s1 =	rddreg [dreg:$0x0]  }
0x2: {  	s10 =	rddreg [dreg:$0x1]  }
0x3: {  	s6 =	rddreg [dreg:$0x2]  }
0x4: {  	s2 =	rddreg [dreg:$0x3];
	s4 =	simm.s32 $0x0;
	s3 =	srdreg.scid  }
0x5: {  	s18 =	simm.s32 $0x180;
	s19 =	simm.s32 $0x3;
	s20 =	simm.s32 $0x5  }
0x6: {  	s21 =	simm.s32 $0x200;
	s22 =	simm.s32 $0x4200;
	s23 =	simm.s32 $0x1  }
0x7: {  	s24 =	simm.s32 $0x7;
	[smem:$0x7FF] =	sst s4;
	s11 =	sand.u32 $0x1, s3  }
0x8: {  	s25 =	simm.s32 $0x2;
	s3 =	stileid.u32;
	s5 =	smul.u32 $0x138800, s11  }
0x9: {  	s26 =	simm.s32 $0x0;
	_ =	strace $0x8000004A;
	s13 =	sshll.u32 s3, $0xB  }
0xa: {  	s12 =	sshll.u32 s3, $0x1;
	s8 =	ssub.s32 $0x2, s11;
	s31 =	sshll.u32 s3, $0x6  }
0xb: {  	s17 =	sshll.u32 s11, $0x5;
	s9 =	sshrl.u32 s8, $0x1;
	s7 =	sadd.s32 s13, s5  }
0xc: {  	s5 =	sor.u32 s11, s12;
	s16 =	ssub.s32 s8, s9;
	s11 =	ssub.s32 $0x9C4, s12  }
0xd: {  	s13 =	sadd.s32 s13, s2;
	s7 =	sshrl.u32 s7, $0x3;
	s14 =	sshll.u32 s5, $0x5  }
0xe: {  	s15 =	sadd.s32 s7, s6;
	s6 =	sadd.s32 s10, s14;
	s14 =	sadd.s32 s31, s10  }
0xf: {  	s10 =	ssub.s32 $0x9A4, s12;
	s12 =	smax.u32 s16, $0x1;
	s16 =	simm.s32 $0x100  }
0x10: {  	s0 =	sadd.s32 $0x10, s6;
	s30 =	sadd.s32 $0x400, s6;
	s9 =	sadd.s32 $0x410, s6  }
0x11: {  	s14 =	sadd.s32 s17, s14;
	s15 =	sadd.s32 $0x5000, s15;
	[dreg:$0x5] =	wrdreg s0  }
0x12: {  	v0 =	vimm.f32 $0.0e+00;
	s17 =	simm.s32 $0x80;
	[dreg:$0x6] =	wrdreg s30;
	s14 =	sadd.s32 $0xC10, s14  }
.LBB2_1:
0x13: {  	s28 =	simm.s32 $0x0;
	s29 =	simm.s32 $0x200  }
.LBB2_2:
0x14: {  	p0 =	sne.s32 s29, $0x1E00;
	[tilespmem:s28+$0x270] =	vst v0  }
0x15: {  	[tilespmem:s28+$0x200] =	vst v0  }
0x16: {  	[tilespmem:s28+$0x210] =	vst v0  }
.Ltmp0:
0x17: {  	[tilespmem:s28+$0x220] =	vst v0;
	(pc) =	sbr.rel @p0 .LBB2_2-.Ltmp0, $4  }
0x18: {  	[tilespmem:s28+$0x230] =	vst v0  }
0x19: {  	[tilespmem:s28+$0x240] =	vst v0  }
0x1a: {  	[tilespmem:s28+$0x250] =	vst v0  }
0x1b: {  	[tilespmem:s28+$0x260] =	vst v0;
	s28 =	sshra.s32 s29, $0x2;
	s29 =	sadd.s32 $0x200, s29  }
0x1c: {  	[tilespmem:s28+$0x270] =	vst v0  }
0x1d: {  	[tilespmem:s28+$0x200] =	vst v0  }
0x1e: {  	[tilespmem:s28+$0x210] =	vst v0  }
0x1f: {  	[tilespmem:s28+$0x220] =	vst v0  }
0x20: {  	[tilespmem:s28+$0x230] =	vst v0  }
0x21: {  	[tilespmem:s28+$0x240] =	vst v0;
	s29 =	sadd.s32 $0x0, s3  }
0x22: {  	[tilespmem:s28+$0x250] =	vst v0;
	p0 =	sgt.u32 s29, $0x270  }
0x23: {  	[tilespmem:s28+$0x260] =	vst v0;
	s28 =	simm.s32 @!p0 $0x200;
	s31 =	simm.s32 @!p0 $0x7  }
0x24: {  	[spmem:s13] =	stream.linear.scatter @!p0 [tilespmem:s28], [sflag:$0x7], $0x800, $0x38;
	[tilespmem:$0x1BB00] =	vst v63  }
0x25: {  	s30 =	simm.s32 $0x20;
	_ =	swait.ge @!p0 [sflag:s31], $0x800  }
0x26: {  	s29 =	simm.s32 $0x10;
	s28 =	sadd.s32 $0x8000, s13;
	[sflag:s31] =	ssyncset.done @!p0 $0x0  }
.LBB2_4:
0x27: {  	s0 =	sadd.s32 s29, s3;
	s29 =	smov.u32 s30;
	s30 =	sadd.s32 $0x10, s30  }
0x28: {  	[sflag:s31] =	ssyncadd.s32 @!p0 $0xFFFFF800;
	p1 =	sne.s32 s30, $0x280  }
.Ltmp1:
0x29: {  	p0 =	sgt.u32 s0, $0x270;
	(pc) =	sbr.rel @p1 .LBB2_4-.Ltmp1, $4  }
0x2a: {  	s0 =	simm.s32 @!p0 $0x200;
	s31 =	simm.s32 @!p0 $0x7  }
0x2b: {  	[spmem:s28] =	stream.linear.scatter @!p0 [tilespmem:s0], [sflag:$0x7], $0x800, $0x38;
	[tilespmem:$0x1BB00] =	vst v63  }
0x2c: {  	_ =	swait.ge @!p0 [sflag:s31], $0x800  }
0x2d: {  	s28 =	sadd.s32 $0x8000, s28;
	[sflag:s31] =	ssyncset.done @!p0 $0x0  }
0x2e: {  	s0 =	sadd.s32 s29, s3  }
0x2f: {  	p1 =	sgt.u32 s0, $0x270  }
0x30: {  	[sflag:s31] =	ssyncadd.s32 @!p0 $0xFFFFF800;
	s0 =	simm.s32 @!p1 $0x200;
	s29 =	simm.s32 @!p1 $0x7  }
0x31: {  	[spmem:s28] =	stream.linear.scatter @!p1 [tilespmem:s0], [sflag:$0x7], $0x800, $0x38;
	[tilespmem:$0x1BB00] =	vst v63  }
0x32: {  	_ =	swait.ge @!p1 [sflag:s29], $0x800  }
0x33: {  	[sflag:s29] =	ssyncset.done @!p1 $0x0  }
0x34: {  	[sflag:s29] =	ssyncadd.s32 @!p1 $0xFFFFF800  }
0x35: {  	s29 =	simm.s32 $0x0;
	[bflag:$0x0] =	sbarrier.arrive $0xFFFF  }
0x36: {  	[tilespmem:s29], [sflag:$0x3] =	stream.linear.gather [hbm4b:s6+s29], $0x80, $0x38;
	[tilespmem:$0x1BB00] =	vst v63  }
0x37: {  	s30 =	rddreg [dreg:$0x5]  }
0x38: {  	[tilespmem:s16], [sflag:$0x5] =	stream.linear.gather [hbm4b:s30+s29], $0x80, $0x38;
	[tilespmem:$0x1BB00] =	vst v63  }
0x39: {  	s31 =	rddreg [dreg:$0x6]  }
0x3a: {  	[tilespmem:s17], [sflag:$0x4] =	stream.linear.gather [hbm4b:s31+s29], $0x80, $0x38;
	[tilespmem:$0x1BB00] =	vst v63  }
0x3b: {  	_ = 	snop  }
0x3c: {  	[tilespmem:s18], [sflag:$0x6] =	stream.linear.gather [hbm4b:s9+s29], $0x80, $0x38;
	[tilespmem:$0x1BB00] =	vst v63  }
0x3d: {  	_ =	swait.ge [sflag:s19], $0x80  }
0x3e: {  	[sflag:s19] =	ssyncset.done $0x0  }
0x3f: {  	[sflag:s19] =	ssyncadd.s32 $0xFFFFFF80  }
0x40: {  	_ =	swait.ge [sflag:s20], $0x80  }
0x41: {  	[sflag:s20] =	ssyncset.done $0x0  }
0x42: {  	s28 =	smov.u32 s14;
	[sflag:s20] =	ssyncadd.s32 $0xFFFFFF80  }
0x43: {  	[tilespmem:s21], [sflag:$0x1] =	stream.indirect.gather [hbm4b:s1+s17], $0x80, s29, s17, $0xb8;
	[tilespmem:$0x1BB00] =	vst v63  }
.LBB2_6:
0x44: {  	p0 =	sge.u32 s29, s10  }
0x45: {  	s0 =	simm.s32 @!p0 $0x4  }
0x46: {  	_ =	swait.ge @!p0 [sflag:s0], $0x80  }
0x47: {  	[sflag:s0] =	ssyncset.done @!p0 $0x0  }
0x48: {  	[sflag:s0] =	ssyncadd.s32 @!p0 $0xFFFFFF80;
	s0 =	simm.s32 @!p0 $0x6  }
0x49: {  	_ =	swait.ge @!p0 [sflag:s0], $0x80  }
0x4a: {  	[sflag:s0] =	ssyncset.done @!p0 $0x0  }
0x4b: {  	[sflag:s0] =	ssyncadd.s32 @!p0 $0xFFFFFF80  }
0x4c: {  	[tilespmem:s22], [sflag:$0x2] =	stream.indirect.gather [hbm4b:s1+s17], $0x80, s17, s17, $0xb8;
	[tilespmem:$0x1BB00] =	vst v63  }
0x4d: {  	_ =	swait.ge [sflag:s23], $0x4000  }
0x4e: {  	p0 =	seq.s32 s29, $0x9C0;
	[sflag:s23] =	ssyncset.done $0x0  }
.Ltmp2:
0x4f: {  	[sflag:s23] =	ssyncadd.s32 $0xFFFFC000;
	(pc) =	sbr.rel @p0 .LBB2_12-.Ltmp2, $4  }
0x50: {  	[spmem:s2] =	stream.indirect.scatter.add.f32 [tilespmem:s21], [sflag:$0x7], $0x80, s16, s17, $0xb8;
	[tilespmem:$0x1BB00] =	vst v63  }
0x51: {  	_ =	swait.ge [sflag:s24], $0x4000  }
0x52: {  	[sflag:s24] =	ssyncset.done $0x0  }
0x53: {  	[sflag:s24] =	ssyncadd.s32 $0xFFFFC000  }
0x54: {  	s30 =	sadd.s32 $0x40, s29  }
0x55: {  	s0 =	sadd.s32 s5, s30  }
0x56: {  	p0 =	sgt.u32 s0, $0x9C3  }
0x57: {  	v1 =	vimm.s32 @p0 $0x2710  }
0x58: {  	[tilespmem:$0x100] =	vst @p0 v1  }
0x59: {  	[tilespmem:$0x110] =	vst @p0 v1  }
0x5a: {  	[tilespmem:$0x120] =	vst @p0 v1  }
0x5b: {  	[tilespmem:$0x130] =	vst @p0 v1  }
0x5c: {  	[tilespmem:$0x140] =	vst @p0 v1  }
0x5d: {  	[tilespmem:$0x150] =	vst @p0 v1  }
0x5e: {  	[tilespmem:$0x160] =	vst @p0 v1  }
0x5f: {  	s0 =	sadd.s32 @!p0 $0xFFFFFBF0, s28;
	s31 =	simm.s32 @!p0 $0x0;
	[tilespmem:$0x170] =	vst @p0 v1  }
0x60: {  	[tilespmem:s31], [sflag:$0x3] =	stream.linear.gather @!p0 [hbm4b:s0+s31], $0x80, $0x38;
	[tilespmem:$0x1BB00] =	vst v63  }
0x61: {  	s7 =	simm.s32 @!p0 $0x100;
	s0 =	sadd.s32 @!p0 $0xFFFFFC00, s28  }
0x62: {  	[tilespmem:s7], [sflag:$0x5] =	stream.linear.gather @!p0 [hbm4b:s0+s31], $0x80, $0x38;
	[tilespmem:$0x1BB00] =	vst v63  }
0x63: {  	_ =	swait.ge [sflag:s25], $0x4000  }
0x64: {  	[sflag:s25] =	ssyncset.done $0x0  }
0x65: {  	[sflag:s25] =	ssyncadd.s32 $0xFFFFC000  }
0x66: {  	[spmem:s2] =	stream.indirect.scatter.add.f32 [tilespmem:s22], [sflag:$0x7], $0x80, s18, s17, $0xb8;
	[tilespmem:$0x1BB00] =	vst v63  }
0x67: {  	_ =	swait.ge [sflag:s24], $0x4000  }
0x68: {  	p0 =	sge.u32 s30, s11;
	[sflag:s24] =	ssyncset.done $0x0  }
0x69: {  	s0 =	simm.s32 @!p0 $0x3;
	[sflag:s24] =	ssyncadd.s32 $0xFFFFC000  }
0x6a: {  	_ =	swait.ge @!p0 [sflag:s0], $0x80  }
0x6b: {  	[sflag:s0] =	ssyncset.done @!p0 $0x0  }
0x6c: {  	[sflag:s0] =	ssyncadd.s32 @!p0 $0xFFFFFF80;
	s0 =	simm.s32 @!p0 $0x5  }
0x6d: {  	s31 =	sadd.s32 s29, s5;
	_ =	swait.ge @!p0 [sflag:s0], $0x80  }
0x6e: {  	s7 =	sadd.s32 $0x60, s31;
	[sflag:s0] =	ssyncset.done @!p0 $0x0  }
0x6f: {  	[sflag:s0] =	ssyncadd.s32 @!p0 $0xFFFFFF80;
	p0 =	sgt.u32 s7, $0x9C3  }
0x70: {  	[tilespmem:s21], [sflag:$0x1] =	stream.indirect.gather [hbm4b:s1+s17], $0x80, s4, s17, $0xb8;
	v1 =	vimm.s32 @p0 $0x2710;
	[tilespmem:$0x1BB00] =	vst v63  }
0x71: {  	[tilespmem:$0x180] =	vst @p0 v1  }
0x72: {  	[tilespmem:$0x190] =	vst @p0 v1  }
0x73: {  	[tilespmem:$0x1A0] =	vst @p0 v1  }
0x74: {  	[tilespmem:$0x1B0] =	vst @p0 v1  }
0x75: {  	[tilespmem:$0x1C0] =	vst @p0 v1  }
0x76: {  	[tilespmem:$0x1D0] =	vst @p0 v1  }
0x77: {  	[tilespmem:$0x1E0] =	vst @p0 v1  }
0x78: {  	s0 =	sadd.s32 @!p0 $0xFFFFFFF0, s28;
	s7 =	simm.s32 @!p0 $0x0;
	s29 =	simm.s32 @!p0 $0x80;
	[tilespmem:$0x1F0] =	vst @p0 v1  }
0x79: {  	[tilespmem:s29], [sflag:$0x4] =	stream.linear.gather @!p0 [hbm4b:s0+s7], $0x80, $0x38;
	[tilespmem:$0x1BB00] =	vst v63  }
0x7a: {  	s0 =	simm.s32 @!p0 $0x180  }
0x7b: {  	[tilespmem:s0], [sflag:$0x6] =	stream.linear.gather @!p0 [hbm4b:s28+s7], $0x80, $0x38;
	[tilespmem:$0x1BB00] =	vst v63  }
0x7c: {  	p0 =	sne.s32 s30, $0xA00  }
.Ltmp3:
0x7d: {  	_ = 	snop;
	(pc) =	sbr.rel @p0 .LBB2_6-.Ltmp3, $4  }
.Ltmp4:
0x7e: {  	_ = 	snop;
	(pc) =	sbr.rel @!p0 .LBB2_8-.Ltmp4, $4  }
0x7f: {  	_ = 	snop  }
0x80: {  	_ = 	snop  }
0x81: {  	s29 =	smov.u32 s30;
	s28 =	sadd.s32 $0x800, s28  }
0x82: {  	_ = 	snop  }
.LBB2_12:
0x83: {  	_ =	swait.ge [sflag:s25], $0x4000  }
0x84: {  	[sflag:s25] =	ssyncset.done $0x0  }
0x85: {  	[sflag:s25] =	ssyncadd.s32 $0xFFFFC000  }
0x86: {  	[spmem:s2] =	stream.indirect.scatter.add.f32 [tilespmem:s22], [sflag:$0x7], $0x80, s18, s17, $0xb8;
	[tilespmem:$0x1BB00] =	vst v63  }
0x87: {  	_ =	swait.ge [sflag:s24], $0x4000  }
0x88: {  	[sflag:s24] =	ssyncset.done $0x0  }
0x89: {  	[sflag:s24] =	ssyncadd.s32 $0xFFFFC000  }
.LBB2_8:
0x8a: {  	s0 =	sadd.s32 $0x0, s3  }
0x8b: {  	[bflag:$0x0] =	sbarrier.arrive $0xFFFF;
	p0 =	sgt.u32 s0, $0x270  }
0x8c: {  	s0 =	simm.s32 @!p0 $0x200;
	s7 =	simm.s32 @!p0 $0x8;
	p0 =	por p0, p0  }
0x8d: {  	[tilespmem:s0], [sflag:$0x8] =	stream.linear.gather @!p0 [spmem:s13], $0x800, $0x38;
	[tilespmem:$0x1BB00] =	vst v63  }
0x8e: {  	_ =	swait.ge @!p0 [sflag:s7], $0x800  }
0x8f: {  	s29 =	simm.s32 $0x20;
	[sflag:s7] =	ssyncset.done @!p0 $0x0  }
0x90: {  	s31 =	simm.s32 @!p0 $0x7;
	[sflag:s7] =	ssyncadd.s32 @!p0 $0xFFFFF800;
	s7 =	simm.s32 @!p0 $0x0  }
0x91: {  	[hbm4b:s15+s7] =	stream.linear.scatter @!p0 [tilespmem:s0], [sflag:$0x7], $0x800, $0x38;
	[tilespmem:$0x1BB00] =	vst v63  }
0x92: {  	s8 =	sadd.s32 $0x10, s3;
	s28 =	sadd.s32 $0x1000, s15;
	_ =	swait.ge @!p0 [sflag:s31], $0x800  }
0x93: {  	s30 =	sadd.s32 $0x8000, s13;
	p1 =	sgt.u32 s8, $0x270;
	[sflag:s31] =	ssyncset.done @!p0 $0x0  }
.LBB2_9:
0x94: {  	s0 =	simm.s32 @!p1 $0x200;
	s7 =	simm.s32 @!p1 $0x8;
	[sflag:s31] =	ssyncadd.s32 @!p0 $0xFFFFF800  }
0x95: {  	s8 =	smov.u32 s29;
	p0 =	por p1, p1;
	s29 =	sadd.s32 $0x10, s29  }
0x96: {  	[tilespmem:s0], [sflag:$0x8] =	stream.linear.gather @!p0 [spmem:s30], $0x800, $0x38;
	[tilespmem:$0x1BB00] =	vst v63  }
0x97: {  	p2 =	sne.s32 s29, $0x280;
	_ =	swait.ge @!p0 [sflag:s7], $0x800  }
.Ltmp5:
0x98: {  	[sflag:s7] =	ssyncset.done @!p0 $0x0;
	(pc) =	sbr.rel @p2 .LBB2_9-.Ltmp5, $4  }
0x99: {  	s31 =	simm.s32 @!p0 $0x7;
	[sflag:s7] =	ssyncadd.s32 @!p0 $0xFFFFF800;
	s7 =	simm.s32 @!p0 $0x0  }
0x9a: {  	[hbm4b:s28+s7] =	stream.linear.scatter @!p0 [tilespmem:s0], [sflag:$0x7], $0x800, $0x38;
	[tilespmem:$0x1BB00] =	vst v63  }
0x9b: {  	s0 =	sadd.s32 s8, s3;
	s28 =	sadd.s32 $0x1000, s28;
	_ =	swait.ge @!p0 [sflag:s31], $0x800  }
0x9c: {  	s30 =	sadd.s32 $0x8000, s30;
	p1 =	sgt.u32 s0, $0x270;
	[sflag:s31] =	ssyncset.done @!p0 $0x0  }
0x9d: {  	s0 =	simm.s32 @!p1 $0x200  }
0x9e: {  	s7 =	simm.s32 @!p1 $0x8;
	[sflag:s31] =	ssyncadd.s32 @!p0 $0xFFFFF800;
	p0 =	por p1, p1  }
0x9f: {  	[tilespmem:s0], [sflag:$0x8] =	stream.linear.gather @!p0 [spmem:s30], $0x800, $0x38;
	[tilespmem:$0x1BB00] =	vst v63  }
0xa0: {  	s26 =	sadd.s32 $0x1, s26;
	_ =	swait.ge @!p0 [sflag:s7], $0x800  }
0xa1: {  	s8 =	simm.s32 @!p0 $0x7;
	p1 =	sne.s32 s26, s12;
	[sflag:s7] =	ssyncset.done @!p0 $0x0  }
.Ltmp6:
0xa2: {  	[sflag:s7] =	ssyncadd.s32 @!p0 $0xFFFFF800;
	s7 =	simm.s32 @!p0 $0x0;
	(pc) =	sbr.rel @p1 .LBB2_1-.Ltmp6, $4  }
0xa3: {  	[hbm4b:s28+s7] =	stream.linear.scatter @!p0 [tilespmem:s0], [sflag:$0x7], $0x800, $0x38;
	[tilespmem:$0x1BB00] =	vst v63  }
0xa4: {  	_ =	swait.ge @!p0 [sflag:s8], $0x800  }
0xa5: {  	[sflag:s8] =	ssyncset.done @!p0 $0x0  }
0xa6: {  	[sflag:s8] =	ssyncadd.s32 @!p0 $0xFFFFF800  }
0xa7: {  	_ =	sfence.sel $0x180000  }
0xa8: {  	[bflag:$0x0] =	sbarrier.arrive $0xFFFF  }
0xa9: {  	_ =	strace $0x9000004A  }
0xaa: {  	[bflag:$0x2] =	sbarrier.arrive $0xFFFF  }
0xab: {  	p0 =	sne.s32 s3, $0x0;
	s0 =	rddreg [dreg:$0x4]  }
0xac: {  	s0 =	sadd.s32 @!p0 $0x100000, s0  }
0xad: {  	[sflag:s0] =	ssyncadd.tile.s32 @!p0 $0x1;
	_ =	shalt  }
.Lfunc_end2:
_tile_overlayer_lowered:
.L_overlay_start_2:
0xae: {  	(tag) =	ssettag $0x2  }
0xaf: {  	s0 =	rddreg [dreg:$0x0];
	s2 =	stileid.u32  }
0xb0: {  	s1 =	rddreg [dreg:$0x1];
	p0 =	sne.s32 s2, $0x0  }
0xb1: {  	s3 =	rddreg [dreg:$0x2];
	[bflag:$0x3] =	sbarrier.arrive $0xFFFF;
	s2 =	simm.s32 @!p0 $0x1C07  }
0xb2: {  	[timem:s3], [sflag:s2] =	dma.local @!p0 [hbm:s0], s1  }
0xb3: {  	s0 =	simm.s32 @!p0 $0x7  }
0xb4: {  	_ =	swait.ge @!p0 [sflag:s0], s1  }
0xb5: {  	s1 =	ssub.s32 @!p0 $0x0, s1;
	[sflag:s0] =	ssyncset.done @!p0 $0x0  }
0xb6: {  	[sflag:s0] =	ssyncadd.s32 @!p0 s1  }
0xb7: {  	[bflag:$0x3] =	sbarrier.arrive $0xFFFF  }
0xb8: {  	_ =	shalt  }

// kernel: kernel.14.cloned.1.call-start
scs
__scs_entry_jumppad:
0x0: {  	(pc) =	sbr.rel $0x88, $3  }
0x1: {  	(tag) =	ssettag $0x0;
	lr =	simm.s32 $0x1  }
0x2: {  	[smem:$0x3F8A] =	sst lr;
	_ =	strace $0xD0000000  }
0x3: {  	_ = 	snop  }
0x4: {  	_ = 	snop  }
0x5: {  	_ = 	snop  }
0x6: {  	_ = 	snop  }
0x7: {  	_ = 	snop  }
__scs_overlays_trampoline_lowered:
0x8: {  	[smem:$0x3F99] =	sst s0  }
0x9: {  	[smem:$0x3F9A] =	sst s1  }
0xa: {  	[smem:$0x3F9B] =	sst s2  }
0xb: {  	[smem:$0x3F9C] =	sst s3  }
0xc: {  	[smem:$0x3F9D] =	sst s4  }
0xd: {  	[smem:$0x3F9E] =	sst s5  }
0xe: {  	[smem:$0x3F9F] =	sst s6  }
0xf: {  	[smem:$0x3FA0] =	sst s7  }
0x10: {  	[smem:$0x3FA1] =	sst s8  }
0x11: {  	[smem:$0x3FA2] =	sst s9;
	s0 =	simm.s32 @!p0 $0x0  }
0x12: {  	s1 =	sld [smem:$0x3F88];
	s0 =	simm.s32 @p0 $0x1  }
0x13: {  	[smem:$0x3FA3] =	sst s0;
	s0 =	simm.s32 @!p1 $0x0  }
0x14: {  	s2 =	sld [smem:$0x3F87];
	s0 =	simm.s32 @p1 $0x1  }
0x15: {  	[smem:$0x3FA4] =	sst s0;
	s0 =	simm.s32 @!p2 $0x0  }
0x16: {  	s3 =	sld [smem:$0x3FDB];
	s0 =	simm.s32 @p2 $0x1  }
0x17: {  	s4 =	simm.s32 $0x1BF5;
	[smem:$0x3FA6] =	sst s0  }
0x18: {  	s0 =	sld [smem:$0x3F89];
	_ =	swait.ge [sflag:s4], $0x0  }
0x19: {  	s7 =	sld [smem:$0x3F8A]  }
0x1a: {  	s8 =	sadd.s32 $0xFFFFE003, lr  }
0x1b: {  	s9 =	sadd.s32 $0xFFFFFEF7, lr;
	s5 =	simm.s32 $0xFFFFFFFF;
	p2 =	slt.u32 s8, $0xFFFFF086  }
0x1c: {  	p1 =	slt.u32 s9, $0xF7A;
	s5 =	simm.s32 @!p2 $0x0  }
0x1d: {  	s5 =	simm.s32 @p1 $0x1;
	p0 =	seq.s32 s7, s2  }
0x1e: {  	s7 =	smul.u32 @!p0 $0xF7A, s2;
	p2 =	seq.s32 @!p0 s5, $0x0  }
0x1f: {  	s9 =	smul.u32 $0xF7A, s1;
	s8 =	simm.s32 @!p0 $0x1BF5;
	p2 =	por !p2, p0  }
0x20: {  	[sflag:s8] =	ssyncset.s32 @!p0 $0xFFFFF086;
	s6 =	sadd.s32 @!p0 s3, s7;
	s7 =	simm.s32 @!p0 $0x108  }
0x21: {  	s3 =	sadd.s32 s3, s9;
	s6 =	sadd.s32 @!p0 $0x88, s6;
	s7 =	simm.s32 @p2 $0x1082  }
0x22: {  	[simem:s7], [sflag:s8] =	dma.local @!p0 [hbm:s6], $0xF7A  }
0x23: {  	s9 =	sor.u32 $0xD0000000, s2;
	s6 =	simm.s32 $0x108;
	_ =	swait.ge @!p0 [sflag:s8], $0x0  }
0x24: {  	s3 =	sadd.s32 $0x88, s3;
	s6 =	simm.s32 @!p1 $0x1082;
	[sflag:s4] =	ssyncset.s32 $0xFFFFF086  }
0x25: {  	[simem:s6], [sflag:s4] =	dma.local [hbm:s3], $0xF7A  }
0x26: {  	[smem:$0x3F8A] =	sst s1;
	(tag) =	ssettag s2;
	_ =	strace s9  }
0x27: {  	s1 =	sld [smem:$0x3F9A]  }
0x28: {  	s2 =	sld [smem:$0x3F9B]  }
0x29: {  	s4 =	sld [smem:$0x3F9D]  }
0x2a: {  	p0 =	seq.s32 s5, $0x0;
	s5 =	sld [smem:$0x3F9E]  }
0x2b: {  	s6 =	sld [smem:$0x3F9F]  }
0x2c: {  	s7 =	sld [smem:$0x3FA0]  }
0x2d: {  	s3 =	simm.s32 $0x108;
	s8 =	sld [smem:$0x3FA1]  }
0x2e: {  	s3 =	simm.s32 @!p0 $0x1082;
	s9 =	sld [smem:$0x3FA2]  }
0x2f: {  	lr =	sadd.s32 s0, s3;
	s0 =	sld [smem:$0x3F99]  }
0x30: {  	s3 =	sld [smem:$0x3F9C]  }
0x31: {  	[smem:$0x3FA5] =	sst s10  }
0x32: {  	s10 =	sld [smem:$0x3FA3];
	_ =	sdelay $0x3  }
0x33: {  	p0 =	seq.s32 s10, $0x1;
	s10 =	sld [smem:$0x3FA5];
	_ =	sdelay $0x3  }
0x34: {  	[smem:$0x3FA5] =	sst s10  }
0x35: {  	s10 =	sld [smem:$0x3FA4];
	_ =	sdelay $0x3  }
0x36: {  	p1 =	seq.s32 s10, $0x1;
	s10 =	sld [smem:$0x3FA5];
	_ =	sdelay $0x3  }
0x37: {  	[smem:$0x3FA5] =	sst s10  }
0x38: {  	s10 =	sld [smem:$0x3FA6]  }
0x39: {  	_ = 	snop;
	(pc) =	sbr.ind lr, $3  }
0x3a: {  	_ = 	snop  }
0x3b: {  	_ = 	snop  }
0x3c: {  	p2 =	seq.s32 s10, $0x1;
	s10 =	sld [smem:$0x3FA5]  }
0x3d: {  	_ =	shalt  }
0x3e: {  	_ =	shalt  }
0x3f: {  	_ =	shalt  }
0x40: {  	_ =	shalt  }
0x41: {  	_ =	shalt  }
0x42: {  	_ =	shalt  }
0x43: {  	_ =	shalt  }
0x44: {  	_ =	shalt  }
0x45: {  	_ =	shalt  }
0x46: {  	_ =	shalt  }
0x47: {  	_ =	shalt  }
0x48: {  	_ =	shalt  }
0x49: {  	_ =	shalt  }
0x4a: {  	_ =	shalt  }
0x4b: {  	_ =	shalt  }
0x4c: {  	_ =	shalt  }
0x4d: {  	_ =	shalt  }
0x4e: {  	_ =	shalt  }
0x4f: {  	_ =	shalt  }
0x50: {  	_ =	shalt  }
0x51: {  	_ =	shalt  }
0x52: {  	_ =	shalt  }
0x53: {  	_ =	shalt  }
0x54: {  	_ =	shalt  }
0x55: {  	_ =	shalt  }
0x56: {  	_ =	shalt  }
0x57: {  	_ =	shalt  }
0x58: {  	_ =	shalt  }
0x59: {  	_ =	shalt  }
0x5a: {  	_ =	shalt  }
0x5b: {  	_ =	shalt  }
0x5c: {  	_ =	shalt  }
0x5d: {  	_ =	shalt  }
0x5e: {  	_ =	shalt  }
0x5f: {  	_ =	shalt  }
0x60: {  	_ =	shalt  }
0x61: {  	_ =	shalt  }
0x62: {  	_ =	shalt  }
0x63: {  	_ =	shalt  }
0x64: {  	_ =	shalt  }
0x65: {  	_ =	shalt  }
0x66: {  	_ =	shalt  }
0x67: {  	_ =	shalt  }
0x68: {  	_ =	shalt  }
0x69: {  	_ =	shalt  }
0x6a: {  	_ =	shalt  }
0x6b: {  	_ =	shalt  }
0x6c: {  	_ =	shalt  }
0x6d: {  	_ =	shalt  }
0x6e: {  	_ =	shalt  }
0x6f: {  	_ =	shalt  }
0x70: {  	_ =	shalt  }
0x71: {  	_ =	shalt  }
0x72: {  	_ =	shalt  }
0x73: {  	_ =	shalt  }
0x74: {  	_ =	shalt  }
0x75: {  	_ =	shalt  }
0x76: {  	_ =	shalt  }
0x77: {  	_ =	shalt  }
0x78: {  	_ =	shalt  }
0x79: {  	_ =	shalt  }
0x7a: {  	_ =	shalt  }
0x7b: {  	_ =	shalt  }
0x7c: {  	_ =	shalt  }
0x7d: {  	_ =	shalt  }
0x7e: {  	_ =	shalt  }
0x7f: {  	_ =	shalt  }
0x80: {  	_ =	shalt  }
0x81: {  	_ =	shalt  }
0x82: {  	_ =	shalt  }
0x83: {  	_ =	shalt  }
0x84: {  	_ =	shalt  }
0x85: {  	_ =	shalt  }
0x86: {  	_ =	shalt  }
0x87: {  	_ =	shalt  }
.Lfunc_end0:
.L_simem_size_0:
called_computation.2_lowered:
.L_overlay_start_0:
0x88: {  	s2 =	sld [smem:$0x3FD9]  }
0x89: {  	s3 =	sld [smem:$0x3FFE];
	_ =	sdelay $0x1  }
0x8a: {  	s1 =	srdreg.scid  }
0x8b: {  	s0 =	sand.u32 $0x1, s1  }
0x8c: {  	s17 =	sshll.u32 s0, $0xA;
	s2 =	sadd.s32 s3, s2  }
0x8d: {  	s2 =	sadd.s32 s2, s17  }
0x8e: {  	[smem:$0x3FB1] =	sst s2  }
0x8f: {  	_ = 	snop  }
0x90: {  	s2 =	sld [smem:$0x3FC7]  }
0x91: {  	s18 =	sld [smem:$0x3FD0];
	(tm) =	ssettm $0x1  }
0x92: {  	s4 =	sld [smem:$0x3FFB];
	_ =	sdelay $0x3  }
0x93: {  	_ =	strace s4  }
0x94: {  	s4 =	sld [smem:$0x3FFC];
	_ =	sdelay $0x3  }
0x95: {  	_ =	strace s4  }
0x96: {  	s4 =	sld [smem:$0x3FFD];
	_ =	sdelay $0x3  }
0x97: {  	_ =	strace s4  }
0x98: {  	_ =	strace $0x8FFFFFFF  }
0x99: {  	s19 =	sld [smem:$0x3FDB];
	_ =	sdelay $0x1  }
0x9a: {  	s5 =	simm.s32 $_scs_section_size  }
0x9b: {  	s6 =	simm.s32 $_size__tile_overlayer_lowered;
	s7 =	simm.s32 $_tile_overlayer_lowered  }
0x9c: {  	s22 =	simm.s32 $0x1BFF;
	s21 =	sshll.u32 s7, $0x1;
	s4 =	sadd.s32 s5, s19  }
0x9d: {  	s8 =	simm.s32 $0x0;
	s20 =	sshll.u32 s6, $0x1;
	s6 =	sadd.s32 s21, s4  }
0x9e: {  	[timem:s8], [sflag:s22] =	dma.local [hbm:s6], s20  }
0x9f: {  	_ =	swait.ge [sflag:s22], s20  }
0xa0: {  	s5 =	ssub.s32 $0x0, s20;
	[sflag:s22] =	ssyncset.done $0x0  }
0xa1: {  	[sflag:s22] =	ssyncadd.s32 s5;
	_ =	sdelay $0x1  }
0xa2: {  	s23 =	simm.s32 $0x1B8B  }
0xa3: {  	_ =	swait.ge [sflag:s23], $0x1  }
0xa4: {  	[sflag:s23] =	ssyncset.done $0x0  }
0xa5: {  	s25 =	simm.s32 $0x1B8E;
	s24 =	sld [smem:$0x3FFE];
	[sflag:s23] =	ssyncadd.s32 $0xFFFFFFFF  }
0xa6: {  	s26 =	simm.s32 $execute0_lowered;
	[smem:$0x3FD2] =	sst s25  }
0xa7: {  	s6 =	sshll.u32 s26, $0x1;
	_ =	strace $0x8000004C;
	[dreg:$0x1] =	wrdreg $0xFFFFFFFF  }
0xa8: {  	s28 =	simm.s32 $_size_execute0_lowered;
	s4 =	sadd.s32 s4, s6;
	[dreg:$0x0] =	wrdreg $0x0  }
0xa9: {  	s6 =	sshll.u32 s28, $0x1;
	[dreg:$0x2] =	wrdreg s4  }
0xaa: {  	[dreg:$0x3] =	wrdreg s6  }
0xab: {  	[dreg:$0x4] =	wrdreg $0xC0  }
0xac: {  	_ =	task [dreg:s8], $0x5FFFF  }
0xad: {  	[dreg:$0x1] =	wrdreg $0xFFFFFFFF  }
0xae: {  	[dreg:$0x0] =	wrdreg $0x60  }
0xaf: {  	[dreg:$0x2] =	wrdreg s18  }
0xb0: {  	[dreg:$0x3] =	wrdreg s2  }
0xb1: {  	[dreg:$0x4] =	wrdreg s24  }
0xb2: {  	[dreg:$0x5] =	wrdreg $0x82000  }
0xb3: {  	[dreg:$0x6] =	wrdreg $0x9  }
0xb4: {  	_ =	task.clear_ibuf [dreg:s8], $0x7FFFF;
	_ =	strace $0x9000004C  }
0xb5: {  	s29 =	simm.s32 $0x9;
	_ =	strace $0x8000004E  }
0xb6: {  	_ =	swait.ge [sflag:s29], $0x1  }
0xb7: {  	[sflag:s29] =	ssyncadd.s32 $0xFFFFFFFF  }
0xb8: {  	_ =	strace $0x9000004E  }
0xb9: {  	_ =	sfence  }
0xba: {  	s30 =	sld [smem:$0x0];
	_ =	sdelay $0x2  }
0xbb: {  	s31 =	sshll.u32 s1, $0xD;
	s1 =	sshrl.u32 s1, $0x2  }
0xbc: {  	s3 =	sand.u32 $0x4000, s31;
	s1 =	sadd.s32 s1, s30  }
0xbd: {  	s0 =	sor.u32 s3, s0;
	s1 =	sshll.u32 s1, $0x11  }
0xbe: {  	s0 =	sor.u32 s1, s0  }
0xbf: {  	s0 =	sadd.s32 $0x8F2B, s0  }
0xc0: {  	[sflag:s0] =	ssyncadd.remote.s32 $0x1  }
0xc1: {  	_ =	sfence.sel $0xFFFF  }
0xc2: {  	[dreg:$0x0] =	wrdreg $0xFFFFFFFF;
	(pc) =	sbr.abs _section_cstart, $3  }
0xc3: {  	[dreg:$0x1] =	wrdreg $0xFFFFFFFF  }
0xc4: {  	_ =	task.clear_ibuf [dreg:s8], $0x2FFFF;
	_ =	strace $0x9FFFFFFF  }
0xc5: {  	(tm) =	ssettm $0x7FFFFFFF  }
tec
execute0_lowered:
.L_overlay_start_1:
0x0: {  	(tag) =	ssettag $0x1  }
0x1: {  	s1 =	rddreg [dreg:$0x0]  }
0x2: {  	s10 =	rddreg [dreg:$0x1]  }
0x3: {  	s6 =	rddreg [dreg:$0x2]  }
0x4: {  	s2 =	rddreg [dreg:$0x3];
	s4 =	simm.s32 $0x0;
	s3 =	srdreg.scid  }
0x5: {  	s18 =	simm.s32 $0x180;
	s19 =	simm.s32 $0x3;
	s20 =	simm.s32 $0x5  }
0x6: {  	s21 =	simm.s32 $0x200;
	s22 =	simm.s32 $0x4200;
	s23 =	simm.s32 $0x1  }
0x7: {  	s24 =	simm.s32 $0x7;
	[smem:$0x7FF] =	sst s4;
	s11 =	sand.u32 $0x1, s3  }
0x8: {  	s25 =	simm.s32 $0x2;
	s3 =	stileid.u32;
	s5 =	smul.u32 $0x138800, s11  }
0x9: {  	s26 =	simm.s32 $0x0;
	_ =	strace $0x8000004D;
	s13 =	sshll.u32 s3, $0xB  }
0xa: {  	s12 =	sshll.u32 s3, $0x1;
	s8 =	ssub.s32 $0x2, s11;
	s31 =	sshll.u32 s3, $0x6  }
0xb: {  	s17 =	sshll.u32 s11, $0x5;
	s9 =	sshrl.u32 s8, $0x1;
	s7 =	sadd.s32 s13, s5  }
0xc: {  	s5 =	sor.u32 s11, s12;
	s16 =	ssub.s32 s8, s9;
	s11 =	ssub.s32 $0x9C4, s12  }
0xd: {  	s13 =	sadd.s32 s13, s2;
	s7 =	sshrl.u32 s7, $0x3;
	s14 =	sshll.u32 s5, $0x5  }
0xe: {  	s15 =	sadd.s32 s7, s6;
	s6 =	sadd.s32 s10, s14;
	s14 =	sadd.s32 s31, s10  }
0xf: {  	s10 =	ssub.s32 $0x9A4, s12;
	s12 =	smax.u32 s16, $0x1;
	s16 =	simm.s32 $0x100  }
0x10: {  	s0 =	sadd.s32 $0x10, s6;
	s30 =	sadd.s32 $0x400, s6;
	s9 =	sadd.s32 $0x410, s6  }
0x11: {  	s14 =	sadd.s32 s17, s14;
	s15 =	sadd.s32 $0x5000, s15;
	[dreg:$0x5] =	wrdreg s0  }
0x12: {  	v0 =	vimm.f32 $0.0e+00;
	s17 =	simm.s32 $0x80;
	[dreg:$0x6] =	wrdreg s30;
	s14 =	sadd.s32 $0xC10, s14  }
.LBB2_1:
0x13: {  	s28 =	simm.s32 $0x0;
	s29 =	simm.s32 $0x200  }
.LBB2_2:
0x14: {  	p0 =	sne.s32 s29, $0x1E00;
	[tilespmem:s28+$0x270] =	vst v0  }
0x15: {  	[tilespmem:s28+$0x200] =	vst v0  }
0x16: {  	[tilespmem:s28+$0x210] =	vst v0  }
.Ltmp0:
0x17: {  	[tilespmem:s28+$0x220] =	vst v0;
	(pc) =	sbr.rel @p0 .LBB2_2-.Ltmp0, $4  }
0x18: {  	[tilespmem:s28+$0x230] =	vst v0  }
0x19: {  	[tilespmem:s28+$0x240] =	vst v0  }
0x1a: {  	[tilespmem:s28+$0x250] =	vst v0  }
0x1b: {  	[tilespmem:s28+$0x260] =	vst v0;
	s28 =	sshra.s32 s29, $0x2;
	s29 =	sadd.s32 $0x200, s29  }
0x1c: {  	[tilespmem:s28+$0x270] =	vst v0  }
0x1d: {  	[tilespmem:s28+$0x200] =	vst v0  }
0x1e: {  	[tilespmem:s28+$0x210] =	vst v0  }
0x1f: {  	[tilespmem:s28+$0x220] =	vst v0  }
0x20: {  	[tilespmem:s28+$0x230] =	vst v0  }
0x21: {  	[tilespmem:s28+$0x240] =	vst v0;
	s29 =	sadd.s32 $0x0, s3  }
0x22: {  	[tilespmem:s28+$0x250] =	vst v0;
	p0 =	sgt.u32 s29, $0x270  }
0x23: {  	[tilespmem:s28+$0x260] =	vst v0;
	s28 =	simm.s32 @!p0 $0x200;
	s31 =	simm.s32 @!p0 $0x7  }
0x24: {  	[spmem:s13] =	stream.linear.scatter @!p0 [tilespmem:s28], [sflag:$0x7], $0x800, $0x38;
	[tilespmem:$0x1BB00] =	vst v63  }
0x25: {  	s30 =	simm.s32 $0x20;
	_ =	swait.ge @!p0 [sflag:s31], $0x800  }
0x26: {  	s29 =	simm.s32 $0x10;
	s28 =	sadd.s32 $0x8000, s13;
	[sflag:s31] =	ssyncset.done @!p0 $0x0  }
.LBB2_4:
0x27: {  	s0 =	sadd.s32 s29, s3;
	s29 =	smov.u32 s30;
	s30 =	sadd.s32 $0x10, s30  }
0x28: {  	[sflag:s31] =	ssyncadd.s32 @!p0 $0xFFFFF800;
	p1 =	sne.s32 s30, $0x280  }
.Ltmp1:
0x29: {  	p0 =	sgt.u32 s0, $0x270;
	(pc) =	sbr.rel @p1 .LBB2_4-.Ltmp1, $4  }
0x2a: {  	s0 =	simm.s32 @!p0 $0x200;
	s31 =	simm.s32 @!p0 $0x7  }
0x2b: {  	[spmem:s28] =	stream.linear.scatter @!p0 [tilespmem:s0], [sflag:$0x7], $0x800, $0x38;
	[tilespmem:$0x1BB00] =	vst v63  }
0x2c: {  	_ =	swait.ge @!p0 [sflag:s31], $0x800  }
0x2d: {  	s28 =	sadd.s32 $0x8000, s28;
	[sflag:s31] =	ssyncset.done @!p0 $0x0  }
0x2e: {  	s0 =	sadd.s32 s29, s3  }
0x2f: {  	p1 =	sgt.u32 s0, $0x270  }
0x30: {  	[sflag:s31] =	ssyncadd.s32 @!p0 $0xFFFFF800;
	s0 =	simm.s32 @!p1 $0x200;
	s29 =	simm.s32 @!p1 $0x7  }
0x31: {  	[spmem:s28] =	stream.linear.scatter @!p1 [tilespmem:s0], [sflag:$0x7], $0x800, $0x38;
	[tilespmem:$0x1BB00] =	vst v63  }
0x32: {  	_ =	swait.ge @!p1 [sflag:s29], $0x800  }
0x33: {  	[sflag:s29] =	ssyncset.done @!p1 $0x0  }
0x34: {  	[sflag:s29] =	ssyncadd.s32 @!p1 $0xFFFFF800  }
0x35: {  	s29 =	simm.s32 $0x0;
	[bflag:$0x0] =	sbarrier.arrive $0xFFFF  }
0x36: {  	[tilespmem:s29], [sflag:$0x3] =	stream.linear.gather [hbm4b:s6+s29], $0x80, $0x38;
	[tilespmem:$0x1BB00] =	vst v63  }
0x37: {  	s30 =	rddreg [dreg:$0x5]  }
0x38: {  	[tilespmem:s16], [sflag:$0x5] =	stream.linear.gather [hbm4b:s30+s29], $0x80, $0x38;
	[tilespmem:$0x1BB00] =	vst v63  }
0x39: {  	s31 =	rddreg [dreg:$0x6]  }
0x3a: {  	[tilespmem:s17], [sflag:$0x4] =	stream.linear.gather [hbm4b:s31+s29], $0x80, $0x38;
	[tilespmem:$0x1BB00] =	vst v63  }
0x3b: {  	_ = 	snop  }
0x3c: {  	[tilespmem:s18], [sflag:$0x6] =	stream.linear.gather [hbm4b:s9+s29], $0x80, $0x38;
	[tilespmem:$0x1BB00] =	vst v63  }
0x3d: {  	_ =	swait.ge [sflag:s19], $0x80  }
0x3e: {  	[sflag:s19] =	ssyncset.done $0x0  }
0x3f: {  	[sflag:s19] =	ssyncadd.s32 $0xFFFFFF80  }
0x40: {  	_ =	swait.ge [sflag:s20], $0x80  }
0x41: {  	[sflag:s20] =	ssyncset.done $0x0  }
0x42: {  	s28 =	smov.u32 s14;
	[sflag:s20] =	ssyncadd.s32 $0xFFFFFF80  }
0x43: {  	[tilespmem:s21], [sflag:$0x1] =	stream.indirect.gather [hbm4b:s1+s17], $0x80, s29, s17, $0xb8;
	[tilespmem:$0x1BB00] =	vst v63  }
.LBB2_6:
0x44: {  	p0 =	sge.u32 s29, s10  }
0x45: {  	s0 =	simm.s32 @!p0 $0x4  }
0x46: {  	_ =	swait.ge @!p0 [sflag:s0], $0x80  }
0x47: {  	[sflag:s0] =	ssyncset.done @!p0 $0x0  }
0x48: {  	[sflag:s0] =	ssyncadd.s32 @!p0 $0xFFFFFF80;
	s0 =	simm.s32 @!p0 $0x6  }
0x49: {  	_ =	swait.ge @!p0 [sflag:s0], $0x80  }
0x4a: {  	[sflag:s0] =	ssyncset.done @!p0 $0x0  }
0x4b: {  	[sflag:s0] =	ssyncadd.s32 @!p0 $0xFFFFFF80  }
0x4c: {  	[tilespmem:s22], [sflag:$0x2] =	stream.indirect.gather [hbm4b:s1+s17], $0x80, s17, s17, $0xb8;
	[tilespmem:$0x1BB00] =	vst v63  }
0x4d: {  	_ =	swait.ge [sflag:s23], $0x4000  }
0x4e: {  	p0 =	seq.s32 s29, $0x9C0;
	[sflag:s23] =	ssyncset.done $0x0  }
.Ltmp2:
0x4f: {  	[sflag:s23] =	ssyncadd.s32 $0xFFFFC000;
	(pc) =	sbr.rel @p0 .LBB2_12-.Ltmp2, $4  }
0x50: {  	[spmem:s2] =	stream.indirect.scatter.add.f32 [tilespmem:s21], [sflag:$0x7], $0x80, s16, s17, $0xb8;
	[tilespmem:$0x1BB00] =	vst v63  }
0x51: {  	_ =	swait.ge [sflag:s24], $0x4000  }
0x52: {  	[sflag:s24] =	ssyncset.done $0x0  }
0x53: {  	[sflag:s24] =	ssyncadd.s32 $0xFFFFC000  }
0x54: {  	s30 =	sadd.s32 $0x40, s29  }
0x55: {  	s0 =	sadd.s32 s5, s30  }
0x56: {  	p0 =	sgt.u32 s0, $0x9C3  }
0x57: {  	v1 =	vimm.s32 @p0 $0x2710  }
0x58: {  	[tilespmem:$0x100] =	vst @p0 v1  }
0x59: {  	[tilespmem:$0x110] =	vst @p0 v1  }
0x5a: {  	[tilespmem:$0x120] =	vst @p0 v1  }
0x5b: {  	[tilespmem:$0x130] =	vst @p0 v1  }
0x5c: {  	[tilespmem:$0x140] =	vst @p0 v1  }
0x5d: {  	[tilespmem:$0x150] =	vst @p0 v1  }
0x5e: {  	[tilespmem:$0x160] =	vst @p0 v1  }
0x5f: {  	s0 =	sadd.s32 @!p0 $0xFFFFFBF0, s28;
	s31 =	simm.s32 @!p0 $0x0;
	[tilespmem:$0x170] =	vst @p0 v1  }
0x60: {  	[tilespmem:s31], [sflag:$0x3] =	stream.linear.gather @!p0 [hbm4b:s0+s31], $0x80, $0x38;
	[tilespmem:$0x1BB00] =	vst v63  }
0x61: {  	s7 =	simm.s32 @!p0 $0x100;
	s0 =	sadd.s32 @!p0 $0xFFFFFC00, s28  }
0x62: {  	[tilespmem:s7], [sflag:$0x5] =	stream.linear.gather @!p0 [hbm4b:s0+s31], $0x80, $0x38;
	[tilespmem:$0x1BB00] =	vst v63  }
0x63: {  	_ =	swait.ge [sflag:s25], $0x4000  }
0x64: {  	[sflag:s25] =	ssyncset.done $0x0  }
0x65: {  	[sflag:s25] =	ssyncadd.s32 $0xFFFFC000  }
0x66: {  	[spmem:s2] =	stream.indirect.scatter.add.f32 [tilespmem:s22], [sflag:$0x7], $0x80, s18, s17, $0xb8;
	[tilespmem:$0x1BB00] =	vst v63  }
0x67: {  	_ =	swait.ge [sflag:s24], $0x4000  }
0x68: {  	p0 =	sge.u32 s30, s11;
	[sflag:s24] =	ssyncset.done $0x0  }
0x69: {  	s0 =	simm.s32 @!p0 $0x3;
	[sflag:s24] =	ssyncadd.s32 $0xFFFFC000  }
0x6a: {  	_ =	swait.ge @!p0 [sflag:s0], $0x80  }
0x6b: {  	[sflag:s0] =	ssyncset.done @!p0 $0x0  }
0x6c: {  	[sflag:s0] =	ssyncadd.s32 @!p0 $0xFFFFFF80;
	s0 =	simm.s32 @!p0 $0x5  }
0x6d: {  	s31 =	sadd.s32 s29, s5;
	_ =	swait.ge @!p0 [sflag:s0], $0x80  }
0x6e: {  	s7 =	sadd.s32 $0x60, s31;
	[sflag:s0] =	ssyncset.done @!p0 $0x0  }
0x6f: {  	[sflag:s0] =	ssyncadd.s32 @!p0 $0xFFFFFF80;
	p0 =	sgt.u32 s7, $0x9C3  }
0x70: {  	[tilespmem:s21], [sflag:$0x1] =	stream.indirect.gather [hbm4b:s1+s17], $0x80, s4, s17, $0xb8;
	v1 =	vimm.s32 @p0 $0x2710;
	[tilespmem:$0x1BB00] =	vst v63  }
0x71: {  	[tilespmem:$0x180] =	vst @p0 v1  }
0x72: {  	[tilespmem:$0x190] =	vst @p0 v1  }
0x73: {  	[tilespmem:$0x1A0] =	vst @p0 v1  }
0x74: {  	[tilespmem:$0x1B0] =	vst @p0 v1  }
0x75: {  	[tilespmem:$0x1C0] =	vst @p0 v1  }
0x76: {  	[tilespmem:$0x1D0] =	vst @p0 v1  }
0x77: {  	[tilespmem:$0x1E0] =	vst @p0 v1  }
0x78: {  	s0 =	sadd.s32 @!p0 $0xFFFFFFF0, s28;
	s7 =	simm.s32 @!p0 $0x0;
	s29 =	simm.s32 @!p0 $0x80;
	[tilespmem:$0x1F0] =	vst @p0 v1  }
0x79: {  	[tilespmem:s29], [sflag:$0x4] =	stream.linear.gather @!p0 [hbm4b:s0+s7], $0x80, $0x38;
	[tilespmem:$0x1BB00] =	vst v63  }
0x7a: {  	s0 =	simm.s32 @!p0 $0x180  }
0x7b: {  	[tilespmem:s0], [sflag:$0x6] =	stream.linear.gather @!p0 [hbm4b:s28+s7], $0x80, $0x38;
	[tilespmem:$0x1BB00] =	vst v63  }
0x7c: {  	p0 =	sne.s32 s30, $0xA00  }
.Ltmp3:
0x7d: {  	_ = 	snop;
	(pc) =	sbr.rel @p0 .LBB2_6-.Ltmp3, $4  }
.Ltmp4:
0x7e: {  	_ = 	snop;
	(pc) =	sbr.rel @!p0 .LBB2_8-.Ltmp4, $4  }
0x7f: {  	_ = 	snop  }
0x80: {  	_ = 	snop  }
0x81: {  	s29 =	smov.u32 s30;
	s28 =	sadd.s32 $0x800, s28  }
0x82: {  	_ = 	snop  }
.LBB2_12:
0x83: {  	_ =	swait.ge [sflag:s25], $0x4000  }
0x84: {  	[sflag:s25] =	ssyncset.done $0x0  }
0x85: {  	[sflag:s25] =	ssyncadd.s32 $0xFFFFC000  }
0x86: {  	[spmem:s2] =	stream.indirect.scatter.add.f32 [tilespmem:s22], [sflag:$0x7], $0x80, s18, s17, $0xb8;
	[tilespmem:$0x1BB00] =	vst v63  }
0x87: {  	_ =	swait.ge [sflag:s24], $0x4000  }
0x88: {  	[sflag:s24] =	ssyncset.done $0x0  }
0x89: {  	[sflag:s24] =	ssyncadd.s32 $0xFFFFC000  }
.LBB2_8:
0x8a: {  	s0 =	sadd.s32 $0x0, s3  }
0x8b: {  	[bflag:$0x0] =	sbarrier.arrive $0xFFFF;
	p0 =	sgt.u32 s0, $0x270  }
0x8c: {  	s0 =	simm.s32 @!p0 $0x200;
	s7 =	simm.s32 @!p0 $0x8;
	p0 =	por p0, p0  }
0x8d: {  	[tilespmem:s0], [sflag:$0x8] =	stream.linear.gather @!p0 [spmem:s13], $0x800, $0x38;
	[tilespmem:$0x1BB00] =	vst v63  }
0x8e: {  	_ =	swait.ge @!p0 [sflag:s7], $0x800  }
0x8f: {  	s29 =	simm.s32 $0x20;
	[sflag:s7] =	ssyncset.done @!p0 $0x0  }
0x90: {  	s31 =	simm.s32 @!p0 $0x7;
	[sflag:s7] =	ssyncadd.s32 @!p0 $0xFFFFF800;
	s7 =	simm.s32 @!p0 $0x0  }
0x91: {  	[hbm4b:s15+s7] =	stream.linear.scatter @!p0 [tilespmem:s0], [sflag:$0x7], $0x800, $0x38;
	[tilespmem:$0x1BB00] =	vst v63  }
0x92: {  	s8 =	sadd.s32 $0x10, s3;
	s28 =	sadd.s32 $0x1000, s15;
	_ =	swait.ge @!p0 [sflag:s31], $0x800  }
0x93: {  	s30 =	sadd.s32 $0x8000, s13;
	p1 =	sgt.u32 s8, $0x270;
	[sflag:s31] =	ssyncset.done @!p0 $0x0  }
.LBB2_9:
0x94: {  	s0 =	simm.s32 @!p1 $0x200;
	s7 =	simm.s32 @!p1 $0x8;
	[sflag:s31] =	ssyncadd.s32 @!p0 $0xFFFFF800  }
0x95: {  	s8 =	smov.u32 s29;
	p0 =	por p1, p1;
	s29 =	sadd.s32 $0x10, s29  }
0x96: {  	[tilespmem:s0], [sflag:$0x8] =	stream.linear.gather @!p0 [spmem:s30], $0x800, $0x38;
	[tilespmem:$0x1BB00] =	vst v63  }
0x97: {  	p2 =	sne.s32 s29, $0x280;
	_ =	swait.ge @!p0 [sflag:s7], $0x800  }
.Ltmp5:
0x98: {  	[sflag:s7] =	ssyncset.done @!p0 $0x0;
	(pc) =	sbr.rel @p2 .LBB2_9-.Ltmp5, $4  }
0x99: {  	s31 =	simm.s32 @!p0 $0x7;
	[sflag:s7] =	ssyncadd.s32 @!p0 $0xFFFFF800;
	s7 =	simm.s32 @!p0 $0x0  }
0x9a: {  	[hbm4b:s28+s7] =	stream.linear.scatter @!p0 [tilespmem:s0], [sflag:$0x7], $0x800, $0x38;
	[tilespmem:$0x1BB00] =	vst v63  }
0x9b: {  	s0 =	sadd.s32 s8, s3;
	s28 =	sadd.s32 $0x1000, s28;
	_ =	swait.ge @!p0 [sflag:s31], $0x800  }
0x9c: {  	s30 =	sadd.s32 $0x8000, s30;
	p1 =	sgt.u32 s0, $0x270;
	[sflag:s31] =	ssyncset.done @!p0 $0x0  }
0x9d: {  	s0 =	simm.s32 @!p1 $0x200  }
0x9e: {  	s7 =	simm.s32 @!p1 $0x8;
	[sflag:s31] =	ssyncadd.s32 @!p0 $0xFFFFF800;
	p0 =	por p1, p1  }
0x9f: {  	[tilespmem:s0], [sflag:$0x8] =	stream.linear.gather @!p0 [spmem:s30], $0x800, $0x38;
	[tilespmem:$0x1BB00] =	vst v63  }
0xa0: {  	s26 =	sadd.s32 $0x1, s26;
	_ =	swait.ge @!p0 [sflag:s7], $0x800  }
0xa1: {  	s8 =	simm.s32 @!p0 $0x7;
	p1 =	sne.s32 s26, s12;
	[sflag:s7] =	ssyncset.done @!p0 $0x0  }
.Ltmp6:
0xa2: {  	[sflag:s7] =	ssyncadd.s32 @!p0 $0xFFFFF800;
	s7 =	simm.s32 @!p0 $0x0;
	(pc) =	sbr.rel @p1 .LBB2_1-.Ltmp6, $4  }
0xa3: {  	[hbm4b:s28+s7] =	stream.linear.scatter @!p0 [tilespmem:s0], [sflag:$0x7], $0x800, $0x38;
	[tilespmem:$0x1BB00] =	vst v63  }
0xa4: {  	_ =	swait.ge @!p0 [sflag:s8], $0x800  }
0xa5: {  	[sflag:s8] =	ssyncset.done @!p0 $0x0  }
0xa6: {  	[sflag:s8] =	ssyncadd.s32 @!p0 $0xFFFFF800  }
0xa7: {  	_ =	sfence.sel $0x180000  }
0xa8: {  	[bflag:$0x0] =	sbarrier.arrive $0xFFFF  }
0xa9: {  	_ =	strace $0x9000004D  }
0xaa: {  	[bflag:$0x2] =	sbarrier.arrive $0xFFFF  }
0xab: {  	p0 =	sne.s32 s3, $0x0;
	s0 =	rddreg [dreg:$0x4]  }
0xac: {  	s0 =	sadd.s32 @!p0 $0x100000, s0  }
0xad: {  	[sflag:s0] =	ssyncadd.tile.s32 @!p0 $0x1;
	_ =	shalt  }
.Lfunc_end2:
_tile_overlayer_lowered:
.L_overlay_start_2:
0xae: {  	(tag) =	ssettag $0x2  }
0xaf: {  	s0 =	rddreg [dreg:$0x0];
	s2 =	stileid.u32  }
0xb0: {  	s1 =	rddreg [dreg:$0x1];
	p0 =	sne.s32 s2, $0x0  }
0xb1: {  	s3 =	rddreg [dreg:$0x2];
	[bflag:$0x3] =	sbarrier.arrive $0xFFFF;
	s2 =	simm.s32 @!p0 $0x1C07  }
0xb2: {  	[timem:s3], [sflag:s2] =	dma.local @!p0 [hbm:s0], s1  }
0xb3: {  	s0 =	simm.s32 @!p0 $0x7  }
0xb4: {  	_ =	swait.ge @!p0 [sflag:s0], s1  }
0xb5: {  	s1 =	ssub.s32 @!p0 $0x0, s1;
	[sflag:s0] =	ssyncset.done @!p0 $0x0  }
0xb6: {  	[sflag:s0] =	ssyncadd.s32 @!p0 s1  }
0xb7: {  	[bflag:$0x3] =	sbarrier.arrive $0xFFFF  }
0xb8: {  	_ =	shalt  }

// kernel: kernel.8.cloned.1.call-start
scs
__scs_entry_jumppad:
0x0: {  	(pc) =	sbr.rel $0x88, $3  }
0x1: {  	(tag) =	ssettag $0x0;
	lr =	simm.s32 $0x1  }
0x2: {  	[smem:$0x3F8A] =	sst lr;
	_ =	strace $0xD0000000  }
0x3: {  	_ = 	snop  }
0x4: {  	_ = 	snop  }
0x5: {  	_ = 	snop  }
0x6: {  	_ = 	snop  }
0x7: {  	_ = 	snop  }
__scs_overlays_trampoline_lowered:
0x8: {  	[smem:$0x3F99] =	sst s0  }
0x9: {  	[smem:$0x3F9A] =	sst s1  }
0xa: {  	[smem:$0x3F9B] =	sst s2  }
0xb: {  	[smem:$0x3F9C] =	sst s3  }
0xc: {  	[smem:$0x3F9D] =	sst s4  }
0xd: {  	[smem:$0x3F9E] =	sst s5  }
0xe: {  	[smem:$0x3F9F] =	sst s6  }
0xf: {  	[smem:$0x3FA0] =	sst s7  }
0x10: {  	[smem:$0x3FA1] =	sst s8  }
0x11: {  	[smem:$0x3FA2] =	sst s9;
	s0 =	simm.s32 @!p0 $0x0  }
0x12: {  	s1 =	sld [smem:$0x3F88];
	s0 =	simm.s32 @p0 $0x1  }
0x13: {  	[smem:$0x3FA3] =	sst s0;
	s0 =	simm.s32 @!p1 $0x0  }
0x14: {  	s2 =	sld [smem:$0x3F87];
	s0 =	simm.s32 @p1 $0x1  }
0x15: {  	[smem:$0x3FA4] =	sst s0;
	s0 =	simm.s32 @!p2 $0x0  }
0x16: {  	s3 =	sld [smem:$0x3FDB];
	s0 =	simm.s32 @p2 $0x1  }
0x17: {  	s4 =	simm.s32 $0x1BF5;
	[smem:$0x3FA6] =	sst s0  }
0x18: {  	s0 =	sld [smem:$0x3F89];
	_ =	swait.ge [sflag:s4], $0x0  }
0x19: {  	s7 =	sld [smem:$0x3F8A]  }
0x1a: {  	s8 =	sadd.s32 $0xFFFFE003, lr  }
0x1b: {  	s9 =	sadd.s32 $0xFFFFFEF7, lr;
	s5 =	simm.s32 $0xFFFFFFFF;
	p2 =	slt.u32 s8, $0xFFFFF086  }
0x1c: {  	p1 =	slt.u32 s9, $0xF7A;
	s5 =	simm.s32 @!p2 $0x0  }
0x1d: {  	s5 =	simm.s32 @p1 $0x1;
	p0 =	seq.s32 s7, s2  }
0x1e: {  	s7 =	smul.u32 @!p0 $0xF7A, s2;
	p2 =	seq.s32 @!p0 s5, $0x0  }
0x1f: {  	s9 =	smul.u32 $0xF7A, s1;
	s8 =	simm.s32 @!p0 $0x1BF5;
	p2 =	por !p2, p0  }
0x20: {  	[sflag:s8] =	ssyncset.s32 @!p0 $0xFFFFF086;
	s6 =	sadd.s32 @!p0 s3, s7;
	s7 =	simm.s32 @!p0 $0x108  }
0x21: {  	s3 =	sadd.s32 s3, s9;
	s6 =	sadd.s32 @!p0 $0x88, s6;
	s7 =	simm.s32 @p2 $0x1082  }
0x22: {  	[simem:s7], [sflag:s8] =	dma.local @!p0 [hbm:s6], $0xF7A  }
0x23: {  	s9 =	sor.u32 $0xD0000000, s2;
	s6 =	simm.s32 $0x108;
	_ =	swait.ge @!p0 [sflag:s8], $0x0  }
0x24: {  	s3 =	sadd.s32 $0x88, s3;
	s6 =	simm.s32 @!p1 $0x1082;
	[sflag:s4] =	ssyncset.s32 $0xFFFFF086  }
0x25: {  	[simem:s6], [sflag:s4] =	dma.local [hbm:s3], $0xF7A  }
0x26: {  	[smem:$0x3F8A] =	sst s1;
	(tag) =	ssettag s2;
	_ =	strace s9  }
0x27: {  	s1 =	sld [smem:$0x3F9A]  }
0x28: {  	s2 =	sld [smem:$0x3F9B]  }
0x29: {  	s4 =	sld [smem:$0x3F9D]  }
0x2a: {  	p0 =	seq.s32 s5, $0x0;
	s5 =	sld [smem:$0x3F9E]  }
0x2b: {  	s6 =	sld [smem:$0x3F9F]  }
0x2c: {  	s7 =	sld [smem:$0x3FA0]  }
0x2d: {  	s3 =	simm.s32 $0x108;
	s8 =	sld [smem:$0x3FA1]  }
0x2e: {  	s3 =	simm.s32 @!p0 $0x1082;
	s9 =	sld [smem:$0x3FA2]  }
0x2f: {  	lr =	sadd.s32 s0, s3;
	s0 =	sld [smem:$0x3F99]  }
0x30: {  	s3 =	sld [smem:$0x3F9C]  }
0x31: {  	[smem:$0x3FA5] =	sst s10  }
0x32: {  	s10 =	sld [smem:$0x3FA3];
	_ =	sdelay $0x3  }
0x33: {  	p0 =	seq.s32 s10, $0x1;
	s10 =	sld [smem:$0x3FA5];
	_ =	sdelay $0x3  }
0x34: {  	[smem:$0x3FA5] =	sst s10  }
0x35: {  	s10 =	sld [smem:$0x3FA4];
	_ =	sdelay $0x3  }
0x36: {  	p1 =	seq.s32 s10, $0x1;
	s10 =	sld [smem:$0x3FA5];
	_ =	sdelay $0x3  }
0x37: {  	[smem:$0x3FA5] =	sst s10  }
0x38: {  	s10 =	sld [smem:$0x3FA6]  }
0x39: {  	_ = 	snop;
	(pc) =	sbr.ind lr, $3  }
0x3a: {  	_ = 	snop  }
0x3b: {  	_ = 	snop  }
0x3c: {  	p2 =	seq.s32 s10, $0x1;
	s10 =	sld [smem:$0x3FA5]  }
0x3d: {  	_ =	shalt  }
0x3e: {  	_ =	shalt  }
0x3f: {  	_ =	shalt  }
0x40: {  	_ =	shalt  }
0x41: {  	_ =	shalt  }
0x42: {  	_ =	shalt  }
0x43: {  	_ =	shalt  }
0x44: {  	_ =	shalt  }
0x45: {  	_ =	shalt  }
0x46: {  	_ =	shalt  }
0x47: {  	_ =	shalt  }
0x48: {  	_ =	shalt  }
0x49: {  	_ =	shalt  }
0x4a: {  	_ =	shalt  }
0x4b: {  	_ =	shalt  }
0x4c: {  	_ =	shalt  }
0x4d: {  	_ =	shalt  }
0x4e: {  	_ =	shalt  }
0x4f: {  	_ =	shalt  }
0x50: {  	_ =	shalt  }
0x51: {  	_ =	shalt  }
0x52: {  	_ =	shalt  }
0x53: {  	_ =	shalt  }
0x54: {  	_ =	shalt  }
0x55: {  	_ =	shalt  }
0x56: {  	_ =	shalt  }
0x57: {  	_ =	shalt  }
0x58: {  	_ =	shalt  }
0x59: {  	_ =	shalt  }
0x5a: {  	_ =	shalt  }
0x5b: {  	_ =	shalt  }
0x5c: {  	_ =	shalt  }
0x5d: {  	_ =	shalt  }
0x5e: {  	_ =	shalt  }
0x5f: {  	_ =	shalt  }
0x60: {  	_ =	shalt  }
0x61: {  	_ =	shalt  }
0x62: {  	_ =	shalt  }
0x63: {  	_ =	shalt  }
0x64: {  	_ =	shalt  }
0x65: {  	_ =	shalt  }
0x66: {  	_ =	shalt  }
0x67: {  	_ =	shalt  }
0x68: {  	_ =	shalt  }
0x69: {  	_ =	shalt  }
0x6a: {  	_ =	shalt  }
0x6b: {  	_ =	shalt  }
0x6c: {  	_ =	shalt  }
0x6d: {  	_ =	shalt  }
0x6e: {  	_ =	shalt  }
0x6f: {  	_ =	shalt  }
0x70: {  	_ =	shalt  }
0x71: {  	_ =	shalt  }
0x72: {  	_ =	shalt  }
0x73: {  	_ =	shalt  }
0x74: {  	_ =	shalt  }
0x75: {  	_ =	shalt  }
0x76: {  	_ =	shalt  }
0x77: {  	_ =	shalt  }
0x78: {  	_ =	shalt  }
0x79: {  	_ =	shalt  }
0x7a: {  	_ =	shalt  }
0x7b: {  	_ =	shalt  }
0x7c: {  	_ =	shalt  }
0x7d: {  	_ =	shalt  }
0x7e: {  	_ =	shalt  }
0x7f: {  	_ =	shalt  }
0x80: {  	_ =	shalt  }
0x81: {  	_ =	shalt  }
0x82: {  	_ =	shalt  }
0x83: {  	_ =	shalt  }
0x84: {  	_ =	shalt  }
0x85: {  	_ =	shalt  }
0x86: {  	_ =	shalt  }
0x87: {  	_ =	shalt  }
.Lfunc_end0:
.L_simem_size_0:
called_computation_lowered:
.L_overlay_start_0:
0x88: {  	s2 =	sld [smem:$0x3FD9]  }
0x89: {  	s3 =	sld [smem:$0x3FFE];
	_ =	sdelay $0x1  }
0x8a: {  	s1 =	srdreg.scid  }
0x8b: {  	s0 =	sand.u32 $0x1, s1  }
0x8c: {  	s18 =	sshll.u32 s0, $0xA;
	s2 =	sadd.s32 s3, s2  }
0x8d: {  	s2 =	sadd.s32 s2, s18  }
0x8e: {  	[smem:$0x3FB1] =	sst s2  }
0x8f: {  	_ = 	snop  }
0x90: {  	s2 =	sld [smem:$0x3FC7]  }
0x91: {  	s19 =	sld [smem:$0x3FD0];
	(tm) =	ssettm $0x1  }
0x92: {  	s4 =	sld [smem:$0x3FFB];
	_ =	sdelay $0x3  }
0x93: {  	_ =	strace s4  }
0x94: {  	s4 =	sld [smem:$0x3FFC];
	_ =	sdelay $0x3  }
0x95: {  	_ =	strace s4  }
0x96: {  	s4 =	sld [smem:$0x3FFD];
	_ =	sdelay $0x3  }
0x97: {  	_ =	strace s4  }
0x98: {  	_ =	strace $0x8FFFFFFF  }
0x99: {  	s20 =	sld [smem:$0x3FDB];
	_ =	sdelay $0x1  }
0x9a: {  	s5 =	simm.s32 $_scs_section_size  }
0x9b: {  	s6 =	simm.s32 $_size__tile_overlayer_lowered;
	s7 =	simm.s32 $_tile_overlayer_lowered  }
0x9c: {  	s23 =	simm.s32 $0x1BFF;
	s22 =	sshll.u32 s7, $0x1;
	s4 =	sadd.s32 s5, s20  }
0x9d: {  	s8 =	simm.s32 $0x0;
	s21 =	sshll.u32 s6, $0x1;
	s6 =	sadd.s32 s22, s4  }
0x9e: {  	[timem:s8], [sflag:s23] =	dma.local [hbm:s6], s21  }
0x9f: {  	_ =	swait.ge [sflag:s23], s21  }
0xa0: {  	s5 =	ssub.s32 $0x0, s21;
	[sflag:s23] =	ssyncset.done $0x0  }
0xa1: {  	[sflag:s23] =	ssyncadd.s32 s5;
	_ =	sdelay $0x1  }
0xa2: {  	s24 =	simm.s32 $0x1B8B  }
0xa3: {  	_ =	swait.ge [sflag:s24], $0x1  }
0xa4: {  	[sflag:s24] =	ssyncset.done $0x0  }
0xa5: {  	s25 =	simm.s32 $0x1B8E;
	[sflag:s24] =	ssyncadd.s32 $0xFFFFFFFF  }
0xa6: {  	s26 =	simm.s32 $execute0_lowered;
	[smem:$0x3FD2] =	sst s25  }
0xa7: {  	s5 =	sshll.u32 s26, $0x1;
	_ =	strace $0x80000046;
	[dreg:$0x1] =	wrdreg $0xFFFFFFFF  }
0xa8: {  	s28 =	simm.s32 $_size_execute0_lowered;
	s4 =	sadd.s32 s4, s5;
	[dreg:$0x0] =	wrdreg $0x0  }
0xa9: {  	s5 =	sshll.u32 s28, $0x1;
	[dreg:$0x2] =	wrdreg s4  }
0xaa: {  	[dreg:$0x3] =	wrdreg s5  }
0xab: {  	[dreg:$0x4] =	wrdreg $0xC0  }
0xac: {  	_ =	task [dreg:s8], $0x5FFFF  }
0xad: {  	[dreg:$0x1] =	wrdreg $0xFFFFFFFF  }
0xae: {  	[dreg:$0x0] =	wrdreg $0x60  }
0xaf: {  	[dreg:$0x2] =	wrdreg s2  }
0xb0: {  	[dreg:$0x3] =	wrdreg s19  }
0xb1: {  	[dreg:$0x4] =	wrdreg $0x9  }
0xb2: {  	_ =	task.clear_ibuf [dreg:s8], $0x5FFFF;
	_ =	strace $0x90000046  }
0xb3: {  	s29 =	simm.s32 $0x9;
	_ =	strace $0x80000048  }
0xb4: {  	_ =	swait.ge [sflag:s29], $0x1  }
0xb5: {  	[sflag:s29] =	ssyncadd.s32 $0xFFFFFFFF  }
0xb6: {  	_ =	strace $0x90000048  }
0xb7: {  	_ =	sfence  }
0xb8: {  	s30 =	sld [smem:$0x0];
	_ =	sdelay $0x2  }
0xb9: {  	s31 =	sshll.u32 s1, $0xD;
	s1 =	sshrl.u32 s1, $0x2  }
0xba: {  	s3 =	sand.u32 $0x4000, s31;
	s1 =	sadd.s32 s1, s30  }
0xbb: {  	s0 =	sor.u32 s3, s0;
	s1 =	sshll.u32 s1, $0x11  }
0xbc: {  	s0 =	sor.u32 s1, s0  }
0xbd: {  	s0 =	sadd.s32 $0x8F2B, s0  }
0xbe: {  	[sflag:s0] =	ssyncadd.remote.s32 $0x1  }
0xbf: {  	_ =	sfence.sel $0xFFFF  }
0xc0: {  	[dreg:$0x0] =	wrdreg $0xFFFFFFFF;
	(pc) =	sbr.abs _section_cstart, $3  }
0xc1: {  	[dreg:$0x1] =	wrdreg $0xFFFFFFFF  }
0xc2: {  	_ =	task.clear_ibuf [dreg:s8], $0x2FFFF;
	_ =	strace $0x9FFFFFFF  }
0xc3: {  	(tm) =	ssettm $0x7FFFFFFF  }
tec
execute0_lowered:
.L_overlay_start_1:
0x0: {  	(tag) =	ssettag $0x1  }
0x1: {  	s4 =	rddreg [dreg:$0x0]  }
0x2: {  	s5 =	rddreg [dreg:$0x1];
	s2 =	srdreg.scid  }
0x3: {  	s1 =	stileid.u32;
	s0 =	rddreg [dreg:$0x2];
	s6 =	sand.u32 $0x1, s2  }
0x4: {  	s3 =	sshll.u32 s1, $0x1;
	s2 =	simm.s32 $0x0;
	s7 =	sshrl.u32 s1, $0x2  }
0x5: {  	s30 =	sshll.u32 s1, $0x6;
	s3 =	sor.u32 s6, s3;
	[smem:$0x7FF] =	sst s2  }
0x6: {  	s7 =	smul.u32 $0x13C00, s7;
	s9 =	ssub.s32 $0x2, s6;
	s8 =	sshll.u32 s3, $0x7  }
0x7: {  	s4 =	sadd.s32 s30, s4;
	s6 =	sshll.u32 s6, $0x5;
	s8 =	sand.u32 $0x380, s8  }
0x8: {  	_ =	strace $0x80000047;
	s6 =	sadd.s32 s6, s4;
	s7 =	sor.u32 s7, s8  }
0x9: {  	s31 =	sshrl.u32 s9, $0x1;
	s6 =	sadd.s32 $0x10, s6;
	s7 =	sshrl.u32 s7, $0x3  }
0xa: {  	s8 =	ssub.s32 s9, s31;
	s9 =	simm.s32 $0x1;
	s4 =	sadd.s32 s5, s7  }
0xb: {  	v0 =	vimm.f32 $0.0e+00;
	s5 =	smax.u32 s8, $0x1;
	s7 =	simm.s32 $0x400;
	s8 =	simm.s32 $0x80  }
.LBB2_1:
0xc: {  	s10 =	simm.s32 $0x0  }
.LBB2_2:
0xd: {  	p0 =	sne.s32 s10, $0x9C00  }
.Ltmp0:
0xe: {  	_ = 	snop;
	(pc) =	sbr.rel @p0 .LBB2_2-.Ltmp0, $3  }
0xf: {  	_ =	sdelay $0x1  }
0x10: {  	s11 =	sshra.s32 s10, $0x2  }
0x11: {  	s10 =	sadd.s32 $0x40, s10;
	[tilespmem:s11+$0x80] =	vst v0  }
0x12: {  	s10 =	simm.s32 $0x0;
	s11 =	smov.u32 s6  }
.LBB2_4:
0x13: {  	s12 =	sadd.s32 s10, s3  }
0x14: {  	p0 =	sgt.u32 s12, $0x9C3  }
0x15: {  	s12 =	simm.s32 @!p0 $0x0  }
0x16: {  	[tilespmem:s12], [sflag:$0x1] =	stream.linear.gather @!p0 [hbm4b:s11+s12], $0x80, $0x38;
	[tilespmem:$0x2800] =	vst v63  }
0x17: {  	s12 =	simm.s32 @!p0 $0x1  }
0x18: {  	_ =	swait.ge @!p0 [sflag:s12], $0x80  }
0x19: {  	[sflag:s12] =	ssyncset.done @!p0 $0x0  }
0x1a: {  	[sflag:s12] =	ssyncadd.s32 @!p0 $0xFFFFFF80  }
0x1b: {  	v1 =	vld @!p0 [tilespmem:$0x0];
	_ =	sdelay $0x6  }
0x1c: {  	v2 =	vimm.f32 @!p0 $1.000000000e+00;
	s12 =	simm.s32 @!p0 $0x80  }
0x1d: {  	[tilespmem:v1+s12+$0x0] =	vst.idx.add.f32.msk @!p0 $0xffff, v2  }
0x1e: {  	v1 =	vld @!p0 [tilespmem:$0x10];
	_ =	sdelay $0x7  }
0x1f: {  	[tilespmem:v1+s12+$0x0] =	vst.idx.add.f32.msk @!p0 $0xffff, v2  }
0x20: {  	v1 =	vld @!p0 [tilespmem:$0x20];
	_ =	sdelay $0x7  }
0x21: {  	[tilespmem:v1+s12+$0x0] =	vst.idx.add.f32.msk @!p0 $0xffff, v2  }
0x22: {  	v1 =	vld @!p0 [tilespmem:$0x30];
	_ =	sdelay $0x7  }
0x23: {  	[tilespmem:v1+s12+$0x0] =	vst.idx.add.f32.msk @!p0 $0xffff, v2  }
0x24: {  	v1 =	vld @!p0 [tilespmem:$0x40];
	_ =	sdelay $0x7  }
0x25: {  	[tilespmem:v1+s12+$0x0] =	vst.idx.add.f32.msk @!p0 $0xffff, v2  }
0x26: {  	v1 =	vld @!p0 [tilespmem:$0x50];
	_ =	sdelay $0x7  }
0x27: {  	[tilespmem:v1+s12+$0x0] =	vst.idx.add.f32.msk @!p0 $0xffff, v2  }
0x28: {  	v1 =	vld @!p0 [tilespmem:$0x60];
	_ =	sdelay $0x7  }
0x29: {  	[tilespmem:v1+s12+$0x0] =	vst.idx.add.f32.msk @!p0 $0xffff, v2  }
0x2a: {  	v1 =	vld @!p0 [tilespmem:$0x70];
	_ =	sdelay $0x1  }
0x2b: {  	s10 =	sadd.s32 $0x20, s10  }
0x2c: {  	p1 =	sne.s32 s10, $0x9E0  }
.Ltmp1:
0x2d: {  	_ = 	snop;
	(pc) =	sbr.rel @p1 .LBB2_4-.Ltmp1, $2  }
0x2e: {  	_ =	sdelay $0x2  }
0x2f: {  	s11 =	sadd.s32 $0x400, s11;
	[tilespmem:v1+s12+$0x0] =	vst.idx.add.f32.msk @!p0 $0xffff, v2  }
0x30: {  	s2 =	sadd.s32 $0x1, s2  }
0x31: {  	p0 =	sne.s32 s2, s5  }
.Ltmp2:
0x32: {  	_ = 	snop;
	(pc) =	sbr.rel @p0 .LBB2_1-.Ltmp2, $4  }
0x33: {  	[hbm4b:s4+s8] =	stream.strided.scatter [tilespmem:s8], [sflag:$0x1], $0x2780, s7, s8, $0x38;
	[tilespmem:$0x2800] =	vst v63  }
0x34: {  	_ =	swait.ge [sflag:s9], $0x2780  }
0x35: {  	[sflag:s9] =	ssyncset.done $0x0  }
0x36: {  	[sflag:s9] =	ssyncadd.s32 $0xFFFFD880  }
0x37: {  	_ =	sfence.sel $0x180000  }
0x38: {  	[bflag:$0x0] =	sbarrier.arrive $0xFFFF  }
0x39: {  	p0 =	sne.s32 s1, $0x0;
	_ =	strace $0x90000047  }
0x3a: {  	s0 =	sadd.s32 @!p0 $0x100000, s0;
	[bflag:$0x2] =	sbarrier.arrive $0xFFFF  }
0x3b: {  	[sflag:s0] =	ssyncadd.tile.s32 @!p0 $0x1;
	_ =	shalt  }
.Lfunc_end2:
_tile_overlayer_lowered:
.L_overlay_start_2:
0x3c: {  	(tag) =	ssettag $0x2  }
0x3d: {  	s0 =	rddreg [dreg:$0x0];
	s2 =	stileid.u32  }
0x3e: {  	s1 =	rddreg [dreg:$0x1];
	p0 =	sne.s32 s2, $0x0  }
0x3f: {  	s3 =	rddreg [dreg:$0x2];
	[bflag:$0x3] =	sbarrier.arrive $0xFFFF;
	s2 =	simm.s32 @!p0 $0x1C01  }
0x40: {  	[timem:s3], [sflag:s2] =	dma.local @!p0 [hbm:s0], s1  }
0x41: {  	s0 =	simm.s32 @!p0 $0x1  }
0x42: {  	_ =	swait.ge @!p0 [sflag:s0], s1  }
0x43: {  	s1 =	ssub.s32 @!p0 $0x0, s1;
	[sflag:s0] =	ssyncset.done @!p0 $0x0  }
0x44: {  	[sflag:s0] =	ssyncadd.s32 @!p0 s1  }
0x45: {  	[bflag:$0x3] =	sbarrier.arrive $0xFFFF  }
0x46: {  	_ =	shalt  }

</sc_bundles>
